<compile_context>
chip_gen: v7x
topology: tpu7x:2x2x1
jax: 0.10.2.dev20260603
libtpu: 0.0.44.dev20260713+nightly
codegen_flags: <defaults>
</compile_context>

<pallas_src>
import functools

import jax
import jax.numpy as jnp
from jax import lax
from jax.experimental import pallas as pl
from jax.experimental.pallas import tpu as pltpu
from jax.experimental.pallas import tpu_sc as plsc

N = 10000
NP = 10240
E = 320000
D = 128
G = 16
BLK = 1024
NBLK = NP // BLK
CH = 128
NCH = E // CH
NW = 32
RPT = NP // 16

@functools.lru_cache(maxsize=1)
def _mesh():
    return plsc.VectorSubcoreMesh(core_axis_name="c", subcore_axis_name="s")


def _chunk_range(wid):
    base = NCH // NW
    rem = NCH % NW
    lo = wid * base + jnp.minimum(wid, rem)
    cnt = base + jnp.where(wid < rem, 1, 0)
    return lo, cnt


def _zero_rows(rows_v, nrows):
    def body(r, _):
        for j in range(8):
            rows_v[r, pl.ds(j * 16, 16)] = jnp.zeros((16,), jnp.float32)
        return 0
    lax.fori_loop(0, nrows, body, 0)


def _deg_body(dst_hbm, out_hbm, dst_v, ones_v, zrow_v, acc_sh, sem):
    cid = lax.axis_index("c")
    sid = lax.axis_index("s")
    wid = sid * 2 + cid

    for j in range(8):
        ones_v[pl.ds(j * 16, 16)] = jnp.ones((16,), jnp.float32)
    def zb(i, _):
        zrow_v[pl.ds(i * 16, 16)] = jnp.zeros((16,), jnp.float32)
        return 0
    lax.fori_loop(0, RPT // 16, zb, 0)
    pltpu.sync_copy(zrow_v, acc_sh.at[pl.ds(sid * RPT, RPT)])
    plsc.subcore_barrier()

    lo, cnt = _chunk_range(wid)

    def chunk(c, _):
        base = (lo + c) * CH
        pltpu.sync_copy(dst_hbm.at[pl.ds(base, CH)], dst_v)
        pltpu.sync_copy(ones_v, acc_sh.at[dst_v], add=True)
        return 0
    lax.fori_loop(0, cnt, chunk, 0)
    plsc.subcore_barrier()

    pltpu.sync_copy(acc_sh.at[pl.ds(sid * RPT, RPT)], zrow_v)
    pltpu.sync_copy(zrow_v, out_hbm.at[pl.ds(cid * NP + sid * RPT, RPT)])


def _deg_call(dst):
    k = pl.kernel(
        _deg_body,
        out_type=jax.ShapeDtypeStruct((2 * NP,), jnp.float32),
        mesh=_mesh(),
        scratch_types=[
            pltpu.VMEM((CH,), jnp.int32),
            pltpu.VMEM((CH,), jnp.float32),
            pltpu.VMEM((RPT,), jnp.float32),
            pltpu.VMEM_SHARED((NP,), jnp.float32),
            pltpu.SemaphoreType.DMA,
        ],
    )
    return k(dst)


def _agg_body(src_hbm, dst_hbm, hs_hbm, out_hbm, src0, dst0, rows0,
              src1, dst1, rows1, acc_sh, sem0, sem1):
    cid = lax.axis_index("c")
    sid = lax.axis_index("s")
    wid = sid * 2 + cid

    _zero_rows(rows0, CH)
    for j in range(RPT // CH):
        pltpu.sync_copy(rows0, acc_sh.at[pl.ds(sid * RPT + j * CH, CH)])
    plsc.subcore_barrier()

    lo, cnt = _chunk_range(wid)

    bufs = ((src0, dst0, rows0, sem0), (src1, dst1, rows1, sem1))

    def _issue(c, sv, dv, rv, sem):
        base = (lo + c) * CH
        pltpu.sync_copy(src_hbm.at[pl.ds(base, CH)], sv)
        pltpu.sync_copy(dst_hbm.at[pl.ds(base, CH)], dv)
        pltpu.async_copy(hs_hbm.at[sv], rv, sem)

    for k in range(2):
        sv, dv, rv, sem = bufs[k]

        @pl.when(cnt > k)
        def _(k=k, sv=sv, dv=dv, rv=rv, sem=sem):
            _issue(k, sv, dv, rv, sem)

    def pair(p, _):
        for k in range(2):
            c = 2 * p + k
            sv, dv, rv, sem = bufs[k]

            @pl.when(c < cnt)
            def _(c=c, sv=sv, dv=dv, rv=rv, sem=sem):
                pltpu.make_async_copy(hs_hbm.at[sv], rv, sem).wait()
                pltpu.sync_copy(rv, acc_sh.at[dv], add=True)

                @pl.when(c + 2 < cnt)
                def _():
                    _issue(c + 2, sv, dv, rv, sem)
        return 0
    lax.fori_loop(0, (cnt + 1) // 2, pair, 0)
    plsc.subcore_barrier()

    for j in range(RPT // CH):
        r0 = sid * RPT + j * CH
        pltpu.sync_copy(acc_sh.at[pl.ds(r0, CH)], rows0)
        pltpu.sync_copy(rows0, out_hbm.at[pl.ds(cid * NP + r0, CH)])


def _agg_call(src, dst, hs):
    k = pl.kernel(
        _agg_body,
        out_type=jax.ShapeDtypeStruct((2 * NP, D), jnp.float32),
        mesh=_mesh(),
        scratch_types=[
            pltpu.VMEM((CH,), jnp.int32),
            pltpu.VMEM((CH,), jnp.int32),
            pltpu.VMEM((CH, D), jnp.float32),
            pltpu.VMEM((CH,), jnp.int32),
            pltpu.VMEM((CH,), jnp.int32),
            pltpu.VMEM((CH, D), jnp.float32),
            pltpu.VMEM_SHARED((NP, D), jnp.float32),
            pltpu.SemaphoreType.DMA,
            pltpu.SemaphoreType.DMA,
        ],
    )
    return k(src, dst, hs)


_DOT = dict(preferred_element_type=jnp.float32)


def _mm1_body(x_ref, w_ref, degp_ref, hs_ref, dinv_ref):
    i = pl.program_id(0)
    deg = (degp_ref[0, pl.ds(i * BLK, BLK)]
           + degp_ref[1, pl.ds(i * BLK, BLK)] + 1.0)
    dinv = lax.rsqrt(jnp.maximum(deg, 1.0))
    h = jnp.dot(x_ref[...], w_ref[...], **_DOT)
    hs_ref[...] = h * dinv[:, None]
    dinv_ref[...] = dinv[None, :]


def _mm1_call(xp, W, degp):
    return pl.pallas_call(
        _mm1_body,
        grid=(NBLK,),
        in_specs=[
            pl.BlockSpec((BLK, D), lambda i: (i, 0)),
            pl.BlockSpec((D, D), lambda i: (0, 0)),
            pl.BlockSpec((2, NP), lambda i: (0, 0)),
        ],
        out_specs=[
            pl.BlockSpec((BLK, D), lambda i: (i, 0)),
            pl.BlockSpec((1, BLK), lambda i: (0, i)),
        ],
        out_shape=[
            jax.ShapeDtypeStruct((NP, D), jnp.float32),
            jax.ShapeDtypeStruct((1, NP), jnp.float32),
        ],
    )(xp, W, degp)


def _bn_mm_body(pre_ref, cs_ref, cq_ref, g_ref, bt_ref, w_ref, dinv_ref,
                hs_ref):
    i = pl.program_id(0)
    mean = cs_ref[...] / N
    var = cq_ref[...] / N - mean * mean
    inv = lax.rsqrt(var + 1e-5)
    a = (pre_ref[...] - mean) * inv * g_ref[...] + bt_ref[...]
    act = jnp.where(a >= 0, a, 0.01 * a)
    h = jnp.dot(act, w_ref[...], **_DOT)
    dinv = dinv_ref[0, pl.ds(i * BLK, BLK)]
    hs_ref[...] = h * dinv[:, None]


def _bn_mm_call(pre, cs, cq, g, bt, W, dinv):
    return pl.pallas_call(
        _bn_mm_body,
        grid=(NBLK,),
        in_specs=[
            pl.BlockSpec((BLK, D), lambda i: (i, 0)),
            pl.BlockSpec((1, D), lambda i: (0, 0)),
            pl.BlockSpec((1, D), lambda i: (0, 0)),
            pl.BlockSpec((1, D), lambda i: (0, 0)),
            pl.BlockSpec((1, D), lambda i: (0, 0)),
            pl.BlockSpec((D, D), lambda i: (0, 0)),
            pl.BlockSpec((1, NP), lambda i: (0, 0)),
        ],
        out_specs=pl.BlockSpec((BLK, D), lambda i: (i, 0)),
        out_shape=jax.ShapeDtypeStruct((NP, D), jnp.float32),
    )(pre, cs, cq, g, bt, W, dinv)


def _comb_body(a0_ref, a1_ref, hs_ref, b_ref, dinv_ref, pre_ref,
               cs_ref, cq_ref):
    i = pl.program_id(0)
    dinv = dinv_ref[0, pl.ds(i * BLK, BLK)]
    pre = dinv[:, None] * (a0_ref[...] + a1_ref[...] + hs_ref[...]) + b_ref[...]
    pre_ref[...] = pre

    rows = i * BLK + lax.broadcasted_iota(jnp.int32, (BLK, 1), 0)
    masked = jnp.where(rows < N, pre, 0.0)

    @pl.when(i == 0)
    def _():
        cs_ref[...] = jnp.zeros((1, D), jnp.float32)
        cq_ref[...] = jnp.zeros((1, D), jnp.float32)

    cs_ref[...] += jnp.sum(masked, axis=0, keepdims=True)
    cq_ref[...] += jnp.sum(masked * masked, axis=0, keepdims=True)


def _comb_call(aggp, hs, b, dinv):
    return pl.pallas_call(
        _comb_body,
        grid=(NBLK,),
        in_specs=[
            pl.BlockSpec((BLK, D), lambda i: (i, 0)),
            pl.BlockSpec((BLK, D), lambda i: (i + NBLK, 0)),
            pl.BlockSpec((BLK, D), lambda i: (i, 0)),
            pl.BlockSpec((1, D), lambda i: (0, 0)),
            pl.BlockSpec((1, NP), lambda i: (0, 0)),
        ],
        out_specs=[
            pl.BlockSpec((BLK, D), lambda i: (i, 0)),
            pl.BlockSpec((1, D), lambda i: (0, 0)),
            pl.BlockSpec((1, D), lambda i: (0, 0)),
        ],
        out_shape=[
            jax.ShapeDtypeStruct((NP, D), jnp.float32),
            jax.ShapeDtypeStruct((1, D), jnp.float32),
            jax.ShapeDtypeStruct((1, D), jnp.float32),
        ],
    )(aggp, aggp, hs, b, dinv)


def _pool_body(pre_ref, cs_ref, cq_ref, g_ref, bt_ref, batch_ref, lw_ref,
               lb_ref, sums_ref, cnts_ref, out_ref):
    i = pl.program_id(0)
    mean = cs_ref[...] / N
    var = cq_ref[...] / N - mean * mean
    inv = lax.rsqrt(var + 1e-5)
    a = (pre_ref[...] - mean) * inv * g_ref[...] + bt_ref[...]
    act = jnp.where(a >= 0, a, 0.01 * a)

    bids = batch_ref[0, pl.ds(i * BLK, BLK)]
    rows = i * BLK + lax.broadcasted_iota(jnp.int32, (BLK,), 0)
    gid = lax.broadcasted_iota(jnp.int32, (G, BLK), 0)
    onehot = jnp.where((bids[None, :] == gid) & (rows[None, :] < N),
                       1.0, 0.0)

    @pl.when(i == 0)
    def _():
        sums_ref[...] = jnp.zeros((G, D), jnp.float32)
        cnts_ref[...] = jnp.zeros((G, D), jnp.float32)

    sums_ref[...] += jnp.dot(onehot, act, **_DOT)
    cnts_ref[...] += jnp.sum(onehot, axis=1, keepdims=True)

    @pl.when(i == NBLK - 1)
    def _():
        pooled = sums_ref[...] / jnp.maximum(cnts_ref[...], 1.0)
        r = jnp.dot(pooled, lw_ref[...], **_DOT) + lb_ref[...]
        out_ref[...] = jnp.broadcast_to(r, (G, D))


def _pool_call(pre, cs, cq, g, bt, batch_p, lw, lb):
    return pl.pallas_call(
        _pool_body,
        grid=(NBLK,),
        in_specs=[
            pl.BlockSpec((BLK, D), lambda i: (i, 0)),
            pl.BlockSpec((1, D), lambda i: (0, 0)),
            pl.BlockSpec((1, D), lambda i: (0, 0)),
            pl.BlockSpec((1, D), lambda i: (0, 0)),
            pl.BlockSpec((1, D), lambda i: (0, 0)),
            pl.BlockSpec((1, NP), lambda i: (0, 0)),
            pl.BlockSpec((D, 1), lambda i: (0, 0)),
            pl.BlockSpec((1, 1), lambda i: (0, 0)),
        ],
        out_specs=[
            pl.BlockSpec((G, D), lambda i: (0, 0)),
            pl.BlockSpec((G, D), lambda i: (0, 0)),
            pl.BlockSpec((G, D), lambda i: (0, 0)),
        ],
        out_shape=[
            jax.ShapeDtypeStruct((G, D), jnp.float32),
            jax.ShapeDtypeStruct((G, D), jnp.float32),
            jax.ShapeDtypeStruct((G, D), jnp.float32),
        ],
    )(pre, cs, cq, g, bt, batch_p, lw, lb)


def kernel(x, edge_index, batch, W1, b1, g1, bt1, W2, b2, g2, bt2,
           W3, b3, g3, bt3, lw, lb):
    src = edge_index[0]
    dst = edge_index[1]
    xp = jnp.pad(x, ((0, NP - N), (0, 0)))
    batch_p = jnp.pad(batch, (0, NP - N), constant_values=G).reshape(1, NP)

    degp = _deg_call(dst).reshape(2, NP)
    hs, dinv = _mm1_call(xp, W1, degp)

    layers = ((b1, g1, bt1, W2), (b2, g2, bt2, W3), (b3, g3, bt3, None))
    pre = cs = cq = None
    for (b, g, bt, Wn) in layers:
        aggp = _agg_call(src, dst, hs)
        pre, cs, cq = _comb_call(aggp, hs, b.reshape(1, D), dinv)
        if Wn is not None:
            hs = _bn_mm_call(pre, cs, cq, g.reshape(1, D), bt.reshape(1, D),
                             Wn, dinv)

    out = _pool_call(pre, cs, cq, g3.reshape(1, D), bt3.reshape(1, D),
                     batch_p, lw, lb.reshape(1, 1))[2]
    return out[:, 0:1]

# --- scband reference (transcript-rebuilt; emitter-appended) ---
"""Pipeline reference for scband-base-gnn-11940009082884 (READ-ONLY COPY).

The authoritative reference and input builder live on the scoring server;
editing this copy changes nothing except your own understanding.
"""

import jax, jax.numpy as jnp
import numpy as np

N = 10000
E = 320000
D = 128
G = 16

def _kaiming(k, shape):
    fan_in = shape[0]
    bound = float(np.sqrt(6.0 / fan_in))
    return jax.random.uniform(k, shape, minval=-bound, maxval=bound, dtype=jnp.float32)

def setup_inputs(seed: int = 0):
    key = jax.random.key(seed)
    ks = jax.random.split(key, 8)
    inp = {}
    inp['x'] = jax.random.normal(ks[0], (N, D), dtype=jnp.float32)
    inp['edge_index'] = jax.random.randint(ks[1], (2, E), 0, N, dtype=jnp.int32)
    inp['batch'] = jnp.sort(jax.random.randint(ks[2], (N,), 0, G, dtype=jnp.int32))
    inp['W1'] = _kaiming(ks[3], (D, D))
    inp['b1'] = jnp.zeros((D,), jnp.float32)
    inp['g1'] = jnp.ones((D,), jnp.float32)
    inp['bt1'] = jnp.zeros((D,), jnp.float32)
    inp['W2'] = _kaiming(ks[4], (D, D))
    inp['b2'] = jnp.zeros((D,), jnp.float32)
    inp['g2'] = jnp.ones((D,), jnp.float32)
    inp['bt2'] = jnp.zeros((D,), jnp.float32)
    inp['W3'] = _kaiming(ks[5], (D, D))
    inp['b3'] = jnp.zeros((D,), jnp.float32)
    inp['g3'] = jnp.ones((D,), jnp.float32)
    inp['bt3'] = jnp.zeros((D,), jnp.float32)
    inp['lw'] = _kaiming(ks[6], (D, 1))
    inp['lb'] = jnp.zeros((1,), jnp.float32)
    return inp

def _gcn_conv(x, src, dst, W, b):
    n = x.shape[0]
    loops = jnp.arange(n, dtype=src.dtype)
    s = jnp.concatenate([src, loops])
    d = jnp.concatenate([dst, loops])
    h = x @ W
    deg = jax.ops.segment_sum(jnp.ones(d.shape, jnp.float32), d, num_segments=n)
    dinv = jax.lax.rsqrt(jnp.maximum(deg, 1.0))
    norm = dinv[s] * dinv[d]
    msg = jnp.take(h, s, axis=0) * norm[:, None]
    return jax.ops.segment_sum(msg, d, num_segments=n) + b

def _bn(h, gamma, beta):
    mean = jnp.mean(h, axis=0)
    var = jnp.var(h, axis=0)
    return (h - mean) * jax.lax.rsqrt(var + 1e-5) * gamma + beta

def reference(x, edge_index, batch, W1, b1, g1, bt1, W2, b2, g2, bt2, W3, b3, g3, bt3, lw, lb):
    src = edge_index[0]
    dst = edge_index[1]
    h = x
    for (W, b, g, bt) in ((W1, b1, g1, bt1), (W2, b2, g2, bt2), (W3, b3, g3, bt3)):
        h = _gcn_conv(h, src, dst, W, b)
        h = _bn(h, g, bt)
        h = jax.nn.leaky_relu(h, negative_slope=0.01)
    sums = jax.ops.segment_sum(h, batch, num_segments=G)
    counts = jax.ops.segment_sum(jnp.ones((h.shape[0],), jnp.float32), batch, num_segments=G)
    pooled = sums / jnp.maximum(counts, 1.0)[:, None]
    return pooled @ lw + lb

if __name__ == "__main__":
    import jax
    _d = setup_inputs()
    print(jax.jit(kernel)(*tuple(_d.values())))

</pallas_src>

<mosaic_0001>
#map = affine_map<(d0, d1) -> (0)>
#map1 = affine_map<(d0, d1) -> (0, 0)>
module attributes {stable_mosaic.version = 14 : i64} {
  func.func @_agg_body(%arg0: i32, %arg1: i32, %arg2: memref<320000xi32, #tpu.memory_space<hbm>>, %arg3: memref<320000xi32, #tpu.memory_space<hbm>>, %arg4: memref<10240x128xf32, #tpu.memory_space<hbm>>, %arg5: memref<20480x128xf32, #tpu.memory_space<hbm>>, %arg6: memref<128xi32, #tpu.memory_space<vmem>>, %arg7: memref<128xi32, #tpu.memory_space<vmem>>, %arg8: memref<128x128xf32, #tpu.memory_space<vmem>>, %arg9: memref<128xi32, #tpu.memory_space<vmem>>, %arg10: memref<128xi32, #tpu.memory_space<vmem>>, %arg11: memref<128x128xf32, #tpu.memory_space<vmem>>, %arg12: memref<10240x128xf32, #tpu.memory_space<vmem_shared>>, %arg13: memref<!tpu.dma_semaphore, #tpu.memory_space<semaphore_mem>>, %arg14: memref<!tpu.dma_semaphore, #tpu.memory_space<semaphore_mem>>) attributes {dimension_semantics = [#tpu.dimension_semantics<core_parallel>, #tpu.dimension_semantics<subcore_parallel>], iteration_bounds = array<i64: 2, 16>, scalar_prefetch = 0 : i64, scratch_operands = 9 : i64, tpu.core_type = #tpu.core_type<sc_vector_subcore>, window_params = [{transform_indices = #map}, {transform_indices = #map}, {transform_indices = #map1}, {transform_indices = #map1}]} {
    %mul3A = arith.constant 2 : i32
    %mul3A_0 = arith.muli %arg1, %mul3A : i32
    %add3A = arith.addi %mul3A_0, %arg0 : i32
    %scan3A = arith.constant 0 : i32
    %scan3A_1 = arith.constant 0 : i32
    %scan3A_2 = arith.constant 128 : i32
    %scan3A_3 = arith.addi %scan3A_1, %scan3A_2 : i32
    %scan3A_4 = arith.constant 1 : i32
    %scan3A_5 = scf.for %scan3A_109 = %scan3A_1 to %scan3A_3 step %scan3A_4 iter_args(%scan3A_110 = %scan3A) -> (i32)  : i32 {
      %broadcast_in_dim3A = arith.constant 0.000000e+00 : f32
      %broadcast_in_dim3A_111 = vector.broadcast %broadcast_in_dim3A : f32 to vector<16xf32>
      %swap3A = arith.index_cast %scan3A_109 : i32 to index
      %swap3A_112 = arith.constant 0 : index
      %swap3A_113 = tpu.vector_load %arg8[%swap3A, %swap3A_112] {strides = array<i32>} : memref<128x128xf32, #tpu.memory_space<vmem>>, vector<1x16xf32>,
      %swap3A_114 = vector.shape_cast %swap3A_113 : vector<1x16xf32> to vector<16xf32>
      %swap3A_115 = vector.shape_cast %broadcast_in_dim3A_111 : vector<16xf32> to vector<1x16xf32>
      tpu.vector_store %arg8[%swap3A, %swap3A_112], %swap3A_115 {strides = array<i32>} : memref<128x128xf32, #tpu.memory_space<vmem>>, vector<1x16xf32>,
      %broadcast_in_dim3A_116 = arith.constant 0.000000e+00 : f32
      %broadcast_in_dim3A_117 = vector.broadcast %broadcast_in_dim3A_116 : f32 to vector<16xf32>
      %swap3A_118 = arith.index_cast %scan3A_109 : i32 to index
      %swap3A_119 = arith.constant 16 : index
      %swap3A_120 = tpu.vector_load %arg8[%swap3A_118, %swap3A_119] {strides = array<i32>} : memref<128x128xf32, #tpu.memory_space<vmem>>, vector<1x16xf32>,
      %swap3A_121 = vector.shape_cast %swap3A_120 : vector<1x16xf32> to vector<16xf32>
      %swap3A_122 = vector.shape_cast %broadcast_in_dim3A_117 : vector<16xf32> to vector<1x16xf32>
      tpu.vector_store %arg8[%swap3A_118, %swap3A_119], %swap3A_122 {strides = array<i32>} : memref<128x128xf32, #tpu.memory_space<vmem>>, vector<1x16xf32>,
      %broadcast_in_dim3A_123 = arith.constant 0.000000e+00 : f32
      %broadcast_in_dim3A_124 = vector.broadcast %broadcast_in_dim3A_123 : f32 to vector<16xf32>
      %swap3A_125 = arith.index_cast %scan3A_109 : i32 to index
      %swap3A_126 = arith.constant 32 : index
      %swap3A_127 = tpu.vector_load %arg8[%swap3A_125, %swap3A_126] {strides = array<i32>} : memref<128x128xf32, #tpu.memory_space<vmem>>, vector<1x16xf32>,
      %swap3A_128 = vector.shape_cast %swap3A_127 : vector<1x16xf32> to vector<16xf32>
      %swap3A_129 = vector.shape_cast %broadcast_in_dim3A_124 : vector<16xf32> to vector<1x16xf32>
      tpu.vector_store %arg8[%swap3A_125, %swap3A_126], %swap3A_129 {strides = array<i32>} : memref<128x128xf32, #tpu.memory_space<vmem>>, vector<1x16xf32>,
      %broadcast_in_dim3A_130 = arith.constant 0.000000e+00 : f32
      %broadcast_in_dim3A_131 = vector.broadcast %broadcast_in_dim3A_130 : f32 to vector<16xf32>
      %swap3A_132 = arith.index_cast %scan3A_109 : i32 to index
      %swap3A_133 = arith.constant 48 : index
      %swap3A_134 = tpu.vector_load %arg8[%swap3A_132, %swap3A_133] {strides = array<i32>} : memref<128x128xf32, #tpu.memory_space<vmem>>, vector<1x16xf32>,
      %swap3A_135 = vector.shape_cast %swap3A_134 : vector<1x16xf32> to vector<16xf32>
      %swap3A_136 = vector.shape_cast %broadcast_in_dim3A_131 : vector<16xf32> to vector<1x16xf32>
      tpu.vector_store %arg8[%swap3A_132, %swap3A_133], %swap3A_136 {strides = array<i32>} : memref<128x128xf32, #tpu.memory_space<vmem>>, vector<1x16xf32>,
      %broadcast_in_dim3A_137 = arith.constant 0.000000e+00 : f32
      %broadcast_in_dim3A_138 = vector.broadcast %broadcast_in_dim3A_137 : f32 to vector<16xf32>
      %swap3A_139 = arith.index_cast %scan3A_109 : i32 to index
      %swap3A_140 = arith.constant 64 : index
      %swap3A_141 = tpu.vector_load %arg8[%swap3A_139, %swap3A_140] {strides = array<i32>} : memref<128x128xf32, #tpu.memory_space<vmem>>, vector<1x16xf32>,
      %swap3A_142 = vector.shape_cast %swap3A_141 : vector<1x16xf32> to vector<16xf32>
      %swap3A_143 = vector.shape_cast %broadcast_in_dim3A_138 : vector<16xf32> to vector<1x16xf32>
      tpu.vector_store %arg8[%swap3A_139, %swap3A_140], %swap3A_143 {strides = array<i32>} : memref<128x128xf32, #tpu.memory_space<vmem>>, vector<1x16xf32>,
      %broadcast_in_dim3A_144 = arith.constant 0.000000e+00 : f32
      %broadcast_in_dim3A_145 = vector.broadcast %broadcast_in_dim3A_144 : f32 to vector<16xf32>
      %swap3A_146 = arith.index_cast %scan3A_109 : i32 to index
      %swap3A_147 = arith.constant 80 : index
      %swap3A_148 = tpu.vector_load %arg8[%swap3A_146, %swap3A_147] {strides = array<i32>} : memref<128x128xf32, #tpu.memory_space<vmem>>, vector<1x16xf32>,
      %swap3A_149 = vector.shape_cast %swap3A_148 : vector<1x16xf32> to vector<16xf32>
      %swap3A_150 = vector.shape_cast %broadcast_in_dim3A_145 : vector<16xf32> to vector<1x16xf32>
      tpu.vector_store %arg8[%swap3A_146, %swap3A_147], %swap3A_150 {strides = array<i32>} : memref<128x128xf32, #tpu.memory_space<vmem>>, vector<1x16xf32>,
      %broadcast_in_dim3A_151 = arith.constant 0.000000e+00 : f32
      %broadcast_in_dim3A_152 = vector.broadcast %broadcast_in_dim3A_151 : f32 to vector<16xf32>
      %swap3A_153 = arith.index_cast %scan3A_109 : i32 to index
      %swap3A_154 = arith.constant 96 : index
      %swap3A_155 = tpu.vector_load %arg8[%swap3A_153, %swap3A_154] {strides = array<i32>} : memref<128x128xf32, #tpu.memory_space<vmem>>, vector<1x16xf32>,
      %swap3A_156 = vector.shape_cast %swap3A_155 : vector<1x16xf32> to vector<16xf32>
      %swap3A_157 = vector.shape_cast %broadcast_in_dim3A_152 : vector<16xf32> to vector<1x16xf32>
      tpu.vector_store %arg8[%swap3A_153, %swap3A_154], %swap3A_157 {strides = array<i32>} : memref<128x128xf32, #tpu.memory_space<vmem>>, vector<1x16xf32>,
      %broadcast_in_dim3A_158 = arith.constant 0.000000e+00 : f32
      %broadcast_in_dim3A_159 = vector.broadcast %broadcast_in_dim3A_158 : f32 to vector<16xf32>
      %swap3A_160 = arith.index_cast %scan3A_109 : i32 to index
      %swap3A_161 = arith.constant 112 : index
      %swap3A_162 = tpu.vector_load %arg8[%swap3A_160, %swap3A_161] {strides = array<i32>} : memref<128x128xf32, #tpu.memory_space<vmem>>, vector<1x16xf32>,
      %swap3A_163 = vector.shape_cast %swap3A_162 : vector<1x16xf32> to vector<16xf32>
      %swap3A_164 = vector.shape_cast %broadcast_in_dim3A_159 : vector<16xf32> to vector<1x16xf32>
      tpu.vector_store %arg8[%swap3A_160, %swap3A_161], %swap3A_164 {strides = array<i32>} : memref<128x128xf32, #tpu.memory_space<vmem>>, vector<1x16xf32>,
      %scan3A_165 = arith.constant 0 : i32
      scf.yield %scan3A_165 : i32
    }
    %scan3A_6 = arith.constant 128 : i32
    %mul3A_7 = arith.constant 640 : i32
    %mul3A_8 = arith.muli %arg1, %mul3A_7 : i32
    %add3A_9 = arith.constant 0 : i32
    %add3A_10 = arith.addi %mul3A_8, %add3A_9 : i32
    "tpu.region"() ({
      %run_scoped3A = tpu.sem_alloc : memref<!tpu.dma_semaphore, #tpu.memory_space<semaphore_mem>>
      %dma_start3A = arith.constant 0 : i32
      %dma_start3A_109 = tpu.memref_slice %arg12[%add3A_10, %dma_start3A] : memref<10240x128xf32, #tpu.memory_space<vmem_shared>> -> memref<128x128xf32, #tpu.memory_space<vmem_shared>>
      %dma_start3A_110 = arith.constant 0 : i32
      %dma_start3A_111 = tpu.memref_slice %arg12[%add3A_10, %dma_start3A_110] : memref<10240x128xf32, #tpu.memory_space<vmem_shared>> -> memref<128x128xf32, #tpu.memory_space<vmem_shared>>
      tpu.enqueue_dma source(%arg8 : memref<128x128xf32, #tpu.memory_space<vmem>>) target(%dma_start3A_111 : memref<128x128xf32, #tpu.memory_space<vmem_shared>>) target_semaphore(%run_scoped3A : memref<!tpu.dma_semaphore, #tpu.memory_space<semaphore_mem>>)
      %dma_wait3A = arith.constant 0 : i32
      %dma_wait3A_112 = tpu.memref_slice %arg12[%add3A_10, %dma_wait3A] : memref<10240x128xf32, #tpu.memory_space<vmem_shared>> -> memref<128x128xf32, #tpu.memory_space<vmem_shared>>
      %dma_wait3A_113 = arith.constant 0 : i32
      %dma_wait3A_114 = tpu.memref_slice %arg12[%add3A_10, %dma_wait3A_113] : memref<10240x128xf32, #tpu.memory_space<vmem_shared>> -> memref<128x128xf32, #tpu.memory_space<vmem_shared>>
      tpu.wait_dma2 semaphore(%run_scoped3A : memref<!tpu.dma_semaphore, #tpu.memory_space<semaphore_mem>>) src(%arg8 : memref<128x128xf32, #tpu.memory_space<vmem>>) dst(%dma_wait3A_114 : memref<128x128xf32, #tpu.memory_space<vmem_shared>>)
      tpu.yield
    }) : () -> ()
    %mul3A_11 = arith.constant 640 : i32
    %mul3A_12 = arith.muli %arg1, %mul3A_11 : i32
    %add3A_13 = arith.constant 128 : i32
    %add3A_14 = arith.addi %mul3A_12, %add3A_13 : i32
    "tpu.region"() ({
      %run_scoped3A = tpu.sem_alloc : memref<!tpu.dma_semaphore, #tpu.memory_space<semaphore_mem>>
      %dma_start3A = arith.constant 0 : i32
      %dma_start3A_109 = tpu.memref_slice %arg12[%add3A_14, %dma_start3A] : memref<10240x128xf32, #tpu.memory_space<vmem_shared>> -> memref<128x128xf32, #tpu.memory_space<vmem_shared>>
      %dma_start3A_110 = arith.constant 0 : i32
      %dma_start3A_111 = tpu.memref_slice %arg12[%add3A_14, %dma_start3A_110] : memref<10240x128xf32, #tpu.memory_space<vmem_shared>> -> memref<128x128xf32, #tpu.memory_space<vmem_shared>>
      tpu.enqueue_dma source(%arg8 : memref<128x128xf32, #tpu.memory_space<vmem>>) target(%dma_start3A_111 : memref<128x128xf32, #tpu.memory_space<vmem_shared>>) target_semaphore(%run_scoped3A : memref<!tpu.dma_semaphore, #tpu.memory_space<semaphore_mem>>)
      %dma_wait3A = arith.constant 0 : i32
      %dma_wait3A_112 = tpu.memref_slice %arg12[%add3A_14, %dma_wait3A] : memref<10240x128xf32, #tpu.memory_space<vmem_shared>> -> memref<128x128xf32, #tpu.memory_space<vmem_shared>>
      %dma_wait3A_113 = arith.constant 0 : i32
      %dma_wait3A_114 = tpu.memref_slice %arg12[%add3A_14, %dma_wait3A_113] : memref<10240x128xf32, #tpu.memory_space<vmem_shared>> -> memref<128x128xf32, #tpu.memory_space<vmem_shared>>
      tpu.wait_dma2 semaphore(%run_scoped3A : memref<!tpu.dma_semaphore, #tpu.memory_space<semaphore_mem>>) src(%arg8 : memref<128x128xf32, #tpu.memory_space<vmem>>) dst(%dma_wait3A_114 : memref<128x128xf32, #tpu.memory_space<vmem_shared>>)
      tpu.yield
    }) : () -> ()
    %mul3A_15 = arith.constant 640 : i32
    %mul3A_16 = arith.muli %arg1, %mul3A_15 : i32
    %add3A_17 = arith.constant 256 : i32
    %add3A_18 = arith.addi %mul3A_16, %add3A_17 : i32
    "tpu.region"() ({
      %run_scoped3A = tpu.sem_alloc : memref<!tpu.dma_semaphore, #tpu.memory_space<semaphore_mem>>
      %dma_start3A = arith.constant 0 : i32
      %dma_start3A_109 = tpu.memref_slice %arg12[%add3A_18, %dma_start3A] : memref<10240x128xf32, #tpu.memory_space<vmem_shared>> -> memref<128x128xf32, #tpu.memory_space<vmem_shared>>
      %dma_start3A_110 = arith.constant 0 : i32
      %dma_start3A_111 = tpu.memref_slice %arg12[%add3A_18, %dma_start3A_110] : memref<10240x128xf32, #tpu.memory_space<vmem_shared>> -> memref<128x128xf32, #tpu.memory_space<vmem_shared>>
      tpu.enqueue_dma source(%arg8 : memref<128x128xf32, #tpu.memory_space<vmem>>) target(%dma_start3A_111 : memref<128x128xf32, #tpu.memory_space<vmem_shared>>) target_semaphore(%run_scoped3A : memref<!tpu.dma_semaphore, #tpu.memory_space<semaphore_mem>>)
      %dma_wait3A = arith.constant 0 : i32
      %dma_wait3A_112 = tpu.memref_slice %arg12[%add3A_18, %dma_wait3A] : memref<10240x128xf32, #tpu.memory_space<vmem_shared>> -> memref<128x128xf32, #tpu.memory_space<vmem_shared>>
      %dma_wait3A_113 = arith.constant 0 : i32
      %dma_wait3A_114 = tpu.memref_slice %arg12[%add3A_18, %dma_wait3A_113] : memref<10240x128xf32, #tpu.memory_space<vmem_shared>> -> memref<128x128xf32, #tpu.memory_space<vmem_shared>>
      tpu.wait_dma2 semaphore(%run_scoped3A : memref<!tpu.dma_semaphore, #tpu.memory_space<semaphore_mem>>) src(%arg8 : memref<128x128xf32, #tpu.memory_space<vmem>>) dst(%dma_wait3A_114 : memref<128x128xf32, #tpu.memory_space<vmem_shared>>)
      tpu.yield
    }) : () -> ()
    %mul3A_19 = arith.constant 640 : i32
    %mul3A_20 = arith.muli %arg1, %mul3A_19 : i32
    %add3A_21 = arith.constant 384 : i32
    %add3A_22 = arith.addi %mul3A_20, %add3A_21 : i32
    "tpu.region"() ({
      %run_scoped3A = tpu.sem_alloc : memref<!tpu.dma_semaphore, #tpu.memory_space<semaphore_mem>>
      %dma_start3A = arith.constant 0 : i32
      %dma_start3A_109 = tpu.memref_slice %arg12[%add3A_22, %dma_start3A] : memref<10240x128xf32, #tpu.memory_space<vmem_shared>> -> memref<128x128xf32, #tpu.memory_space<vmem_shared>>
      %dma_start3A_110 = arith.constant 0 : i32
      %dma_start3A_111 = tpu.memref_slice %arg12[%add3A_22, %dma_start3A_110] : memref<10240x128xf32, #tpu.memory_space<vmem_shared>> -> memref<128x128xf32, #tpu.memory_space<vmem_shared>>
      tpu.enqueue_dma source(%arg8 : memref<128x128xf32, #tpu.memory_space<vmem>>) target(%dma_start3A_111 : memref<128x128xf32, #tpu.memory_space<vmem_shared>>) target_semaphore(%run_scoped3A : memref<!tpu.dma_semaphore, #tpu.memory_space<semaphore_mem>>)
      %dma_wait3A = arith.constant 0 : i32
      %dma_wait3A_112 = tpu.memref_slice %arg12[%add3A_22, %dma_wait3A] : memref<10240x128xf32, #tpu.memory_space<vmem_shared>> -> memref<128x128xf32, #tpu.memory_space<vmem_shared>>
      %dma_wait3A_113 = arith.constant 0 : i32
      %dma_wait3A_114 = tpu.memref_slice %arg12[%add3A_22, %dma_wait3A_113] : memref<10240x128xf32, #tpu.memory_space<vmem_shared>> -> memref<128x128xf32, #tpu.memory_space<vmem_shared>>
      tpu.wait_dma2 semaphore(%run_scoped3A : memref<!tpu.dma_semaphore, #tpu.memory_space<semaphore_mem>>) src(%arg8 : memref<128x128xf32, #tpu.memory_space<vmem>>) dst(%dma_wait3A_114 : memref<128x128xf32, #tpu.memory_space<vmem_shared>>)
      tpu.yield
    }) : () -> ()
    %mul3A_23 = arith.constant 640 : i32
    %mul3A_24 = arith.muli %arg1, %mul3A_23 : i32
    %add3A_25 = arith.constant 512 : i32
    %add3A_26 = arith.addi %mul3A_24, %add3A_25 : i32
    "tpu.region"() ({
      %run_scoped3A = tpu.sem_alloc : memref<!tpu.dma_semaphore, #tpu.memory_space<semaphore_mem>>
      %dma_start3A = arith.constant 0 : i32
      %dma_start3A_109 = tpu.memref_slice %arg12[%add3A_26, %dma_start3A] : memref<10240x128xf32, #tpu.memory_space<vmem_shared>> -> memref<128x128xf32, #tpu.memory_space<vmem_shared>>
      %dma_start3A_110 = arith.constant 0 : i32
      %dma_start3A_111 = tpu.memref_slice %arg12[%add3A_26, %dma_start3A_110] : memref<10240x128xf32, #tpu.memory_space<vmem_shared>> -> memref<128x128xf32, #tpu.memory_space<vmem_shared>>
      tpu.enqueue_dma source(%arg8 : memref<128x128xf32, #tpu.memory_space<vmem>>) target(%dma_start3A_111 : memref<128x128xf32, #tpu.memory_space<vmem_shared>>) target_semaphore(%run_scoped3A : memref<!tpu.dma_semaphore, #tpu.memory_space<semaphore_mem>>)
      %dma_wait3A = arith.constant 0 : i32
      %dma_wait3A_112 = tpu.memref_slice %arg12[%add3A_26, %dma_wait3A] : memref<10240x128xf32, #tpu.memory_space<vmem_shared>> -> memref<128x128xf32, #tpu.memory_space<vmem_shared>>
      %dma_wait3A_113 = arith.constant 0 : i32
      %dma_wait3A_114 = tpu.memref_slice %arg12[%add3A_26, %dma_wait3A_113] : memref<10240x128xf32, #tpu.memory_space<vmem_shared>> -> memref<128x128xf32, #tpu.memory_space<vmem_shared>>
      tpu.wait_dma2 semaphore(%run_scoped3A : memref<!tpu.dma_semaphore, #tpu.memory_space<semaphore_mem>>) src(%arg8 : memref<128x128xf32, #tpu.memory_space<vmem>>) dst(%dma_wait3A_114 : memref<128x128xf32, #tpu.memory_space<vmem_shared>>)
      tpu.yield
    }) : () -> ()
    %barrier3A = arith.constant 0 : index
    tpu.barrier barrier_id(%barrier3A)
    %mul3A_27 = arith.constant 78 : i32
    %mul3A_28 = arith.muli %add3A, %mul3A_27 : i32
    %min3A = arith.constant 4 : i32
    %min3A_29 = arith.minsi %add3A, %min3A : i32
    %add3A_30 = arith.addi %mul3A_28, %min3A_29 : i32
    %lt3A = arith.constant 4 : i32
    %lt3A_31 = arith.cmpi slt, %add3A, %lt3A : i32
    %jit3A = arith.constant 1 : i32
    %jit3A_32 = arith.constant 0 : i32
    %select_n3A = arith.select %lt3A_31, %jit3A, %jit3A_32 : i32
    %add3A_33 = arith.constant 78 : i32
    %add3A_34 = arith.addi %add3A_33, %select_n3A : i32
    %gt3A = arith.constant 0 : i32
    %gt3A_35 = arith.cmpi sgt, %add3A_34, %gt3A : i32
    %convert_element_type3A = arith.extui %gt3A_35 : i1 to i32
    %cond3A = arith.constant 0 : i32
    %cond3A_36 = arith.cmpi ne, %convert_element_type3A, %cond3A : i32
    scf.if %cond3A_36 {
      %add3A_109 = arith.constant 0 : i32
      %add3A_110 = arith.addi %add3A_30, %add3A_109 : i32
      %mul3A_111 = arith.constant 128 : i32
      %mul3A_112 = arith.muli %add3A_110, %mul3A_111 : i32
      "tpu.region"() ({
        %run_scoped3A = tpu.sem_alloc : memref<!tpu.dma_semaphore, #tpu.memory_space<semaphore_mem>>
        %dma_start3A_115 = tpu.memref_slice %arg2[%mul3A_112] : memref<320000xi32, #tpu.memory_space<hbm>> -> memref<128xi32, #tpu.memory_space<hbm>>
        %dma_start3A_116 = tpu.memref_slice %arg2[%mul3A_112] : memref<320000xi32, #tpu.memory_space<hbm>> -> memref<128xi32, #tpu.memory_space<hbm>>
        tpu.enqueue_dma source(%dma_start3A_116 : memref<128xi32, #tpu.memory_space<hbm>>) target(%arg6 : memref<128xi32, #tpu.memory_space<vmem>>) target_semaphore(%run_scoped3A : memref<!tpu.dma_semaphore, #tpu.memory_space<semaphore_mem>>)
        %dma_wait3A = tpu.memref_slice %arg2[%mul3A_112] : memref<320000xi32, #tpu.memory_space<hbm>> -> memref<128xi32, #tpu.memory_space<hbm>>
        %dma_wait3A_117 = tpu.memref_slice %arg2[%mul3A_112] : memref<320000xi32, #tpu.memory_space<hbm>> -> memref<128xi32, #tpu.memory_space<hbm>>
        tpu.wait_dma2 semaphore(%run_scoped3A : memref<!tpu.dma_semaphore, #tpu.memory_space<semaphore_mem>>) src(%dma_wait3A_117 : memref<128xi32, #tpu.memory_space<hbm>>) dst(%arg6 : memref<128xi32, #tpu.memory_space<vmem>>)
        tpu.yield
      }) : () -> ()
      "tpu.region"() ({
        %run_scoped3A = tpu.sem_alloc : memref<!tpu.dma_semaphore, #tpu.memory_space<semaphore_mem>>
        %dma_start3A_115 = tpu.memref_slice %arg3[%mul3A_112] : memref<320000xi32, #tpu.memory_space<hbm>> -> memref<128xi32, #tpu.memory_space<hbm>>
        %dma_start3A_116 = tpu.memref_slice %arg3[%mul3A_112] : memref<320000xi32, #tpu.memory_space<hbm>> -> memref<128xi32, #tpu.memory_space<hbm>>
        tpu.enqueue_dma source(%dma_start3A_116 : memref<128xi32, #tpu.memory_space<hbm>>) target(%arg7 : memref<128xi32, #tpu.memory_space<vmem>>) target_semaphore(%run_scoped3A : memref<!tpu.dma_semaphore, #tpu.memory_space<semaphore_mem>>)
        %dma_wait3A = tpu.memref_slice %arg3[%mul3A_112] : memref<320000xi32, #tpu.memory_space<hbm>> -> memref<128xi32, #tpu.memory_space<hbm>>
        %dma_wait3A_117 = tpu.memref_slice %arg3[%mul3A_112] : memref<320000xi32, #tpu.memory_space<hbm>> -> memref<128xi32, #tpu.memory_space<hbm>>
        tpu.wait_dma2 semaphore(%run_scoped3A : memref<!tpu.dma_semaphore, #tpu.memory_space<semaphore_mem>>) src(%dma_wait3A_117 : memref<128xi32, #tpu.memory_space<hbm>>) dst(%arg7 : memref<128xi32, #tpu.memory_space<vmem>>)
        tpu.yield
      }) : () -> ()
      %dma_start3A = arith.constant 0 : i32
      %dma_start3A_113 = arith.constant 0 : i32
      %dma_start3A_114 = tpu.memref_slice %arg4[%dma_start3A, %dma_start3A_113] : memref<10240x128xf32, #tpu.memory_space<hbm>> -> memref<10240x128xf32, #tpu.memory_space<hbm>>
      tpu.enqueue_indirect_dma source(%dma_start3A_114 : memref<10240x128xf32, #tpu.memory_space<hbm>>) target(%arg8 : memref<128x128xf32, #tpu.memory_space<vmem>>) offsets(%arg6 : memref<128xi32, #tpu.memory_space<vmem>>) semaphore(%arg13 : memref<!tpu.dma_semaphore, #tpu.memory_space<semaphore_mem>>)
    } else {
    }
    %gt3A_37 = arith.constant 1 : i32
    %gt3A_38 = arith.cmpi sgt, %add3A_34, %gt3A_37 : i32
    %convert_element_type3A_39 = arith.extui %gt3A_38 : i1 to i32
    %cond3A_40 = arith.constant 0 : i32
    %cond3A_41 = arith.cmpi ne, %convert_element_type3A_39, %cond3A_40 : i32
    scf.if %cond3A_41 {
      %add3A_109 = arith.constant 1 : i32
      %add3A_110 = arith.addi %add3A_30, %add3A_109 : i32
      %mul3A_111 = arith.constant 128 : i32
      %mul3A_112 = arith.muli %add3A_110, %mul3A_111 : i32
      "tpu.region"() ({
        %run_scoped3A = tpu.sem_alloc : memref<!tpu.dma_semaphore, #tpu.memory_space<semaphore_mem>>
        %dma_start3A_115 = tpu.memref_slice %arg2[%mul3A_112] : memref<320000xi32, #tpu.memory_space<hbm>> -> memref<128xi32, #tpu.memory_space<hbm>>
        %dma_start3A_116 = tpu.memref_slice %arg2[%mul3A_112] : memref<320000xi32, #tpu.memory_space<hbm>> -> memref<128xi32, #tpu.memory_space<hbm>>
        tpu.enqueue_dma source(%dma_start3A_116 : memref<128xi32, #tpu.memory_space<hbm>>) target(%arg9 : memref<128xi32, #tpu.memory_space<vmem>>) target_semaphore(%run_scoped3A : memref<!tpu.dma_semaphore, #tpu.memory_space<semaphore_mem>>)
        %dma_wait3A = tpu.memref_slice %arg2[%mul3A_112] : memref<320000xi32, #tpu.memory_space<hbm>> -> memref<128xi32, #tpu.memory_space<hbm>>
        %dma_wait3A_117 = tpu.memref_slice %arg2[%mul3A_112] : memref<320000xi32, #tpu.memory_space<hbm>> -> memref<128xi32, #tpu.memory_space<hbm>>
        tpu.wait_dma2 semaphore(%run_scoped3A : memref<!tpu.dma_semaphore, #tpu.memory_space<semaphore_mem>>) src(%dma_wait3A_117 : memref<128xi32, #tpu.memory_space<hbm>>) dst(%arg9 : memref<128xi32, #tpu.memory_space<vmem>>)
        tpu.yield
      }) : () -> ()
      "tpu.region"() ({
        %run_scoped3A = tpu.sem_alloc : memref<!tpu.dma_semaphore, #tpu.memory_space<semaphore_mem>>
        %dma_start3A_115 = tpu.memref_slice %arg3[%mul3A_112] : memref<320000xi32, #tpu.memory_space<hbm>> -> memref<128xi32, #tpu.memory_space<hbm>>
        %dma_start3A_116 = tpu.memref_slice %arg3[%mul3A_112] : memref<320000xi32, #tpu.memory_space<hbm>> -> memref<128xi32, #tpu.memory_space<hbm>>
        tpu.enqueue_dma source(%dma_start3A_116 : memref<128xi32, #tpu.memory_space<hbm>>) target(%arg10 : memref<128xi32, #tpu.memory_space<vmem>>) target_semaphore(%run_scoped3A : memref<!tpu.dma_semaphore, #tpu.memory_space<semaphore_mem>>)
        %dma_wait3A = tpu.memref_slice %arg3[%mul3A_112] : memref<320000xi32, #tpu.memory_space<hbm>> -> memref<128xi32, #tpu.memory_space<hbm>>
        %dma_wait3A_117 = tpu.memref_slice %arg3[%mul3A_112] : memref<320000xi32, #tpu.memory_space<hbm>> -> memref<128xi32, #tpu.memory_space<hbm>>
        tpu.wait_dma2 semaphore(%run_scoped3A : memref<!tpu.dma_semaphore, #tpu.memory_space<semaphore_mem>>) src(%dma_wait3A_117 : memref<128xi32, #tpu.memory_space<hbm>>) dst(%arg10 : memref<128xi32, #tpu.memory_space<vmem>>)
        tpu.yield
      }) : () -> ()
      %dma_start3A = arith.constant 0 : i32
      %dma_start3A_113 = arith.constant 0 : i32
      %dma_start3A_114 = tpu.memref_slice %arg4[%dma_start3A, %dma_start3A_113] : memref<10240x128xf32, #tpu.memory_space<hbm>> -> memref<10240x128xf32, #tpu.memory_space<hbm>>
      tpu.enqueue_indirect_dma source(%dma_start3A_114 : memref<10240x128xf32, #tpu.memory_space<hbm>>) target(%arg11 : memref<128x128xf32, #tpu.memory_space<vmem>>) offsets(%arg9 : memref<128xi32, #tpu.memory_space<vmem>>) semaphore(%arg14 : memref<!tpu.dma_semaphore, #tpu.memory_space<semaphore_mem>>)
    } else {
    }
    %add3A_42 = arith.constant 1 : i32
    %add3A_43 = arith.addi %add3A_34, %add3A_42 : i32
    %jit3A_44 = arith.constant 2 : i32
    %div3A = arith.divsi %add3A_43, %jit3A_44 : i32
    %sign3A = arith.constant 0 : i32
    %sign3A_45 = arith.cmpi sgt, %add3A_43, %sign3A : i32
    %sign3A_46 = arith.extui %sign3A_45 : i1 to i32
    %sign3A_47 = arith.constant 0 : i32
    %sign3A_48 = arith.cmpi slt, %add3A_43, %sign3A_47 : i32
    %sign3A_49 = arith.extui %sign3A_48 : i1 to i32
    %sign3A_50 = arith.subi %sign3A_46, %sign3A_49 : i32
    %sign3A_51 = arith.constant 0 : i32
    %sign3A_52 = arith.cmpi sgt, %jit3A_44, %sign3A_51 : i32
    %sign3A_53 = arith.extui %sign3A_52 : i1 to i32
    %sign3A_54 = arith.constant 0 : i32
    %sign3A_55 = arith.cmpi slt, %jit3A_44, %sign3A_54 : i32
    %sign3A_56 = arith.extui %sign3A_55 : i1 to i32
    %sign3A_57 = arith.subi %sign3A_53, %sign3A_56 : i32
    %ne3A = arith.cmpi ne, %sign3A_50, %sign3A_57 : i32
    %rem3A = arith.remsi %add3A_43, %jit3A_44 : i32
    %ne3A_58 = arith.constant 0 : i32
    %ne3A_59 = arith.cmpi ne, %rem3A, %ne3A_58 : i32
    %and3A = arith.andi %ne3A, %ne3A_59 : i1
    %sub3A = arith.constant 1 : i32
    %sub3A_60 = arith.subi %div3A, %sub3A : i32
    %select_n3A_61 = arith.select %and3A, %sub3A_60, %div3A : i32
    %while3A = arith.constant 0 : i32
    %while3A_62 = arith.constant 0 : i32
    %while3A_63 = arith.subi %select_n3A_61, %while3A : i32
    %while3A_64 = arith.addi %while3A, %while3A_63 : i32
    %while3A_65 = arith.constant 1 : i32
    %while3A_66 = arith.divsi %while3A_63, %while3A_65 : i32
    %while3A_67 = arith.muli %while3A_66, %while3A_65 : i32
    %while3A_68 = arith.addi %while3A, %while3A_67 : i32
    %while3A_69 = arith.constant 1 : i32
    %while3A_70 = scf.for %while3A_109 = %while3A to %while3A_68 step %while3A_69 iter_args(%while3A_110 = %while3A_62) -> (i32)  : i32 {
      %mul3A_111 = arith.constant 2 : i32
      %mul3A_112 = arith.muli %mul3A_111, %while3A_109 : i32
      %add3A_113 = arith.constant 0 : i32
      %add3A_114 = arith.addi %mul3A_112, %add3A_113 : i32
      %lt3A_115 = arith.cmpi slt, %add3A_114, %add3A_34 : i32
      %convert_element_type3A_116 = arith.extui %lt3A_115 : i1 to i32
      %cond3A_117 = arith.constant 0 : i32
      %cond3A_118 = arith.cmpi ne, %convert_element_type3A_116, %cond3A_117 : i32
      scf.if %cond3A_118 {
        %dma_wait3A = arith.constant 0 : i32
        %dma_wait3A_128 = arith.constant 0 : i32
        %dma_wait3A_129 = tpu.memref_slice %arg4[%dma_wait3A, %dma_wait3A_128] : memref<10240x128xf32, #tpu.memory_space<hbm>> -> memref<10240x128xf32, #tpu.memory_space<hbm>>
        tpu.wait_indirect_dma semaphore(%arg13 : memref<!tpu.dma_semaphore, #tpu.memory_space<semaphore_mem>>) src(%dma_wait3A_129 : memref<10240x128xf32, #tpu.memory_space<hbm>>) dst(%arg8 : memref<128x128xf32, #tpu.memory_space<vmem>>)
        "tpu.region"() ({
          %run_scoped3A = tpu.sem_alloc : memref<!tpu.dma_semaphore, #tpu.memory_space<semaphore_mem>>
          %dma_start3A = arith.constant 0 : i32
          %dma_start3A_136 = arith.constant 0 : i32
          %dma_start3A_137 = tpu.memref_slice %arg12[%dma_start3A, %dma_start3A_136] : memref<10240x128xf32, #tpu.memory_space<vmem_shared>> -> memref<10240x128xf32, #tpu.memory_space<vmem_shared>>
          tpu.enqueue_indirect_dma source(%arg8 : memref<128x128xf32, #tpu.memory_space<vmem>>) target(%dma_start3A_137 : memref<10240x128xf32, #tpu.memory_space<vmem_shared>>) offsets(%arg7 : memref<128xi32, #tpu.memory_space<vmem>>) semaphore(%run_scoped3A : memref<!tpu.dma_semaphore, #tpu.memory_space<semaphore_mem>>) {add = true}
          %dma_wait3A_138 = arith.constant 0 : i32
          %dma_wait3A_139 = arith.constant 0 : i32
          %dma_wait3A_140 = tpu.memref_slice %arg12[%dma_wait3A_138, %dma_wait3A_139] : memref<10240x128xf32, #tpu.memory_space<vmem_shared>> -> memref<10240x128xf32, #tpu.memory_space<vmem_shared>>
          tpu.wait_indirect_dma semaphore(%run_scoped3A : memref<!tpu.dma_semaphore, #tpu.memory_space<semaphore_mem>>) src(%arg8 : memref<128x128xf32, #tpu.memory_space<vmem>>) dst(%dma_wait3A_140 : memref<10240x128xf32, #tpu.memory_space<vmem_shared>>)
          tpu.yield
        }) : () -> ()
        %add3A_130 = arith.constant 2 : i32
        %add3A_131 = arith.addi %add3A_114, %add3A_130 : i32
        %lt3A_132 = arith.cmpi slt, %add3A_131, %add3A_34 : i32
        %convert_element_type3A_133 = arith.extui %lt3A_132 : i1 to i32
        %cond3A_134 = arith.constant 0 : i32
        %cond3A_135 = arith.cmpi ne, %convert_element_type3A_133, %cond3A_134 : i32
        scf.if %cond3A_135 {
          %add3A_136 = arith.constant 2 : i32
          %add3A_137 = arith.addi %add3A_114, %add3A_136 : i32
          %add3A_138 = arith.addi %add3A_30, %add3A_137 : i32
          %mul3A_139 = arith.constant 128 : i32
          %mul3A_140 = arith.muli %add3A_138, %mul3A_139 : i32
          "tpu.region"() ({
            %run_scoped3A = tpu.sem_alloc : memref<!tpu.dma_semaphore, #tpu.memory_space<semaphore_mem>>
            %dma_start3A_143 = tpu.memref_slice %arg2[%mul3A_140] : memref<320000xi32, #tpu.memory_space<hbm>> -> memref<128xi32, #tpu.memory_space<hbm>>
            %dma_start3A_144 = tpu.memref_slice %arg2[%mul3A_140] : memref<320000xi32, #tpu.memory_space<hbm>> -> memref<128xi32, #tpu.memory_space<hbm>>
            tpu.enqueue_dma source(%dma_start3A_144 : memref<128xi32, #tpu.memory_space<hbm>>) target(%arg6 : memref<128xi32, #tpu.memory_space<vmem>>) target_semaphore(%run_scoped3A : memref<!tpu.dma_semaphore, #tpu.memory_space<semaphore_mem>>)
            %dma_wait3A_145 = tpu.memref_slice %arg2[%mul3A_140] : memref<320000xi32, #tpu.memory_space<hbm>> -> memref<128xi32, #tpu.memory_space<hbm>>
            %dma_wait3A_146 = tpu.memref_slice %arg2[%mul3A_140] : memref<320000xi32, #tpu.memory_space<hbm>> -> memref<128xi32, #tpu.memory_space<hbm>>
            tpu.wait_dma2 semaphore(%run_scoped3A : memref<!tpu.dma_semaphore, #tpu.memory_space<semaphore_mem>>) src(%dma_wait3A_146 : memref<128xi32, #tpu.memory_space<hbm>>) dst(%arg6 : memref<128xi32, #tpu.memory_space<vmem>>)
            tpu.yield
          }) : () -> ()
          "tpu.region"() ({
            %run_scoped3A = tpu.sem_alloc : memref<!tpu.dma_semaphore, #tpu.memory_space<semaphore_mem>>
            %dma_start3A_143 = tpu.memref_slice %arg3[%mul3A_140] : memref<320000xi32, #tpu.memory_space<hbm>> -> memref<128xi32, #tpu.memory_space<hbm>>
            %dma_start3A_144 = tpu.memref_slice %arg3[%mul3A_140] : memref<320000xi32, #tpu.memory_space<hbm>> -> memref<128xi32, #tpu.memory_space<hbm>>
            tpu.enqueue_dma source(%dma_start3A_144 : memref<128xi32, #tpu.memory_space<hbm>>) target(%arg7 : memref<128xi32, #tpu.memory_space<vmem>>) target_semaphore(%run_scoped3A : memref<!tpu.dma_semaphore, #tpu.memory_space<semaphore_mem>>)
            %dma_wait3A_145 = tpu.memref_slice %arg3[%mul3A_140] : memref<320000xi32, #tpu.memory_space<hbm>> -> memref<128xi32, #tpu.memory_space<hbm>>
            %dma_wait3A_146 = tpu.memref_slice %arg3[%mul3A_140] : memref<320000xi32, #tpu.memory_space<hbm>> -> memref<128xi32, #tpu.memory_space<hbm>>
            tpu.wait_dma2 semaphore(%run_scoped3A : memref<!tpu.dma_semaphore, #tpu.memory_space<semaphore_mem>>) src(%dma_wait3A_146 : memref<128xi32, #tpu.memory_space<hbm>>) dst(%arg7 : memref<128xi32, #tpu.memory_space<vmem>>)
            tpu.yield
          }) : () -> ()
          %dma_start3A = arith.constant 0 : i32
          %dma_start3A_141 = arith.constant 0 : i32
          %dma_start3A_142 = tpu.memref_slice %arg4[%dma_start3A, %dma_start3A_141] : memref<10240x128xf32, #tpu.memory_space<hbm>> -> memref<10240x128xf32, #tpu.memory_space<hbm>>
          tpu.enqueue_indirect_dma source(%dma_start3A_142 : memref<10240x128xf32, #tpu.memory_space<hbm>>) target(%arg8 : memref<128x128xf32, #tpu.memory_space<vmem>>) offsets(%arg6 : memref<128xi32, #tpu.memory_space<vmem>>) semaphore(%arg13 : memref<!tpu.dma_semaphore, #tpu.memory_space<semaphore_mem>>)
        } else {
        }
      } else {
      }
      %mul3A_119 = arith.constant 2 : i32
      %mul3A_120 = arith.muli %mul3A_119, %while3A_109 : i32
      %add3A_121 = arith.constant 1 : i32
      %add3A_122 = arith.addi %mul3A_120, %add3A_121 : i32
      %lt3A_123 = arith.cmpi slt, %add3A_122, %add3A_34 : i32
      %convert_element_type3A_124 = arith.extui %lt3A_123 : i1 to i32
      %cond3A_125 = arith.constant 0 : i32
      %cond3A_126 = arith.cmpi ne, %convert_element_type3A_124, %cond3A_125 : i32
      scf.if %cond3A_126 {
        %dma_wait3A = arith.constant 0 : i32
        %dma_wait3A_128 = arith.constant 0 : i32
        %dma_wait3A_129 = tpu.memref_slice %arg4[%dma_wait3A, %dma_wait3A_128] : memref<10240x128xf32, #tpu.memory_space<hbm>> -> memref<10240x128xf32, #tpu.memory_space<hbm>>
        tpu.wait_indirect_dma semaphore(%arg14 : memref<!tpu.dma_semaphore, #tpu.memory_space<semaphore_mem>>) src(%dma_wait3A_129 : memref<10240x128xf32, #tpu.memory_space<hbm>>) dst(%arg11 : memref<128x128xf32, #tpu.memory_space<vmem>>)
        "tpu.region"() ({
          %run_scoped3A = tpu.sem_alloc : memref<!tpu.dma_semaphore, #tpu.memory_space<semaphore_mem>>
          %dma_start3A = arith.constant 0 : i32
          %dma_start3A_136 = arith.constant 0 : i32
          %dma_start3A_137 = tpu.memref_slice %arg12[%dma_start3A, %dma_start3A_136] : memref<10240x128xf32, #tpu.memory_space<vmem_shared>> -> memref<10240x128xf32, #tpu.memory_space<vmem_shared>>
          tpu.enqueue_indirect_dma source(%arg11 : memref<128x128xf32, #tpu.memory_space<vmem>>) target(%dma_start3A_137 : memref<10240x128xf32, #tpu.memory_space<vmem_shared>>) offsets(%arg10 : memref<128xi32, #tpu.memory_space<vmem>>) semaphore(%run_scoped3A : memref<!tpu.dma_semaphore, #tpu.memory_space<semaphore_mem>>) {add = true}
          %dma_wait3A_138 = arith.constant 0 : i32
          %dma_wait3A_139 = arith.constant 0 : i32
          %dma_wait3A_140 = tpu.memref_slice %arg12[%dma_wait3A_138, %dma_wait3A_139] : memref<10240x128xf32, #tpu.memory_space<vmem_shared>> -> memref<10240x128xf32, #tpu.memory_space<vmem_shared>>
          tpu.wait_indirect_dma semaphore(%run_scoped3A : memref<!tpu.dma_semaphore, #tpu.memory_space<semaphore_mem>>) src(%arg11 : memref<128x128xf32, #tpu.memory_space<vmem>>) dst(%dma_wait3A_140 : memref<10240x128xf32, #tpu.memory_space<vmem_shared>>)
          tpu.yield
        }) : () -> ()
        %add3A_130 = arith.constant 2 : i32
        %add3A_131 = arith.addi %add3A_122, %add3A_130 : i32
        %lt3A_132 = arith.cmpi slt, %add3A_131, %add3A_34 : i32
        %convert_element_type3A_133 = arith.extui %lt3A_132 : i1 to i32
        %cond3A_134 = arith.constant 0 : i32
        %cond3A_135 = arith.cmpi ne, %convert_element_type3A_133, %cond3A_134 : i32
        scf.if %cond3A_135 {
          %add3A_136 = arith.constant 2 : i32
          %add3A_137 = arith.addi %add3A_122, %add3A_136 : i32
          %add3A_138 = arith.addi %add3A_30, %add3A_137 : i32
          %mul3A_139 = arith.constant 128 : i32
          %mul3A_140 = arith.muli %add3A_138, %mul3A_139 : i32
          "tpu.region"() ({
            %run_scoped3A = tpu.sem_alloc : memref<!tpu.dma_semaphore, #tpu.memory_space<semaphore_mem>>
            %dma_start3A_143 = tpu.memref_slice %arg2[%mul3A_140] : memref<320000xi32, #tpu.memory_space<hbm>> -> memref<128xi32, #tpu.memory_space<hbm>>
            %dma_start3A_144 = tpu.memref_slice %arg2[%mul3A_140] : memref<320000xi32, #tpu.memory_space<hbm>> -> memref<128xi32, #tpu.memory_space<hbm>>
            tpu.enqueue_dma source(%dma_start3A_144 : memref<128xi32, #tpu.memory_space<hbm>>) target(%arg9 : memref<128xi32, #tpu.memory_space<vmem>>) target_semaphore(%run_scoped3A : memref<!tpu.dma_semaphore, #tpu.memory_space<semaphore_mem>>)
            %dma_wait3A_145 = tpu.memref_slice %arg2[%mul3A_140] : memref<320000xi32, #tpu.memory_space<hbm>> -> memref<128xi32, #tpu.memory_space<hbm>>
            %dma_wait3A_146 = tpu.memref_slice %arg2[%mul3A_140] : memref<320000xi32, #tpu.memory_space<hbm>> -> memref<128xi32, #tpu.memory_space<hbm>>
            tpu.wait_dma2 semaphore(%run_scoped3A : memref<!tpu.dma_semaphore, #tpu.memory_space<semaphore_mem>>) src(%dma_wait3A_146 : memref<128xi32, #tpu.memory_space<hbm>>) dst(%arg9 : memref<128xi32, #tpu.memory_space<vmem>>)
            tpu.yield
          }) : () -> ()
          "tpu.region"() ({
            %run_scoped3A = tpu.sem_alloc : memref<!tpu.dma_semaphore, #tpu.memory_space<semaphore_mem>>
            %dma_start3A_143 = tpu.memref_slice %arg3[%mul3A_140] : memref<320000xi32, #tpu.memory_space<hbm>> -> memref<128xi32, #tpu.memory_space<hbm>>
            %dma_start3A_144 = tpu.memref_slice %arg3[%mul3A_140] : memref<320000xi32, #tpu.memory_space<hbm>> -> memref<128xi32, #tpu.memory_space<hbm>>
            tpu.enqueue_dma source(%dma_start3A_144 : memref<128xi32, #tpu.memory_space<hbm>>) target(%arg10 : memref<128xi32, #tpu.memory_space<vmem>>) target_semaphore(%run_scoped3A : memref<!tpu.dma_semaphore, #tpu.memory_space<semaphore_mem>>)
            %dma_wait3A_145 = tpu.memref_slice %arg3[%mul3A_140] : memref<320000xi32, #tpu.memory_space<hbm>> -> memref<128xi32, #tpu.memory_space<hbm>>
            %dma_wait3A_146 = tpu.memref_slice %arg3[%mul3A_140] : memref<320000xi32, #tpu.memory_space<hbm>> -> memref<128xi32, #tpu.memory_space<hbm>>
            tpu.wait_dma2 semaphore(%run_scoped3A : memref<!tpu.dma_semaphore, #tpu.memory_space<semaphore_mem>>) src(%dma_wait3A_146 : memref<128xi32, #tpu.memory_space<hbm>>) dst(%arg10 : memref<128xi32, #tpu.memory_space<vmem>>)
            tpu.yield
          }) : () -> ()
          %dma_start3A = arith.constant 0 : i32
          %dma_start3A_141 = arith.constant 0 : i32
          %dma_start3A_142 = tpu.memref_slice %arg4[%dma_start3A, %dma_start3A_141] : memref<10240x128xf32, #tpu.memory_space<hbm>> -> memref<10240x128xf32, #tpu.memory_space<hbm>>
          tpu.enqueue_indirect_dma source(%dma_start3A_142 : memref<10240x128xf32, #tpu.memory_space<hbm>>) target(%arg11 : memref<128x128xf32, #tpu.memory_space<vmem>>) offsets(%arg9 : memref<128xi32, #tpu.memory_space<vmem>>) semaphore(%arg14 : memref<!tpu.dma_semaphore, #tpu.memory_space<semaphore_mem>>)
        } else {
        }
      } else {
      }
      %while3A_127 = arith.constant 0 : i32
      scf.yield %while3A_127 : i32
    }
    %while3A_71 = arith.constant 1 : i32
    %while3A_72 = scf.for %while3A_109 = %while3A_68 to %while3A_64 step %while3A_71 iter_args(%while3A_110 = %while3A_70) -> (i32)  : i32 {
      %mul3A_111 = arith.constant 2 : i32
      %mul3A_112 = arith.muli %mul3A_111, %while3A_109 : i32
      %add3A_113 = arith.constant 0 : i32
      %add3A_114 = arith.addi %mul3A_112, %add3A_113 : i32
      %lt3A_115 = arith.cmpi slt, %add3A_114, %add3A_34 : i32
      %convert_element_type3A_116 = arith.extui %lt3A_115 : i1 to i32
      %cond3A_117 = arith.constant 0 : i32
      %cond3A_118 = arith.cmpi ne, %convert_element_type3A_116, %cond3A_117 : i32
      scf.if %cond3A_118 {
        %dma_wait3A = arith.constant 0 : i32
        %dma_wait3A_128 = arith.constant 0 : i32
        %dma_wait3A_129 = tpu.memref_slice %arg4[%dma_wait3A, %dma_wait3A_128] : memref<10240x128xf32, #tpu.memory_space<hbm>> -> memref<10240x128xf32, #tpu.memory_space<hbm>>
        tpu.wait_indirect_dma semaphore(%arg13 : memref<!tpu.dma_semaphore, #tpu.memory_space<semaphore_mem>>) src(%dma_wait3A_129 : memref<10240x128xf32, #tpu.memory_space<hbm>>) dst(%arg8 : memref<128x128xf32, #tpu.memory_space<vmem>>)
        "tpu.region"() ({
          %run_scoped3A = tpu.sem_alloc : memref<!tpu.dma_semaphore, #tpu.memory_space<semaphore_mem>>
          %dma_start3A = arith.constant 0 : i32
          %dma_start3A_136 = arith.constant 0 : i32
          %dma_start3A_137 = tpu.memref_slice %arg12[%dma_start3A, %dma_start3A_136] : memref<10240x128xf32, #tpu.memory_space<vmem_shared>> -> memref<10240x128xf32, #tpu.memory_space<vmem_shared>>
          tpu.enqueue_indirect_dma source(%arg8 : memref<128x128xf32, #tpu.memory_space<vmem>>) target(%dma_start3A_137 : memref<10240x128xf32, #tpu.memory_space<vmem_shared>>) offsets(%arg7 : memref<128xi32, #tpu.memory_space<vmem>>) semaphore(%run_scoped3A : memref<!tpu.dma_semaphore, #tpu.memory_space<semaphore_mem>>) {add = true}
          %dma_wait3A_138 = arith.constant 0 : i32
          %dma_wait3A_139 = arith.constant 0 : i32
          %dma_wait3A_140 = tpu.memref_slice %arg12[%dma_wait3A_138, %dma_wait3A_139] : memref<10240x128xf32, #tpu.memory_space<vmem_shared>> -> memref<10240x128xf32, #tpu.memory_space<vmem_shared>>
          tpu.wait_indirect_dma semaphore(%run_scoped3A : memref<!tpu.dma_semaphore, #tpu.memory_space<semaphore_mem>>) src(%arg8 : memref<128x128xf32, #tpu.memory_space<vmem>>) dst(%dma_wait3A_140 : memref<10240x128xf32, #tpu.memory_space<vmem_shared>>)
          tpu.yield
        }) : () -> ()
        %add3A_130 = arith.constant 2 : i32
        %add3A_131 = arith.addi %add3A_114, %add3A_130 : i32
        %lt3A_132 = arith.cmpi slt, %add3A_131, %add3A_34 : i32
        %convert_element_type3A_133 = arith.extui %lt3A_132 : i1 to i32
        %cond3A_134 = arith.constant 0 : i32
        %cond3A_135 = arith.cmpi ne, %convert_element_type3A_133, %cond3A_134 : i32
        scf.if %cond3A_135 {
          %add3A_136 = arith.constant 2 : i32
          %add3A_137 = arith.addi %add3A_114, %add3A_136 : i32
          %add3A_138 = arith.addi %add3A_30, %add3A_137 : i32
          %mul3A_139 = arith.constant 128 : i32
          %mul3A_140 = arith.muli %add3A_138, %mul3A_139 : i32
          "tpu.region"() ({
            %run_scoped3A = tpu.sem_alloc : memref<!tpu.dma_semaphore, #tpu.memory_space<semaphore_mem>>
            %dma_start3A_143 = tpu.memref_slice %arg2[%mul3A_140] : memref<320000xi32, #tpu.memory_space<hbm>> -> memref<128xi32, #tpu.memory_space<hbm>>
            %dma_start3A_144 = tpu.memref_slice %arg2[%mul3A_140] : memref<320000xi32, #tpu.memory_space<hbm>> -> memref<128xi32, #tpu.memory_space<hbm>>
            tpu.enqueue_dma source(%dma_start3A_144 : memref<128xi32, #tpu.memory_space<hbm>>) target(%arg6 : memref<128xi32, #tpu.memory_space<vmem>>) target_semaphore(%run_scoped3A : memref<!tpu.dma_semaphore, #tpu.memory_space<semaphore_mem>>)
            %dma_wait3A_145 = tpu.memref_slice %arg2[%mul3A_140] : memref<320000xi32, #tpu.memory_space<hbm>> -> memref<128xi32, #tpu.memory_space<hbm>>
            %dma_wait3A_146 = tpu.memref_slice %arg2[%mul3A_140] : memref<320000xi32, #tpu.memory_space<hbm>> -> memref<128xi32, #tpu.memory_space<hbm>>
            tpu.wait_dma2 semaphore(%run_scoped3A : memref<!tpu.dma_semaphore, #tpu.memory_space<semaphore_mem>>) src(%dma_wait3A_146 : memref<128xi32, #tpu.memory_space<hbm>>) dst(%arg6 : memref<128xi32, #tpu.memory_space<vmem>>)
            tpu.yield
          }) : () -> ()
          "tpu.region"() ({
            %run_scoped3A = tpu.sem_alloc : memref<!tpu.dma_semaphore, #tpu.memory_space<semaphore_mem>>
            %dma_start3A_143 = tpu.memref_slice %arg3[%mul3A_140] : memref<320000xi32, #tpu.memory_space<hbm>> -> memref<128xi32, #tpu.memory_space<hbm>>
            %dma_start3A_144 = tpu.memref_slice %arg3[%mul3A_140] : memref<320000xi32, #tpu.memory_space<hbm>> -> memref<128xi32, #tpu.memory_space<hbm>>
            tpu.enqueue_dma source(%dma_start3A_144 : memref<128xi32, #tpu.memory_space<hbm>>) target(%arg7 : memref<128xi32, #tpu.memory_space<vmem>>) target_semaphore(%run_scoped3A : memref<!tpu.dma_semaphore, #tpu.memory_space<semaphore_mem>>)
            %dma_wait3A_145 = tpu.memref_slice %arg3[%mul3A_140] : memref<320000xi32, #tpu.memory_space<hbm>> -> memref<128xi32, #tpu.memory_space<hbm>>
            %dma_wait3A_146 = tpu.memref_slice %arg3[%mul3A_140] : memref<320000xi32, #tpu.memory_space<hbm>> -> memref<128xi32, #tpu.memory_space<hbm>>
            tpu.wait_dma2 semaphore(%run_scoped3A : memref<!tpu.dma_semaphore, #tpu.memory_space<semaphore_mem>>) src(%dma_wait3A_146 : memref<128xi32, #tpu.memory_space<hbm>>) dst(%arg7 : memref<128xi32, #tpu.memory_space<vmem>>)
            tpu.yield
          }) : () -> ()
          %dma_start3A = arith.constant 0 : i32
          %dma_start3A_141 = arith.constant 0 : i32
          %dma_start3A_142 = tpu.memref_slice %arg4[%dma_start3A, %dma_start3A_141] : memref<10240x128xf32, #tpu.memory_space<hbm>> -> memref<10240x128xf32, #tpu.memory_space<hbm>>
          tpu.enqueue_indirect_dma source(%dma_start3A_142 : memref<10240x128xf32, #tpu.memory_space<hbm>>) target(%arg8 : memref<128x128xf32, #tpu.memory_space<vmem>>) offsets(%arg6 : memref<128xi32, #tpu.memory_space<vmem>>) semaphore(%arg13 : memref<!tpu.dma_semaphore, #tpu.memory_space<semaphore_mem>>)
        } else {
        }
      } else {
      }
      %mul3A_119 = arith.constant 2 : i32
      %mul3A_120 = arith.muli %mul3A_119, %while3A_109 : i32
      %add3A_121 = arith.constant 1 : i32
      %add3A_122 = arith.addi %mul3A_120, %add3A_121 : i32
      %lt3A_123 = arith.cmpi slt, %add3A_122, %add3A_34 : i32
      %convert_element_type3A_124 = arith.extui %lt3A_123 : i1 to i32
      %cond3A_125 = arith.constant 0 : i32
      %cond3A_126 = arith.cmpi ne, %convert_element_type3A_124, %cond3A_125 : i32
      scf.if %cond3A_126 {
        %dma_wait3A = arith.constant 0 : i32
        %dma_wait3A_128 = arith.constant 0 : i32
        %dma_wait3A_129 = tpu.memref_slice %arg4[%dma_wait3A, %dma_wait3A_128] : memref<10240x128xf32, #tpu.memory_space<hbm>> -> memref<10240x128xf32, #tpu.memory_space<hbm>>
        tpu.wait_indirect_dma semaphore(%arg14 : memref<!tpu.dma_semaphore, #tpu.memory_space<semaphore_mem>>) src(%dma_wait3A_129 : memref<10240x128xf32, #tpu.memory_space<hbm>>) dst(%arg11 : memref<128x128xf32, #tpu.memory_space<vmem>>)
        "tpu.region"() ({
          %run_scoped3A = tpu.sem_alloc : memref<!tpu.dma_semaphore, #tpu.memory_space<semaphore_mem>>
          %dma_start3A = arith.constant 0 : i32
          %dma_start3A_136 = arith.constant 0 : i32
          %dma_start3A_137 = tpu.memref_slice %arg12[%dma_start3A, %dma_start3A_136] : memref<10240x128xf32, #tpu.memory_space<vmem_shared>> -> memref<10240x128xf32, #tpu.memory_space<vmem_shared>>
          tpu.enqueue_indirect_dma source(%arg11 : memref<128x128xf32, #tpu.memory_space<vmem>>) target(%dma_start3A_137 : memref<10240x128xf32, #tpu.memory_space<vmem_shared>>) offsets(%arg10 : memref<128xi32, #tpu.memory_space<vmem>>) semaphore(%run_scoped3A : memref<!tpu.dma_semaphore, #tpu.memory_space<semaphore_mem>>) {add = true}
          %dma_wait3A_138 = arith.constant 0 : i32
          %dma_wait3A_139 = arith.constant 0 : i32
          %dma_wait3A_140 = tpu.memref_slice %arg12[%dma_wait3A_138, %dma_wait3A_139] : memref<10240x128xf32, #tpu.memory_space<vmem_shared>> -> memref<10240x128xf32, #tpu.memory_space<vmem_shared>>
          tpu.wait_indirect_dma semaphore(%run_scoped3A : memref<!tpu.dma_semaphore, #tpu.memory_space<semaphore_mem>>) src(%arg11 : memref<128x128xf32, #tpu.memory_space<vmem>>) dst(%dma_wait3A_140 : memref<10240x128xf32, #tpu.memory_space<vmem_shared>>)
          tpu.yield
        }) : () -> ()
        %add3A_130 = arith.constant 2 : i32
        %add3A_131 = arith.addi %add3A_122, %add3A_130 : i32
        %lt3A_132 = arith.cmpi slt, %add3A_131, %add3A_34 : i32
        %convert_element_type3A_133 = arith.extui %lt3A_132 : i1 to i32
        %cond3A_134 = arith.constant 0 : i32
        %cond3A_135 = arith.cmpi ne, %convert_element_type3A_133, %cond3A_134 : i32
        scf.if %cond3A_135 {
          %add3A_136 = arith.constant 2 : i32
          %add3A_137 = arith.addi %add3A_122, %add3A_136 : i32
          %add3A_138 = arith.addi %add3A_30, %add3A_137 : i32
          %mul3A_139 = arith.constant 128 : i32
          %mul3A_140 = arith.muli %add3A_138, %mul3A_139 : i32
          "tpu.region"() ({
            %run_scoped3A = tpu.sem_alloc : memref<!tpu.dma_semaphore, #tpu.memory_space<semaphore_mem>>
            %dma_start3A_143 = tpu.memref_slice %arg2[%mul3A_140] : memref<320000xi32, #tpu.memory_space<hbm>> -> memref<128xi32, #tpu.memory_space<hbm>>
            %dma_start3A_144 = tpu.memref_slice %arg2[%mul3A_140] : memref<320000xi32, #tpu.memory_space<hbm>> -> memref<128xi32, #tpu.memory_space<hbm>>
            tpu.enqueue_dma source(%dma_start3A_144 : memref<128xi32, #tpu.memory_space<hbm>>) target(%arg9 : memref<128xi32, #tpu.memory_space<vmem>>) target_semaphore(%run_scoped3A : memref<!tpu.dma_semaphore, #tpu.memory_space<semaphore_mem>>)
            %dma_wait3A_145 = tpu.memref_slice %arg2[%mul3A_140] : memref<320000xi32, #tpu.memory_space<hbm>> -> memref<128xi32, #tpu.memory_space<hbm>>
            %dma_wait3A_146 = tpu.memref_slice %arg2[%mul3A_140] : memref<320000xi32, #tpu.memory_space<hbm>> -> memref<128xi32, #tpu.memory_space<hbm>>
            tpu.wait_dma2 semaphore(%run_scoped3A : memref<!tpu.dma_semaphore, #tpu.memory_space<semaphore_mem>>) src(%dma_wait3A_146 : memref<128xi32, #tpu.memory_space<hbm>>) dst(%arg9 : memref<128xi32, #tpu.memory_space<vmem>>)
            tpu.yield
          }) : () -> ()
          "tpu.region"() ({
            %run_scoped3A = tpu.sem_alloc : memref<!tpu.dma_semaphore, #tpu.memory_space<semaphore_mem>>
            %dma_start3A_143 = tpu.memref_slice %arg3[%mul3A_140] : memref<320000xi32, #tpu.memory_space<hbm>> -> memref<128xi32, #tpu.memory_space<hbm>>
            %dma_start3A_144 = tpu.memref_slice %arg3[%mul3A_140] : memref<320000xi32, #tpu.memory_space<hbm>> -> memref<128xi32, #tpu.memory_space<hbm>>
            tpu.enqueue_dma source(%dma_start3A_144 : memref<128xi32, #tpu.memory_space<hbm>>) target(%arg10 : memref<128xi32, #tpu.memory_space<vmem>>) target_semaphore(%run_scoped3A : memref<!tpu.dma_semaphore, #tpu.memory_space<semaphore_mem>>)
            %dma_wait3A_145 = tpu.memref_slice %arg3[%mul3A_140] : memref<320000xi32, #tpu.memory_space<hbm>> -> memref<128xi32, #tpu.memory_space<hbm>>
            %dma_wait3A_146 = tpu.memref_slice %arg3[%mul3A_140] : memref<320000xi32, #tpu.memory_space<hbm>> -> memref<128xi32, #tpu.memory_space<hbm>>
            tpu.wait_dma2 semaphore(%run_scoped3A : memref<!tpu.dma_semaphore, #tpu.memory_space<semaphore_mem>>) src(%dma_wait3A_146 : memref<128xi32, #tpu.memory_space<hbm>>) dst(%arg10 : memref<128xi32, #tpu.memory_space<vmem>>)
            tpu.yield
          }) : () -> ()
          %dma_start3A = arith.constant 0 : i32
          %dma_start3A_141 = arith.constant 0 : i32
          %dma_start3A_142 = tpu.memref_slice %arg4[%dma_start3A, %dma_start3A_141] : memref<10240x128xf32, #tpu.memory_space<hbm>> -> memref<10240x128xf32, #tpu.memory_space<hbm>>
          tpu.enqueue_indirect_dma source(%dma_start3A_142 : memref<10240x128xf32, #tpu.memory_space<hbm>>) target(%arg11 : memref<128x128xf32, #tpu.memory_space<vmem>>) offsets(%arg9 : memref<128xi32, #tpu.memory_space<vmem>>) semaphore(%arg14 : memref<!tpu.dma_semaphore, #tpu.memory_space<semaphore_mem>>)
        } else {
        }
      } else {
      }
      %while3A_127 = arith.constant 0 : i32
      scf.yield %while3A_127 : i32
    }
    %barrier3A_73 = arith.constant 0 : index
    tpu.barrier barrier_id(%barrier3A_73)
    %mul3A_74 = arith.constant 640 : i32
    %mul3A_75 = arith.muli %arg1, %mul3A_74 : i32
    %add3A_76 = arith.constant 0 : i32
    %add3A_77 = arith.addi %mul3A_75, %add3A_76 : i32
    "tpu.region"() ({
      %run_scoped3A = tpu.sem_alloc : memref<!tpu.dma_semaphore, #tpu.memory_space<semaphore_mem>>
      %dma_start3A = arith.constant 0 : i32
      %dma_start3A_109 = tpu.memref_slice %arg12[%add3A_77, %dma_start3A] : memref<10240x128xf32, #tpu.memory_space<vmem_shared>> -> memref<128x128xf32, #tpu.memory_space<vmem_shared>>
      %dma_start3A_110 = arith.constant 0 : i32
      %dma_start3A_111 = tpu.memref_slice %arg12[%add3A_77, %dma_start3A_110] : memref<10240x128xf32, #tpu.memory_space<vmem_shared>> -> memref<128x128xf32, #tpu.memory_space<vmem_shared>>
      tpu.enqueue_dma source(%dma_start3A_111 : memref<128x128xf32, #tpu.memory_space<vmem_shared>>) target(%arg8 : memref<128x128xf32, #tpu.memory_space<vmem>>) target_semaphore(%run_scoped3A : memref<!tpu.dma_semaphore, #tpu.memory_space<semaphore_mem>>)
      %dma_wait3A = arith.constant 0 : i32
      %dma_wait3A_112 = tpu.memref_slice %arg12[%add3A_77, %dma_wait3A] : memref<10240x128xf32, #tpu.memory_space<vmem_shared>> -> memref<128x128xf32, #tpu.memory_space<vmem_shared>>
      %dma_wait3A_113 = arith.constant 0 : i32
      %dma_wait3A_114 = tpu.memref_slice %arg12[%add3A_77, %dma_wait3A_113] : memref<10240x128xf32, #tpu.memory_space<vmem_shared>> -> memref<128x128xf32, #tpu.memory_space<vmem_shared>>
      tpu.wait_dma2 semaphore(%run_scoped3A : memref<!tpu.dma_semaphore, #tpu.memory_space<semaphore_mem>>) src(%dma_wait3A_114 : memref<128x128xf32, #tpu.memory_space<vmem_shared>>) dst(%arg8 : memref<128x128xf32, #tpu.memory_space<vmem>>)
      tpu.yield
    }) : () -> ()
    %mul3A_78 = arith.constant 10240 : i32
    %mul3A_79 = arith.muli %arg0, %mul3A_78 : i32
    %add3A_80 = arith.addi %mul3A_79, %add3A_77 : i32
    "tpu.region"() ({
      %run_scoped3A = tpu.sem_alloc : memref<!tpu.dma_semaphore, #tpu.memory_space<semaphore_mem>>
      %dma_start3A = arith.constant 0 : i32
      %dma_start3A_109 = tpu.memref_slice %arg5[%add3A_80, %dma_start3A] : memref<20480x128xf32, #tpu.memory_space<hbm>> -> memref<128x128xf32, #tpu.memory_space<hbm>>
      %dma_start3A_110 = arith.constant 0 : i32
      %dma_start3A_111 = tpu.memref_slice %arg5[%add3A_80, %dma_start3A_110] : memref<20480x128xf32, #tpu.memory_space<hbm>> -> memref<128x128xf32, #tpu.memory_space<hbm>>
      tpu.enqueue_dma source(%arg8 : memref<128x128xf32, #tpu.memory_space<vmem>>) target(%dma_start3A_111 : memref<128x128xf32, #tpu.memory_space<hbm>>) target_semaphore(%run_scoped3A : memref<!tpu.dma_semaphore, #tpu.memory_space<semaphore_mem>>)
      %dma_wait3A = arith.constant 0 : i32
      %dma_wait3A_112 = tpu.memref_slice %arg5[%add3A_80, %dma_wait3A] : memref<20480x128xf32, #tpu.memory_space<hbm>> -> memref<128x128xf32, #tpu.memory_space<hbm>>
      %dma_wait3A_113 = arith.constant 0 : i32
      %dma_wait3A_114 = tpu.memref_slice %arg5[%add3A_80, %dma_wait3A_113] : memref<20480x128xf32, #tpu.memory_space<hbm>> -> memref<128x128xf32, #tpu.memory_space<hbm>>
      tpu.wait_dma2 semaphore(%run_scoped3A : memref<!tpu.dma_semaphore, #tpu.memory_space<semaphore_mem>>) src(%arg8 : memref<128x128xf32, #tpu.memory_space<vmem>>) dst(%dma_wait3A_114 : memref<128x128xf32, #tpu.memory_space<hbm>>)
      tpu.yield
    }) : () -> ()
    %mul3A_81 = arith.constant 640 : i32
    %mul3A_82 = arith.muli %arg1, %mul3A_81 : i32
    %add3A_83 = arith.constant 128 : i32
    %add3A_84 = arith.addi %mul3A_82, %add3A_83 : i32
    "tpu.region"() ({
      %run_scoped3A = tpu.sem_alloc : memref<!tpu.dma_semaphore, #tpu.memory_space<semaphore_mem>>
      %dma_start3A = arith.constant 0 : i32
      %dma_start3A_109 = tpu.memref_slice %arg12[%add3A_84, %dma_start3A] : memref<10240x128xf32, #tpu.memory_space<vmem_shared>> -> memref<128x128xf32, #tpu.memory_space<vmem_shared>>
      %dma_start3A_110 = arith.constant 0 : i32
      %dma_start3A_111 = tpu.memref_slice %arg12[%add3A_84, %dma_start3A_110] : memref<10240x128xf32, #tpu.memory_space<vmem_shared>> -> memref<128x128xf32, #tpu.memory_space<vmem_shared>>
      tpu.enqueue_dma source(%dma_start3A_111 : memref<128x128xf32, #tpu.memory_space<vmem_shared>>) target(%arg8 : memref<128x128xf32, #tpu.memory_space<vmem>>) target_semaphore(%run_scoped3A : memref<!tpu.dma_semaphore, #tpu.memory_space<semaphore_mem>>)
      %dma_wait3A = arith.constant 0 : i32
      %dma_wait3A_112 = tpu.memref_slice %arg12[%add3A_84, %dma_wait3A] : memref<10240x128xf32, #tpu.memory_space<vmem_shared>> -> memref<128x128xf32, #tpu.memory_space<vmem_shared>>
      %dma_wait3A_113 = arith.constant 0 : i32
      %dma_wait3A_114 = tpu.memref_slice %arg12[%add3A_84, %dma_wait3A_113] : memref<10240x128xf32, #tpu.memory_space<vmem_shared>> -> memref<128x128xf32, #tpu.memory_space<vmem_shared>>
      tpu.wait_dma2 semaphore(%run_scoped3A : memref<!tpu.dma_semaphore, #tpu.memory_space<semaphore_mem>>) src(%dma_wait3A_114 : memref<128x128xf32, #tpu.memory_space<vmem_shared>>) dst(%arg8 : memref<128x128xf32, #tpu.memory_space<vmem>>)
      tpu.yield
    }) : () -> ()
    %mul3A_85 = arith.constant 10240 : i32
    %mul3A_86 = arith.muli %arg0, %mul3A_85 : i32
    %add3A_87 = arith.addi %mul3A_86, %add3A_84 : i32
    "tpu.region"() ({
      %run_scoped3A = tpu.sem_alloc : memref<!tpu.dma_semaphore, #tpu.memory_space<semaphore_mem>>
      %dma_start3A = arith.constant 0 : i32
      %dma_start3A_109 = tpu.memref_slice %arg5[%add3A_87, %dma_start3A] : memref<20480x128xf32, #tpu.memory_space<hbm>> -> memref<128x128xf32, #tpu.memory_space<hbm>>
      %dma_start3A_110 = arith.constant 0 : i32
      %dma_start3A_111 = tpu.memref_slice %arg5[%add3A_87, %dma_start3A_110] : memref<20480x128xf32, #tpu.memory_space<hbm>> -> memref<128x128xf32, #tpu.memory_space<hbm>>
      tpu.enqueue_dma source(%arg8 : memref<128x128xf32, #tpu.memory_space<vmem>>) target(%dma_start3A_111 : memref<128x128xf32, #tpu.memory_space<hbm>>) target_semaphore(%run_scoped3A : memref<!tpu.dma_semaphore, #tpu.memory_space<semaphore_mem>>)
      %dma_wait3A = arith.constant 0 : i32
      %dma_wait3A_112 = tpu.memref_slice %arg5[%add3A_87, %dma_wait3A] : memref<20480x128xf32, #tpu.memory_space<hbm>> -> memref<128x128xf32, #tpu.memory_space<hbm>>
      %dma_wait3A_113 = arith.constant 0 : i32
      %dma_wait3A_114 = tpu.memref_slice %arg5[%add3A_87, %dma_wait3A_113] : memref<20480x128xf32, #tpu.memory_space<hbm>> -> memref<128x128xf32, #tpu.memory_space<hbm>>
      tpu.wait_dma2 semaphore(%run_scoped3A : memref<!tpu.dma_semaphore, #tpu.memory_space<semaphore_mem>>) src(%arg8 : memref<128x128xf32, #tpu.memory_space<vmem>>) dst(%dma_wait3A_114 : memref<128x128xf32, #tpu.memory_space<hbm>>)
      tpu.yield
    }) : () -> ()
    %mul3A_88 = arith.constant 640 : i32
    %mul3A_89 = arith.muli %arg1, %mul3A_88 : i32
    %add3A_90 = arith.constant 256 : i32
    %add3A_91 = arith.addi %mul3A_89, %add3A_90 : i32
    "tpu.region"() ({
      %run_scoped3A = tpu.sem_alloc : memref<!tpu.dma_semaphore, #tpu.memory_space<semaphore_mem>>
      %dma_start3A = arith.constant 0 : i32
      %dma_start3A_109 = tpu.memref_slice %arg12[%add3A_91, %dma_start3A] : memref<10240x128xf32, #tpu.memory_space<vmem_shared>> -> memref<128x128xf32, #tpu.memory_space<vmem_shared>>
      %dma_start3A_110 = arith.constant 0 : i32
      %dma_start3A_111 = tpu.memref_slice %arg12[%add3A_91, %dma_start3A_110] : memref<10240x128xf32, #tpu.memory_space<vmem_shared>> -> memref<128x128xf32, #tpu.memory_space<vmem_shared>>
      tpu.enqueue_dma source(%dma_start3A_111 : memref<128x128xf32, #tpu.memory_space<vmem_shared>>) target(%arg8 : memref<128x128xf32, #tpu.memory_space<vmem>>) target_semaphore(%run_scoped3A : memref<!tpu.dma_semaphore, #tpu.memory_space<semaphore_mem>>)
      %dma_wait3A = arith.constant 0 : i32
      %dma_wait3A_112 = tpu.memref_slice %arg12[%add3A_91, %dma_wait3A] : memref<10240x128xf32, #tpu.memory_space<vmem_shared>> -> memref<128x128xf32, #tpu.memory_space<vmem_shared>>
      %dma_wait3A_113 = arith.constant 0 : i32
      %dma_wait3A_114 = tpu.memref_slice %arg12[%add3A_91, %dma_wait3A_113] : memref<10240x128xf32, #tpu.memory_space<vmem_shared>> -> memref<128x128xf32, #tpu.memory_space<vmem_shared>>
      tpu.wait_dma2 semaphore(%run_scoped3A : memref<!tpu.dma_semaphore, #tpu.memory_space<semaphore_mem>>) src(%dma_wait3A_114 : memref<128x128xf32, #tpu.memory_space<vmem_shared>>) dst(%arg8 : memref<128x128xf32, #tpu.memory_space<vmem>>)
      tpu.yield
    }) : () -> ()
    %mul3A_92 = arith.constant 10240 : i32
    %mul3A_93 = arith.muli %arg0, %mul3A_92 : i32
    %add3A_94 = arith.addi %mul3A_93, %add3A_91 : i32
    "tpu.region"() ({
      %run_scoped3A = tpu.sem_alloc : memref<!tpu.dma_semaphore, #tpu.memory_space<semaphore_mem>>
      %dma_start3A = arith.constant 0 : i32
      %dma_start3A_109 = tpu.memref_slice %arg5[%add3A_94, %dma_start3A] : memref<20480x128xf32, #tpu.memory_space<hbm>> -> memref<128x128xf32, #tpu.memory_space<hbm>>
      %dma_start3A_110 = arith.constant 0 : i32
      %dma_start3A_111 = tpu.memref_slice %arg5[%add3A_94, %dma_start3A_110] : memref<20480x128xf32, #tpu.memory_space<hbm>> -> memref<128x128xf32, #tpu.memory_space<hbm>>
      tpu.enqueue_dma source(%arg8 : memref<128x128xf32, #tpu.memory_space<vmem>>) target(%dma_start3A_111 : memref<128x128xf32, #tpu.memory_space<hbm>>) target_semaphore(%run_scoped3A : memref<!tpu.dma_semaphore, #tpu.memory_space<semaphore_mem>>)
      %dma_wait3A = arith.constant 0 : i32
      %dma_wait3A_112 = tpu.memref_slice %arg5[%add3A_94, %dma_wait3A] : memref<20480x128xf32, #tpu.memory_space<hbm>> -> memref<128x128xf32, #tpu.memory_space<hbm>>
      %dma_wait3A_113 = arith.constant 0 : i32
      %dma_wait3A_114 = tpu.memref_slice %arg5[%add3A_94, %dma_wait3A_113] : memref<20480x128xf32, #tpu.memory_space<hbm>> -> memref<128x128xf32, #tpu.memory_space<hbm>>
      tpu.wait_dma2 semaphore(%run_scoped3A : memref<!tpu.dma_semaphore, #tpu.memory_space<semaphore_mem>>) src(%arg8 : memref<128x128xf32, #tpu.memory_space<vmem>>) dst(%dma_wait3A_114 : memref<128x128xf32, #tpu.memory_space<hbm>>)
      tpu.yield
    }) : () -> ()
    %mul3A_95 = arith.constant 640 : i32
    %mul3A_96 = arith.muli %arg1, %mul3A_95 : i32
    %add3A_97 = arith.constant 384 : i32
    %add3A_98 = arith.addi %mul3A_96, %add3A_97 : i32
    "tpu.region"() ({
      %run_scoped3A = tpu.sem_alloc : memref<!tpu.dma_semaphore, #tpu.memory_space<semaphore_mem>>
      %dma_start3A = arith.constant 0 : i32
      %dma_start3A_109 = tpu.memref_slice %arg12[%add3A_98, %dma_start3A] : memref<10240x128xf32, #tpu.memory_space<vmem_shared>> -> memref<128x128xf32, #tpu.memory_space<vmem_shared>>
      %dma_start3A_110 = arith.constant 0 : i32
      %dma_start3A_111 = tpu.memref_slice %arg12[%add3A_98, %dma_start3A_110] : memref<10240x128xf32, #tpu.memory_space<vmem_shared>> -> memref<128x128xf32, #tpu.memory_space<vmem_shared>>
      tpu.enqueue_dma source(%dma_start3A_111 : memref<128x128xf32, #tpu.memory_space<vmem_shared>>) target(%arg8 : memref<128x128xf32, #tpu.memory_space<vmem>>) target_semaphore(%run_scoped3A : memref<!tpu.dma_semaphore, #tpu.memory_space<semaphore_mem>>)
      %dma_wait3A = arith.constant 0 : i32
      %dma_wait3A_112 = tpu.memref_slice %arg12[%add3A_98, %dma_wait3A] : memref<10240x128xf32, #tpu.memory_space<vmem_shared>> -> memref<128x128xf32, #tpu.memory_space<vmem_shared>>
      %dma_wait3A_113 = arith.constant 0 : i32
      %dma_wait3A_114 = tpu.memref_slice %arg12[%add3A_98, %dma_wait3A_113] : memref<10240x128xf32, #tpu.memory_space<vmem_shared>> -> memref<128x128xf32, #tpu.memory_space<vmem_shared>>
      tpu.wait_dma2 semaphore(%run_scoped3A : memref<!tpu.dma_semaphore, #tpu.memory_space<semaphore_mem>>) src(%dma_wait3A_114 : memref<128x128xf32, #tpu.memory_space<vmem_shared>>) dst(%arg8 : memref<128x128xf32, #tpu.memory_space<vmem>>)
      tpu.yield
    }) : () -> ()
    %mul3A_99 = arith.constant 10240 : i32
    %mul3A_100 = arith.muli %arg0, %mul3A_99 : i32
    %add3A_101 = arith.addi %mul3A_100, %add3A_98 : i32
    "tpu.region"() ({
      %run_scoped3A = tpu.sem_alloc : memref<!tpu.dma_semaphore, #tpu.memory_space<semaphore_mem>>
      %dma_start3A = arith.constant 0 : i32
      %dma_start3A_109 = tpu.memref_slice %arg5[%add3A_101, %dma_start3A] : memref<20480x128xf32, #tpu.memory_space<hbm>> -> memref<128x128xf32, #tpu.memory_space<hbm>>
      %dma_start3A_110 = arith.constant 0 : i32
      %dma_start3A_111 = tpu.memref_slice %arg5[%add3A_101, %dma_start3A_110] : memref<20480x128xf32, #tpu.memory_space<hbm>> -> memref<128x128xf32, #tpu.memory_space<hbm>>
      tpu.enqueue_dma source(%arg8 : memref<128x128xf32, #tpu.memory_space<vmem>>) target(%dma_start3A_111 : memref<128x128xf32, #tpu.memory_space<hbm>>) target_semaphore(%run_scoped3A : memref<!tpu.dma_semaphore, #tpu.memory_space<semaphore_mem>>)
      %dma_wait3A = arith.constant 0 : i32
      %dma_wait3A_112 = tpu.memref_slice %arg5[%add3A_101, %dma_wait3A] : memref<20480x128xf32, #tpu.memory_space<hbm>> -> memref<128x128xf32, #tpu.memory_space<hbm>>
      %dma_wait3A_113 = arith.constant 0 : i32
      %dma_wait3A_114 = tpu.memref_slice %arg5[%add3A_101, %dma_wait3A_113] : memref<20480x128xf32, #tpu.memory_space<hbm>> -> memref<128x128xf32, #tpu.memory_space<hbm>>
      tpu.wait_dma2 semaphore(%run_scoped3A : memref<!tpu.dma_semaphore, #tpu.memory_space<semaphore_mem>>) src(%arg8 : memref<128x128xf32, #tpu.memory_space<vmem>>) dst(%dma_wait3A_114 : memref<128x128xf32, #tpu.memory_space<hbm>>)
      tpu.yield
    }) : () -> ()
    %mul3A_102 = arith.constant 640 : i32
    %mul3A_103 = arith.muli %arg1, %mul3A_102 : i32
    %add3A_104 = arith.constant 512 : i32
    %add3A_105 = arith.addi %mul3A_103, %add3A_104 : i32
    "tpu.region"() ({
      %run_scoped3A = tpu.sem_alloc : memref<!tpu.dma_semaphore, #tpu.memory_space<semaphore_mem>>
      %dma_start3A = arith.constant 0 : i32
      %dma_start3A_109 = tpu.memref_slice %arg12[%add3A_105, %dma_start3A] : memref<10240x128xf32, #tpu.memory_space<vmem_shared>> -> memref<128x128xf32, #tpu.memory_space<vmem_shared>>
      %dma_start3A_110 = arith.constant 0 : i32
      %dma_start3A_111 = tpu.memref_slice %arg12[%add3A_105, %dma_start3A_110] : memref<10240x128xf32, #tpu.memory_space<vmem_shared>> -> memref<128x128xf32, #tpu.memory_space<vmem_shared>>
      tpu.enqueue_dma source(%dma_start3A_111 : memref<128x128xf32, #tpu.memory_space<vmem_shared>>) target(%arg8 : memref<128x128xf32, #tpu.memory_space<vmem>>) target_semaphore(%run_scoped3A : memref<!tpu.dma_semaphore, #tpu.memory_space<semaphore_mem>>)
      %dma_wait3A = arith.constant 0 : i32
      %dma_wait3A_112 = tpu.memref_slice %arg12[%add3A_105, %dma_wait3A] : memref<10240x128xf32, #tpu.memory_space<vmem_shared>> -> memref<128x128xf32, #tpu.memory_space<vmem_shared>>
      %dma_wait3A_113 = arith.constant 0 : i32
      %dma_wait3A_114 = tpu.memref_slice %arg12[%add3A_105, %dma_wait3A_113] : memref<10240x128xf32, #tpu.memory_space<vmem_shared>> -> memref<128x128xf32, #tpu.memory_space<vmem_shared>>
      tpu.wait_dma2 semaphore(%run_scoped3A : memref<!tpu.dma_semaphore, #tpu.memory_space<semaphore_mem>>) src(%dma_wait3A_114 : memref<128x128xf32, #tpu.memory_space<vmem_shared>>) dst(%arg8 : memref<128x128xf32, #tpu.memory_space<vmem>>)
      tpu.yield
    }) : () -> ()
    %mul3A_106 = arith.constant 10240 : i32
    %mul3A_107 = arith.muli %arg0, %mul3A_106 : i32
    %add3A_108 = arith.addi %mul3A_107, %add3A_105 : i32
    "tpu.region"() ({
      %run_scoped3A = tpu.sem_alloc : memref<!tpu.dma_semaphore, #tpu.memory_space<semaphore_mem>>
      %dma_start3A = arith.constant 0 : i32
      %dma_start3A_109 = tpu.memref_slice %arg5[%add3A_108, %dma_start3A] : memref<20480x128xf32, #tpu.memory_space<hbm>> -> memref<128x128xf32, #tpu.memory_space<hbm>>
      %dma_start3A_110 = arith.constant 0 : i32
      %dma_start3A_111 = tpu.memref_slice %arg5[%add3A_108, %dma_start3A_110] : memref<20480x128xf32, #tpu.memory_space<hbm>> -> memref<128x128xf32, #tpu.memory_space<hbm>>
      tpu.enqueue_dma source(%arg8 : memref<128x128xf32, #tpu.memory_space<vmem>>) target(%dma_start3A_111 : memref<128x128xf32, #tpu.memory_space<hbm>>) target_semaphore(%run_scoped3A : memref<!tpu.dma_semaphore, #tpu.memory_space<semaphore_mem>>)
      %dma_wait3A = arith.constant 0 : i32
      %dma_wait3A_112 = tpu.memref_slice %arg5[%add3A_108, %dma_wait3A] : memref<20480x128xf32, #tpu.memory_space<hbm>> -> memref<128x128xf32, #tpu.memory_space<hbm>>
      %dma_wait3A_113 = arith.constant 0 : i32
      %dma_wait3A_114 = tpu.memref_slice %arg5[%add3A_108, %dma_wait3A_113] : memref<20480x128xf32, #tpu.memory_space<hbm>> -> memref<128x128xf32, #tpu.memory_space<hbm>>
      tpu.wait_dma2 semaphore(%run_scoped3A : memref<!tpu.dma_semaphore, #tpu.memory_space<semaphore_mem>>) src(%arg8 : memref<128x128xf32, #tpu.memory_space<vmem>>) dst(%dma_wait3A_114 : memref<128x128xf32, #tpu.memory_space<hbm>>)
      tpu.yield
    }) : () -> ()
    return
  }
}

#map = affine_map<(d0, d1) -> (0)>
module attributes {stable_mosaic.version = 14 : i64} {
  func.func @_deg_body(%arg0: i32, %arg1: i32, %arg2: memref<320000xi32, #tpu.memory_space<hbm>>, %arg3: memref<20480xf32, #tpu.memory_space<hbm>>, %arg4: memref<128xi32, #tpu.memory_space<vmem>>, %arg5: memref<128xf32, #tpu.memory_space<vmem>>, %arg6: memref<640xf32, #tpu.memory_space<vmem>>, %arg7: memref<10240xf32, #tpu.memory_space<vmem_shared>>, %arg8: memref<!tpu.dma_semaphore, #tpu.memory_space<semaphore_mem>>) attributes {dimension_semantics = [#tpu.dimension_semantics<core_parallel>, #tpu.dimension_semantics<subcore_parallel>], iteration_bounds = array<i64: 2, 16>, scalar_prefetch = 0 : i64, scratch_operands = 5 : i64, tpu.core_type = #tpu.core_type<sc_vector_subcore>, window_params = [{transform_indices = #map}, {transform_indices = #map}]} {
    %mul3A = arith.constant 2 : i32
    %mul3A_0 = arith.muli %arg1, %mul3A : i32
    %add3A = arith.addi %mul3A_0, %arg0 : i32
    %broadcast_in_dim3A = arith.constant 1.000000e+00 : f32
    %broadcast_in_dim3A_1 = vector.broadcast %broadcast_in_dim3A : f32 to vector<16xf32>
    %swap3A = arith.constant 0 : index
    %swap3A_2 = tpu.vector_load %arg5[%swap3A] {strides = array<i32>} : memref<128xf32, #tpu.memory_space<vmem>>, vector<16xf32>,
    %swap3A_3 = vector.shape_cast %swap3A_2 : vector<16xf32> to vector<16xf32>
    %swap3A_4 = vector.shape_cast %broadcast_in_dim3A_1 : vector<16xf32> to vector<16xf32>
    tpu.vector_store %arg5[%swap3A], %swap3A_4 {strides = array<i32>} : memref<128xf32, #tpu.memory_space<vmem>>, vector<16xf32>,
    %broadcast_in_dim3A_5 = arith.constant 1.000000e+00 : f32
    %broadcast_in_dim3A_6 = vector.broadcast %broadcast_in_dim3A_5 : f32 to vector<16xf32>
    %swap3A_7 = arith.constant 16 : index
    %swap3A_8 = tpu.vector_load %arg5[%swap3A_7] {strides = array<i32>} : memref<128xf32, #tpu.memory_space<vmem>>, vector<16xf32>,
    %swap3A_9 = vector.shape_cast %swap3A_8 : vector<16xf32> to vector<16xf32>
    %swap3A_10 = vector.shape_cast %broadcast_in_dim3A_6 : vector<16xf32> to vector<16xf32>
    tpu.vector_store %arg5[%swap3A_7], %swap3A_10 {strides = array<i32>} : memref<128xf32, #tpu.memory_space<vmem>>, vector<16xf32>,
    %broadcast_in_dim3A_11 = arith.constant 1.000000e+00 : f32
    %broadcast_in_dim3A_12 = vector.broadcast %broadcast_in_dim3A_11 : f32 to vector<16xf32>
    %swap3A_13 = arith.constant 32 : index
    %swap3A_14 = tpu.vector_load %arg5[%swap3A_13] {strides = array<i32>} : memref<128xf32, #tpu.memory_space<vmem>>, vector<16xf32>,
    %swap3A_15 = vector.shape_cast %swap3A_14 : vector<16xf32> to vector<16xf32>
    %swap3A_16 = vector.shape_cast %broadcast_in_dim3A_12 : vector<16xf32> to vector<16xf32>
    tpu.vector_store %arg5[%swap3A_13], %swap3A_16 {strides = array<i32>} : memref<128xf32, #tpu.memory_space<vmem>>, vector<16xf32>,
    %broadcast_in_dim3A_17 = arith.constant 1.000000e+00 : f32
    %broadcast_in_dim3A_18 = vector.broadcast %broadcast_in_dim3A_17 : f32 to vector<16xf32>
    %swap3A_19 = arith.constant 48 : index
    %swap3A_20 = tpu.vector_load %arg5[%swap3A_19] {strides = array<i32>} : memref<128xf32, #tpu.memory_space<vmem>>, vector<16xf32>,
    %swap3A_21 = vector.shape_cast %swap3A_20 : vector<16xf32> to vector<16xf32>
    %swap3A_22 = vector.shape_cast %broadcast_in_dim3A_18 : vector<16xf32> to vector<16xf32>
    tpu.vector_store %arg5[%swap3A_19], %swap3A_22 {strides = array<i32>} : memref<128xf32, #tpu.memory_space<vmem>>, vector<16xf32>,
    %broadcast_in_dim3A_23 = arith.constant 1.000000e+00 : f32
    %broadcast_in_dim3A_24 = vector.broadcast %broadcast_in_dim3A_23 : f32 to vector<16xf32>
    %swap3A_25 = arith.constant 64 : index
    %swap3A_26 = tpu.vector_load %arg5[%swap3A_25] {strides = array<i32>} : memref<128xf32, #tpu.memory_space<vmem>>, vector<16xf32>,
    %swap3A_27 = vector.shape_cast %swap3A_26 : vector<16xf32> to vector<16xf32>
    %swap3A_28 = vector.shape_cast %broadcast_in_dim3A_24 : vector<16xf32> to vector<16xf32>
    tpu.vector_store %arg5[%swap3A_25], %swap3A_28 {strides = array<i32>} : memref<128xf32, #tpu.memory_space<vmem>>, vector<16xf32>,
    %broadcast_in_dim3A_29 = arith.constant 1.000000e+00 : f32
    %broadcast_in_dim3A_30 = vector.broadcast %broadcast_in_dim3A_29 : f32 to vector<16xf32>
    %swap3A_31 = arith.constant 80 : index
    %swap3A_32 = tpu.vector_load %arg5[%swap3A_31] {strides = array<i32>} : memref<128xf32, #tpu.memory_space<vmem>>, vector<16xf32>,
    %swap3A_33 = vector.shape_cast %swap3A_32 : vector<16xf32> to vector<16xf32>
    %swap3A_34 = vector.shape_cast %broadcast_in_dim3A_30 : vector<16xf32> to vector<16xf32>
    tpu.vector_store %arg5[%swap3A_31], %swap3A_34 {strides = array<i32>} : memref<128xf32, #tpu.memory_space<vmem>>, vector<16xf32>,
    %broadcast_in_dim3A_35 = arith.constant 1.000000e+00 : f32
    %broadcast_in_dim3A_36 = vector.broadcast %broadcast_in_dim3A_35 : f32 to vector<16xf32>
    %swap3A_37 = arith.constant 96 : index
    %swap3A_38 = tpu.vector_load %arg5[%swap3A_37] {strides = array<i32>} : memref<128xf32, #tpu.memory_space<vmem>>, vector<16xf32>,
    %swap3A_39 = vector.shape_cast %swap3A_38 : vector<16xf32> to vector<16xf32>
    %swap3A_40 = vector.shape_cast %broadcast_in_dim3A_36 : vector<16xf32> to vector<16xf32>
    tpu.vector_store %arg5[%swap3A_37], %swap3A_40 {strides = array<i32>} : memref<128xf32, #tpu.memory_space<vmem>>, vector<16xf32>,
    %broadcast_in_dim3A_41 = arith.constant 1.000000e+00 : f32
    %broadcast_in_dim3A_42 = vector.broadcast %broadcast_in_dim3A_41 : f32 to vector<16xf32>
    %swap3A_43 = arith.constant 112 : index
    %swap3A_44 = tpu.vector_load %arg5[%swap3A_43] {strides = array<i32>} : memref<128xf32, #tpu.memory_space<vmem>>, vector<16xf32>,
    %swap3A_45 = vector.shape_cast %swap3A_44 : vector<16xf32> to vector<16xf32>
    %swap3A_46 = vector.shape_cast %broadcast_in_dim3A_42 : vector<16xf32> to vector<16xf32>
    tpu.vector_store %arg5[%swap3A_43], %swap3A_46 {strides = array<i32>} : memref<128xf32, #tpu.memory_space<vmem>>, vector<16xf32>,
    %scan3A = arith.constant 0 : i32
    %scan3A_47 = arith.constant 0 : i32
    %scan3A_48 = arith.constant 40 : i32
    %scan3A_49 = arith.addi %scan3A_47, %scan3A_48 : i32
    %scan3A_50 = arith.constant 1 : i32
    %scan3A_51 = scf.for %scan3A_82 = %scan3A_47 to %scan3A_49 step %scan3A_50 iter_args(%scan3A_83 = %scan3A) -> (i32)  : i32 {
      %broadcast_in_dim3A_84 = arith.constant 0.000000e+00 : f32
      %broadcast_in_dim3A_85 = vector.broadcast %broadcast_in_dim3A_84 : f32 to vector<16xf32>
      %mul3A_86 = arith.constant 16 : i32
      %mul3A_87 = arith.muli %scan3A_82, %mul3A_86 : i32
      %swap3A_88 = arith.index_cast %mul3A_87 : i32 to index
      %swap3A_89 = tpu.vector_load %arg6[%swap3A_88] {strides = array<i32>} : memref<640xf32, #tpu.memory_space<vmem>>, vector<16xf32>,
      %swap3A_90 = vector.shape_cast %swap3A_89 : vector<16xf32> to vector<16xf32>
      %swap3A_91 = vector.shape_cast %broadcast_in_dim3A_85 : vector<16xf32> to vector<16xf32>
      tpu.vector_store %arg6[%swap3A_88], %swap3A_91 {strides = array<i32>} : memref<640xf32, #tpu.memory_space<vmem>>, vector<16xf32>,
      %scan3A_92 = arith.constant 0 : i32
      scf.yield %scan3A_92 : i32
    }
    %scan3A_52 = arith.constant 40 : i32
    %mul3A_53 = arith.constant 640 : i32
    %mul3A_54 = arith.muli %arg1, %mul3A_53 : i32
    "tpu.region"() ({
      %run_scoped3A = tpu.sem_alloc : memref<!tpu.dma_semaphore, #tpu.memory_space<semaphore_mem>>
      %dma_start3A = tpu.memref_slice %arg7[%mul3A_54] : memref<10240xf32, #tpu.memory_space<vmem_shared>> -> memref<640xf32, #tpu.memory_space<vmem_shared>>
      %dma_start3A_82 = tpu.memref_slice %arg7[%mul3A_54] : memref<10240xf32, #tpu.memory_space<vmem_shared>> -> memref<640xf32, #tpu.memory_space<vmem_shared>>
      tpu.enqueue_dma source(%arg6 : memref<640xf32, #tpu.memory_space<vmem>>) target(%dma_start3A_82 : memref<640xf32, #tpu.memory_space<vmem_shared>>) target_semaphore(%run_scoped3A : memref<!tpu.dma_semaphore, #tpu.memory_space<semaphore_mem>>)
      %dma_wait3A = tpu.memref_slice %arg7[%mul3A_54] : memref<10240xf32, #tpu.memory_space<vmem_shared>> -> memref<640xf32, #tpu.memory_space<vmem_shared>>
      %dma_wait3A_83 = tpu.memref_slice %arg7[%mul3A_54] : memref<10240xf32, #tpu.memory_space<vmem_shared>> -> memref<640xf32, #tpu.memory_space<vmem_shared>>
      tpu.wait_dma2 semaphore(%run_scoped3A : memref<!tpu.dma_semaphore, #tpu.memory_space<semaphore_mem>>) src(%arg6 : memref<640xf32, #tpu.memory_space<vmem>>) dst(%dma_wait3A_83 : memref<640xf32, #tpu.memory_space<vmem_shared>>)
      tpu.yield
    }) : () -> ()
    %barrier3A = arith.constant 0 : index
    tpu.barrier barrier_id(%barrier3A)
    %mul3A_55 = arith.constant 78 : i32
    %mul3A_56 = arith.muli %add3A, %mul3A_55 : i32
    %min3A = arith.constant 4 : i32
    %min3A_57 = arith.minsi %add3A, %min3A : i32
    %add3A_58 = arith.addi %mul3A_56, %min3A_57 : i32
    %lt3A = arith.constant 4 : i32
    %lt3A_59 = arith.cmpi slt, %add3A, %lt3A : i32
    %jit3A = arith.constant 1 : i32
    %jit3A_60 = arith.constant 0 : i32
    %select_n3A = arith.select %lt3A_59, %jit3A, %jit3A_60 : i32
    %add3A_61 = arith.constant 78 : i32
    %add3A_62 = arith.addi %add3A_61, %select_n3A : i32
    %while3A = arith.constant 0 : i32
    %while3A_63 = arith.constant 0 : i32
    %while3A_64 = arith.subi %add3A_62, %while3A : i32
    %while3A_65 = arith.addi %while3A, %while3A_64 : i32
    %while3A_66 = arith.constant 1 : i32
    %while3A_67 = arith.divsi %while3A_64, %while3A_66 : i32
    %while3A_68 = arith.muli %while3A_67, %while3A_66 : i32
    %while3A_69 = arith.addi %while3A, %while3A_68 : i32
    %while3A_70 = arith.constant 1 : i32
    %while3A_71 = scf.for %while3A_82 = %while3A to %while3A_69 step %while3A_70 iter_args(%while3A_83 = %while3A_63) -> (i32)  : i32 {
      %add3A_84 = arith.addi %add3A_58, %while3A_82 : i32
      %mul3A_85 = arith.constant 128 : i32
      %mul3A_86 = arith.muli %add3A_84, %mul3A_85 : i32
      "tpu.region"() ({
        %run_scoped3A = tpu.sem_alloc : memref<!tpu.dma_semaphore, #tpu.memory_space<semaphore_mem>>
        %dma_start3A = tpu.memref_slice %arg2[%mul3A_86] : memref<320000xi32, #tpu.memory_space<hbm>> -> memref<128xi32, #tpu.memory_space<hbm>>
        %dma_start3A_88 = tpu.memref_slice %arg2[%mul3A_86] : memref<320000xi32, #tpu.memory_space<hbm>> -> memref<128xi32, #tpu.memory_space<hbm>>
        tpu.enqueue_dma source(%dma_start3A_88 : memref<128xi32, #tpu.memory_space<hbm>>) target(%arg4 : memref<128xi32, #tpu.memory_space<vmem>>) target_semaphore(%run_scoped3A : memref<!tpu.dma_semaphore, #tpu.memory_space<semaphore_mem>>)
        %dma_wait3A = tpu.memref_slice %arg2[%mul3A_86] : memref<320000xi32, #tpu.memory_space<hbm>> -> memref<128xi32, #tpu.memory_space<hbm>>
        %dma_wait3A_89 = tpu.memref_slice %arg2[%mul3A_86] : memref<320000xi32, #tpu.memory_space<hbm>> -> memref<128xi32, #tpu.memory_space<hbm>>
        tpu.wait_dma2 semaphore(%run_scoped3A : memref<!tpu.dma_semaphore, #tpu.memory_space<semaphore_mem>>) src(%dma_wait3A_89 : memref<128xi32, #tpu.memory_space<hbm>>) dst(%arg4 : memref<128xi32, #tpu.memory_space<vmem>>)
        tpu.yield
      }) : () -> ()
      "tpu.region"() ({
        %run_scoped3A = tpu.sem_alloc : memref<!tpu.dma_semaphore, #tpu.memory_space<semaphore_mem>>
        %dma_start3A = arith.constant 0 : i32
        %dma_start3A_88 = tpu.memref_slice %arg7[%dma_start3A] : memref<10240xf32, #tpu.memory_space<vmem_shared>> -> memref<10240xf32, #tpu.memory_space<vmem_shared>>
        tpu.enqueue_indirect_dma source(%arg5 : memref<128xf32, #tpu.memory_space<vmem>>) target(%dma_start3A_88 : memref<10240xf32, #tpu.memory_space<vmem_shared>>) offsets(%arg4 : memref<128xi32, #tpu.memory_space<vmem>>) semaphore(%run_scoped3A : memref<!tpu.dma_semaphore, #tpu.memory_space<semaphore_mem>>) {add = true}
        %dma_wait3A = arith.constant 0 : i32
        %dma_wait3A_89 = tpu.memref_slice %arg7[%dma_wait3A] : memref<10240xf32, #tpu.memory_space<vmem_shared>> -> memref<10240xf32, #tpu.memory_space<vmem_shared>>
        tpu.wait_indirect_dma semaphore(%run_scoped3A : memref<!tpu.dma_semaphore, #tpu.memory_space<semaphore_mem>>) src(%arg5 : memref<128xf32, #tpu.memory_space<vmem>>) dst(%dma_wait3A_89 : memref<10240xf32, #tpu.memory_space<vmem_shared>>)
        tpu.yield
      }) : () -> ()
      %while3A_87 = arith.constant 0 : i32
      scf.yield %while3A_87 : i32
    }
    %while3A_72 = arith.constant 1 : i32
    %while3A_73 = scf.for %while3A_82 = %while3A_69 to %while3A_65 step %while3A_72 iter_args(%while3A_83 = %while3A_71) -> (i32)  : i32 {
      %add3A_84 = arith.addi %add3A_58, %while3A_82 : i32
      %mul3A_85 = arith.constant 128 : i32
      %mul3A_86 = arith.muli %add3A_84, %mul3A_85 : i32
      "tpu.region"() ({
        %run_scoped3A = tpu.sem_alloc : memref<!tpu.dma_semaphore, #tpu.memory_space<semaphore_mem>>
        %dma_start3A = tpu.memref_slice %arg2[%mul3A_86] : memref<320000xi32, #tpu.memory_space<hbm>> -> memref<128xi32, #tpu.memory_space<hbm>>
        %dma_start3A_88 = tpu.memref_slice %arg2[%mul3A_86] : memref<320000xi32, #tpu.memory_space<hbm>> -> memref<128xi32, #tpu.memory_space<hbm>>
        tpu.enqueue_dma source(%dma_start3A_88 : memref<128xi32, #tpu.memory_space<hbm>>) target(%arg4 : memref<128xi32, #tpu.memory_space<vmem>>) target_semaphore(%run_scoped3A : memref<!tpu.dma_semaphore, #tpu.memory_space<semaphore_mem>>)
        %dma_wait3A = tpu.memref_slice %arg2[%mul3A_86] : memref<320000xi32, #tpu.memory_space<hbm>> -> memref<128xi32, #tpu.memory_space<hbm>>
        %dma_wait3A_89 = tpu.memref_slice %arg2[%mul3A_86] : memref<320000xi32, #tpu.memory_space<hbm>> -> memref<128xi32, #tpu.memory_space<hbm>>
        tpu.wait_dma2 semaphore(%run_scoped3A : memref<!tpu.dma_semaphore, #tpu.memory_space<semaphore_mem>>) src(%dma_wait3A_89 : memref<128xi32, #tpu.memory_space<hbm>>) dst(%arg4 : memref<128xi32, #tpu.memory_space<vmem>>)
        tpu.yield
      }) : () -> ()
      "tpu.region"() ({
        %run_scoped3A = tpu.sem_alloc : memref<!tpu.dma_semaphore, #tpu.memory_space<semaphore_mem>>
        %dma_start3A = arith.constant 0 : i32
        %dma_start3A_88 = tpu.memref_slice %arg7[%dma_start3A] : memref<10240xf32, #tpu.memory_space<vmem_shared>> -> memref<10240xf32, #tpu.memory_space<vmem_shared>>
        tpu.enqueue_indirect_dma source(%arg5 : memref<128xf32, #tpu.memory_space<vmem>>) target(%dma_start3A_88 : memref<10240xf32, #tpu.memory_space<vmem_shared>>) offsets(%arg4 : memref<128xi32, #tpu.memory_space<vmem>>) semaphore(%run_scoped3A : memref<!tpu.dma_semaphore, #tpu.memory_space<semaphore_mem>>) {add = true}
        %dma_wait3A = arith.constant 0 : i32
        %dma_wait3A_89 = tpu.memref_slice %arg7[%dma_wait3A] : memref<10240xf32, #tpu.memory_space<vmem_shared>> -> memref<10240xf32, #tpu.memory_space<vmem_shared>>
        tpu.wait_indirect_dma semaphore(%run_scoped3A : memref<!tpu.dma_semaphore, #tpu.memory_space<semaphore_mem>>) src(%arg5 : memref<128xf32, #tpu.memory_space<vmem>>) dst(%dma_wait3A_89 : memref<10240xf32, #tpu.memory_space<vmem_shared>>)
        tpu.yield
      }) : () -> ()
      %while3A_87 = arith.constant 0 : i32
      scf.yield %while3A_87 : i32
    }
    %barrier3A_74 = arith.constant 0 : index
    tpu.barrier barrier_id(%barrier3A_74)
    %mul3A_75 = arith.constant 640 : i32
    %mul3A_76 = arith.muli %arg1, %mul3A_75 : i32
    "tpu.region"() ({
      %run_scoped3A = tpu.sem_alloc : memref<!tpu.dma_semaphore, #tpu.memory_space<semaphore_mem>>
      %dma_start3A = tpu.memref_slice %arg7[%mul3A_76] : memref<10240xf32, #tpu.memory_space<vmem_shared>> -> memref<640xf32, #tpu.memory_space<vmem_shared>>
      %dma_start3A_82 = tpu.memref_slice %arg7[%mul3A_76] : memref<10240xf32, #tpu.memory_space<vmem_shared>> -> memref<640xf32, #tpu.memory_space<vmem_shared>>
      tpu.enqueue_dma source(%dma_start3A_82 : memref<640xf32, #tpu.memory_space<vmem_shared>>) target(%arg6 : memref<640xf32, #tpu.memory_space<vmem>>) target_semaphore(%run_scoped3A : memref<!tpu.dma_semaphore, #tpu.memory_space<semaphore_mem>>)
      %dma_wait3A = tpu.memref_slice %arg7[%mul3A_76] : memref<10240xf32, #tpu.memory_space<vmem_shared>> -> memref<640xf32, #tpu.memory_space<vmem_shared>>
      %dma_wait3A_83 = tpu.memref_slice %arg7[%mul3A_76] : memref<10240xf32, #tpu.memory_space<vmem_shared>> -> memref<640xf32, #tpu.memory_space<vmem_shared>>
      tpu.wait_dma2 semaphore(%run_scoped3A : memref<!tpu.dma_semaphore, #tpu.memory_space<semaphore_mem>>) src(%dma_wait3A_83 : memref<640xf32, #tpu.memory_space<vmem_shared>>) dst(%arg6 : memref<640xf32, #tpu.memory_space<vmem>>)
      tpu.yield
    }) : () -> ()
    %mul3A_77 = arith.constant 10240 : i32
    %mul3A_78 = arith.muli %arg0, %mul3A_77 : i32
    %mul3A_79 = arith.constant 640 : i32
    %mul3A_80 = arith.muli %arg1, %mul3A_79 : i32
    %add3A_81 = arith.addi %mul3A_78, %mul3A_80 : i32
    "tpu.region"() ({
      %run_scoped3A = tpu.sem_alloc : memref<!tpu.dma_semaphore, #tpu.memory_space<semaphore_mem>>
      %dma_start3A = tpu.memref_slice %arg3[%add3A_81] : memref<20480xf32, #tpu.memory_space<hbm>> -> memref<640xf32, #tpu.memory_space<hbm>>
      %dma_start3A_82 = tpu.memref_slice %arg3[%add3A_81] : memref<20480xf32, #tpu.memory_space<hbm>> -> memref<640xf32, #tpu.memory_space<hbm>>
      tpu.enqueue_dma source(%arg6 : memref<640xf32, #tpu.memory_space<vmem>>) target(%dma_start3A_82 : memref<640xf32, #tpu.memory_space<hbm>>) target_semaphore(%run_scoped3A : memref<!tpu.dma_semaphore, #tpu.memory_space<semaphore_mem>>)
      %dma_wait3A = tpu.memref_slice %arg3[%add3A_81] : memref<20480xf32, #tpu.memory_space<hbm>> -> memref<640xf32, #tpu.memory_space<hbm>>
      %dma_wait3A_83 = tpu.memref_slice %arg3[%add3A_81] : memref<20480xf32, #tpu.memory_space<hbm>> -> memref<640xf32, #tpu.memory_space<hbm>>
      tpu.wait_dma2 semaphore(%run_scoped3A : memref<!tpu.dma_semaphore, #tpu.memory_space<semaphore_mem>>) src(%arg6 : memref<640xf32, #tpu.memory_space<vmem>>) dst(%dma_wait3A_83 : memref<640xf32, #tpu.memory_space<hbm>>)
      tpu.yield
    }) : () -> ()
    return
  }
}

#map = affine_map<(d0, d1) -> (0)>
#map1 = affine_map<(d0, d1) -> (0, 0)>
module attributes {stable_mosaic.version = 14 : i64} {
  func.func @_agg_body(%arg0: i32, %arg1: i32, %arg2: memref<320000xi32, #tpu.memory_space<hbm>>, %arg3: memref<320000xi32, #tpu.memory_space<hbm>>, %arg4: memref<10240x128xf32, #tpu.memory_space<hbm>>, %arg5: memref<20480x128xf32, #tpu.memory_space<hbm>>, %arg6: memref<128xi32, #tpu.memory_space<vmem>>, %arg7: memref<128xi32, #tpu.memory_space<vmem>>, %arg8: memref<128x128xf32, #tpu.memory_space<vmem>>, %arg9: memref<128xi32, #tpu.memory_space<vmem>>, %arg10: memref<128xi32, #tpu.memory_space<vmem>>, %arg11: memref<128x128xf32, #tpu.memory_space<vmem>>, %arg12: memref<10240x128xf32, #tpu.memory_space<vmem_shared>>, %arg13: memref<!tpu.dma_semaphore, #tpu.memory_space<semaphore_mem>>, %arg14: memref<!tpu.dma_semaphore, #tpu.memory_space<semaphore_mem>>) attributes {dimension_semantics = [#tpu.dimension_semantics<core_parallel>, #tpu.dimension_semantics<subcore_parallel>], iteration_bounds = array<i64: 2, 16>, scalar_prefetch = 0 : i64, scratch_operands = 9 : i64, tpu.core_type = #tpu.core_type<sc_vector_subcore>, window_params = [{transform_indices = #map}, {transform_indices = #map}, {transform_indices = #map1}, {transform_indices = #map1}]} {
    %mul3A = arith.constant 2 : i32
    %mul3A_0 = arith.muli %arg1, %mul3A : i32
    %add3A = arith.addi %mul3A_0, %arg0 : i32
    %scan3A = arith.constant 0 : i32
    %scan3A_1 = arith.constant 0 : i32
    %scan3A_2 = arith.constant 128 : i32
    %scan3A_3 = arith.addi %scan3A_1, %scan3A_2 : i32
    %scan3A_4 = arith.constant 1 : i32
    %scan3A_5 = scf.for %scan3A_109 = %scan3A_1 to %scan3A_3 step %scan3A_4 iter_args(%scan3A_110 = %scan3A) -> (i32)  : i32 {
      %broadcast_in_dim3A = arith.constant 0.000000e+00 : f32
      %broadcast_in_dim3A_111 = vector.broadcast %broadcast_in_dim3A : f32 to vector<16xf32>
      %swap3A = arith.index_cast %scan3A_109 : i32 to index
      %swap3A_112 = arith.constant 0 : index
      %swap3A_113 = tpu.vector_load %arg8[%swap3A, %swap3A_112] {strides = array<i32>} : memref<128x128xf32, #tpu.memory_space<vmem>>, vector<1x16xf32>,
      %swap3A_114 = vector.shape_cast %swap3A_113 : vector<1x16xf32> to vector<16xf32>
      %swap3A_115 = vector.shape_cast %broadcast_in_dim3A_111 : vector<16xf32> to vector<1x16xf32>
      tpu.vector_store %arg8[%swap3A, %swap3A_112], %swap3A_115 {strides = array<i32>} : memref<128x128xf32, #tpu.memory_space<vmem>>, vector<1x16xf32>,
      %broadcast_in_dim3A_116 = arith.constant 0.000000e+00 : f32
      %broadcast_in_dim3A_117 = vector.broadcast %broadcast_in_dim3A_116 : f32 to vector<16xf32>
      %swap3A_118 = arith.index_cast %scan3A_109 : i32 to index
      %swap3A_119 = arith.constant 16 : index
      %swap3A_120 = tpu.vector_load %arg8[%swap3A_118, %swap3A_119] {strides = array<i32>} : memref<128x128xf32, #tpu.memory_space<vmem>>, vector<1x16xf32>,
      %swap3A_121 = vector.shape_cast %swap3A_120 : vector<1x16xf32> to vector<16xf32>
      %swap3A_122 = vector.shape_cast %broadcast_in_dim3A_117 : vector<16xf32> to vector<1x16xf32>
      tpu.vector_store %arg8[%swap3A_118, %swap3A_119], %swap3A_122 {strides = array<i32>} : memref<128x128xf32, #tpu.memory_space<vmem>>, vector<1x16xf32>,
      %broadcast_in_dim3A_123 = arith.constant 0.000000e+00 : f32
      %broadcast_in_dim3A_124 = vector.broadcast %broadcast_in_dim3A_123 : f32 to vector<16xf32>
      %swap3A_125 = arith.index_cast %scan3A_109 : i32 to index
      %swap3A_126 = arith.constant 32 : index
      %swap3A_127 = tpu.vector_load %arg8[%swap3A_125, %swap3A_126] {strides = array<i32>} : memref<128x128xf32, #tpu.memory_space<vmem>>, vector<1x16xf32>,
      %swap3A_128 = vector.shape_cast %swap3A_127 : vector<1x16xf32> to vector<16xf32>
      %swap3A_129 = vector.shape_cast %broadcast_in_dim3A_124 : vector<16xf32> to vector<1x16xf32>
      tpu.vector_store %arg8[%swap3A_125, %swap3A_126], %swap3A_129 {strides = array<i32>} : memref<128x128xf32, #tpu.memory_space<vmem>>, vector<1x16xf32>,
      %broadcast_in_dim3A_130 = arith.constant 0.000000e+00 : f32
      %broadcast_in_dim3A_131 = vector.broadcast %broadcast_in_dim3A_130 : f32 to vector<16xf32>
      %swap3A_132 = arith.index_cast %scan3A_109 : i32 to index
      %swap3A_133 = arith.constant 48 : index
      %swap3A_134 = tpu.vector_load %arg8[%swap3A_132, %swap3A_133] {strides = array<i32>} : memref<128x128xf32, #tpu.memory_space<vmem>>, vector<1x16xf32>,
      %swap3A_135 = vector.shape_cast %swap3A_134 : vector<1x16xf32> to vector<16xf32>
      %swap3A_136 = vector.shape_cast %broadcast_in_dim3A_131 : vector<16xf32> to vector<1x16xf32>
      tpu.vector_store %arg8[%swap3A_132, %swap3A_133], %swap3A_136 {strides = array<i32>} : memref<128x128xf32, #tpu.memory_space<vmem>>, vector<1x16xf32>,
      %broadcast_in_dim3A_137 = arith.constant 0.000000e+00 : f32
      %broadcast_in_dim3A_138 = vector.broadcast %broadcast_in_dim3A_137 : f32 to vector<16xf32>
      %swap3A_139 = arith.index_cast %scan3A_109 : i32 to index
      %swap3A_140 = arith.constant 64 : index
      %swap3A_141 = tpu.vector_load %arg8[%swap3A_139, %swap3A_140] {strides = array<i32>} : memref<128x128xf32, #tpu.memory_space<vmem>>, vector<1x16xf32>,
      %swap3A_142 = vector.shape_cast %swap3A_141 : vector<1x16xf32> to vector<16xf32>
      %swap3A_143 = vector.shape_cast %broadcast_in_dim3A_138 : vector<16xf32> to vector<1x16xf32>
      tpu.vector_store %arg8[%swap3A_139, %swap3A_140], %swap3A_143 {strides = array<i32>} : memref<128x128xf32, #tpu.memory_space<vmem>>, vector<1x16xf32>,
      %broadcast_in_dim3A_144 = arith.constant 0.000000e+00 : f32
      %broadcast_in_dim3A_145 = vector.broadcast %broadcast_in_dim3A_144 : f32 to vector<16xf32>
      %swap3A_146 = arith.index_cast %scan3A_109 : i32 to index
      %swap3A_147 = arith.constant 80 : index
      %swap3A_148 = tpu.vector_load %arg8[%swap3A_146, %swap3A_147] {strides = array<i32>} : memref<128x128xf32, #tpu.memory_space<vmem>>, vector<1x16xf32>,
      %swap3A_149 = vector.shape_cast %swap3A_148 : vector<1x16xf32> to vector<16xf32>
      %swap3A_150 = vector.shape_cast %broadcast_in_dim3A_145 : vector<16xf32> to vector<1x16xf32>
      tpu.vector_store %arg8[%swap3A_146, %swap3A_147], %swap3A_150 {strides = array<i32>} : memref<128x128xf32, #tpu.memory_space<vmem>>, vector<1x16xf32>,
      %broadcast_in_dim3A_151 = arith.constant 0.000000e+00 : f32
      %broadcast_in_dim3A_152 = vector.broadcast %broadcast_in_dim3A_151 : f32 to vector<16xf32>
      %swap3A_153 = arith.index_cast %scan3A_109 : i32 to index
      %swap3A_154 = arith.constant 96 : index
      %swap3A_155 = tpu.vector_load %arg8[%swap3A_153, %swap3A_154] {strides = array<i32>} : memref<128x128xf32, #tpu.memory_space<vmem>>, vector<1x16xf32>,
      %swap3A_156 = vector.shape_cast %swap3A_155 : vector<1x16xf32> to vector<16xf32>
      %swap3A_157 = vector.shape_cast %broadcast_in_dim3A_152 : vector<16xf32> to vector<1x16xf32>
      tpu.vector_store %arg8[%swap3A_153, %swap3A_154], %swap3A_157 {strides = array<i32>} : memref<128x128xf32, #tpu.memory_space<vmem>>, vector<1x16xf32>,
      %broadcast_in_dim3A_158 = arith.constant 0.000000e+00 : f32
      %broadcast_in_dim3A_159 = vector.broadcast %broadcast_in_dim3A_158 : f32 to vector<16xf32>
      %swap3A_160 = arith.index_cast %scan3A_109 : i32 to index
      %swap3A_161 = arith.constant 112 : index
      %swap3A_162 = tpu.vector_load %arg8[%swap3A_160, %swap3A_161] {strides = array<i32>} : memref<128x128xf32, #tpu.memory_space<vmem>>, vector<1x16xf32>,
      %swap3A_163 = vector.shape_cast %swap3A_162 : vector<1x16xf32> to vector<16xf32>
      %swap3A_164 = vector.shape_cast %broadcast_in_dim3A_159 : vector<16xf32> to vector<1x16xf32>
      tpu.vector_store %arg8[%swap3A_160, %swap3A_161], %swap3A_164 {strides = array<i32>} : memref<128x128xf32, #tpu.memory_space<vmem>>, vector<1x16xf32>,
      %scan3A_165 = arith.constant 0 : i32
      scf.yield %scan3A_165 : i32
    }
    %scan3A_6 = arith.constant 128 : i32
    %mul3A_7 = arith.constant 640 : i32
    %mul3A_8 = arith.muli %arg1, %mul3A_7 : i32
    %add3A_9 = arith.constant 0 : i32
    %add3A_10 = arith.addi %mul3A_8, %add3A_9 : i32
    "tpu.region"() ({
      %run_scoped3A = tpu.sem_alloc : memref<!tpu.dma_semaphore, #tpu.memory_space<semaphore_mem>>
      %dma_start3A = arith.constant 0 : i32
      %dma_start3A_109 = tpu.memref_slice %arg12[%add3A_10, %dma_start3A] : memref<10240x128xf32, #tpu.memory_space<vmem_shared>> -> memref<128x128xf32, #tpu.memory_space<vmem_shared>>
      %dma_start3A_110 = arith.constant 0 : i32
      %dma_start3A_111 = tpu.memref_slice %arg12[%add3A_10, %dma_start3A_110] : memref<10240x128xf32, #tpu.memory_space<vmem_shared>> -> memref<128x128xf32, #tpu.memory_space<vmem_shared>>
      tpu.enqueue_dma source(%arg8 : memref<128x128xf32, #tpu.memory_space<vmem>>) target(%dma_start3A_111 : memref<128x128xf32, #tpu.memory_space<vmem_shared>>) target_semaphore(%run_scoped3A : memref<!tpu.dma_semaphore, #tpu.memory_space<semaphore_mem>>)
      %dma_wait3A = arith.constant 0 : i32
      %dma_wait3A_112 = tpu.memref_slice %arg12[%add3A_10, %dma_wait3A] : memref<10240x128xf32, #tpu.memory_space<vmem_shared>> -> memref<128x128xf32, #tpu.memory_space<vmem_shared>>
      %dma_wait3A_113 = arith.constant 0 : i32
      %dma_wait3A_114 = tpu.memref_slice %arg12[%add3A_10, %dma_wait3A_113] : memref<10240x128xf32, #tpu.memory_space<vmem_shared>> -> memref<128x128xf32, #tpu.memory_space<vmem_shared>>
      tpu.wait_dma2 semaphore(%run_scoped3A : memref<!tpu.dma_semaphore, #tpu.memory_space<semaphore_mem>>) src(%arg8 : memref<128x128xf32, #tpu.memory_space<vmem>>) dst(%dma_wait3A_114 : memref<128x128xf32, #tpu.memory_space<vmem_shared>>)
      tpu.yield
    }) : () -> ()
    %mul3A_11 = arith.constant 640 : i32
    %mul3A_12 = arith.muli %arg1, %mul3A_11 : i32
    %add3A_13 = arith.constant 128 : i32
    %add3A_14 = arith.addi %mul3A_12, %add3A_13 : i32
    "tpu.region"() ({
      %run_scoped3A = tpu.sem_alloc : memref<!tpu.dma_semaphore, #tpu.memory_space<semaphore_mem>>
      %dma_start3A = arith.constant 0 : i32
      %dma_start3A_109 = tpu.memref_slice %arg12[%add3A_14, %dma_start3A] : memref<10240x128xf32, #tpu.memory_space<vmem_shared>> -> memref<128x128xf32, #tpu.memory_space<vmem_shared>>
      %dma_start3A_110 = arith.constant 0 : i32
      %dma_start3A_111 = tpu.memref_slice %arg12[%add3A_14, %dma_start3A_110] : memref<10240x128xf32, #tpu.memory_space<vmem_shared>> -> memref<128x128xf32, #tpu.memory_space<vmem_shared>>
      tpu.enqueue_dma source(%arg8 : memref<128x128xf32, #tpu.memory_space<vmem>>) target(%dma_start3A_111 : memref<128x128xf32, #tpu.memory_space<vmem_shared>>) target_semaphore(%run_scoped3A : memref<!tpu.dma_semaphore, #tpu.memory_space<semaphore_mem>>)
      %dma_wait3A = arith.constant 0 : i32
      %dma_wait3A_112 = tpu.memref_slice %arg12[%add3A_14, %dma_wait3A] : memref<10240x128xf32, #tpu.memory_space<vmem_shared>> -> memref<128x128xf32, #tpu.memory_space<vmem_shared>>
      %dma_wait3A_113 = arith.constant 0 : i32
      %dma_wait3A_114 = tpu.memref_slice %arg12[%add3A_14, %dma_wait3A_113] : memref<10240x128xf32, #tpu.memory_space<vmem_shared>> -> memref<128x128xf32, #tpu.memory_space<vmem_shared>>
      tpu.wait_dma2 semaphore(%run_scoped3A : memref<!tpu.dma_semaphore, #tpu.memory_space<semaphore_mem>>) src(%arg8 : memref<128x128xf32, #tpu.memory_space<vmem>>) dst(%dma_wait3A_114 : memref<128x128xf32, #tpu.memory_space<vmem_shared>>)
      tpu.yield
    }) : () -> ()
    %mul3A_15 = arith.constant 640 : i32
    %mul3A_16 = arith.muli %arg1, %mul3A_15 : i32
    %add3A_17 = arith.constant 256 : i32
    %add3A_18 = arith.addi %mul3A_16, %add3A_17 : i32
    "tpu.region"() ({
      %run_scoped3A = tpu.sem_alloc : memref<!tpu.dma_semaphore, #tpu.memory_space<semaphore_mem>>
      %dma_start3A = arith.constant 0 : i32
      %dma_start3A_109 = tpu.memref_slice %arg12[%add3A_18, %dma_start3A] : memref<10240x128xf32, #tpu.memory_space<vmem_shared>> -> memref<128x128xf32, #tpu.memory_space<vmem_shared>>
      %dma_start3A_110 = arith.constant 0 : i32
      %dma_start3A_111 = tpu.memref_slice %arg12[%add3A_18, %dma_start3A_110] : memref<10240x128xf32, #tpu.memory_space<vmem_shared>> -> memref<128x128xf32, #tpu.memory_space<vmem_shared>>
      tpu.enqueue_dma source(%arg8 : memref<128x128xf32, #tpu.memory_space<vmem>>) target(%dma_start3A_111 : memref<128x128xf32, #tpu.memory_space<vmem_shared>>) target_semaphore(%run_scoped3A : memref<!tpu.dma_semaphore, #tpu.memory_space<semaphore_mem>>)
      %dma_wait3A = arith.constant 0 : i32
      %dma_wait3A_112 = tpu.memref_slice %arg12[%add3A_18, %dma_wait3A] : memref<10240x128xf32, #tpu.memory_space<vmem_shared>> -> memref<128x128xf32, #tpu.memory_space<vmem_shared>>
      %dma_wait3A_113 = arith.constant 0 : i32
      %dma_wait3A_114 = tpu.memref_slice %arg12[%add3A_18, %dma_wait3A_113] : memref<10240x128xf32, #tpu.memory_space<vmem_shared>> -> memref<128x128xf32, #tpu.memory_space<vmem_shared>>
      tpu.wait_dma2 semaphore(%run_scoped3A : memref<!tpu.dma_semaphore, #tpu.memory_space<semaphore_mem>>) src(%arg8 : memref<128x128xf32, #tpu.memory_space<vmem>>) dst(%dma_wait3A_114 : memref<128x128xf32, #tpu.memory_space<vmem_shared>>)
      tpu.yield
    }) : () -> ()
    %mul3A_19 = arith.constant 640 : i32
    %mul3A_20 = arith.muli %arg1, %mul3A_19 : i32
    %add3A_21 = arith.constant 384 : i32
    %add3A_22 = arith.addi %mul3A_20, %add3A_21 : i32
    "tpu.region"() ({
      %run_scoped3A = tpu.sem_alloc : memref<!tpu.dma_semaphore, #tpu.memory_space<semaphore_mem>>
      %dma_start3A = arith.constant 0 : i32
      %dma_start3A_109 = tpu.memref_slice %arg12[%add3A_22, %dma_start3A] : memref<10240x128xf32, #tpu.memory_space<vmem_shared>> -> memref<128x128xf32, #tpu.memory_space<vmem_shared>>
      %dma_start3A_110 = arith.constant 0 : i32
      %dma_start3A_111 = tpu.memref_slice %arg12[%add3A_22, %dma_start3A_110] : memref<10240x128xf32, #tpu.memory_space<vmem_shared>> -> memref<128x128xf32, #tpu.memory_space<vmem_shared>>
      tpu.enqueue_dma source(%arg8 : memref<128x128xf32, #tpu.memory_space<vmem>>) target(%dma_start3A_111 : memref<128x128xf32, #tpu.memory_space<vmem_shared>>) target_semaphore(%run_scoped3A : memref<!tpu.dma_semaphore, #tpu.memory_space<semaphore_mem>>)
      %dma_wait3A = arith.constant 0 : i32
      %dma_wait3A_112 = tpu.memref_slice %arg12[%add3A_22, %dma_wait3A] : memref<10240x128xf32, #tpu.memory_space<vmem_shared>> -> memref<128x128xf32, #tpu.memory_space<vmem_shared>>
      %dma_wait3A_113 = arith.constant 0 : i32
      %dma_wait3A_114 = tpu.memref_slice %arg12[%add3A_22, %dma_wait3A_113] : memref<10240x128xf32, #tpu.memory_space<vmem_shared>> -> memref<128x128xf32, #tpu.memory_space<vmem_shared>>
      tpu.wait_dma2 semaphore(%run_scoped3A : memref<!tpu.dma_semaphore, #tpu.memory_space<semaphore_mem>>) src(%arg8 : memref<128x128xf32, #tpu.memory_space<vmem>>) dst(%dma_wait3A_114 : memref<128x128xf32, #tpu.memory_space<vmem_shared>>)
      tpu.yield
    }) : () -> ()
    %mul3A_23 = arith.constant 640 : i32
    %mul3A_24 = arith.muli %arg1, %mul3A_23 : i32
    %add3A_25 = arith.constant 512 : i32
    %add3A_26 = arith.addi %mul3A_24, %add3A_25 : i32
    "tpu.region"() ({
      %run_scoped3A = tpu.sem_alloc : memref<!tpu.dma_semaphore, #tpu.memory_space<semaphore_mem>>
      %dma_start3A = arith.constant 0 : i32
      %dma_start3A_109 = tpu.memref_slice %arg12[%add3A_26, %dma_start3A] : memref<10240x128xf32, #tpu.memory_space<vmem_shared>> -> memref<128x128xf32, #tpu.memory_space<vmem_shared>>
      %dma_start3A_110 = arith.constant 0 : i32
      %dma_start3A_111 = tpu.memref_slice %arg12[%add3A_26, %dma_start3A_110] : memref<10240x128xf32, #tpu.memory_space<vmem_shared>> -> memref<128x128xf32, #tpu.memory_space<vmem_shared>>
      tpu.enqueue_dma source(%arg8 : memref<128x128xf32, #tpu.memory_space<vmem>>) target(%dma_start3A_111 : memref<128x128xf32, #tpu.memory_space<vmem_shared>>) target_semaphore(%run_scoped3A : memref<!tpu.dma_semaphore, #tpu.memory_space<semaphore_mem>>)
      %dma_wait3A = arith.constant 0 : i32
      %dma_wait3A_112 = tpu.memref_slice %arg12[%add3A_26, %dma_wait3A] : memref<10240x128xf32, #tpu.memory_space<vmem_shared>> -> memref<128x128xf32, #tpu.memory_space<vmem_shared>>
      %dma_wait3A_113 = arith.constant 0 : i32
      %dma_wait3A_114 = tpu.memref_slice %arg12[%add3A_26, %dma_wait3A_113] : memref<10240x128xf32, #tpu.memory_space<vmem_shared>> -> memref<128x128xf32, #tpu.memory_space<vmem_shared>>
      tpu.wait_dma2 semaphore(%run_scoped3A : memref<!tpu.dma_semaphore, #tpu.memory_space<semaphore_mem>>) src(%arg8 : memref<128x128xf32, #tpu.memory_space<vmem>>) dst(%dma_wait3A_114 : memref<128x128xf32, #tpu.memory_space<vmem_shared>>)
      tpu.yield
    }) : () -> ()
    %barrier3A = arith.constant 0 : index
    tpu.barrier barrier_id(%barrier3A)
    %mul3A_27 = arith.constant 78 : i32
    %mul3A_28 = arith.muli %add3A, %mul3A_27 : i32
    %min3A = arith.constant 4 : i32
    %min3A_29 = arith.minsi %add3A, %min3A : i32
    %add3A_30 = arith.addi %mul3A_28, %min3A_29 : i32
    %lt3A = arith.constant 4 : i32
    %lt3A_31 = arith.cmpi slt, %add3A, %lt3A : i32
    %jit3A = arith.constant 1 : i32
    %jit3A_32 = arith.constant 0 : i32
    %select_n3A = arith.select %lt3A_31, %jit3A, %jit3A_32 : i32
    %add3A_33 = arith.constant 78 : i32
    %add3A_34 = arith.addi %add3A_33, %select_n3A : i32
    %gt3A = arith.constant 0 : i32
    %gt3A_35 = arith.cmpi sgt, %add3A_34, %gt3A : i32
    %convert_element_type3A = arith.extui %gt3A_35 : i1 to i32
    %cond3A = arith.constant 0 : i32
    %cond3A_36 = arith.cmpi ne, %convert_element_type3A, %cond3A : i32
    scf.if %cond3A_36 {
      %add3A_109 = arith.constant 0 : i32
      %add3A_110 = arith.addi %add3A_30, %add3A_109 : i32
      %mul3A_111 = arith.constant 128 : i32
      %mul3A_112 = arith.muli %add3A_110, %mul3A_111 : i32
      "tpu.region"() ({
        %run_scoped3A = tpu.sem_alloc : memref<!tpu.dma_semaphore, #tpu.memory_space<semaphore_mem>>
        %dma_start3A_115 = tpu.memref_slice %arg2[%mul3A_112] : memref<320000xi32, #tpu.memory_space<hbm>> -> memref<128xi32, #tpu.memory_space<hbm>>
        %dma_start3A_116 = tpu.memref_slice %arg2[%mul3A_112] : memref<320000xi32, #tpu.memory_space<hbm>> -> memref<128xi32, #tpu.memory_space<hbm>>
        tpu.enqueue_dma source(%dma_start3A_116 : memref<128xi32, #tpu.memory_space<hbm>>) target(%arg6 : memref<128xi32, #tpu.memory_space<vmem>>) target_semaphore(%run_scoped3A : memref<!tpu.dma_semaphore, #tpu.memory_space<semaphore_mem>>)
        %dma_wait3A = tpu.memref_slice %arg2[%mul3A_112] : memref<320000xi32, #tpu.memory_space<hbm>> -> memref<128xi32, #tpu.memory_space<hbm>>
        %dma_wait3A_117 = tpu.memref_slice %arg2[%mul3A_112] : memref<320000xi32, #tpu.memory_space<hbm>> -> memref<128xi32, #tpu.memory_space<hbm>>
        tpu.wait_dma2 semaphore(%run_scoped3A : memref<!tpu.dma_semaphore, #tpu.memory_space<semaphore_mem>>) src(%dma_wait3A_117 : memref<128xi32, #tpu.memory_space<hbm>>) dst(%arg6 : memref<128xi32, #tpu.memory_space<vmem>>)
        tpu.yield
      }) : () -> ()
      "tpu.region"() ({
        %run_scoped3A = tpu.sem_alloc : memref<!tpu.dma_semaphore, #tpu.memory_space<semaphore_mem>>
        %dma_start3A_115 = tpu.memref_slice %arg3[%mul3A_112] : memref<320000xi32, #tpu.memory_space<hbm>> -> memref<128xi32, #tpu.memory_space<hbm>>
        %dma_start3A_116 = tpu.memref_slice %arg3[%mul3A_112] : memref<320000xi32, #tpu.memory_space<hbm>> -> memref<128xi32, #tpu.memory_space<hbm>>
        tpu.enqueue_dma source(%dma_start3A_116 : memref<128xi32, #tpu.memory_space<hbm>>) target(%arg7 : memref<128xi32, #tpu.memory_space<vmem>>) target_semaphore(%run_scoped3A : memref<!tpu.dma_semaphore, #tpu.memory_space<semaphore_mem>>)
        %dma_wait3A = tpu.memref_slice %arg3[%mul3A_112] : memref<320000xi32, #tpu.memory_space<hbm>> -> memref<128xi32, #tpu.memory_space<hbm>>
        %dma_wait3A_117 = tpu.memref_slice %arg3[%mul3A_112] : memref<320000xi32, #tpu.memory_space<hbm>> -> memref<128xi32, #tpu.memory_space<hbm>>
        tpu.wait_dma2 semaphore(%run_scoped3A : memref<!tpu.dma_semaphore, #tpu.memory_space<semaphore_mem>>) src(%dma_wait3A_117 : memref<128xi32, #tpu.memory_space<hbm>>) dst(%arg7 : memref<128xi32, #tpu.memory_space<vmem>>)
        tpu.yield
      }) : () -> ()
      %dma_start3A = arith.constant 0 : i32
      %dma_start3A_113 = arith.constant 0 : i32
      %dma_start3A_114 = tpu.memref_slice %arg4[%dma_start3A, %dma_start3A_113] : memref<10240x128xf32, #tpu.memory_space<hbm>> -> memref<10240x128xf32, #tpu.memory_space<hbm>>
      tpu.enqueue_indirect_dma source(%dma_start3A_114 : memref<10240x128xf32, #tpu.memory_space<hbm>>) target(%arg8 : memref<128x128xf32, #tpu.memory_space<vmem>>) offsets(%arg6 : memref<128xi32, #tpu.memory_space<vmem>>) semaphore(%arg13 : memref<!tpu.dma_semaphore, #tpu.memory_space<semaphore_mem>>)
    } else {
    }
    %gt3A_37 = arith.constant 1 : i32
    %gt3A_38 = arith.cmpi sgt, %add3A_34, %gt3A_37 : i32
    %convert_element_type3A_39 = arith.extui %gt3A_38 : i1 to i32
    %cond3A_40 = arith.constant 0 : i32
    %cond3A_41 = arith.cmpi ne, %convert_element_type3A_39, %cond3A_40 : i32
    scf.if %cond3A_41 {
      %add3A_109 = arith.constant 1 : i32
      %add3A_110 = arith.addi %add3A_30, %add3A_109 : i32
      %mul3A_111 = arith.constant 128 : i32
      %mul3A_112 = arith.muli %add3A_110, %mul3A_111 : i32
      "tpu.region"() ({
        %run_scoped3A = tpu.sem_alloc : memref<!tpu.dma_semaphore, #tpu.memory_space<semaphore_mem>>
        %dma_start3A_115 = tpu.memref_slice %arg2[%mul3A_112] : memref<320000xi32, #tpu.memory_space<hbm>> -> memref<128xi32, #tpu.memory_space<hbm>>
        %dma_start3A_116 = tpu.memref_slice %arg2[%mul3A_112] : memref<320000xi32, #tpu.memory_space<hbm>> -> memref<128xi32, #tpu.memory_space<hbm>>
        tpu.enqueue_dma source(%dma_start3A_116 : memref<128xi32, #tpu.memory_space<hbm>>) target(%arg9 : memref<128xi32, #tpu.memory_space<vmem>>) target_semaphore(%run_scoped3A : memref<!tpu.dma_semaphore, #tpu.memory_space<semaphore_mem>>)
        %dma_wait3A = tpu.memref_slice %arg2[%mul3A_112] : memref<320000xi32, #tpu.memory_space<hbm>> -> memref<128xi32, #tpu.memory_space<hbm>>
        %dma_wait3A_117 = tpu.memref_slice %arg2[%mul3A_112] : memref<320000xi32, #tpu.memory_space<hbm>> -> memref<128xi32, #tpu.memory_space<hbm>>
        tpu.wait_dma2 semaphore(%run_scoped3A : memref<!tpu.dma_semaphore, #tpu.memory_space<semaphore_mem>>) src(%dma_wait3A_117 : memref<128xi32, #tpu.memory_space<hbm>>) dst(%arg9 : memref<128xi32, #tpu.memory_space<vmem>>)
        tpu.yield
      }) : () -> ()
      "tpu.region"() ({
        %run_scoped3A = tpu.sem_alloc : memref<!tpu.dma_semaphore, #tpu.memory_space<semaphore_mem>>
        %dma_start3A_115 = tpu.memref_slice %arg3[%mul3A_112] : memref<320000xi32, #tpu.memory_space<hbm>> -> memref<128xi32, #tpu.memory_space<hbm>>
        %dma_start3A_116 = tpu.memref_slice %arg3[%mul3A_112] : memref<320000xi32, #tpu.memory_space<hbm>> -> memref<128xi32, #tpu.memory_space<hbm>>
        tpu.enqueue_dma source(%dma_start3A_116 : memref<128xi32, #tpu.memory_space<hbm>>) target(%arg10 : memref<128xi32, #tpu.memory_space<vmem>>) target_semaphore(%run_scoped3A : memref<!tpu.dma_semaphore, #tpu.memory_space<semaphore_mem>>)
        %dma_wait3A = tpu.memref_slice %arg3[%mul3A_112] : memref<320000xi32, #tpu.memory_space<hbm>> -> memref<128xi32, #tpu.memory_space<hbm>>
        %dma_wait3A_117 = tpu.memref_slice %arg3[%mul3A_112] : memref<320000xi32, #tpu.memory_space<hbm>> -> memref<128xi32, #tpu.memory_space<hbm>>
        tpu.wait_dma2 semaphore(%run_scoped3A : memref<!tpu.dma_semaphore, #tpu.memory_space<semaphore_mem>>) src(%dma_wait3A_117 : memref<128xi32, #tpu.memory_space<hbm>>) dst(%arg10 : memref<128xi32, #tpu.memory_space<vmem>>)
        tpu.yield
      }) : () -> ()
      %dma_start3A = arith.constant 0 : i32
      %dma_start3A_113 = arith.constant 0 : i32
      %dma_start3A_114 = tpu.memref_slice %arg4[%dma_start3A, %dma_start3A_113] : memref<10240x128xf32, #tpu.memory_space<hbm>> -> memref<10240x128xf32, #tpu.memory_space<hbm>>
      tpu.enqueue_indirect_dma source(%dma_start3A_114 : memref<10240x128xf32, #tpu.memory_space<hbm>>) target(%arg11 : memref<128x128xf32, #tpu.memory_space<vmem>>) offsets(%arg9 : memref<128xi32, #tpu.memory_space<vmem>>) semaphore(%arg14 : memref<!tpu.dma_semaphore, #tpu.memory_space<semaphore_mem>>)
    } else {
    }
    %add3A_42 = arith.constant 1 : i32
    %add3A_43 = arith.addi %add3A_34, %add3A_42 : i32
    %jit3A_44 = arith.constant 2 : i32
    %div3A = arith.divsi %add3A_43, %jit3A_44 : i32
    %sign3A = arith.constant 0 : i32
    %sign3A_45 = arith.cmpi sgt, %add3A_43, %sign3A : i32
    %sign3A_46 = arith.extui %sign3A_45 : i1 to i32
    %sign3A_47 = arith.constant 0 : i32
    %sign3A_48 = arith.cmpi slt, %add3A_43, %sign3A_47 : i32
    %sign3A_49 = arith.extui %sign3A_48 : i1 to i32
    %sign3A_50 = arith.subi %sign3A_46, %sign3A_49 : i32
    %sign3A_51 = arith.constant 0 : i32
    %sign3A_52 = arith.cmpi sgt, %jit3A_44, %sign3A_51 : i32
    %sign3A_53 = arith.extui %sign3A_52 : i1 to i32
    %sign3A_54 = arith.constant 0 : i32
    %sign3A_55 = arith.cmpi slt, %jit3A_44, %sign3A_54 : i32
    %sign3A_56 = arith.extui %sign3A_55 : i1 to i32
    %sign3A_57 = arith.subi %sign3A_53, %sign3A_56 : i32
    %ne3A = arith.cmpi ne, %sign3A_50, %sign3A_57 : i32
    %rem3A = arith.remsi %add3A_43, %jit3A_44 : i32
    %ne3A_58 = arith.constant 0 : i32
    %ne3A_59 = arith.cmpi ne, %rem3A, %ne3A_58 : i32
    %and3A = arith.andi %ne3A, %ne3A_59 : i1
    %sub3A = arith.constant 1 : i32
    %sub3A_60 = arith.subi %div3A, %sub3A : i32
    %select_n3A_61 = arith.select %and3A, %sub3A_60, %div3A : i32
    %while3A = arith.constant 0 : i32
    %while3A_62 = arith.constant 0 : i32
    %while3A_63 = arith.subi %select_n3A_61, %while3A : i32
    %while3A_64 = arith.addi %while3A, %while3A_63 : i32
    %while3A_65 = arith.constant 1 : i32
    %while3A_66 = arith.divsi %while3A_63, %while3A_65 : i32
    %while3A_67 = arith.muli %while3A_66, %while3A_65 : i32
    %while3A_68 = arith.addi %while3A, %while3A_67 : i32
    %while3A_69 = arith.constant 1 : i32
    %while3A_70 = scf.for %while3A_109 = %while3A to %while3A_68 step %while3A_69 iter_args(%while3A_110 = %while3A_62) -> (i32)  : i32 {
      %mul3A_111 = arith.constant 2 : i32
      %mul3A_112 = arith.muli %mul3A_111, %while3A_109 : i32
      %add3A_113 = arith.constant 0 : i32
      %add3A_114 = arith.addi %mul3A_112, %add3A_113 : i32
      %lt3A_115 = arith.cmpi slt, %add3A_114, %add3A_34 : i32
      %convert_element_type3A_116 = arith.extui %lt3A_115 : i1 to i32
      %cond3A_117 = arith.constant 0 : i32
      %cond3A_118 = arith.cmpi ne, %convert_element_type3A_116, %cond3A_117 : i32
      scf.if %cond3A_118 {
        %dma_wait3A = arith.constant 0 : i32
        %dma_wait3A_128 = arith.constant 0 : i32
        %dma_wait3A_129 = tpu.memref_slice %arg4[%dma_wait3A, %dma_wait3A_128] : memref<10240x128xf32, #tpu.memory_space<hbm>> -> memref<10240x128xf32, #tpu.memory_space<hbm>>
        tpu.wait_indirect_dma semaphore(%arg13 : memref<!tpu.dma_semaphore, #tpu.memory_space<semaphore_mem>>) src(%dma_wait3A_129 : memref<10240x128xf32, #tpu.memory_space<hbm>>) dst(%arg8 : memref<128x128xf32, #tpu.memory_space<vmem>>)
        "tpu.region"() ({
          %run_scoped3A = tpu.sem_alloc : memref<!tpu.dma_semaphore, #tpu.memory_space<semaphore_mem>>
          %dma_start3A = arith.constant 0 : i32
          %dma_start3A_136 = arith.constant 0 : i32
          %dma_start3A_137 = tpu.memref_slice %arg12[%dma_start3A, %dma_start3A_136] : memref<10240x128xf32, #tpu.memory_space<vmem_shared>> -> memref<10240x128xf32, #tpu.memory_space<vmem_shared>>
          tpu.enqueue_indirect_dma source(%arg8 : memref<128x128xf32, #tpu.memory_space<vmem>>) target(%dma_start3A_137 : memref<10240x128xf32, #tpu.memory_space<vmem_shared>>) offsets(%arg7 : memref<128xi32, #tpu.memory_space<vmem>>) semaphore(%run_scoped3A : memref<!tpu.dma_semaphore, #tpu.memory_space<semaphore_mem>>) {add = true}
          %dma_wait3A_138 = arith.constant 0 : i32
          %dma_wait3A_139 = arith.constant 0 : i32
          %dma_wait3A_140 = tpu.memref_slice %arg12[%dma_wait3A_138, %dma_wait3A_139] : memref<10240x128xf32, #tpu.memory_space<vmem_shared>> -> memref<10240x128xf32, #tpu.memory_space<vmem_shared>>
          tpu.wait_indirect_dma semaphore(%run_scoped3A : memref<!tpu.dma_semaphore, #tpu.memory_space<semaphore_mem>>) src(%arg8 : memref<128x128xf32, #tpu.memory_space<vmem>>) dst(%dma_wait3A_140 : memref<10240x128xf32, #tpu.memory_space<vmem_shared>>)
          tpu.yield
        }) : () -> ()
        %add3A_130 = arith.constant 2 : i32
        %add3A_131 = arith.addi %add3A_114, %add3A_130 : i32
        %lt3A_132 = arith.cmpi slt, %add3A_131, %add3A_34 : i32
        %convert_element_type3A_133 = arith.extui %lt3A_132 : i1 to i32
        %cond3A_134 = arith.constant 0 : i32
        %cond3A_135 = arith.cmpi ne, %convert_element_type3A_133, %cond3A_134 : i32
        scf.if %cond3A_135 {
          %add3A_136 = arith.constant 2 : i32
          %add3A_137 = arith.addi %add3A_114, %add3A_136 : i32
          %add3A_138 = arith.addi %add3A_30, %add3A_137 : i32
          %mul3A_139 = arith.constant 128 : i32
          %mul3A_140 = arith.muli %add3A_138, %mul3A_139 : i32
          "tpu.region"() ({
            %run_scoped3A = tpu.sem_alloc : memref<!tpu.dma_semaphore, #tpu.memory_space<semaphore_mem>>
            %dma_start3A_143 = tpu.memref_slice %arg2[%mul3A_140] : memref<320000xi32, #tpu.memory_space<hbm>> -> memref<128xi32, #tpu.memory_space<hbm>>
            %dma_start3A_144 = tpu.memref_slice %arg2[%mul3A_140] : memref<320000xi32, #tpu.memory_space<hbm>> -> memref<128xi32, #tpu.memory_space<hbm>>
            tpu.enqueue_dma source(%dma_start3A_144 : memref<128xi32, #tpu.memory_space<hbm>>) target(%arg6 : memref<128xi32, #tpu.memory_space<vmem>>) target_semaphore(%run_scoped3A : memref<!tpu.dma_semaphore, #tpu.memory_space<semaphore_mem>>)
            %dma_wait3A_145 = tpu.memref_slice %arg2[%mul3A_140] : memref<320000xi32, #tpu.memory_space<hbm>> -> memref<128xi32, #tpu.memory_space<hbm>>
            %dma_wait3A_146 = tpu.memref_slice %arg2[%mul3A_140] : memref<320000xi32, #tpu.memory_space<hbm>> -> memref<128xi32, #tpu.memory_space<hbm>>
            tpu.wait_dma2 semaphore(%run_scoped3A : memref<!tpu.dma_semaphore, #tpu.memory_space<semaphore_mem>>) src(%dma_wait3A_146 : memref<128xi32, #tpu.memory_space<hbm>>) dst(%arg6 : memref<128xi32, #tpu.memory_space<vmem>>)
            tpu.yield
          }) : () -> ()
          "tpu.region"() ({
            %run_scoped3A = tpu.sem_alloc : memref<!tpu.dma_semaphore, #tpu.memory_space<semaphore_mem>>
            %dma_start3A_143 = tpu.memref_slice %arg3[%mul3A_140] : memref<320000xi32, #tpu.memory_space<hbm>> -> memref<128xi32, #tpu.memory_space<hbm>>
            %dma_start3A_144 = tpu.memref_slice %arg3[%mul3A_140] : memref<320000xi32, #tpu.memory_space<hbm>> -> memref<128xi32, #tpu.memory_space<hbm>>
            tpu.enqueue_dma source(%dma_start3A_144 : memref<128xi32, #tpu.memory_space<hbm>>) target(%arg7 : memref<128xi32, #tpu.memory_space<vmem>>) target_semaphore(%run_scoped3A : memref<!tpu.dma_semaphore, #tpu.memory_space<semaphore_mem>>)
            %dma_wait3A_145 = tpu.memref_slice %arg3[%mul3A_140] : memref<320000xi32, #tpu.memory_space<hbm>> -> memref<128xi32, #tpu.memory_space<hbm>>
            %dma_wait3A_146 = tpu.memref_slice %arg3[%mul3A_140] : memref<320000xi32, #tpu.memory_space<hbm>> -> memref<128xi32, #tpu.memory_space<hbm>>
            tpu.wait_dma2 semaphore(%run_scoped3A : memref<!tpu.dma_semaphore, #tpu.memory_space<semaphore_mem>>) src(%dma_wait3A_146 : memref<128xi32, #tpu.memory_space<hbm>>) dst(%arg7 : memref<128xi32, #tpu.memory_space<vmem>>)
            tpu.yield
          }) : () -> ()
          %dma_start3A = arith.constant 0 : i32
          %dma_start3A_141 = arith.constant 0 : i32
          %dma_start3A_142 = tpu.memref_slice %arg4[%dma_start3A, %dma_start3A_141] : memref<10240x128xf32, #tpu.memory_space<hbm>> -> memref<10240x128xf32, #tpu.memory_space<hbm>>
          tpu.enqueue_indirect_dma source(%dma_start3A_142 : memref<10240x128xf32, #tpu.memory_space<hbm>>) target(%arg8 : memref<128x128xf32, #tpu.memory_space<vmem>>) offsets(%arg6 : memref<128xi32, #tpu.memory_space<vmem>>) semaphore(%arg13 : memref<!tpu.dma_semaphore, #tpu.memory_space<semaphore_mem>>)
        } else {
        }
      } else {
      }
      %mul3A_119 = arith.constant 2 : i32
      %mul3A_120 = arith.muli %mul3A_119, %while3A_109 : i32
      %add3A_121 = arith.constant 1 : i32
      %add3A_122 = arith.addi %mul3A_120, %add3A_121 : i32
      %lt3A_123 = arith.cmpi slt, %add3A_122, %add3A_34 : i32
      %convert_element_type3A_124 = arith.extui %lt3A_123 : i1 to i32
      %cond3A_125 = arith.constant 0 : i32
      %cond3A_126 = arith.cmpi ne, %convert_element_type3A_124, %cond3A_125 : i32
      scf.if %cond3A_126 {
        %dma_wait3A = arith.constant 0 : i32
        %dma_wait3A_128 = arith.constant 0 : i32
        %dma_wait3A_129 = tpu.memref_slice %arg4[%dma_wait3A, %dma_wait3A_128] : memref<10240x128xf32, #tpu.memory_space<hbm>> -> memref<10240x128xf32, #tpu.memory_space<hbm>>
        tpu.wait_indirect_dma semaphore(%arg14 : memref<!tpu.dma_semaphore, #tpu.memory_space<semaphore_mem>>) src(%dma_wait3A_129 : memref<10240x128xf32, #tpu.memory_space<hbm>>) dst(%arg11 : memref<128x128xf32, #tpu.memory_space<vmem>>)
        "tpu.region"() ({
          %run_scoped3A = tpu.sem_alloc : memref<!tpu.dma_semaphore, #tpu.memory_space<semaphore_mem>>
          %dma_start3A = arith.constant 0 : i32
          %dma_start3A_136 = arith.constant 0 : i32
          %dma_start3A_137 = tpu.memref_slice %arg12[%dma_start3A, %dma_start3A_136] : memref<10240x128xf32, #tpu.memory_space<vmem_shared>> -> memref<10240x128xf32, #tpu.memory_space<vmem_shared>>
          tpu.enqueue_indirect_dma source(%arg11 : memref<128x128xf32, #tpu.memory_space<vmem>>) target(%dma_start3A_137 : memref<10240x128xf32, #tpu.memory_space<vmem_shared>>) offsets(%arg10 : memref<128xi32, #tpu.memory_space<vmem>>) semaphore(%run_scoped3A : memref<!tpu.dma_semaphore, #tpu.memory_space<semaphore_mem>>) {add = true}
          %dma_wait3A_138 = arith.constant 0 : i32
          %dma_wait3A_139 = arith.constant 0 : i32
          %dma_wait3A_140 = tpu.memref_slice %arg12[%dma_wait3A_138, %dma_wait3A_139] : memref<10240x128xf32, #tpu.memory_space<vmem_shared>> -> memref<10240x128xf32, #tpu.memory_space<vmem_shared>>
          tpu.wait_indirect_dma semaphore(%run_scoped3A : memref<!tpu.dma_semaphore, #tpu.memory_space<semaphore_mem>>) src(%arg11 : memref<128x128xf32, #tpu.memory_space<vmem>>) dst(%dma_wait3A_140 : memref<10240x128xf32, #tpu.memory_space<vmem_shared>>)
          tpu.yield
        }) : () -> ()
        %add3A_130 = arith.constant 2 : i32
        %add3A_131 = arith.addi %add3A_122, %add3A_130 : i32
        %lt3A_132 = arith.cmpi slt, %add3A_131, %add3A_34 : i32
        %convert_element_type3A_133 = arith.extui %lt3A_132 : i1 to i32
        %cond3A_134 = arith.constant 0 : i32
        %cond3A_135 = arith.cmpi ne, %convert_element_type3A_133, %cond3A_134 : i32
        scf.if %cond3A_135 {
          %add3A_136 = arith.constant 2 : i32
          %add3A_137 = arith.addi %add3A_122, %add3A_136 : i32
          %add3A_138 = arith.addi %add3A_30, %add3A_137 : i32
          %mul3A_139 = arith.constant 128 : i32
          %mul3A_140 = arith.muli %add3A_138, %mul3A_139 : i32
          "tpu.region"() ({
            %run_scoped3A = tpu.sem_alloc : memref<!tpu.dma_semaphore, #tpu.memory_space<semaphore_mem>>
            %dma_start3A_143 = tpu.memref_slice %arg2[%mul3A_140] : memref<320000xi32, #tpu.memory_space<hbm>> -> memref<128xi32, #tpu.memory_space<hbm>>
            %dma_start3A_144 = tpu.memref_slice %arg2[%mul3A_140] : memref<320000xi32, #tpu.memory_space<hbm>> -> memref<128xi32, #tpu.memory_space<hbm>>
            tpu.enqueue_dma source(%dma_start3A_144 : memref<128xi32, #tpu.memory_space<hbm>>) target(%arg9 : memref<128xi32, #tpu.memory_space<vmem>>) target_semaphore(%run_scoped3A : memref<!tpu.dma_semaphore, #tpu.memory_space<semaphore_mem>>)
            %dma_wait3A_145 = tpu.memref_slice %arg2[%mul3A_140] : memref<320000xi32, #tpu.memory_space<hbm>> -> memref<128xi32, #tpu.memory_space<hbm>>
            %dma_wait3A_146 = tpu.memref_slice %arg2[%mul3A_140] : memref<320000xi32, #tpu.memory_space<hbm>> -> memref<128xi32, #tpu.memory_space<hbm>>
            tpu.wait_dma2 semaphore(%run_scoped3A : memref<!tpu.dma_semaphore, #tpu.memory_space<semaphore_mem>>) src(%dma_wait3A_146 : memref<128xi32, #tpu.memory_space<hbm>>) dst(%arg9 : memref<128xi32, #tpu.memory_space<vmem>>)
            tpu.yield
          }) : () -> ()
          "tpu.region"() ({
            %run_scoped3A = tpu.sem_alloc : memref<!tpu.dma_semaphore, #tpu.memory_space<semaphore_mem>>
            %dma_start3A_143 = tpu.memref_slice %arg3[%mul3A_140] : memref<320000xi32, #tpu.memory_space<hbm>> -> memref<128xi32, #tpu.memory_space<hbm>>
            %dma_start3A_144 = tpu.memref_slice %arg3[%mul3A_140] : memref<320000xi32, #tpu.memory_space<hbm>> -> memref<128xi32, #tpu.memory_space<hbm>>
            tpu.enqueue_dma source(%dma_start3A_144 : memref<128xi32, #tpu.memory_space<hbm>>) target(%arg10 : memref<128xi32, #tpu.memory_space<vmem>>) target_semaphore(%run_scoped3A : memref<!tpu.dma_semaphore, #tpu.memory_space<semaphore_mem>>)
            %dma_wait3A_145 = tpu.memref_slice %arg3[%mul3A_140] : memref<320000xi32, #tpu.memory_space<hbm>> -> memref<128xi32, #tpu.memory_space<hbm>>
            %dma_wait3A_146 = tpu.memref_slice %arg3[%mul3A_140] : memref<320000xi32, #tpu.memory_space<hbm>> -> memref<128xi32, #tpu.memory_space<hbm>>
            tpu.wait_dma2 semaphore(%run_scoped3A : memref<!tpu.dma_semaphore, #tpu.memory_space<semaphore_mem>>) src(%dma_wait3A_146 : memref<128xi32, #tpu.memory_space<hbm>>) dst(%arg10 : memref<128xi32, #tpu.memory_space<vmem>>)
            tpu.yield
          }) : () -> ()
          %dma_start3A = arith.constant 0 : i32
          %dma_start3A_141 = arith.constant 0 : i32
          %dma_start3A_142 = tpu.memref_slice %arg4[%dma_start3A, %dma_start3A_141] : memref<10240x128xf32, #tpu.memory_space<hbm>> -> memref<10240x128xf32, #tpu.memory_space<hbm>>
          tpu.enqueue_indirect_dma source(%dma_start3A_142 : memref<10240x128xf32, #tpu.memory_space<hbm>>) target(%arg11 : memref<128x128xf32, #tpu.memory_space<vmem>>) offsets(%arg9 : memref<128xi32, #tpu.memory_space<vmem>>) semaphore(%arg14 : memref<!tpu.dma_semaphore, #tpu.memory_space<semaphore_mem>>)
        } else {
        }
      } else {
      }
      %while3A_127 = arith.constant 0 : i32
      scf.yield %while3A_127 : i32
    }
    %while3A_71 = arith.constant 1 : i32
    %while3A_72 = scf.for %while3A_109 = %while3A_68 to %while3A_64 step %while3A_71 iter_args(%while3A_110 = %while3A_70) -> (i32)  : i32 {
      %mul3A_111 = arith.constant 2 : i32
      %mul3A_112 = arith.muli %mul3A_111, %while3A_109 : i32
      %add3A_113 = arith.constant 0 : i32
      %add3A_114 = arith.addi %mul3A_112, %add3A_113 : i32
      %lt3A_115 = arith.cmpi slt, %add3A_114, %add3A_34 : i32
      %convert_element_type3A_116 = arith.extui %lt3A_115 : i1 to i32
      %cond3A_117 = arith.constant 0 : i32
      %cond3A_118 = arith.cmpi ne, %convert_element_type3A_116, %cond3A_117 : i32
      scf.if %cond3A_118 {
        %dma_wait3A = arith.constant 0 : i32
        %dma_wait3A_128 = arith.constant 0 : i32
        %dma_wait3A_129 = tpu.memref_slice %arg4[%dma_wait3A, %dma_wait3A_128] : memref<10240x128xf32, #tpu.memory_space<hbm>> -> memref<10240x128xf32, #tpu.memory_space<hbm>>
        tpu.wait_indirect_dma semaphore(%arg13 : memref<!tpu.dma_semaphore, #tpu.memory_space<semaphore_mem>>) src(%dma_wait3A_129 : memref<10240x128xf32, #tpu.memory_space<hbm>>) dst(%arg8 : memref<128x128xf32, #tpu.memory_space<vmem>>)
        "tpu.region"() ({
          %run_scoped3A = tpu.sem_alloc : memref<!tpu.dma_semaphore, #tpu.memory_space<semaphore_mem>>
          %dma_start3A = arith.constant 0 : i32
          %dma_start3A_136 = arith.constant 0 : i32
          %dma_start3A_137 = tpu.memref_slice %arg12[%dma_start3A, %dma_start3A_136] : memref<10240x128xf32, #tpu.memory_space<vmem_shared>> -> memref<10240x128xf32, #tpu.memory_space<vmem_shared>>
          tpu.enqueue_indirect_dma source(%arg8 : memref<128x128xf32, #tpu.memory_space<vmem>>) target(%dma_start3A_137 : memref<10240x128xf32, #tpu.memory_space<vmem_shared>>) offsets(%arg7 : memref<128xi32, #tpu.memory_space<vmem>>) semaphore(%run_scoped3A : memref<!tpu.dma_semaphore, #tpu.memory_space<semaphore_mem>>) {add = true}
          %dma_wait3A_138 = arith.constant 0 : i32
          %dma_wait3A_139 = arith.constant 0 : i32
          %dma_wait3A_140 = tpu.memref_slice %arg12[%dma_wait3A_138, %dma_wait3A_139] : memref<10240x128xf32, #tpu.memory_space<vmem_shared>> -> memref<10240x128xf32, #tpu.memory_space<vmem_shared>>
          tpu.wait_indirect_dma semaphore(%run_scoped3A : memref<!tpu.dma_semaphore, #tpu.memory_space<semaphore_mem>>) src(%arg8 : memref<128x128xf32, #tpu.memory_space<vmem>>) dst(%dma_wait3A_140 : memref<10240x128xf32, #tpu.memory_space<vmem_shared>>)
          tpu.yield
        }) : () -> ()
        %add3A_130 = arith.constant 2 : i32
        %add3A_131 = arith.addi %add3A_114, %add3A_130 : i32
        %lt3A_132 = arith.cmpi slt, %add3A_131, %add3A_34 : i32
        %convert_element_type3A_133 = arith.extui %lt3A_132 : i1 to i32
        %cond3A_134 = arith.constant 0 : i32
        %cond3A_135 = arith.cmpi ne, %convert_element_type3A_133, %cond3A_134 : i32
        scf.if %cond3A_135 {
          %add3A_136 = arith.constant 2 : i32
          %add3A_137 = arith.addi %add3A_114, %add3A_136 : i32
          %add3A_138 = arith.addi %add3A_30, %add3A_137 : i32
          %mul3A_139 = arith.constant 128 : i32
          %mul3A_140 = arith.muli %add3A_138, %mul3A_139 : i32
          "tpu.region"() ({
            %run_scoped3A = tpu.sem_alloc : memref<!tpu.dma_semaphore, #tpu.memory_space<semaphore_mem>>
            %dma_start3A_143 = tpu.memref_slice %arg2[%mul3A_140] : memref<320000xi32, #tpu.memory_space<hbm>> -> memref<128xi32, #tpu.memory_space<hbm>>
            %dma_start3A_144 = tpu.memref_slice %arg2[%mul3A_140] : memref<320000xi32, #tpu.memory_space<hbm>> -> memref<128xi32, #tpu.memory_space<hbm>>
            tpu.enqueue_dma source(%dma_start3A_144 : memref<128xi32, #tpu.memory_space<hbm>>) target(%arg6 : memref<128xi32, #tpu.memory_space<vmem>>) target_semaphore(%run_scoped3A : memref<!tpu.dma_semaphore, #tpu.memory_space<semaphore_mem>>)
            %dma_wait3A_145 = tpu.memref_slice %arg2[%mul3A_140] : memref<320000xi32, #tpu.memory_space<hbm>> -> memref<128xi32, #tpu.memory_space<hbm>>
            %dma_wait3A_146 = tpu.memref_slice %arg2[%mul3A_140] : memref<320000xi32, #tpu.memory_space<hbm>> -> memref<128xi32, #tpu.memory_space<hbm>>
            tpu.wait_dma2 semaphore(%run_scoped3A : memref<!tpu.dma_semaphore, #tpu.memory_space<semaphore_mem>>) src(%dma_wait3A_146 : memref<128xi32, #tpu.memory_space<hbm>>) dst(%arg6 : memref<128xi32, #tpu.memory_space<vmem>>)
            tpu.yield
          }) : () -> ()
          "tpu.region"() ({
            %run_scoped3A = tpu.sem_alloc : memref<!tpu.dma_semaphore, #tpu.memory_space<semaphore_mem>>
            %dma_start3A_143 = tpu.memref_slice %arg3[%mul3A_140] : memref<320000xi32, #tpu.memory_space<hbm>> -> memref<128xi32, #tpu.memory_space<hbm>>
            %dma_start3A_144 = tpu.memref_slice %arg3[%mul3A_140] : memref<320000xi32, #tpu.memory_space<hbm>> -> memref<128xi32, #tpu.memory_space<hbm>>
            tpu.enqueue_dma source(%dma_start3A_144 : memref<128xi32, #tpu.memory_space<hbm>>) target(%arg7 : memref<128xi32, #tpu.memory_space<vmem>>) target_semaphore(%run_scoped3A : memref<!tpu.dma_semaphore, #tpu.memory_space<semaphore_mem>>)
            %dma_wait3A_145 = tpu.memref_slice %arg3[%mul3A_140] : memref<320000xi32, #tpu.memory_space<hbm>> -> memref<128xi32, #tpu.memory_space<hbm>>
            %dma_wait3A_146 = tpu.memref_slice %arg3[%mul3A_140] : memref<320000xi32, #tpu.memory_space<hbm>> -> memref<128xi32, #tpu.memory_space<hbm>>
            tpu.wait_dma2 semaphore(%run_scoped3A : memref<!tpu.dma_semaphore, #tpu.memory_space<semaphore_mem>>) src(%dma_wait3A_146 : memref<128xi32, #tpu.memory_space<hbm>>) dst(%arg7 : memref<128xi32, #tpu.memory_space<vmem>>)
            tpu.yield
          }) : () -> ()
          %dma_start3A = arith.constant 0 : i32
          %dma_start3A_141 = arith.constant 0 : i32
          %dma_start3A_142 = tpu.memref_slice %arg4[%dma_start3A, %dma_start3A_141] : memref<10240x128xf32, #tpu.memory_space<hbm>> -> memref<10240x128xf32, #tpu.memory_space<hbm>>
          tpu.enqueue_indirect_dma source(%dma_start3A_142 : memref<10240x128xf32, #tpu.memory_space<hbm>>) target(%arg8 : memref<128x128xf32, #tpu.memory_space<vmem>>) offsets(%arg6 : memref<128xi32, #tpu.memory_space<vmem>>) semaphore(%arg13 : memref<!tpu.dma_semaphore, #tpu.memory_space<semaphore_mem>>)
        } else {
        }
      } else {
      }
      %mul3A_119 = arith.constant 2 : i32
      %mul3A_120 = arith.muli %mul3A_119, %while3A_109 : i32
      %add3A_121 = arith.constant 1 : i32
      %add3A_122 = arith.addi %mul3A_120, %add3A_121 : i32
      %lt3A_123 = arith.cmpi slt, %add3A_122, %add3A_34 : i32
      %convert_element_type3A_124 = arith.extui %lt3A_123 : i1 to i32
      %cond3A_125 = arith.constant 0 : i32
      %cond3A_126 = arith.cmpi ne, %convert_element_type3A_124, %cond3A_125 : i32
      scf.if %cond3A_126 {
        %dma_wait3A = arith.constant 0 : i32
        %dma_wait3A_128 = arith.constant 0 : i32
        %dma_wait3A_129 = tpu.memref_slice %arg4[%dma_wait3A, %dma_wait3A_128] : memref<10240x128xf32, #tpu.memory_space<hbm>> -> memref<10240x128xf32, #tpu.memory_space<hbm>>
        tpu.wait_indirect_dma semaphore(%arg14 : memref<!tpu.dma_semaphore, #tpu.memory_space<semaphore_mem>>) src(%dma_wait3A_129 : memref<10240x128xf32, #tpu.memory_space<hbm>>) dst(%arg11 : memref<128x128xf32, #tpu.memory_space<vmem>>)
        "tpu.region"() ({
          %run_scoped3A = tpu.sem_alloc : memref<!tpu.dma_semaphore, #tpu.memory_space<semaphore_mem>>
          %dma_start3A = arith.constant 0 : i32
          %dma_start3A_136 = arith.constant 0 : i32
          %dma_start3A_137 = tpu.memref_slice %arg12[%dma_start3A, %dma_start3A_136] : memref<10240x128xf32, #tpu.memory_space<vmem_shared>> -> memref<10240x128xf32, #tpu.memory_space<vmem_shared>>
          tpu.enqueue_indirect_dma source(%arg11 : memref<128x128xf32, #tpu.memory_space<vmem>>) target(%dma_start3A_137 : memref<10240x128xf32, #tpu.memory_space<vmem_shared>>) offsets(%arg10 : memref<128xi32, #tpu.memory_space<vmem>>) semaphore(%run_scoped3A : memref<!tpu.dma_semaphore, #tpu.memory_space<semaphore_mem>>) {add = true}
          %dma_wait3A_138 = arith.constant 0 : i32
          %dma_wait3A_139 = arith.constant 0 : i32
          %dma_wait3A_140 = tpu.memref_slice %arg12[%dma_wait3A_138, %dma_wait3A_139] : memref<10240x128xf32, #tpu.memory_space<vmem_shared>> -> memref<10240x128xf32, #tpu.memory_space<vmem_shared>>
          tpu.wait_indirect_dma semaphore(%run_scoped3A : memref<!tpu.dma_semaphore, #tpu.memory_space<semaphore_mem>>) src(%arg11 : memref<128x128xf32, #tpu.memory_space<vmem>>) dst(%dma_wait3A_140 : memref<10240x128xf32, #tpu.memory_space<vmem_shared>>)
          tpu.yield
        }) : () -> ()
        %add3A_130 = arith.constant 2 : i32
        %add3A_131 = arith.addi %add3A_122, %add3A_130 : i32
        %lt3A_132 = arith.cmpi slt, %add3A_131, %add3A_34 : i32
        %convert_element_type3A_133 = arith.extui %lt3A_132 : i1 to i32
        %cond3A_134 = arith.constant 0 : i32
        %cond3A_135 = arith.cmpi ne, %convert_element_type3A_133, %cond3A_134 : i32
        scf.if %cond3A_135 {
          %add3A_136 = arith.constant 2 : i32
          %add3A_137 = arith.addi %add3A_122, %add3A_136 : i32
          %add3A_138 = arith.addi %add3A_30, %add3A_137 : i32
          %mul3A_139 = arith.constant 128 : i32
          %mul3A_140 = arith.muli %add3A_138, %mul3A_139 : i32
          "tpu.region"() ({
            %run_scoped3A = tpu.sem_alloc : memref<!tpu.dma_semaphore, #tpu.memory_space<semaphore_mem>>
            %dma_start3A_143 = tpu.memref_slice %arg2[%mul3A_140] : memref<320000xi32, #tpu.memory_space<hbm>> -> memref<128xi32, #tpu.memory_space<hbm>>
            %dma_start3A_144 = tpu.memref_slice %arg2[%mul3A_140] : memref<320000xi32, #tpu.memory_space<hbm>> -> memref<128xi32, #tpu.memory_space<hbm>>
            tpu.enqueue_dma source(%dma_start3A_144 : memref<128xi32, #tpu.memory_space<hbm>>) target(%arg9 : memref<128xi32, #tpu.memory_space<vmem>>) target_semaphore(%run_scoped3A : memref<!tpu.dma_semaphore, #tpu.memory_space<semaphore_mem>>)
            %dma_wait3A_145 = tpu.memref_slice %arg2[%mul3A_140] : memref<320000xi32, #tpu.memory_space<hbm>> -> memref<128xi32, #tpu.memory_space<hbm>>
            %dma_wait3A_146 = tpu.memref_slice %arg2[%mul3A_140] : memref<320000xi32, #tpu.memory_space<hbm>> -> memref<128xi32, #tpu.memory_space<hbm>>
            tpu.wait_dma2 semaphore(%run_scoped3A : memref<!tpu.dma_semaphore, #tpu.memory_space<semaphore_mem>>) src(%dma_wait3A_146 : memref<128xi32, #tpu.memory_space<hbm>>) dst(%arg9 : memref<128xi32, #tpu.memory_space<vmem>>)
            tpu.yield
          }) : () -> ()
          "tpu.region"() ({
            %run_scoped3A = tpu.sem_alloc : memref<!tpu.dma_semaphore, #tpu.memory_space<semaphore_mem>>
            %dma_start3A_143 = tpu.memref_slice %arg3[%mul3A_140] : memref<320000xi32, #tpu.memory_space<hbm>> -> memref<128xi32, #tpu.memory_space<hbm>>
            %dma_start3A_144 = tpu.memref_slice %arg3[%mul3A_140] : memref<320000xi32, #tpu.memory_space<hbm>> -> memref<128xi32, #tpu.memory_space<hbm>>
            tpu.enqueue_dma source(%dma_start3A_144 : memref<128xi32, #tpu.memory_space<hbm>>) target(%arg10 : memref<128xi32, #tpu.memory_space<vmem>>) target_semaphore(%run_scoped3A : memref<!tpu.dma_semaphore, #tpu.memory_space<semaphore_mem>>)
            %dma_wait3A_145 = tpu.memref_slice %arg3[%mul3A_140] : memref<320000xi32, #tpu.memory_space<hbm>> -> memref<128xi32, #tpu.memory_space<hbm>>
            %dma_wait3A_146 = tpu.memref_slice %arg3[%mul3A_140] : memref<320000xi32, #tpu.memory_space<hbm>> -> memref<128xi32, #tpu.memory_space<hbm>>
            tpu.wait_dma2 semaphore(%run_scoped3A : memref<!tpu.dma_semaphore, #tpu.memory_space<semaphore_mem>>) src(%dma_wait3A_146 : memref<128xi32, #tpu.memory_space<hbm>>) dst(%arg10 : memref<128xi32, #tpu.memory_space<vmem>>)
            tpu.yield
          }) : () -> ()
          %dma_start3A = arith.constant 0 : i32
          %dma_start3A_141 = arith.constant 0 : i32
          %dma_start3A_142 = tpu.memref_slice %arg4[%dma_start3A, %dma_start3A_141] : memref<10240x128xf32, #tpu.memory_space<hbm>> -> memref<10240x128xf32, #tpu.memory_space<hbm>>
          tpu.enqueue_indirect_dma source(%dma_start3A_142 : memref<10240x128xf32, #tpu.memory_space<hbm>>) target(%arg11 : memref<128x128xf32, #tpu.memory_space<vmem>>) offsets(%arg9 : memref<128xi32, #tpu.memory_space<vmem>>) semaphore(%arg14 : memref<!tpu.dma_semaphore, #tpu.memory_space<semaphore_mem>>)
        } else {
        }
      } else {
      }
      %while3A_127 = arith.constant 0 : i32
      scf.yield %while3A_127 : i32
    }
    %barrier3A_73 = arith.constant 0 : index
    tpu.barrier barrier_id(%barrier3A_73)
    %mul3A_74 = arith.constant 640 : i32
    %mul3A_75 = arith.muli %arg1, %mul3A_74 : i32
    %add3A_76 = arith.constant 0 : i32
    %add3A_77 = arith.addi %mul3A_75, %add3A_76 : i32
    "tpu.region"() ({
      %run_scoped3A = tpu.sem_alloc : memref<!tpu.dma_semaphore, #tpu.memory_space<semaphore_mem>>
      %dma_start3A = arith.constant 0 : i32
      %dma_start3A_109 = tpu.memref_slice %arg12[%add3A_77, %dma_start3A] : memref<10240x128xf32, #tpu.memory_space<vmem_shared>> -> memref<128x128xf32, #tpu.memory_space<vmem_shared>>
      %dma_start3A_110 = arith.constant 0 : i32
      %dma_start3A_111 = tpu.memref_slice %arg12[%add3A_77, %dma_start3A_110] : memref<10240x128xf32, #tpu.memory_space<vmem_shared>> -> memref<128x128xf32, #tpu.memory_space<vmem_shared>>
      tpu.enqueue_dma source(%dma_start3A_111 : memref<128x128xf32, #tpu.memory_space<vmem_shared>>) target(%arg8 : memref<128x128xf32, #tpu.memory_space<vmem>>) target_semaphore(%run_scoped3A : memref<!tpu.dma_semaphore, #tpu.memory_space<semaphore_mem>>)
      %dma_wait3A = arith.constant 0 : i32
      %dma_wait3A_112 = tpu.memref_slice %arg12[%add3A_77, %dma_wait3A] : memref<10240x128xf32, #tpu.memory_space<vmem_shared>> -> memref<128x128xf32, #tpu.memory_space<vmem_shared>>
      %dma_wait3A_113 = arith.constant 0 : i32
      %dma_wait3A_114 = tpu.memref_slice %arg12[%add3A_77, %dma_wait3A_113] : memref<10240x128xf32, #tpu.memory_space<vmem_shared>> -> memref<128x128xf32, #tpu.memory_space<vmem_shared>>
      tpu.wait_dma2 semaphore(%run_scoped3A : memref<!tpu.dma_semaphore, #tpu.memory_space<semaphore_mem>>) src(%dma_wait3A_114 : memref<128x128xf32, #tpu.memory_space<vmem_shared>>) dst(%arg8 : memref<128x128xf32, #tpu.memory_space<vmem>>)
      tpu.yield
    }) : () -> ()
    %mul3A_78 = arith.constant 10240 : i32
    %mul3A_79 = arith.muli %arg0, %mul3A_78 : i32
    %add3A_80 = arith.addi %mul3A_79, %add3A_77 : i32
    "tpu.region"() ({
      %run_scoped3A = tpu.sem_alloc : memref<!tpu.dma_semaphore, #tpu.memory_space<semaphore_mem>>
      %dma_start3A = arith.constant 0 : i32
      %dma_start3A_109 = tpu.memref_slice %arg5[%add3A_80, %dma_start3A] : memref<20480x128xf32, #tpu.memory_space<hbm>> -> memref<128x128xf32, #tpu.memory_space<hbm>>
      %dma_start3A_110 = arith.constant 0 : i32
      %dma_start3A_111 = tpu.memref_slice %arg5[%add3A_80, %dma_start3A_110] : memref<20480x128xf32, #tpu.memory_space<hbm>> -> memref<128x128xf32, #tpu.memory_space<hbm>>
      tpu.enqueue_dma source(%arg8 : memref<128x128xf32, #tpu.memory_space<vmem>>) target(%dma_start3A_111 : memref<128x128xf32, #tpu.memory_space<hbm>>) target_semaphore(%run_scoped3A : memref<!tpu.dma_semaphore, #tpu.memory_space<semaphore_mem>>)
      %dma_wait3A = arith.constant 0 : i32
      %dma_wait3A_112 = tpu.memref_slice %arg5[%add3A_80, %dma_wait3A] : memref<20480x128xf32, #tpu.memory_space<hbm>> -> memref<128x128xf32, #tpu.memory_space<hbm>>
      %dma_wait3A_113 = arith.constant 0 : i32
      %dma_wait3A_114 = tpu.memref_slice %arg5[%add3A_80, %dma_wait3A_113] : memref<20480x128xf32, #tpu.memory_space<hbm>> -> memref<128x128xf32, #tpu.memory_space<hbm>>
      tpu.wait_dma2 semaphore(%run_scoped3A : memref<!tpu.dma_semaphore, #tpu.memory_space<semaphore_mem>>) src(%arg8 : memref<128x128xf32, #tpu.memory_space<vmem>>) dst(%dma_wait3A_114 : memref<128x128xf32, #tpu.memory_space<hbm>>)
      tpu.yield
    }) : () -> ()
    %mul3A_81 = arith.constant 640 : i32
    %mul3A_82 = arith.muli %arg1, %mul3A_81 : i32
    %add3A_83 = arith.constant 128 : i32
    %add3A_84 = arith.addi %mul3A_82, %add3A_83 : i32
    "tpu.region"() ({
      %run_scoped3A = tpu.sem_alloc : memref<!tpu.dma_semaphore, #tpu.memory_space<semaphore_mem>>
      %dma_start3A = arith.constant 0 : i32
      %dma_start3A_109 = tpu.memref_slice %arg12[%add3A_84, %dma_start3A] : memref<10240x128xf32, #tpu.memory_space<vmem_shared>> -> memref<128x128xf32, #tpu.memory_space<vmem_shared>>
      %dma_start3A_110 = arith.constant 0 : i32
      %dma_start3A_111 = tpu.memref_slice %arg12[%add3A_84, %dma_start3A_110] : memref<10240x128xf32, #tpu.memory_space<vmem_shared>> -> memref<128x128xf32, #tpu.memory_space<vmem_shared>>
      tpu.enqueue_dma source(%dma_start3A_111 : memref<128x128xf32, #tpu.memory_space<vmem_shared>>) target(%arg8 : memref<128x128xf32, #tpu.memory_space<vmem>>) target_semaphore(%run_scoped3A : memref<!tpu.dma_semaphore, #tpu.memory_space<semaphore_mem>>)
      %dma_wait3A = arith.constant 0 : i32
      %dma_wait3A_112 = tpu.memref_slice %arg12[%add3A_84, %dma_wait3A] : memref<10240x128xf32, #tpu.memory_space<vmem_shared>> -> memref<128x128xf32, #tpu.memory_space<vmem_shared>>
      %dma_wait3A_113 = arith.constant 0 : i32
      %dma_wait3A_114 = tpu.memref_slice %arg12[%add3A_84, %dma_wait3A_113] : memref<10240x128xf32, #tpu.memory_space<vmem_shared>> -> memref<128x128xf32, #tpu.memory_space<vmem_shared>>
      tpu.wait_dma2 semaphore(%run_scoped3A : memref<!tpu.dma_semaphore, #tpu.memory_space<semaphore_mem>>) src(%dma_wait3A_114 : memref<128x128xf32, #tpu.memory_space<vmem_shared>>) dst(%arg8 : memref<128x128xf32, #tpu.memory_space<vmem>>)
      tpu.yield
    }) : () -> ()
    %mul3A_85 = arith.constant 10240 : i32
    %mul3A_86 = arith.muli %arg0, %mul3A_85 : i32
    %add3A_87 = arith.addi %mul3A_86, %add3A_84 : i32
    "tpu.region"() ({
      %run_scoped3A = tpu.sem_alloc : memref<!tpu.dma_semaphore, #tpu.memory_space<semaphore_mem>>
      %dma_start3A = arith.constant 0 : i32
      %dma_start3A_109 = tpu.memref_slice %arg5[%add3A_87, %dma_start3A] : memref<20480x128xf32, #tpu.memory_space<hbm>> -> memref<128x128xf32, #tpu.memory_space<hbm>>
      %dma_start3A_110 = arith.constant 0 : i32
      %dma_start3A_111 = tpu.memref_slice %arg5[%add3A_87, %dma_start3A_110] : memref<20480x128xf32, #tpu.memory_space<hbm>> -> memref<128x128xf32, #tpu.memory_space<hbm>>
      tpu.enqueue_dma source(%arg8 : memref<128x128xf32, #tpu.memory_space<vmem>>) target(%dma_start3A_111 : memref<128x128xf32, #tpu.memory_space<hbm>>) target_semaphore(%run_scoped3A : memref<!tpu.dma_semaphore, #tpu.memory_space<semaphore_mem>>)
      %dma_wait3A = arith.constant 0 : i32
      %dma_wait3A_112 = tpu.memref_slice %arg5[%add3A_87, %dma_wait3A] : memref<20480x128xf32, #tpu.memory_space<hbm>> -> memref<128x128xf32, #tpu.memory_space<hbm>>
      %dma_wait3A_113 = arith.constant 0 : i32
      %dma_wait3A_114 = tpu.memref_slice %arg5[%add3A_87, %dma_wait3A_113] : memref<20480x128xf32, #tpu.memory_space<hbm>> -> memref<128x128xf32, #tpu.memory_space<hbm>>
      tpu.wait_dma2 semaphore(%run_scoped3A : memref<!tpu.dma_semaphore, #tpu.memory_space<semaphore_mem>>) src(%arg8 : memref<128x128xf32, #tpu.memory_space<vmem>>) dst(%dma_wait3A_114 : memref<128x128xf32, #tpu.memory_space<hbm>>)
      tpu.yield
    }) : () -> ()
    %mul3A_88 = arith.constant 640 : i32
    %mul3A_89 = arith.muli %arg1, %mul3A_88 : i32
    %add3A_90 = arith.constant 256 : i32
    %add3A_91 = arith.addi %mul3A_89, %add3A_90 : i32
    "tpu.region"() ({
      %run_scoped3A = tpu.sem_alloc : memref<!tpu.dma_semaphore, #tpu.memory_space<semaphore_mem>>
      %dma_start3A = arith.constant 0 : i32
      %dma_start3A_109 = tpu.memref_slice %arg12[%add3A_91, %dma_start3A] : memref<10240x128xf32, #tpu.memory_space<vmem_shared>> -> memref<128x128xf32, #tpu.memory_space<vmem_shared>>
      %dma_start3A_110 = arith.constant 0 : i32
      %dma_start3A_111 = tpu.memref_slice %arg12[%add3A_91, %dma_start3A_110] : memref<10240x128xf32, #tpu.memory_space<vmem_shared>> -> memref<128x128xf32, #tpu.memory_space<vmem_shared>>
      tpu.enqueue_dma source(%dma_start3A_111 : memref<128x128xf32, #tpu.memory_space<vmem_shared>>) target(%arg8 : memref<128x128xf32, #tpu.memory_space<vmem>>) target_semaphore(%run_scoped3A : memref<!tpu.dma_semaphore, #tpu.memory_space<semaphore_mem>>)
      %dma_wait3A = arith.constant 0 : i32
      %dma_wait3A_112 = tpu.memref_slice %arg12[%add3A_91, %dma_wait3A] : memref<10240x128xf32, #tpu.memory_space<vmem_shared>> -> memref<128x128xf32, #tpu.memory_space<vmem_shared>>
      %dma_wait3A_113 = arith.constant 0 : i32
      %dma_wait3A_114 = tpu.memref_slice %arg12[%add3A_91, %dma_wait3A_113] : memref<10240x128xf32, #tpu.memory_space<vmem_shared>> -> memref<128x128xf32, #tpu.memory_space<vmem_shared>>
      tpu.wait_dma2 semaphore(%run_scoped3A : memref<!tpu.dma_semaphore, #tpu.memory_space<semaphore_mem>>) src(%dma_wait3A_114 : memref<128x128xf32, #tpu.memory_space<vmem_shared>>) dst(%arg8 : memref<128x128xf32, #tpu.memory_space<vmem>>)
      tpu.yield
    }) : () -> ()
    %mul3A_92 = arith.constant 10240 : i32
    %mul3A_93 = arith.muli %arg0, %mul3A_92 : i32
    %add3A_94 = arith.addi %mul3A_93, %add3A_91 : i32
    "tpu.region"() ({
      %run_scoped3A = tpu.sem_alloc : memref<!tpu.dma_semaphore, #tpu.memory_space<semaphore_mem>>
      %dma_start3A = arith.constant 0 : i32
      %dma_start3A_109 = tpu.memref_slice %arg5[%add3A_94, %dma_start3A] : memref<20480x128xf32, #tpu.memory_space<hbm>> -> memref<128x128xf32, #tpu.memory_space<hbm>>
      %dma_start3A_110 = arith.constant 0 : i32
      %dma_start3A_111 = tpu.memref_slice %arg5[%add3A_94, %dma_start3A_110] : memref<20480x128xf32, #tpu.memory_space<hbm>> -> memref<128x128xf32, #tpu.memory_space<hbm>>
      tpu.enqueue_dma source(%arg8 : memref<128x128xf32, #tpu.memory_space<vmem>>) target(%dma_start3A_111 : memref<128x128xf32, #tpu.memory_space<hbm>>) target_semaphore(%run_scoped3A : memref<!tpu.dma_semaphore, #tpu.memory_space<semaphore_mem>>)
      %dma_wait3A = arith.constant 0 : i32
      %dma_wait3A_112 = tpu.memref_slice %arg5[%add3A_94, %dma_wait3A] : memref<20480x128xf32, #tpu.memory_space<hbm>> -> memref<128x128xf32, #tpu.memory_space<hbm>>
      %dma_wait3A_113 = arith.constant 0 : i32
      %dma_wait3A_114 = tpu.memref_slice %arg5[%add3A_94, %dma_wait3A_113] : memref<20480x128xf32, #tpu.memory_space<hbm>> -> memref<128x128xf32, #tpu.memory_space<hbm>>
      tpu.wait_dma2 semaphore(%run_scoped3A : memref<!tpu.dma_semaphore, #tpu.memory_space<semaphore_mem>>) src(%arg8 : memref<128x128xf32, #tpu.memory_space<vmem>>) dst(%dma_wait3A_114 : memref<128x128xf32, #tpu.memory_space<hbm>>)
      tpu.yield
    }) : () -> ()
    %mul3A_95 = arith.constant 640 : i32
    %mul3A_96 = arith.muli %arg1, %mul3A_95 : i32
    %add3A_97 = arith.constant 384 : i32
    %add3A_98 = arith.addi %mul3A_96, %add3A_97 : i32
    "tpu.region"() ({
      %run_scoped3A = tpu.sem_alloc : memref<!tpu.dma_semaphore, #tpu.memory_space<semaphore_mem>>
      %dma_start3A = arith.constant 0 : i32
      %dma_start3A_109 = tpu.memref_slice %arg12[%add3A_98, %dma_start3A] : memref<10240x128xf32, #tpu.memory_space<vmem_shared>> -> memref<128x128xf32, #tpu.memory_space<vmem_shared>>
      %dma_start3A_110 = arith.constant 0 : i32
      %dma_start3A_111 = tpu.memref_slice %arg12[%add3A_98, %dma_start3A_110] : memref<10240x128xf32, #tpu.memory_space<vmem_shared>> -> memref<128x128xf32, #tpu.memory_space<vmem_shared>>
      tpu.enqueue_dma source(%dma_start3A_111 : memref<128x128xf32, #tpu.memory_space<vmem_shared>>) target(%arg8 : memref<128x128xf32, #tpu.memory_space<vmem>>) target_semaphore(%run_scoped3A : memref<!tpu.dma_semaphore, #tpu.memory_space<semaphore_mem>>)
      %dma_wait3A = arith.constant 0 : i32
      %dma_wait3A_112 = tpu.memref_slice %arg12[%add3A_98, %dma_wait3A] : memref<10240x128xf32, #tpu.memory_space<vmem_shared>> -> memref<128x128xf32, #tpu.memory_space<vmem_shared>>
      %dma_wait3A_113 = arith.constant 0 : i32
      %dma_wait3A_114 = tpu.memref_slice %arg12[%add3A_98, %dma_wait3A_113] : memref<10240x128xf32, #tpu.memory_space<vmem_shared>> -> memref<128x128xf32, #tpu.memory_space<vmem_shared>>
      tpu.wait_dma2 semaphore(%run_scoped3A : memref<!tpu.dma_semaphore, #tpu.memory_space<semaphore_mem>>) src(%dma_wait3A_114 : memref<128x128xf32, #tpu.memory_space<vmem_shared>>) dst(%arg8 : memref<128x128xf32, #tpu.memory_space<vmem>>)
      tpu.yield
    }) : () -> ()
    %mul3A_99 = arith.constant 10240 : i32
    %mul3A_100 = arith.muli %arg0, %mul3A_99 : i32
    %add3A_101 = arith.addi %mul3A_100, %add3A_98 : i32
    "tpu.region"() ({
      %run_scoped3A = tpu.sem_alloc : memref<!tpu.dma_semaphore, #tpu.memory_space<semaphore_mem>>
      %dma_start3A = arith.constant 0 : i32
      %dma_start3A_109 = tpu.memref_slice %arg5[%add3A_101, %dma_start3A] : memref<20480x128xf32, #tpu.memory_space<hbm>> -> memref<128x128xf32, #tpu.memory_space<hbm>>
      %dma_start3A_110 = arith.constant 0 : i32
      %dma_start3A_111 = tpu.memref_slice %arg5[%add3A_101, %dma_start3A_110] : memref<20480x128xf32, #tpu.memory_space<hbm>> -> memref<128x128xf32, #tpu.memory_space<hbm>>
      tpu.enqueue_dma source(%arg8 : memref<128x128xf32, #tpu.memory_space<vmem>>) target(%dma_start3A_111 : memref<128x128xf32, #tpu.memory_space<hbm>>) target_semaphore(%run_scoped3A : memref<!tpu.dma_semaphore, #tpu.memory_space<semaphore_mem>>)
      %dma_wait3A = arith.constant 0 : i32
      %dma_wait3A_112 = tpu.memref_slice %arg5[%add3A_101, %dma_wait3A] : memref<20480x128xf32, #tpu.memory_space<hbm>> -> memref<128x128xf32, #tpu.memory_space<hbm>>
      %dma_wait3A_113 = arith.constant 0 : i32
      %dma_wait3A_114 = tpu.memref_slice %arg5[%add3A_101, %dma_wait3A_113] : memref<20480x128xf32, #tpu.memory_space<hbm>> -> memref<128x128xf32, #tpu.memory_space<hbm>>
      tpu.wait_dma2 semaphore(%run_scoped3A : memref<!tpu.dma_semaphore, #tpu.memory_space<semaphore_mem>>) src(%arg8 : memref<128x128xf32, #tpu.memory_space<vmem>>) dst(%dma_wait3A_114 : memref<128x128xf32, #tpu.memory_space<hbm>>)
      tpu.yield
    }) : () -> ()
    %mul3A_102 = arith.constant 640 : i32
    %mul3A_103 = arith.muli %arg1, %mul3A_102 : i32
    %add3A_104 = arith.constant 512 : i32
    %add3A_105 = arith.addi %mul3A_103, %add3A_104 : i32
    "tpu.region"() ({
      %run_scoped3A = tpu.sem_alloc : memref<!tpu.dma_semaphore, #tpu.memory_space<semaphore_mem>>
      %dma_start3A = arith.constant 0 : i32
      %dma_start3A_109 = tpu.memref_slice %arg12[%add3A_105, %dma_start3A] : memref<10240x128xf32, #tpu.memory_space<vmem_shared>> -> memref<128x128xf32, #tpu.memory_space<vmem_shared>>
      %dma_start3A_110 = arith.constant 0 : i32
      %dma_start3A_111 = tpu.memref_slice %arg12[%add3A_105, %dma_start3A_110] : memref<10240x128xf32, #tpu.memory_space<vmem_shared>> -> memref<128x128xf32, #tpu.memory_space<vmem_shared>>
      tpu.enqueue_dma source(%dma_start3A_111 : memref<128x128xf32, #tpu.memory_space<vmem_shared>>) target(%arg8 : memref<128x128xf32, #tpu.memory_space<vmem>>) target_semaphore(%run_scoped3A : memref<!tpu.dma_semaphore, #tpu.memory_space<semaphore_mem>>)
      %dma_wait3A = arith.constant 0 : i32
      %dma_wait3A_112 = tpu.memref_slice %arg12[%add3A_105, %dma_wait3A] : memref<10240x128xf32, #tpu.memory_space<vmem_shared>> -> memref<128x128xf32, #tpu.memory_space<vmem_shared>>
      %dma_wait3A_113 = arith.constant 0 : i32
      %dma_wait3A_114 = tpu.memref_slice %arg12[%add3A_105, %dma_wait3A_113] : memref<10240x128xf32, #tpu.memory_space<vmem_shared>> -> memref<128x128xf32, #tpu.memory_space<vmem_shared>>
      tpu.wait_dma2 semaphore(%run_scoped3A : memref<!tpu.dma_semaphore, #tpu.memory_space<semaphore_mem>>) src(%dma_wait3A_114 : memref<128x128xf32, #tpu.memory_space<vmem_shared>>) dst(%arg8 : memref<128x128xf32, #tpu.memory_space<vmem>>)
      tpu.yield
    }) : () -> ()
    %mul3A_106 = arith.constant 10240 : i32
    %mul3A_107 = arith.muli %arg0, %mul3A_106 : i32
    %add3A_108 = arith.addi %mul3A_107, %add3A_105 : i32
    "tpu.region"() ({
      %run_scoped3A = tpu.sem_alloc : memref<!tpu.dma_semaphore, #tpu.memory_space<semaphore_mem>>
      %dma_start3A = arith.constant 0 : i32
      %dma_start3A_109 = tpu.memref_slice %arg5[%add3A_108, %dma_start3A] : memref<20480x128xf32, #tpu.memory_space<hbm>> -> memref<128x128xf32, #tpu.memory_space<hbm>>
      %dma_start3A_110 = arith.constant 0 : i32
      %dma_start3A_111 = tpu.memref_slice %arg5[%add3A_108, %dma_start3A_110] : memref<20480x128xf32, #tpu.memory_space<hbm>> -> memref<128x128xf32, #tpu.memory_space<hbm>>
      tpu.enqueue_dma source(%arg8 : memref<128x128xf32, #tpu.memory_space<vmem>>) target(%dma_start3A_111 : memref<128x128xf32, #tpu.memory_space<hbm>>) target_semaphore(%run_scoped3A : memref<!tpu.dma_semaphore, #tpu.memory_space<semaphore_mem>>)
      %dma_wait3A = arith.constant 0 : i32
      %dma_wait3A_112 = tpu.memref_slice %arg5[%add3A_108, %dma_wait3A] : memref<20480x128xf32, #tpu.memory_space<hbm>> -> memref<128x128xf32, #tpu.memory_space<hbm>>
      %dma_wait3A_113 = arith.constant 0 : i32
      %dma_wait3A_114 = tpu.memref_slice %arg5[%add3A_108, %dma_wait3A_113] : memref<20480x128xf32, #tpu.memory_space<hbm>> -> memref<128x128xf32, #tpu.memory_space<hbm>>
      tpu.wait_dma2 semaphore(%run_scoped3A : memref<!tpu.dma_semaphore, #tpu.memory_space<semaphore_mem>>) src(%arg8 : memref<128x128xf32, #tpu.memory_space<vmem>>) dst(%dma_wait3A_114 : memref<128x128xf32, #tpu.memory_space<hbm>>)
      tpu.yield
    }) : () -> ()
    return
  }
}

#map = affine_map<(d0, d1) -> (0)>
#map1 = affine_map<(d0, d1) -> (0, 0)>
module attributes {stable_mosaic.version = 14 : i64} {
  func.func @_agg_body(%arg0: i32, %arg1: i32, %arg2: memref<320000xi32, #tpu.memory_space<hbm>>, %arg3: memref<320000xi32, #tpu.memory_space<hbm>>, %arg4: memref<10240x128xf32, #tpu.memory_space<hbm>>, %arg5: memref<20480x128xf32, #tpu.memory_space<hbm>>, %arg6: memref<128xi32, #tpu.memory_space<vmem>>, %arg7: memref<128xi32, #tpu.memory_space<vmem>>, %arg8: memref<128x128xf32, #tpu.memory_space<vmem>>, %arg9: memref<128xi32, #tpu.memory_space<vmem>>, %arg10: memref<128xi32, #tpu.memory_space<vmem>>, %arg11: memref<128x128xf32, #tpu.memory_space<vmem>>, %arg12: memref<10240x128xf32, #tpu.memory_space<vmem_shared>>, %arg13: memref<!tpu.dma_semaphore, #tpu.memory_space<semaphore_mem>>, %arg14: memref<!tpu.dma_semaphore, #tpu.memory_space<semaphore_mem>>) attributes {dimension_semantics = [#tpu.dimension_semantics<core_parallel>, #tpu.dimension_semantics<subcore_parallel>], iteration_bounds = array<i64: 2, 16>, scalar_prefetch = 0 : i64, scratch_operands = 9 : i64, tpu.core_type = #tpu.core_type<sc_vector_subcore>, window_params = [{transform_indices = #map}, {transform_indices = #map}, {transform_indices = #map1}, {transform_indices = #map1}]} {
    %mul3A = arith.constant 2 : i32
    %mul3A_0 = arith.muli %arg1, %mul3A : i32
    %add3A = arith.addi %mul3A_0, %arg0 : i32
    %scan3A = arith.constant 0 : i32
    %scan3A_1 = arith.constant 0 : i32
    %scan3A_2 = arith.constant 128 : i32
    %scan3A_3 = arith.addi %scan3A_1, %scan3A_2 : i32
    %scan3A_4 = arith.constant 1 : i32
    %scan3A_5 = scf.for %scan3A_109 = %scan3A_1 to %scan3A_3 step %scan3A_4 iter_args(%scan3A_110 = %scan3A) -> (i32)  : i32 {
      %broadcast_in_dim3A = arith.constant 0.000000e+00 : f32
      %broadcast_in_dim3A_111 = vector.broadcast %broadcast_in_dim3A : f32 to vector<16xf32>
      %swap3A = arith.index_cast %scan3A_109 : i32 to index
      %swap3A_112 = arith.constant 0 : index
      %swap3A_113 = tpu.vector_load %arg8[%swap3A, %swap3A_112] {strides = array<i32>} : memref<128x128xf32, #tpu.memory_space<vmem>>, vector<1x16xf32>,
      %swap3A_114 = vector.shape_cast %swap3A_113 : vector<1x16xf32> to vector<16xf32>
      %swap3A_115 = vector.shape_cast %broadcast_in_dim3A_111 : vector<16xf32> to vector<1x16xf32>
      tpu.vector_store %arg8[%swap3A, %swap3A_112], %swap3A_115 {strides = array<i32>} : memref<128x128xf32, #tpu.memory_space<vmem>>, vector<1x16xf32>,
      %broadcast_in_dim3A_116 = arith.constant 0.000000e+00 : f32
      %broadcast_in_dim3A_117 = vector.broadcast %broadcast_in_dim3A_116 : f32 to vector<16xf32>
      %swap3A_118 = arith.index_cast %scan3A_109 : i32 to index
      %swap3A_119 = arith.constant 16 : index
      %swap3A_120 = tpu.vector_load %arg8[%swap3A_118, %swap3A_119] {strides = array<i32>} : memref<128x128xf32, #tpu.memory_space<vmem>>, vector<1x16xf32>,
      %swap3A_121 = vector.shape_cast %swap3A_120 : vector<1x16xf32> to vector<16xf32>
      %swap3A_122 = vector.shape_cast %broadcast_in_dim3A_117 : vector<16xf32> to vector<1x16xf32>
      tpu.vector_store %arg8[%swap3A_118, %swap3A_119], %swap3A_122 {strides = array<i32>} : memref<128x128xf32, #tpu.memory_space<vmem>>, vector<1x16xf32>,
      %broadcast_in_dim3A_123 = arith.constant 0.000000e+00 : f32
      %broadcast_in_dim3A_124 = vector.broadcast %broadcast_in_dim3A_123 : f32 to vector<16xf32>
      %swap3A_125 = arith.index_cast %scan3A_109 : i32 to index
      %swap3A_126 = arith.constant 32 : index
      %swap3A_127 = tpu.vector_load %arg8[%swap3A_125, %swap3A_126] {strides = array<i32>} : memref<128x128xf32, #tpu.memory_space<vmem>>, vector<1x16xf32>,
      %swap3A_128 = vector.shape_cast %swap3A_127 : vector<1x16xf32> to vector<16xf32>
      %swap3A_129 = vector.shape_cast %broadcast_in_dim3A_124 : vector<16xf32> to vector<1x16xf32>
      tpu.vector_store %arg8[%swap3A_125, %swap3A_126], %swap3A_129 {strides = array<i32>} : memref<128x128xf32, #tpu.memory_space<vmem>>, vector<1x16xf32>,
      %broadcast_in_dim3A_130 = arith.constant 0.000000e+00 : f32
      %broadcast_in_dim3A_131 = vector.broadcast %broadcast_in_dim3A_130 : f32 to vector<16xf32>
      %swap3A_132 = arith.index_cast %scan3A_109 : i32 to index
      %swap3A_133 = arith.constant 48 : index
      %swap3A_134 = tpu.vector_load %arg8[%swap3A_132, %swap3A_133] {strides = array<i32>} : memref<128x128xf32, #tpu.memory_space<vmem>>, vector<1x16xf32>,
      %swap3A_135 = vector.shape_cast %swap3A_134 : vector<1x16xf32> to vector<16xf32>
      %swap3A_136 = vector.shape_cast %broadcast_in_dim3A_131 : vector<16xf32> to vector<1x16xf32>
      tpu.vector_store %arg8[%swap3A_132, %swap3A_133], %swap3A_136 {strides = array<i32>} : memref<128x128xf32, #tpu.memory_space<vmem>>, vector<1x16xf32>,
      %broadcast_in_dim3A_137 = arith.constant 0.000000e+00 : f32
      %broadcast_in_dim3A_138 = vector.broadcast %broadcast_in_dim3A_137 : f32 to vector<16xf32>
      %swap3A_139 = arith.index_cast %scan3A_109 : i32 to index
      %swap3A_140 = arith.constant 64 : index
      %swap3A_141 = tpu.vector_load %arg8[%swap3A_139, %swap3A_140] {strides = array<i32>} : memref<128x128xf32, #tpu.memory_space<vmem>>, vector<1x16xf32>,
      %swap3A_142 = vector.shape_cast %swap3A_141 : vector<1x16xf32> to vector<16xf32>
      %swap3A_143 = vector.shape_cast %broadcast_in_dim3A_138 : vector<16xf32> to vector<1x16xf32>
      tpu.vector_store %arg8[%swap3A_139, %swap3A_140], %swap3A_143 {strides = array<i32>} : memref<128x128xf32, #tpu.memory_space<vmem>>, vector<1x16xf32>,
      %broadcast_in_dim3A_144 = arith.constant 0.000000e+00 : f32
      %broadcast_in_dim3A_145 = vector.broadcast %broadcast_in_dim3A_144 : f32 to vector<16xf32>
      %swap3A_146 = arith.index_cast %scan3A_109 : i32 to index
      %swap3A_147 = arith.constant 80 : index
      %swap3A_148 = tpu.vector_load %arg8[%swap3A_146, %swap3A_147] {strides = array<i32>} : memref<128x128xf32, #tpu.memory_space<vmem>>, vector<1x16xf32>,
      %swap3A_149 = vector.shape_cast %swap3A_148 : vector<1x16xf32> to vector<16xf32>
      %swap3A_150 = vector.shape_cast %broadcast_in_dim3A_145 : vector<16xf32> to vector<1x16xf32>
      tpu.vector_store %arg8[%swap3A_146, %swap3A_147], %swap3A_150 {strides = array<i32>} : memref<128x128xf32, #tpu.memory_space<vmem>>, vector<1x16xf32>,
      %broadcast_in_dim3A_151 = arith.constant 0.000000e+00 : f32
      %broadcast_in_dim3A_152 = vector.broadcast %broadcast_in_dim3A_151 : f32 to vector<16xf32>
      %swap3A_153 = arith.index_cast %scan3A_109 : i32 to index
      %swap3A_154 = arith.constant 96 : index
      %swap3A_155 = tpu.vector_load %arg8[%swap3A_153, %swap3A_154] {strides = array<i32>} : memref<128x128xf32, #tpu.memory_space<vmem>>, vector<1x16xf32>,
      %swap3A_156 = vector.shape_cast %swap3A_155 : vector<1x16xf32> to vector<16xf32>
      %swap3A_157 = vector.shape_cast %broadcast_in_dim3A_152 : vector<16xf32> to vector<1x16xf32>
      tpu.vector_store %arg8[%swap3A_153, %swap3A_154], %swap3A_157 {strides = array<i32>} : memref<128x128xf32, #tpu.memory_space<vmem>>, vector<1x16xf32>,
      %broadcast_in_dim3A_158 = arith.constant 0.000000e+00 : f32
      %broadcast_in_dim3A_159 = vector.broadcast %broadcast_in_dim3A_158 : f32 to vector<16xf32>
      %swap3A_160 = arith.index_cast %scan3A_109 : i32 to index
      %swap3A_161 = arith.constant 112 : index
      %swap3A_162 = tpu.vector_load %arg8[%swap3A_160, %swap3A_161] {strides = array<i32>} : memref<128x128xf32, #tpu.memory_space<vmem>>, vector<1x16xf32>,
      %swap3A_163 = vector.shape_cast %swap3A_162 : vector<1x16xf32> to vector<16xf32>
      %swap3A_164 = vector.shape_cast %broadcast_in_dim3A_159 : vector<16xf32> to vector<1x16xf32>
      tpu.vector_store %arg8[%swap3A_160, %swap3A_161], %swap3A_164 {strides = array<i32>} : memref<128x128xf32, #tpu.memory_space<vmem>>, vector<1x16xf32>,
      %scan3A_165 = arith.constant 0 : i32
      scf.yield %scan3A_165 : i32
    }
    %scan3A_6 = arith.constant 128 : i32
    %mul3A_7 = arith.constant 640 : i32
    %mul3A_8 = arith.muli %arg1, %mul3A_7 : i32
    %add3A_9 = arith.constant 0 : i32
    %add3A_10 = arith.addi %mul3A_8, %add3A_9 : i32
    "tpu.region"() ({
      %run_scoped3A = tpu.sem_alloc : memref<!tpu.dma_semaphore, #tpu.memory_space<semaphore_mem>>
      %dma_start3A = arith.constant 0 : i32
      %dma_start3A_109 = tpu.memref_slice %arg12[%add3A_10, %dma_start3A] : memref<10240x128xf32, #tpu.memory_space<vmem_shared>> -> memref<128x128xf32, #tpu.memory_space<vmem_shared>>
      %dma_start3A_110 = arith.constant 0 : i32
      %dma_start3A_111 = tpu.memref_slice %arg12[%add3A_10, %dma_start3A_110] : memref<10240x128xf32, #tpu.memory_space<vmem_shared>> -> memref<128x128xf32, #tpu.memory_space<vmem_shared>>
      tpu.enqueue_dma source(%arg8 : memref<128x128xf32, #tpu.memory_space<vmem>>) target(%dma_start3A_111 : memref<128x128xf32, #tpu.memory_space<vmem_shared>>) target_semaphore(%run_scoped3A : memref<!tpu.dma_semaphore, #tpu.memory_space<semaphore_mem>>)
      %dma_wait3A = arith.constant 0 : i32
      %dma_wait3A_112 = tpu.memref_slice %arg12[%add3A_10, %dma_wait3A] : memref<10240x128xf32, #tpu.memory_space<vmem_shared>> -> memref<128x128xf32, #tpu.memory_space<vmem_shared>>
      %dma_wait3A_113 = arith.constant 0 : i32
      %dma_wait3A_114 = tpu.memref_slice %arg12[%add3A_10, %dma_wait3A_113] : memref<10240x128xf32, #tpu.memory_space<vmem_shared>> -> memref<128x128xf32, #tpu.memory_space<vmem_shared>>
      tpu.wait_dma2 semaphore(%run_scoped3A : memref<!tpu.dma_semaphore, #tpu.memory_space<semaphore_mem>>) src(%arg8 : memref<128x128xf32, #tpu.memory_space<vmem>>) dst(%dma_wait3A_114 : memref<128x128xf32, #tpu.memory_space<vmem_shared>>)
      tpu.yield
    }) : () -> ()
    %mul3A_11 = arith.constant 640 : i32
    %mul3A_12 = arith.muli %arg1, %mul3A_11 : i32
    %add3A_13 = arith.constant 128 : i32
    %add3A_14 = arith.addi %mul3A_12, %add3A_13 : i32
    "tpu.region"() ({
      %run_scoped3A = tpu.sem_alloc : memref<!tpu.dma_semaphore, #tpu.memory_space<semaphore_mem>>
      %dma_start3A = arith.constant 0 : i32
      %dma_start3A_109 = tpu.memref_slice %arg12[%add3A_14, %dma_start3A] : memref<10240x128xf32, #tpu.memory_space<vmem_shared>> -> memref<128x128xf32, #tpu.memory_space<vmem_shared>>
      %dma_start3A_110 = arith.constant 0 : i32
      %dma_start3A_111 = tpu.memref_slice %arg12[%add3A_14, %dma_start3A_110] : memref<10240x128xf32, #tpu.memory_space<vmem_shared>> -> memref<128x128xf32, #tpu.memory_space<vmem_shared>>
      tpu.enqueue_dma source(%arg8 : memref<128x128xf32, #tpu.memory_space<vmem>>) target(%dma_start3A_111 : memref<128x128xf32, #tpu.memory_space<vmem_shared>>) target_semaphore(%run_scoped3A : memref<!tpu.dma_semaphore, #tpu.memory_space<semaphore_mem>>)
      %dma_wait3A = arith.constant 0 : i32
      %dma_wait3A_112 = tpu.memref_slice %arg12[%add3A_14, %dma_wait3A] : memref<10240x128xf32, #tpu.memory_space<vmem_shared>> -> memref<128x128xf32, #tpu.memory_space<vmem_shared>>
      %dma_wait3A_113 = arith.constant 0 : i32
      %dma_wait3A_114 = tpu.memref_slice %arg12[%add3A_14, %dma_wait3A_113] : memref<10240x128xf32, #tpu.memory_space<vmem_shared>> -> memref<128x128xf32, #tpu.memory_space<vmem_shared>>
      tpu.wait_dma2 semaphore(%run_scoped3A : memref<!tpu.dma_semaphore, #tpu.memory_space<semaphore_mem>>) src(%arg8 : memref<128x128xf32, #tpu.memory_space<vmem>>) dst(%dma_wait3A_114 : memref<128x128xf32, #tpu.memory_space<vmem_shared>>)
      tpu.yield
    }) : () -> ()
    %mul3A_15 = arith.constant 640 : i32
    %mul3A_16 = arith.muli %arg1, %mul3A_15 : i32
    %add3A_17 = arith.constant 256 : i32
    %add3A_18 = arith.addi %mul3A_16, %add3A_17 : i32
    "tpu.region"() ({
      %run_scoped3A = tpu.sem_alloc : memref<!tpu.dma_semaphore, #tpu.memory_space<semaphore_mem>>
      %dma_start3A = arith.constant 0 : i32
      %dma_start3A_109 = tpu.memref_slice %arg12[%add3A_18, %dma_start3A] : memref<10240x128xf32, #tpu.memory_space<vmem_shared>> -> memref<128x128xf32, #tpu.memory_space<vmem_shared>>
      %dma_start3A_110 = arith.constant 0 : i32
      %dma_start3A_111 = tpu.memref_slice %arg12[%add3A_18, %dma_start3A_110] : memref<10240x128xf32, #tpu.memory_space<vmem_shared>> -> memref<128x128xf32, #tpu.memory_space<vmem_shared>>
      tpu.enqueue_dma source(%arg8 : memref<128x128xf32, #tpu.memory_space<vmem>>) target(%dma_start3A_111 : memref<128x128xf32, #tpu.memory_space<vmem_shared>>) target_semaphore(%run_scoped3A : memref<!tpu.dma_semaphore, #tpu.memory_space<semaphore_mem>>)
      %dma_wait3A = arith.constant 0 : i32
      %dma_wait3A_112 = tpu.memref_slice %arg12[%add3A_18, %dma_wait3A] : memref<10240x128xf32, #tpu.memory_space<vmem_shared>> -> memref<128x128xf32, #tpu.memory_space<vmem_shared>>
      %dma_wait3A_113 = arith.constant 0 : i32
      %dma_wait3A_114 = tpu.memref_slice %arg12[%add3A_18, %dma_wait3A_113] : memref<10240x128xf32, #tpu.memory_space<vmem_shared>> -> memref<128x128xf32, #tpu.memory_space<vmem_shared>>
      tpu.wait_dma2 semaphore(%run_scoped3A : memref<!tpu.dma_semaphore, #tpu.memory_space<semaphore_mem>>) src(%arg8 : memref<128x128xf32, #tpu.memory_space<vmem>>) dst(%dma_wait3A_114 : memref<128x128xf32, #tpu.memory_space<vmem_shared>>)
      tpu.yield
    }) : () -> ()
    %mul3A_19 = arith.constant 640 : i32
    %mul3A_20 = arith.muli %arg1, %mul3A_19 : i32
    %add3A_21 = arith.constant 384 : i32
    %add3A_22 = arith.addi %mul3A_20, %add3A_21 : i32
    "tpu.region"() ({
      %run_scoped3A = tpu.sem_alloc : memref<!tpu.dma_semaphore, #tpu.memory_space<semaphore_mem>>
      %dma_start3A = arith.constant 0 : i32
      %dma_start3A_109 = tpu.memref_slice %arg12[%add3A_22, %dma_start3A] : memref<10240x128xf32, #tpu.memory_space<vmem_shared>> -> memref<128x128xf32, #tpu.memory_space<vmem_shared>>
      %dma_start3A_110 = arith.constant 0 : i32
      %dma_start3A_111 = tpu.memref_slice %arg12[%add3A_22, %dma_start3A_110] : memref<10240x128xf32, #tpu.memory_space<vmem_shared>> -> memref<128x128xf32, #tpu.memory_space<vmem_shared>>
      tpu.enqueue_dma source(%arg8 : memref<128x128xf32, #tpu.memory_space<vmem>>) target(%dma_start3A_111 : memref<128x128xf32, #tpu.memory_space<vmem_shared>>) target_semaphore(%run_scoped3A : memref<!tpu.dma_semaphore, #tpu.memory_space<semaphore_mem>>)
      %dma_wait3A = arith.constant 0 : i32
      %dma_wait3A_112 = tpu.memref_slice %arg12[%add3A_22, %dma_wait3A] : memref<10240x128xf32, #tpu.memory_space<vmem_shared>> -> memref<128x128xf32, #tpu.memory_space<vmem_shared>>
      %dma_wait3A_113 = arith.constant 0 : i32
      %dma_wait3A_114 = tpu.memref_slice %arg12[%add3A_22, %dma_wait3A_113] : memref<10240x128xf32, #tpu.memory_space<vmem_shared>> -> memref<128x128xf32, #tpu.memory_space<vmem_shared>>
      tpu.wait_dma2 semaphore(%run_scoped3A : memref<!tpu.dma_semaphore, #tpu.memory_space<semaphore_mem>>) src(%arg8 : memref<128x128xf32, #tpu.memory_space<vmem>>) dst(%dma_wait3A_114 : memref<128x128xf32, #tpu.memory_space<vmem_shared>>)
      tpu.yield
    }) : () -> ()
    %mul3A_23 = arith.constant 640 : i32
    %mul3A_24 = arith.muli %arg1, %mul3A_23 : i32
    %add3A_25 = arith.constant 512 : i32
    %add3A_26 = arith.addi %mul3A_24, %add3A_25 : i32
    "tpu.region"() ({
      %run_scoped3A = tpu.sem_alloc : memref<!tpu.dma_semaphore, #tpu.memory_space<semaphore_mem>>
      %dma_start3A = arith.constant 0 : i32
      %dma_start3A_109 = tpu.memref_slice %arg12[%add3A_26, %dma_start3A] : memref<10240x128xf32, #tpu.memory_space<vmem_shared>> -> memref<128x128xf32, #tpu.memory_space<vmem_shared>>
      %dma_start3A_110 = arith.constant 0 : i32
      %dma_start3A_111 = tpu.memref_slice %arg12[%add3A_26, %dma_start3A_110] : memref<10240x128xf32, #tpu.memory_space<vmem_shared>> -> memref<128x128xf32, #tpu.memory_space<vmem_shared>>
      tpu.enqueue_dma source(%arg8 : memref<128x128xf32, #tpu.memory_space<vmem>>) target(%dma_start3A_111 : memref<128x128xf32, #tpu.memory_space<vmem_shared>>) target_semaphore(%run_scoped3A : memref<!tpu.dma_semaphore, #tpu.memory_space<semaphore_mem>>)
      %dma_wait3A = arith.constant 0 : i32
      %dma_wait3A_112 = tpu.memref_slice %arg12[%add3A_26, %dma_wait3A] : memref<10240x128xf32, #tpu.memory_space<vmem_shared>> -> memref<128x128xf32, #tpu.memory_space<vmem_shared>>
      %dma_wait3A_113 = arith.constant 0 : i32
      %dma_wait3A_114 = tpu.memref_slice %arg12[%add3A_26, %dma_wait3A_113] : memref<10240x128xf32, #tpu.memory_space<vmem_shared>> -> memref<128x128xf32, #tpu.memory_space<vmem_shared>>
      tpu.wait_dma2 semaphore(%run_scoped3A : memref<!tpu.dma_semaphore, #tpu.memory_space<semaphore_mem>>) src(%arg8 : memref<128x128xf32, #tpu.memory_space<vmem>>) dst(%dma_wait3A_114 : memref<128x128xf32, #tpu.memory_space<vmem_shared>>)
      tpu.yield
    }) : () -> ()
    %barrier3A = arith.constant 0 : index
    tpu.barrier barrier_id(%barrier3A)
    %mul3A_27 = arith.constant 78 : i32
    %mul3A_28 = arith.muli %add3A, %mul3A_27 : i32
    %min3A = arith.constant 4 : i32
    %min3A_29 = arith.minsi %add3A, %min3A : i32
    %add3A_30 = arith.addi %mul3A_28, %min3A_29 : i32
    %lt3A = arith.constant 4 : i32
    %lt3A_31 = arith.cmpi slt, %add3A, %lt3A : i32
    %jit3A = arith.constant 1 : i32
    %jit3A_32 = arith.constant 0 : i32
    %select_n3A = arith.select %lt3A_31, %jit3A, %jit3A_32 : i32
    %add3A_33 = arith.constant 78 : i32
    %add3A_34 = arith.addi %add3A_33, %select_n3A : i32
    %gt3A = arith.constant 0 : i32
    %gt3A_35 = arith.cmpi sgt, %add3A_34, %gt3A : i32
    %convert_element_type3A = arith.extui %gt3A_35 : i1 to i32
    %cond3A = arith.constant 0 : i32
    %cond3A_36 = arith.cmpi ne, %convert_element_type3A, %cond3A : i32
    scf.if %cond3A_36 {
      %add3A_109 = arith.constant 0 : i32
      %add3A_110 = arith.addi %add3A_30, %add3A_109 : i32
      %mul3A_111 = arith.constant 128 : i32
      %mul3A_112 = arith.muli %add3A_110, %mul3A_111 : i32
      "tpu.region"() ({
        %run_scoped3A = tpu.sem_alloc : memref<!tpu.dma_semaphore, #tpu.memory_space<semaphore_mem>>
        %dma_start3A_115 = tpu.memref_slice %arg2[%mul3A_112] : memref<320000xi32, #tpu.memory_space<hbm>> -> memref<128xi32, #tpu.memory_space<hbm>>
        %dma_start3A_116 = tpu.memref_slice %arg2[%mul3A_112] : memref<320000xi32, #tpu.memory_space<hbm>> -> memref<128xi32, #tpu.memory_space<hbm>>
        tpu.enqueue_dma source(%dma_start3A_116 : memref<128xi32, #tpu.memory_space<hbm>>) target(%arg6 : memref<128xi32, #tpu.memory_space<vmem>>) target_semaphore(%run_scoped3A : memref<!tpu.dma_semaphore, #tpu.memory_space<semaphore_mem>>)
        %dma_wait3A = tpu.memref_slice %arg2[%mul3A_112] : memref<320000xi32, #tpu.memory_space<hbm>> -> memref<128xi32, #tpu.memory_space<hbm>>
        %dma_wait3A_117 = tpu.memref_slice %arg2[%mul3A_112] : memref<320000xi32, #tpu.memory_space<hbm>> -> memref<128xi32, #tpu.memory_space<hbm>>
        tpu.wait_dma2 semaphore(%run_scoped3A : memref<!tpu.dma_semaphore, #tpu.memory_space<semaphore_mem>>) src(%dma_wait3A_117 : memref<128xi32, #tpu.memory_space<hbm>>) dst(%arg6 : memref<128xi32, #tpu.memory_space<vmem>>)
        tpu.yield
      }) : () -> ()
      "tpu.region"() ({
        %run_scoped3A = tpu.sem_alloc : memref<!tpu.dma_semaphore, #tpu.memory_space<semaphore_mem>>
        %dma_start3A_115 = tpu.memref_slice %arg3[%mul3A_112] : memref<320000xi32, #tpu.memory_space<hbm>> -> memref<128xi32, #tpu.memory_space<hbm>>
        %dma_start3A_116 = tpu.memref_slice %arg3[%mul3A_112] : memref<320000xi32, #tpu.memory_space<hbm>> -> memref<128xi32, #tpu.memory_space<hbm>>
        tpu.enqueue_dma source(%dma_start3A_116 : memref<128xi32, #tpu.memory_space<hbm>>) target(%arg7 : memref<128xi32, #tpu.memory_space<vmem>>) target_semaphore(%run_scoped3A : memref<!tpu.dma_semaphore, #tpu.memory_space<semaphore_mem>>)
        %dma_wait3A = tpu.memref_slice %arg3[%mul3A_112] : memref<320000xi32, #tpu.memory_space<hbm>> -> memref<128xi32, #tpu.memory_space<hbm>>
        %dma_wait3A_117 = tpu.memref_slice %arg3[%mul3A_112] : memref<320000xi32, #tpu.memory_space<hbm>> -> memref<128xi32, #tpu.memory_space<hbm>>
        tpu.wait_dma2 semaphore(%run_scoped3A : memref<!tpu.dma_semaphore, #tpu.memory_space<semaphore_mem>>) src(%dma_wait3A_117 : memref<128xi32, #tpu.memory_space<hbm>>) dst(%arg7 : memref<128xi32, #tpu.memory_space<vmem>>)
        tpu.yield
      }) : () -> ()
      %dma_start3A = arith.constant 0 : i32
      %dma_start3A_113 = arith.constant 0 : i32
      %dma_start3A_114 = tpu.memref_slice %arg4[%dma_start3A, %dma_start3A_113] : memref<10240x128xf32, #tpu.memory_space<hbm>> -> memref<10240x128xf32, #tpu.memory_space<hbm>>
      tpu.enqueue_indirect_dma source(%dma_start3A_114 : memref<10240x128xf32, #tpu.memory_space<hbm>>) target(%arg8 : memref<128x128xf32, #tpu.memory_space<vmem>>) offsets(%arg6 : memref<128xi32, #tpu.memory_space<vmem>>) semaphore(%arg13 : memref<!tpu.dma_semaphore, #tpu.memory_space<semaphore_mem>>)
    } else {
    }
    %gt3A_37 = arith.constant 1 : i32
    %gt3A_38 = arith.cmpi sgt, %add3A_34, %gt3A_37 : i32
    %convert_element_type3A_39 = arith.extui %gt3A_38 : i1 to i32
    %cond3A_40 = arith.constant 0 : i32
    %cond3A_41 = arith.cmpi ne, %convert_element_type3A_39, %cond3A_40 : i32
    scf.if %cond3A_41 {
      %add3A_109 = arith.constant 1 : i32
      %add3A_110 = arith.addi %add3A_30, %add3A_109 : i32
      %mul3A_111 = arith.constant 128 : i32
      %mul3A_112 = arith.muli %add3A_110, %mul3A_111 : i32
      "tpu.region"() ({
        %run_scoped3A = tpu.sem_alloc : memref<!tpu.dma_semaphore, #tpu.memory_space<semaphore_mem>>
        %dma_start3A_115 = tpu.memref_slice %arg2[%mul3A_112] : memref<320000xi32, #tpu.memory_space<hbm>> -> memref<128xi32, #tpu.memory_space<hbm>>
        %dma_start3A_116 = tpu.memref_slice %arg2[%mul3A_112] : memref<320000xi32, #tpu.memory_space<hbm>> -> memref<128xi32, #tpu.memory_space<hbm>>
        tpu.enqueue_dma source(%dma_start3A_116 : memref<128xi32, #tpu.memory_space<hbm>>) target(%arg9 : memref<128xi32, #tpu.memory_space<vmem>>) target_semaphore(%run_scoped3A : memref<!tpu.dma_semaphore, #tpu.memory_space<semaphore_mem>>)
        %dma_wait3A = tpu.memref_slice %arg2[%mul3A_112] : memref<320000xi32, #tpu.memory_space<hbm>> -> memref<128xi32, #tpu.memory_space<hbm>>
        %dma_wait3A_117 = tpu.memref_slice %arg2[%mul3A_112] : memref<320000xi32, #tpu.memory_space<hbm>> -> memref<128xi32, #tpu.memory_space<hbm>>
        tpu.wait_dma2 semaphore(%run_scoped3A : memref<!tpu.dma_semaphore, #tpu.memory_space<semaphore_mem>>) src(%dma_wait3A_117 : memref<128xi32, #tpu.memory_space<hbm>>) dst(%arg9 : memref<128xi32, #tpu.memory_space<vmem>>)
        tpu.yield
      }) : () -> ()
      "tpu.region"() ({
        %run_scoped3A = tpu.sem_alloc : memref<!tpu.dma_semaphore, #tpu.memory_space<semaphore_mem>>
        %dma_start3A_115 = tpu.memref_slice %arg3[%mul3A_112] : memref<320000xi32, #tpu.memory_space<hbm>> -> memref<128xi32, #tpu.memory_space<hbm>>
        %dma_start3A_116 = tpu.memref_slice %arg3[%mul3A_112] : memref<320000xi32, #tpu.memory_space<hbm>> -> memref<128xi32, #tpu.memory_space<hbm>>
        tpu.enqueue_dma source(%dma_start3A_116 : memref<128xi32, #tpu.memory_space<hbm>>) target(%arg10 : memref<128xi32, #tpu.memory_space<vmem>>) target_semaphore(%run_scoped3A : memref<!tpu.dma_semaphore, #tpu.memory_space<semaphore_mem>>)
        %dma_wait3A = tpu.memref_slice %arg3[%mul3A_112] : memref<320000xi32, #tpu.memory_space<hbm>> -> memref<128xi32, #tpu.memory_space<hbm>>
        %dma_wait3A_117 = tpu.memref_slice %arg3[%mul3A_112] : memref<320000xi32, #tpu.memory_space<hbm>> -> memref<128xi32, #tpu.memory_space<hbm>>
        tpu.wait_dma2 semaphore(%run_scoped3A : memref<!tpu.dma_semaphore, #tpu.memory_space<semaphore_mem>>) src(%dma_wait3A_117 : memref<128xi32, #tpu.memory_space<hbm>>) dst(%arg10 : memref<128xi32, #tpu.memory_space<vmem>>)
        tpu.yield
      }) : () -> ()
      %dma_start3A = arith.constant 0 : i32
      %dma_start3A_113 = arith.constant 0 : i32
      %dma_start3A_114 = tpu.memref_slice %arg4[%dma_start3A, %dma_start3A_113] : memref<10240x128xf32, #tpu.memory_space<hbm>> -> memref<10240x128xf32, #tpu.memory_space<hbm>>
      tpu.enqueue_indirect_dma source(%dma_start3A_114 : memref<10240x128xf32, #tpu.memory_space<hbm>>) target(%arg11 : memref<128x128xf32, #tpu.memory_space<vmem>>) offsets(%arg9 : memref<128xi32, #tpu.memory_space<vmem>>) semaphore(%arg14 : memref<!tpu.dma_semaphore, #tpu.memory_space<semaphore_mem>>)
    } else {
    }
    %add3A_42 = arith.constant 1 : i32
    %add3A_43 = arith.addi %add3A_34, %add3A_42 : i32
    %jit3A_44 = arith.constant 2 : i32
    %div3A = arith.divsi %add3A_43, %jit3A_44 : i32
    %sign3A = arith.constant 0 : i32
    %sign3A_45 = arith.cmpi sgt, %add3A_43, %sign3A : i32
    %sign3A_46 = arith.extui %sign3A_45 : i1 to i32
    %sign3A_47 = arith.constant 0 : i32
    %sign3A_48 = arith.cmpi slt, %add3A_43, %sign3A_47 : i32
    %sign3A_49 = arith.extui %sign3A_48 : i1 to i32
    %sign3A_50 = arith.subi %sign3A_46, %sign3A_49 : i32
    %sign3A_51 = arith.constant 0 : i32
    %sign3A_52 = arith.cmpi sgt, %jit3A_44, %sign3A_51 : i32
    %sign3A_53 = arith.extui %sign3A_52 : i1 to i32
    %sign3A_54 = arith.constant 0 : i32
    %sign3A_55 = arith.cmpi slt, %jit3A_44, %sign3A_54 : i32
    %sign3A_56 = arith.extui %sign3A_55 : i1 to i32
    %sign3A_57 = arith.subi %sign3A_53, %sign3A_56 : i32
    %ne3A = arith.cmpi ne, %sign3A_50, %sign3A_57 : i32
    %rem3A = arith.remsi %add3A_43, %jit3A_44 : i32
    %ne3A_58 = arith.constant 0 : i32
    %ne3A_59 = arith.cmpi ne, %rem3A, %ne3A_58 : i32
    %and3A = arith.andi %ne3A, %ne3A_59 : i1
    %sub3A = arith.constant 1 : i32
    %sub3A_60 = arith.subi %div3A, %sub3A : i32
    %select_n3A_61 = arith.select %and3A, %sub3A_60, %div3A : i32
    %while3A = arith.constant 0 : i32
    %while3A_62 = arith.constant 0 : i32
    %while3A_63 = arith.subi %select_n3A_61, %while3A : i32
    %while3A_64 = arith.addi %while3A, %while3A_63 : i32
    %while3A_65 = arith.constant 1 : i32
    %while3A_66 = arith.divsi %while3A_63, %while3A_65 : i32
    %while3A_67 = arith.muli %while3A_66, %while3A_65 : i32
    %while3A_68 = arith.addi %while3A, %while3A_67 : i32
    %while3A_69 = arith.constant 1 : i32
    %while3A_70 = scf.for %while3A_109 = %while3A to %while3A_68 step %while3A_69 iter_args(%while3A_110 = %while3A_62) -> (i32)  : i32 {
      %mul3A_111 = arith.constant 2 : i32
      %mul3A_112 = arith.muli %mul3A_111, %while3A_109 : i32
      %add3A_113 = arith.constant 0 : i32
      %add3A_114 = arith.addi %mul3A_112, %add3A_113 : i32
      %lt3A_115 = arith.cmpi slt, %add3A_114, %add3A_34 : i32
      %convert_element_type3A_116 = arith.extui %lt3A_115 : i1 to i32
      %cond3A_117 = arith.constant 0 : i32
      %cond3A_118 = arith.cmpi ne, %convert_element_type3A_116, %cond3A_117 : i32
      scf.if %cond3A_118 {
        %dma_wait3A = arith.constant 0 : i32
        %dma_wait3A_128 = arith.constant 0 : i32
        %dma_wait3A_129 = tpu.memref_slice %arg4[%dma_wait3A, %dma_wait3A_128] : memref<10240x128xf32, #tpu.memory_space<hbm>> -> memref<10240x128xf32, #tpu.memory_space<hbm>>
        tpu.wait_indirect_dma semaphore(%arg13 : memref<!tpu.dma_semaphore, #tpu.memory_space<semaphore_mem>>) src(%dma_wait3A_129 : memref<10240x128xf32, #tpu.memory_space<hbm>>) dst(%arg8 : memref<128x128xf32, #tpu.memory_space<vmem>>)
        "tpu.region"() ({
          %run_scoped3A = tpu.sem_alloc : memref<!tpu.dma_semaphore, #tpu.memory_space<semaphore_mem>>
          %dma_start3A = arith.constant 0 : i32
          %dma_start3A_136 = arith.constant 0 : i32
          %dma_start3A_137 = tpu.memref_slice %arg12[%dma_start3A, %dma_start3A_136] : memref<10240x128xf32, #tpu.memory_space<vmem_shared>> -> memref<10240x128xf32, #tpu.memory_space<vmem_shared>>
          tpu.enqueue_indirect_dma source(%arg8 : memref<128x128xf32, #tpu.memory_space<vmem>>) target(%dma_start3A_137 : memref<10240x128xf32, #tpu.memory_space<vmem_shared>>) offsets(%arg7 : memref<128xi32, #tpu.memory_space<vmem>>) semaphore(%run_scoped3A : memref<!tpu.dma_semaphore, #tpu.memory_space<semaphore_mem>>) {add = true}
          %dma_wait3A_138 = arith.constant 0 : i32
          %dma_wait3A_139 = arith.constant 0 : i32
          %dma_wait3A_140 = tpu.memref_slice %arg12[%dma_wait3A_138, %dma_wait3A_139] : memref<10240x128xf32, #tpu.memory_space<vmem_shared>> -> memref<10240x128xf32, #tpu.memory_space<vmem_shared>>
          tpu.wait_indirect_dma semaphore(%run_scoped3A : memref<!tpu.dma_semaphore, #tpu.memory_space<semaphore_mem>>) src(%arg8 : memref<128x128xf32, #tpu.memory_space<vmem>>) dst(%dma_wait3A_140 : memref<10240x128xf32, #tpu.memory_space<vmem_shared>>)
          tpu.yield
        }) : () -> ()
        %add3A_130 = arith.constant 2 : i32
        %add3A_131 = arith.addi %add3A_114, %add3A_130 : i32
        %lt3A_132 = arith.cmpi slt, %add3A_131, %add3A_34 : i32
        %convert_element_type3A_133 = arith.extui %lt3A_132 : i1 to i32
        %cond3A_134 = arith.constant 0 : i32
        %cond3A_135 = arith.cmpi ne, %convert_element_type3A_133, %cond3A_134 : i32
        scf.if %cond3A_135 {
          %add3A_136 = arith.constant 2 : i32
          %add3A_137 = arith.addi %add3A_114, %add3A_136 : i32
          %add3A_138 = arith.addi %add3A_30, %add3A_137 : i32
          %mul3A_139 = arith.constant 128 : i32
          %mul3A_140 = arith.muli %add3A_138, %mul3A_139 : i32
          "tpu.region"() ({
            %run_scoped3A = tpu.sem_alloc : memref<!tpu.dma_semaphore, #tpu.memory_space<semaphore_mem>>
            %dma_start3A_143 = tpu.memref_slice %arg2[%mul3A_140] : memref<320000xi32, #tpu.memory_space<hbm>> -> memref<128xi32, #tpu.memory_space<hbm>>
            %dma_start3A_144 = tpu.memref_slice %arg2[%mul3A_140] : memref<320000xi32, #tpu.memory_space<hbm>> -> memref<128xi32, #tpu.memory_space<hbm>>
            tpu.enqueue_dma source(%dma_start3A_144 : memref<128xi32, #tpu.memory_space<hbm>>) target(%arg6 : memref<128xi32, #tpu.memory_space<vmem>>) target_semaphore(%run_scoped3A : memref<!tpu.dma_semaphore, #tpu.memory_space<semaphore_mem>>)
            %dma_wait3A_145 = tpu.memref_slice %arg2[%mul3A_140] : memref<320000xi32, #tpu.memory_space<hbm>> -> memref<128xi32, #tpu.memory_space<hbm>>
            %dma_wait3A_146 = tpu.memref_slice %arg2[%mul3A_140] : memref<320000xi32, #tpu.memory_space<hbm>> -> memref<128xi32, #tpu.memory_space<hbm>>
            tpu.wait_dma2 semaphore(%run_scoped3A : memref<!tpu.dma_semaphore, #tpu.memory_space<semaphore_mem>>) src(%dma_wait3A_146 : memref<128xi32, #tpu.memory_space<hbm>>) dst(%arg6 : memref<128xi32, #tpu.memory_space<vmem>>)
            tpu.yield
          }) : () -> ()
          "tpu.region"() ({
            %run_scoped3A = tpu.sem_alloc : memref<!tpu.dma_semaphore, #tpu.memory_space<semaphore_mem>>
            %dma_start3A_143 = tpu.memref_slice %arg3[%mul3A_140] : memref<320000xi32, #tpu.memory_space<hbm>> -> memref<128xi32, #tpu.memory_space<hbm>>
            %dma_start3A_144 = tpu.memref_slice %arg3[%mul3A_140] : memref<320000xi32, #tpu.memory_space<hbm>> -> memref<128xi32, #tpu.memory_space<hbm>>
            tpu.enqueue_dma source(%dma_start3A_144 : memref<128xi32, #tpu.memory_space<hbm>>) target(%arg7 : memref<128xi32, #tpu.memory_space<vmem>>) target_semaphore(%run_scoped3A : memref<!tpu.dma_semaphore, #tpu.memory_space<semaphore_mem>>)
            %dma_wait3A_145 = tpu.memref_slice %arg3[%mul3A_140] : memref<320000xi32, #tpu.memory_space<hbm>> -> memref<128xi32, #tpu.memory_space<hbm>>
            %dma_wait3A_146 = tpu.memref_slice %arg3[%mul3A_140] : memref<320000xi32, #tpu.memory_space<hbm>> -> memref<128xi32, #tpu.memory_space<hbm>>
            tpu.wait_dma2 semaphore(%run_scoped3A : memref<!tpu.dma_semaphore, #tpu.memory_space<semaphore_mem>>) src(%dma_wait3A_146 : memref<128xi32, #tpu.memory_space<hbm>>) dst(%arg7 : memref<128xi32, #tpu.memory_space<vmem>>)
            tpu.yield
          }) : () -> ()
          %dma_start3A = arith.constant 0 : i32
          %dma_start3A_141 = arith.constant 0 : i32
          %dma_start3A_142 = tpu.memref_slice %arg4[%dma_start3A, %dma_start3A_141] : memref<10240x128xf32, #tpu.memory_space<hbm>> -> memref<10240x128xf32, #tpu.memory_space<hbm>>
          tpu.enqueue_indirect_dma source(%dma_start3A_142 : memref<10240x128xf32, #tpu.memory_space<hbm>>) target(%arg8 : memref<128x128xf32, #tpu.memory_space<vmem>>) offsets(%arg6 : memref<128xi32, #tpu.memory_space<vmem>>) semaphore(%arg13 : memref<!tpu.dma_semaphore, #tpu.memory_space<semaphore_mem>>)
        } else {
        }
      } else {
      }
      %mul3A_119 = arith.constant 2 : i32
      %mul3A_120 = arith.muli %mul3A_119, %while3A_109 : i32
      %add3A_121 = arith.constant 1 : i32
      %add3A_122 = arith.addi %mul3A_120, %add3A_121 : i32
      %lt3A_123 = arith.cmpi slt, %add3A_122, %add3A_34 : i32
      %convert_element_type3A_124 = arith.extui %lt3A_123 : i1 to i32
      %cond3A_125 = arith.constant 0 : i32
      %cond3A_126 = arith.cmpi ne, %convert_element_type3A_124, %cond3A_125 : i32
      scf.if %cond3A_126 {
        %dma_wait3A = arith.constant 0 : i32
        %dma_wait3A_128 = arith.constant 0 : i32
        %dma_wait3A_129 = tpu.memref_slice %arg4[%dma_wait3A, %dma_wait3A_128] : memref<10240x128xf32, #tpu.memory_space<hbm>> -> memref<10240x128xf32, #tpu.memory_space<hbm>>
        tpu.wait_indirect_dma semaphore(%arg14 : memref<!tpu.dma_semaphore, #tpu.memory_space<semaphore_mem>>) src(%dma_wait3A_129 : memref<10240x128xf32, #tpu.memory_space<hbm>>) dst(%arg11 : memref<128x128xf32, #tpu.memory_space<vmem>>)
        "tpu.region"() ({
          %run_scoped3A = tpu.sem_alloc : memref<!tpu.dma_semaphore, #tpu.memory_space<semaphore_mem>>
          %dma_start3A = arith.constant 0 : i32
          %dma_start3A_136 = arith.constant 0 : i32
          %dma_start3A_137 = tpu.memref_slice %arg12[%dma_start3A, %dma_start3A_136] : memref<10240x128xf32, #tpu.memory_space<vmem_shared>> -> memref<10240x128xf32, #tpu.memory_space<vmem_shared>>
          tpu.enqueue_indirect_dma source(%arg11 : memref<128x128xf32, #tpu.memory_space<vmem>>) target(%dma_start3A_137 : memref<10240x128xf32, #tpu.memory_space<vmem_shared>>) offsets(%arg10 : memref<128xi32, #tpu.memory_space<vmem>>) semaphore(%run_scoped3A : memref<!tpu.dma_semaphore, #tpu.memory_space<semaphore_mem>>) {add = true}
          %dma_wait3A_138 = arith.constant 0 : i32
          %dma_wait3A_139 = arith.constant 0 : i32
          %dma_wait3A_140 = tpu.memref_slice %arg12[%dma_wait3A_138, %dma_wait3A_139] : memref<10240x128xf32, #tpu.memory_space<vmem_shared>> -> memref<10240x128xf32, #tpu.memory_space<vmem_shared>>
          tpu.wait_indirect_dma semaphore(%run_scoped3A : memref<!tpu.dma_semaphore, #tpu.memory_space<semaphore_mem>>) src(%arg11 : memref<128x128xf32, #tpu.memory_space<vmem>>) dst(%dma_wait3A_140 : memref<10240x128xf32, #tpu.memory_space<vmem_shared>>)
          tpu.yield
        }) : () -> ()
        %add3A_130 = arith.constant 2 : i32
        %add3A_131 = arith.addi %add3A_122, %add3A_130 : i32
        %lt3A_132 = arith.cmpi slt, %add3A_131, %add3A_34 : i32
        %convert_element_type3A_133 = arith.extui %lt3A_132 : i1 to i32
        %cond3A_134 = arith.constant 0 : i32
        %cond3A_135 = arith.cmpi ne, %convert_element_type3A_133, %cond3A_134 : i32
        scf.if %cond3A_135 {
          %add3A_136 = arith.constant 2 : i32
          %add3A_137 = arith.addi %add3A_122, %add3A_136 : i32
          %add3A_138 = arith.addi %add3A_30, %add3A_137 : i32
          %mul3A_139 = arith.constant 128 : i32
          %mul3A_140 = arith.muli %add3A_138, %mul3A_139 : i32
          "tpu.region"() ({
            %run_scoped3A = tpu.sem_alloc : memref<!tpu.dma_semaphore, #tpu.memory_space<semaphore_mem>>
            %dma_start3A_143 = tpu.memref_slice %arg2[%mul3A_140] : memref<320000xi32, #tpu.memory_space<hbm>> -> memref<128xi32, #tpu.memory_space<hbm>>
            %dma_start3A_144 = tpu.memref_slice %arg2[%mul3A_140] : memref<320000xi32, #tpu.memory_space<hbm>> -> memref<128xi32, #tpu.memory_space<hbm>>
            tpu.enqueue_dma source(%dma_start3A_144 : memref<128xi32, #tpu.memory_space<hbm>>) target(%arg9 : memref<128xi32, #tpu.memory_space<vmem>>) target_semaphore(%run_scoped3A : memref<!tpu.dma_semaphore, #tpu.memory_space<semaphore_mem>>)
            %dma_wait3A_145 = tpu.memref_slice %arg2[%mul3A_140] : memref<320000xi32, #tpu.memory_space<hbm>> -> memref<128xi32, #tpu.memory_space<hbm>>
            %dma_wait3A_146 = tpu.memref_slice %arg2[%mul3A_140] : memref<320000xi32, #tpu.memory_space<hbm>> -> memref<128xi32, #tpu.memory_space<hbm>>
            tpu.wait_dma2 semaphore(%run_scoped3A : memref<!tpu.dma_semaphore, #tpu.memory_space<semaphore_mem>>) src(%dma_wait3A_146 : memref<128xi32, #tpu.memory_space<hbm>>) dst(%arg9 : memref<128xi32, #tpu.memory_space<vmem>>)
            tpu.yield
          }) : () -> ()
          "tpu.region"() ({
            %run_scoped3A = tpu.sem_alloc : memref<!tpu.dma_semaphore, #tpu.memory_space<semaphore_mem>>
            %dma_start3A_143 = tpu.memref_slice %arg3[%mul3A_140] : memref<320000xi32, #tpu.memory_space<hbm>> -> memref<128xi32, #tpu.memory_space<hbm>>
            %dma_start3A_144 = tpu.memref_slice %arg3[%mul3A_140] : memref<320000xi32, #tpu.memory_space<hbm>> -> memref<128xi32, #tpu.memory_space<hbm>>
            tpu.enqueue_dma source(%dma_start3A_144 : memref<128xi32, #tpu.memory_space<hbm>>) target(%arg10 : memref<128xi32, #tpu.memory_space<vmem>>) target_semaphore(%run_scoped3A : memref<!tpu.dma_semaphore, #tpu.memory_space<semaphore_mem>>)
            %dma_wait3A_145 = tpu.memref_slice %arg3[%mul3A_140] : memref<320000xi32, #tpu.memory_space<hbm>> -> memref<128xi32, #tpu.memory_space<hbm>>
            %dma_wait3A_146 = tpu.memref_slice %arg3[%mul3A_140] : memref<320000xi32, #tpu.memory_space<hbm>> -> memref<128xi32, #tpu.memory_space<hbm>>
            tpu.wait_dma2 semaphore(%run_scoped3A : memref<!tpu.dma_semaphore, #tpu.memory_space<semaphore_mem>>) src(%dma_wait3A_146 : memref<128xi32, #tpu.memory_space<hbm>>) dst(%arg10 : memref<128xi32, #tpu.memory_space<vmem>>)
            tpu.yield
          }) : () -> ()
          %dma_start3A = arith.constant 0 : i32
          %dma_start3A_141 = arith.constant 0 : i32
          %dma_start3A_142 = tpu.memref_slice %arg4[%dma_start3A, %dma_start3A_141] : memref<10240x128xf32, #tpu.memory_space<hbm>> -> memref<10240x128xf32, #tpu.memory_space<hbm>>
          tpu.enqueue_indirect_dma source(%dma_start3A_142 : memref<10240x128xf32, #tpu.memory_space<hbm>>) target(%arg11 : memref<128x128xf32, #tpu.memory_space<vmem>>) offsets(%arg9 : memref<128xi32, #tpu.memory_space<vmem>>) semaphore(%arg14 : memref<!tpu.dma_semaphore, #tpu.memory_space<semaphore_mem>>)
        } else {
        }
      } else {
      }
      %while3A_127 = arith.constant 0 : i32
      scf.yield %while3A_127 : i32
    }
    %while3A_71 = arith.constant 1 : i32
    %while3A_72 = scf.for %while3A_109 = %while3A_68 to %while3A_64 step %while3A_71 iter_args(%while3A_110 = %while3A_70) -> (i32)  : i32 {
      %mul3A_111 = arith.constant 2 : i32
      %mul3A_112 = arith.muli %mul3A_111, %while3A_109 : i32
      %add3A_113 = arith.constant 0 : i32
      %add3A_114 = arith.addi %mul3A_112, %add3A_113 : i32
      %lt3A_115 = arith.cmpi slt, %add3A_114, %add3A_34 : i32
      %convert_element_type3A_116 = arith.extui %lt3A_115 : i1 to i32
      %cond3A_117 = arith.constant 0 : i32
      %cond3A_118 = arith.cmpi ne, %convert_element_type3A_116, %cond3A_117 : i32
      scf.if %cond3A_118 {
        %dma_wait3A = arith.constant 0 : i32
        %dma_wait3A_128 = arith.constant 0 : i32
        %dma_wait3A_129 = tpu.memref_slice %arg4[%dma_wait3A, %dma_wait3A_128] : memref<10240x128xf32, #tpu.memory_space<hbm>> -> memref<10240x128xf32, #tpu.memory_space<hbm>>
        tpu.wait_indirect_dma semaphore(%arg13 : memref<!tpu.dma_semaphore, #tpu.memory_space<semaphore_mem>>) src(%dma_wait3A_129 : memref<10240x128xf32, #tpu.memory_space<hbm>>) dst(%arg8 : memref<128x128xf32, #tpu.memory_space<vmem>>)
        "tpu.region"() ({
          %run_scoped3A = tpu.sem_alloc : memref<!tpu.dma_semaphore, #tpu.memory_space<semaphore_mem>>
          %dma_start3A = arith.constant 0 : i32
          %dma_start3A_136 = arith.constant 0 : i32
          %dma_start3A_137 = tpu.memref_slice %arg12[%dma_start3A, %dma_start3A_136] : memref<10240x128xf32, #tpu.memory_space<vmem_shared>> -> memref<10240x128xf32, #tpu.memory_space<vmem_shared>>
          tpu.enqueue_indirect_dma source(%arg8 : memref<128x128xf32, #tpu.memory_space<vmem>>) target(%dma_start3A_137 : memref<10240x128xf32, #tpu.memory_space<vmem_shared>>) offsets(%arg7 : memref<128xi32, #tpu.memory_space<vmem>>) semaphore(%run_scoped3A : memref<!tpu.dma_semaphore, #tpu.memory_space<semaphore_mem>>) {add = true}
          %dma_wait3A_138 = arith.constant 0 : i32
          %dma_wait3A_139 = arith.constant 0 : i32
          %dma_wait3A_140 = tpu.memref_slice %arg12[%dma_wait3A_138, %dma_wait3A_139] : memref<10240x128xf32, #tpu.memory_space<vmem_shared>> -> memref<10240x128xf32, #tpu.memory_space<vmem_shared>>
          tpu.wait_indirect_dma semaphore(%run_scoped3A : memref<!tpu.dma_semaphore, #tpu.memory_space<semaphore_mem>>) src(%arg8 : memref<128x128xf32, #tpu.memory_space<vmem>>) dst(%dma_wait3A_140 : memref<10240x128xf32, #tpu.memory_space<vmem_shared>>)
          tpu.yield
        }) : () -> ()
        %add3A_130 = arith.constant 2 : i32
        %add3A_131 = arith.addi %add3A_114, %add3A_130 : i32
        %lt3A_132 = arith.cmpi slt, %add3A_131, %add3A_34 : i32
        %convert_element_type3A_133 = arith.extui %lt3A_132 : i1 to i32
        %cond3A_134 = arith.constant 0 : i32
        %cond3A_135 = arith.cmpi ne, %convert_element_type3A_133, %cond3A_134 : i32
        scf.if %cond3A_135 {
          %add3A_136 = arith.constant 2 : i32
          %add3A_137 = arith.addi %add3A_114, %add3A_136 : i32
          %add3A_138 = arith.addi %add3A_30, %add3A_137 : i32
          %mul3A_139 = arith.constant 128 : i32
          %mul3A_140 = arith.muli %add3A_138, %mul3A_139 : i32
          "tpu.region"() ({
            %run_scoped3A = tpu.sem_alloc : memref<!tpu.dma_semaphore, #tpu.memory_space<semaphore_mem>>
            %dma_start3A_143 = tpu.memref_slice %arg2[%mul3A_140] : memref<320000xi32, #tpu.memory_space<hbm>> -> memref<128xi32, #tpu.memory_space<hbm>>
            %dma_start3A_144 = tpu.memref_slice %arg2[%mul3A_140] : memref<320000xi32, #tpu.memory_space<hbm>> -> memref<128xi32, #tpu.memory_space<hbm>>
            tpu.enqueue_dma source(%dma_start3A_144 : memref<128xi32, #tpu.memory_space<hbm>>) target(%arg6 : memref<128xi32, #tpu.memory_space<vmem>>) target_semaphore(%run_scoped3A : memref<!tpu.dma_semaphore, #tpu.memory_space<semaphore_mem>>)
            %dma_wait3A_145 = tpu.memref_slice %arg2[%mul3A_140] : memref<320000xi32, #tpu.memory_space<hbm>> -> memref<128xi32, #tpu.memory_space<hbm>>
            %dma_wait3A_146 = tpu.memref_slice %arg2[%mul3A_140] : memref<320000xi32, #tpu.memory_space<hbm>> -> memref<128xi32, #tpu.memory_space<hbm>>
            tpu.wait_dma2 semaphore(%run_scoped3A : memref<!tpu.dma_semaphore, #tpu.memory_space<semaphore_mem>>) src(%dma_wait3A_146 : memref<128xi32, #tpu.memory_space<hbm>>) dst(%arg6 : memref<128xi32, #tpu.memory_space<vmem>>)
            tpu.yield
          }) : () -> ()
          "tpu.region"() ({
            %run_scoped3A = tpu.sem_alloc : memref<!tpu.dma_semaphore, #tpu.memory_space<semaphore_mem>>
            %dma_start3A_143 = tpu.memref_slice %arg3[%mul3A_140] : memref<320000xi32, #tpu.memory_space<hbm>> -> memref<128xi32, #tpu.memory_space<hbm>>
            %dma_start3A_144 = tpu.memref_slice %arg3[%mul3A_140] : memref<320000xi32, #tpu.memory_space<hbm>> -> memref<128xi32, #tpu.memory_space<hbm>>
            tpu.enqueue_dma source(%dma_start3A_144 : memref<128xi32, #tpu.memory_space<hbm>>) target(%arg7 : memref<128xi32, #tpu.memory_space<vmem>>) target_semaphore(%run_scoped3A : memref<!tpu.dma_semaphore, #tpu.memory_space<semaphore_mem>>)
            %dma_wait3A_145 = tpu.memref_slice %arg3[%mul3A_140] : memref<320000xi32, #tpu.memory_space<hbm>> -> memref<128xi32, #tpu.memory_space<hbm>>
            %dma_wait3A_146 = tpu.memref_slice %arg3[%mul3A_140] : memref<320000xi32, #tpu.memory_space<hbm>> -> memref<128xi32, #tpu.memory_space<hbm>>
            tpu.wait_dma2 semaphore(%run_scoped3A : memref<!tpu.dma_semaphore, #tpu.memory_space<semaphore_mem>>) src(%dma_wait3A_146 : memref<128xi32, #tpu.memory_space<hbm>>) dst(%arg7 : memref<128xi32, #tpu.memory_space<vmem>>)
            tpu.yield
          }) : () -> ()
          %dma_start3A = arith.constant 0 : i32
          %dma_start3A_141 = arith.constant 0 : i32
          %dma_start3A_142 = tpu.memref_slice %arg4[%dma_start3A, %dma_start3A_141] : memref<10240x128xf32, #tpu.memory_space<hbm>> -> memref<10240x128xf32, #tpu.memory_space<hbm>>
          tpu.enqueue_indirect_dma source(%dma_start3A_142 : memref<10240x128xf32, #tpu.memory_space<hbm>>) target(%arg8 : memref<128x128xf32, #tpu.memory_space<vmem>>) offsets(%arg6 : memref<128xi32, #tpu.memory_space<vmem>>) semaphore(%arg13 : memref<!tpu.dma_semaphore, #tpu.memory_space<semaphore_mem>>)
        } else {
        }
      } else {
      }
      %mul3A_119 = arith.constant 2 : i32
      %mul3A_120 = arith.muli %mul3A_119, %while3A_109 : i32
      %add3A_121 = arith.constant 1 : i32
      %add3A_122 = arith.addi %mul3A_120, %add3A_121 : i32
      %lt3A_123 = arith.cmpi slt, %add3A_122, %add3A_34 : i32
      %convert_element_type3A_124 = arith.extui %lt3A_123 : i1 to i32
      %cond3A_125 = arith.constant 0 : i32
      %cond3A_126 = arith.cmpi ne, %convert_element_type3A_124, %cond3A_125 : i32
      scf.if %cond3A_126 {
        %dma_wait3A = arith.constant 0 : i32
        %dma_wait3A_128 = arith.constant 0 : i32
        %dma_wait3A_129 = tpu.memref_slice %arg4[%dma_wait3A, %dma_wait3A_128] : memref<10240x128xf32, #tpu.memory_space<hbm>> -> memref<10240x128xf32, #tpu.memory_space<hbm>>
        tpu.wait_indirect_dma semaphore(%arg14 : memref<!tpu.dma_semaphore, #tpu.memory_space<semaphore_mem>>) src(%dma_wait3A_129 : memref<10240x128xf32, #tpu.memory_space<hbm>>) dst(%arg11 : memref<128x128xf32, #tpu.memory_space<vmem>>)
        "tpu.region"() ({
          %run_scoped3A = tpu.sem_alloc : memref<!tpu.dma_semaphore, #tpu.memory_space<semaphore_mem>>
          %dma_start3A = arith.constant 0 : i32
          %dma_start3A_136 = arith.constant 0 : i32
          %dma_start3A_137 = tpu.memref_slice %arg12[%dma_start3A, %dma_start3A_136] : memref<10240x128xf32, #tpu.memory_space<vmem_shared>> -> memref<10240x128xf32, #tpu.memory_space<vmem_shared>>
          tpu.enqueue_indirect_dma source(%arg11 : memref<128x128xf32, #tpu.memory_space<vmem>>) target(%dma_start3A_137 : memref<10240x128xf32, #tpu.memory_space<vmem_shared>>) offsets(%arg10 : memref<128xi32, #tpu.memory_space<vmem>>) semaphore(%run_scoped3A : memref<!tpu.dma_semaphore, #tpu.memory_space<semaphore_mem>>) {add = true}
          %dma_wait3A_138 = arith.constant 0 : i32
          %dma_wait3A_139 = arith.constant 0 : i32
          %dma_wait3A_140 = tpu.memref_slice %arg12[%dma_wait3A_138, %dma_wait3A_139] : memref<10240x128xf32, #tpu.memory_space<vmem_shared>> -> memref<10240x128xf32, #tpu.memory_space<vmem_shared>>
          tpu.wait_indirect_dma semaphore(%run_scoped3A : memref<!tpu.dma_semaphore, #tpu.memory_space<semaphore_mem>>) src(%arg11 : memref<128x128xf32, #tpu.memory_space<vmem>>) dst(%dma_wait3A_140 : memref<10240x128xf32, #tpu.memory_space<vmem_shared>>)
          tpu.yield
        }) : () -> ()
        %add3A_130 = arith.constant 2 : i32
        %add3A_131 = arith.addi %add3A_122, %add3A_130 : i32
        %lt3A_132 = arith.cmpi slt, %add3A_131, %add3A_34 : i32
        %convert_element_type3A_133 = arith.extui %lt3A_132 : i1 to i32
        %cond3A_134 = arith.constant 0 : i32
        %cond3A_135 = arith.cmpi ne, %convert_element_type3A_133, %cond3A_134 : i32
        scf.if %cond3A_135 {
          %add3A_136 = arith.constant 2 : i32
          %add3A_137 = arith.addi %add3A_122, %add3A_136 : i32
          %add3A_138 = arith.addi %add3A_30, %add3A_137 : i32
          %mul3A_139 = arith.constant 128 : i32
          %mul3A_140 = arith.muli %add3A_138, %mul3A_139 : i32
          "tpu.region"() ({
            %run_scoped3A = tpu.sem_alloc : memref<!tpu.dma_semaphore, #tpu.memory_space<semaphore_mem>>
            %dma_start3A_143 = tpu.memref_slice %arg2[%mul3A_140] : memref<320000xi32, #tpu.memory_space<hbm>> -> memref<128xi32, #tpu.memory_space<hbm>>
            %dma_start3A_144 = tpu.memref_slice %arg2[%mul3A_140] : memref<320000xi32, #tpu.memory_space<hbm>> -> memref<128xi32, #tpu.memory_space<hbm>>
            tpu.enqueue_dma source(%dma_start3A_144 : memref<128xi32, #tpu.memory_space<hbm>>) target(%arg9 : memref<128xi32, #tpu.memory_space<vmem>>) target_semaphore(%run_scoped3A : memref<!tpu.dma_semaphore, #tpu.memory_space<semaphore_mem>>)
            %dma_wait3A_145 = tpu.memref_slice %arg2[%mul3A_140] : memref<320000xi32, #tpu.memory_space<hbm>> -> memref<128xi32, #tpu.memory_space<hbm>>
            %dma_wait3A_146 = tpu.memref_slice %arg2[%mul3A_140] : memref<320000xi32, #tpu.memory_space<hbm>> -> memref<128xi32, #tpu.memory_space<hbm>>
            tpu.wait_dma2 semaphore(%run_scoped3A : memref<!tpu.dma_semaphore, #tpu.memory_space<semaphore_mem>>) src(%dma_wait3A_146 : memref<128xi32, #tpu.memory_space<hbm>>) dst(%arg9 : memref<128xi32, #tpu.memory_space<vmem>>)
            tpu.yield
          }) : () -> ()
          "tpu.region"() ({
            %run_scoped3A = tpu.sem_alloc : memref<!tpu.dma_semaphore, #tpu.memory_space<semaphore_mem>>
            %dma_start3A_143 = tpu.memref_slice %arg3[%mul3A_140] : memref<320000xi32, #tpu.memory_space<hbm>> -> memref<128xi32, #tpu.memory_space<hbm>>
            %dma_start3A_144 = tpu.memref_slice %arg3[%mul3A_140] : memref<320000xi32, #tpu.memory_space<hbm>> -> memref<128xi32, #tpu.memory_space<hbm>>
            tpu.enqueue_dma source(%dma_start3A_144 : memref<128xi32, #tpu.memory_space<hbm>>) target(%arg10 : memref<128xi32, #tpu.memory_space<vmem>>) target_semaphore(%run_scoped3A : memref<!tpu.dma_semaphore, #tpu.memory_space<semaphore_mem>>)
            %dma_wait3A_145 = tpu.memref_slice %arg3[%mul3A_140] : memref<320000xi32, #tpu.memory_space<hbm>> -> memref<128xi32, #tpu.memory_space<hbm>>
            %dma_wait3A_146 = tpu.memref_slice %arg3[%mul3A_140] : memref<320000xi32, #tpu.memory_space<hbm>> -> memref<128xi32, #tpu.memory_space<hbm>>
            tpu.wait_dma2 semaphore(%run_scoped3A : memref<!tpu.dma_semaphore, #tpu.memory_space<semaphore_mem>>) src(%dma_wait3A_146 : memref<128xi32, #tpu.memory_space<hbm>>) dst(%arg10 : memref<128xi32, #tpu.memory_space<vmem>>)
            tpu.yield
          }) : () -> ()
          %dma_start3A = arith.constant 0 : i32
          %dma_start3A_141 = arith.constant 0 : i32
          %dma_start3A_142 = tpu.memref_slice %arg4[%dma_start3A, %dma_start3A_141] : memref<10240x128xf32, #tpu.memory_space<hbm>> -> memref<10240x128xf32, #tpu.memory_space<hbm>>
          tpu.enqueue_indirect_dma source(%dma_start3A_142 : memref<10240x128xf32, #tpu.memory_space<hbm>>) target(%arg11 : memref<128x128xf32, #tpu.memory_space<vmem>>) offsets(%arg9 : memref<128xi32, #tpu.memory_space<vmem>>) semaphore(%arg14 : memref<!tpu.dma_semaphore, #tpu.memory_space<semaphore_mem>>)
        } else {
        }
      } else {
      }
      %while3A_127 = arith.constant 0 : i32
      scf.yield %while3A_127 : i32
    }
    %barrier3A_73 = arith.constant 0 : index
    tpu.barrier barrier_id(%barrier3A_73)
    %mul3A_74 = arith.constant 640 : i32
    %mul3A_75 = arith.muli %arg1, %mul3A_74 : i32
    %add3A_76 = arith.constant 0 : i32
    %add3A_77 = arith.addi %mul3A_75, %add3A_76 : i32
    "tpu.region"() ({
      %run_scoped3A = tpu.sem_alloc : memref<!tpu.dma_semaphore, #tpu.memory_space<semaphore_mem>>
      %dma_start3A = arith.constant 0 : i32
      %dma_start3A_109 = tpu.memref_slice %arg12[%add3A_77, %dma_start3A] : memref<10240x128xf32, #tpu.memory_space<vmem_shared>> -> memref<128x128xf32, #tpu.memory_space<vmem_shared>>
      %dma_start3A_110 = arith.constant 0 : i32
      %dma_start3A_111 = tpu.memref_slice %arg12[%add3A_77, %dma_start3A_110] : memref<10240x128xf32, #tpu.memory_space<vmem_shared>> -> memref<128x128xf32, #tpu.memory_space<vmem_shared>>
      tpu.enqueue_dma source(%dma_start3A_111 : memref<128x128xf32, #tpu.memory_space<vmem_shared>>) target(%arg8 : memref<128x128xf32, #tpu.memory_space<vmem>>) target_semaphore(%run_scoped3A : memref<!tpu.dma_semaphore, #tpu.memory_space<semaphore_mem>>)
      %dma_wait3A = arith.constant 0 : i32
      %dma_wait3A_112 = tpu.memref_slice %arg12[%add3A_77, %dma_wait3A] : memref<10240x128xf32, #tpu.memory_space<vmem_shared>> -> memref<128x128xf32, #tpu.memory_space<vmem_shared>>
      %dma_wait3A_113 = arith.constant 0 : i32
      %dma_wait3A_114 = tpu.memref_slice %arg12[%add3A_77, %dma_wait3A_113] : memref<10240x128xf32, #tpu.memory_space<vmem_shared>> -> memref<128x128xf32, #tpu.memory_space<vmem_shared>>
      tpu.wait_dma2 semaphore(%run_scoped3A : memref<!tpu.dma_semaphore, #tpu.memory_space<semaphore_mem>>) src(%dma_wait3A_114 : memref<128x128xf32, #tpu.memory_space<vmem_shared>>) dst(%arg8 : memref<128x128xf32, #tpu.memory_space<vmem>>)
      tpu.yield
    }) : () -> ()
    %mul3A_78 = arith.constant 10240 : i32
    %mul3A_79 = arith.muli %arg0, %mul3A_78 : i32
    %add3A_80 = arith.addi %mul3A_79, %add3A_77 : i32
    "tpu.region"() ({
      %run_scoped3A = tpu.sem_alloc : memref<!tpu.dma_semaphore, #tpu.memory_space<semaphore_mem>>
      %dma_start3A = arith.constant 0 : i32
      %dma_start3A_109 = tpu.memref_slice %arg5[%add3A_80, %dma_start3A] : memref<20480x128xf32, #tpu.memory_space<hbm>> -> memref<128x128xf32, #tpu.memory_space<hbm>>
      %dma_start3A_110 = arith.constant 0 : i32
      %dma_start3A_111 = tpu.memref_slice %arg5[%add3A_80, %dma_start3A_110] : memref<20480x128xf32, #tpu.memory_space<hbm>> -> memref<128x128xf32, #tpu.memory_space<hbm>>
      tpu.enqueue_dma source(%arg8 : memref<128x128xf32, #tpu.memory_space<vmem>>) target(%dma_start3A_111 : memref<128x128xf32, #tpu.memory_space<hbm>>) target_semaphore(%run_scoped3A : memref<!tpu.dma_semaphore, #tpu.memory_space<semaphore_mem>>)
      %dma_wait3A = arith.constant 0 : i32
      %dma_wait3A_112 = tpu.memref_slice %arg5[%add3A_80, %dma_wait3A] : memref<20480x128xf32, #tpu.memory_space<hbm>> -> memref<128x128xf32, #tpu.memory_space<hbm>>
      %dma_wait3A_113 = arith.constant 0 : i32
      %dma_wait3A_114 = tpu.memref_slice %arg5[%add3A_80, %dma_wait3A_113] : memref<20480x128xf32, #tpu.memory_space<hbm>> -> memref<128x128xf32, #tpu.memory_space<hbm>>
      tpu.wait_dma2 semaphore(%run_scoped3A : memref<!tpu.dma_semaphore, #tpu.memory_space<semaphore_mem>>) src(%arg8 : memref<128x128xf32, #tpu.memory_space<vmem>>) dst(%dma_wait3A_114 : memref<128x128xf32, #tpu.memory_space<hbm>>)
      tpu.yield
    }) : () -> ()
    %mul3A_81 = arith.constant 640 : i32
    %mul3A_82 = arith.muli %arg1, %mul3A_81 : i32
    %add3A_83 = arith.constant 128 : i32
    %add3A_84 = arith.addi %mul3A_82, %add3A_83 : i32
    "tpu.region"() ({
      %run_scoped3A = tpu.sem_alloc : memref<!tpu.dma_semaphore, #tpu.memory_space<semaphore_mem>>
      %dma_start3A = arith.constant 0 : i32
      %dma_start3A_109 = tpu.memref_slice %arg12[%add3A_84, %dma_start3A] : memref<10240x128xf32, #tpu.memory_space<vmem_shared>> -> memref<128x128xf32, #tpu.memory_space<vmem_shared>>
      %dma_start3A_110 = arith.constant 0 : i32
      %dma_start3A_111 = tpu.memref_slice %arg12[%add3A_84, %dma_start3A_110] : memref<10240x128xf32, #tpu.memory_space<vmem_shared>> -> memref<128x128xf32, #tpu.memory_space<vmem_shared>>
      tpu.enqueue_dma source(%dma_start3A_111 : memref<128x128xf32, #tpu.memory_space<vmem_shared>>) target(%arg8 : memref<128x128xf32, #tpu.memory_space<vmem>>) target_semaphore(%run_scoped3A : memref<!tpu.dma_semaphore, #tpu.memory_space<semaphore_mem>>)
      %dma_wait3A = arith.constant 0 : i32
      %dma_wait3A_112 = tpu.memref_slice %arg12[%add3A_84, %dma_wait3A] : memref<10240x128xf32, #tpu.memory_space<vmem_shared>> -> memref<128x128xf32, #tpu.memory_space<vmem_shared>>
      %dma_wait3A_113 = arith.constant 0 : i32
      %dma_wait3A_114 = tpu.memref_slice %arg12[%add3A_84, %dma_wait3A_113] : memref<10240x128xf32, #tpu.memory_space<vmem_shared>> -> memref<128x128xf32, #tpu.memory_space<vmem_shared>>
      tpu.wait_dma2 semaphore(%run_scoped3A : memref<!tpu.dma_semaphore, #tpu.memory_space<semaphore_mem>>) src(%dma_wait3A_114 : memref<128x128xf32, #tpu.memory_space<vmem_shared>>) dst(%arg8 : memref<128x128xf32, #tpu.memory_space<vmem>>)
      tpu.yield
    }) : () -> ()
    %mul3A_85 = arith.constant 10240 : i32
    %mul3A_86 = arith.muli %arg0, %mul3A_85 : i32
    %add3A_87 = arith.addi %mul3A_86, %add3A_84 : i32
    "tpu.region"() ({
      %run_scoped3A = tpu.sem_alloc : memref<!tpu.dma_semaphore, #tpu.memory_space<semaphore_mem>>
      %dma_start3A = arith.constant 0 : i32
      %dma_start3A_109 = tpu.memref_slice %arg5[%add3A_87, %dma_start3A] : memref<20480x128xf32, #tpu.memory_space<hbm>> -> memref<128x128xf32, #tpu.memory_space<hbm>>
      %dma_start3A_110 = arith.constant 0 : i32
      %dma_start3A_111 = tpu.memref_slice %arg5[%add3A_87, %dma_start3A_110] : memref<20480x128xf32, #tpu.memory_space<hbm>> -> memref<128x128xf32, #tpu.memory_space<hbm>>
      tpu.enqueue_dma source(%arg8 : memref<128x128xf32, #tpu.memory_space<vmem>>) target(%dma_start3A_111 : memref<128x128xf32, #tpu.memory_space<hbm>>) target_semaphore(%run_scoped3A : memref<!tpu.dma_semaphore, #tpu.memory_space<semaphore_mem>>)
      %dma_wait3A = arith.constant 0 : i32
      %dma_wait3A_112 = tpu.memref_slice %arg5[%add3A_87, %dma_wait3A] : memref<20480x128xf32, #tpu.memory_space<hbm>> -> memref<128x128xf32, #tpu.memory_space<hbm>>
      %dma_wait3A_113 = arith.constant 0 : i32
      %dma_wait3A_114 = tpu.memref_slice %arg5[%add3A_87, %dma_wait3A_113] : memref<20480x128xf32, #tpu.memory_space<hbm>> -> memref<128x128xf32, #tpu.memory_space<hbm>>
      tpu.wait_dma2 semaphore(%run_scoped3A : memref<!tpu.dma_semaphore, #tpu.memory_space<semaphore_mem>>) src(%arg8 : memref<128x128xf32, #tpu.memory_space<vmem>>) dst(%dma_wait3A_114 : memref<128x128xf32, #tpu.memory_space<hbm>>)
      tpu.yield
    }) : () -> ()
    %mul3A_88 = arith.constant 640 : i32
    %mul3A_89 = arith.muli %arg1, %mul3A_88 : i32
    %add3A_90 = arith.constant 256 : i32
    %add3A_91 = arith.addi %mul3A_89, %add3A_90 : i32
    "tpu.region"() ({
      %run_scoped3A = tpu.sem_alloc : memref<!tpu.dma_semaphore, #tpu.memory_space<semaphore_mem>>
      %dma_start3A = arith.constant 0 : i32
      %dma_start3A_109 = tpu.memref_slice %arg12[%add3A_91, %dma_start3A] : memref<10240x128xf32, #tpu.memory_space<vmem_shared>> -> memref<128x128xf32, #tpu.memory_space<vmem_shared>>
      %dma_start3A_110 = arith.constant 0 : i32
      %dma_start3A_111 = tpu.memref_slice %arg12[%add3A_91, %dma_start3A_110] : memref<10240x128xf32, #tpu.memory_space<vmem_shared>> -> memref<128x128xf32, #tpu.memory_space<vmem_shared>>
      tpu.enqueue_dma source(%dma_start3A_111 : memref<128x128xf32, #tpu.memory_space<vmem_shared>>) target(%arg8 : memref<128x128xf32, #tpu.memory_space<vmem>>) target_semaphore(%run_scoped3A : memref<!tpu.dma_semaphore, #tpu.memory_space<semaphore_mem>>)
      %dma_wait3A = arith.constant 0 : i32
      %dma_wait3A_112 = tpu.memref_slice %arg12[%add3A_91, %dma_wait3A] : memref<10240x128xf32, #tpu.memory_space<vmem_shared>> -> memref<128x128xf32, #tpu.memory_space<vmem_shared>>
      %dma_wait3A_113 = arith.constant 0 : i32
      %dma_wait3A_114 = tpu.memref_slice %arg12[%add3A_91, %dma_wait3A_113] : memref<10240x128xf32, #tpu.memory_space<vmem_shared>> -> memref<128x128xf32, #tpu.memory_space<vmem_shared>>
      tpu.wait_dma2 semaphore(%run_scoped3A : memref<!tpu.dma_semaphore, #tpu.memory_space<semaphore_mem>>) src(%dma_wait3A_114 : memref<128x128xf32, #tpu.memory_space<vmem_shared>>) dst(%arg8 : memref<128x128xf32, #tpu.memory_space<vmem>>)
      tpu.yield
    }) : () -> ()
    %mul3A_92 = arith.constant 10240 : i32
    %mul3A_93 = arith.muli %arg0, %mul3A_92 : i32
    %add3A_94 = arith.addi %mul3A_93, %add3A_91 : i32
    "tpu.region"() ({
      %run_scoped3A = tpu.sem_alloc : memref<!tpu.dma_semaphore, #tpu.memory_space<semaphore_mem>>
      %dma_start3A = arith.constant 0 : i32
      %dma_start3A_109 = tpu.memref_slice %arg5[%add3A_94, %dma_start3A] : memref<20480x128xf32, #tpu.memory_space<hbm>> -> memref<128x128xf32, #tpu.memory_space<hbm>>
      %dma_start3A_110 = arith.constant 0 : i32
      %dma_start3A_111 = tpu.memref_slice %arg5[%add3A_94, %dma_start3A_110] : memref<20480x128xf32, #tpu.memory_space<hbm>> -> memref<128x128xf32, #tpu.memory_space<hbm>>
      tpu.enqueue_dma source(%arg8 : memref<128x128xf32, #tpu.memory_space<vmem>>) target(%dma_start3A_111 : memref<128x128xf32, #tpu.memory_space<hbm>>) target_semaphore(%run_scoped3A : memref<!tpu.dma_semaphore, #tpu.memory_space<semaphore_mem>>)
      %dma_wait3A = arith.constant 0 : i32
      %dma_wait3A_112 = tpu.memref_slice %arg5[%add3A_94, %dma_wait3A] : memref<20480x128xf32, #tpu.memory_space<hbm>> -> memref<128x128xf32, #tpu.memory_space<hbm>>
      %dma_wait3A_113 = arith.constant 0 : i32
      %dma_wait3A_114 = tpu.memref_slice %arg5[%add3A_94, %dma_wait3A_113] : memref<20480x128xf32, #tpu.memory_space<hbm>> -> memref<128x128xf32, #tpu.memory_space<hbm>>
      tpu.wait_dma2 semaphore(%run_scoped3A : memref<!tpu.dma_semaphore, #tpu.memory_space<semaphore_mem>>) src(%arg8 : memref<128x128xf32, #tpu.memory_space<vmem>>) dst(%dma_wait3A_114 : memref<128x128xf32, #tpu.memory_space<hbm>>)
      tpu.yield
    }) : () -> ()
    %mul3A_95 = arith.constant 640 : i32
    %mul3A_96 = arith.muli %arg1, %mul3A_95 : i32
    %add3A_97 = arith.constant 384 : i32
    %add3A_98 = arith.addi %mul3A_96, %add3A_97 : i32
    "tpu.region"() ({
      %run_scoped3A = tpu.sem_alloc : memref<!tpu.dma_semaphore, #tpu.memory_space<semaphore_mem>>
      %dma_start3A = arith.constant 0 : i32
      %dma_start3A_109 = tpu.memref_slice %arg12[%add3A_98, %dma_start3A] : memref<10240x128xf32, #tpu.memory_space<vmem_shared>> -> memref<128x128xf32, #tpu.memory_space<vmem_shared>>
      %dma_start3A_110 = arith.constant 0 : i32
      %dma_start3A_111 = tpu.memref_slice %arg12[%add3A_98, %dma_start3A_110] : memref<10240x128xf32, #tpu.memory_space<vmem_shared>> -> memref<128x128xf32, #tpu.memory_space<vmem_shared>>
      tpu.enqueue_dma source(%dma_start3A_111 : memref<128x128xf32, #tpu.memory_space<vmem_shared>>) target(%arg8 : memref<128x128xf32, #tpu.memory_space<vmem>>) target_semaphore(%run_scoped3A : memref<!tpu.dma_semaphore, #tpu.memory_space<semaphore_mem>>)
      %dma_wait3A = arith.constant 0 : i32
      %dma_wait3A_112 = tpu.memref_slice %arg12[%add3A_98, %dma_wait3A] : memref<10240x128xf32, #tpu.memory_space<vmem_shared>> -> memref<128x128xf32, #tpu.memory_space<vmem_shared>>
      %dma_wait3A_113 = arith.constant 0 : i32
      %dma_wait3A_114 = tpu.memref_slice %arg12[%add3A_98, %dma_wait3A_113] : memref<10240x128xf32, #tpu.memory_space<vmem_shared>> -> memref<128x128xf32, #tpu.memory_space<vmem_shared>>
      tpu.wait_dma2 semaphore(%run_scoped3A : memref<!tpu.dma_semaphore, #tpu.memory_space<semaphore_mem>>) src(%dma_wait3A_114 : memref<128x128xf32, #tpu.memory_space<vmem_shared>>) dst(%arg8 : memref<128x128xf32, #tpu.memory_space<vmem>>)
      tpu.yield
    }) : () -> ()
    %mul3A_99 = arith.constant 10240 : i32
    %mul3A_100 = arith.muli %arg0, %mul3A_99 : i32
    %add3A_101 = arith.addi %mul3A_100, %add3A_98 : i32
    "tpu.region"() ({
      %run_scoped3A = tpu.sem_alloc : memref<!tpu.dma_semaphore, #tpu.memory_space<semaphore_mem>>
      %dma_start3A = arith.constant 0 : i32
      %dma_start3A_109 = tpu.memref_slice %arg5[%add3A_101, %dma_start3A] : memref<20480x128xf32, #tpu.memory_space<hbm>> -> memref<128x128xf32, #tpu.memory_space<hbm>>
      %dma_start3A_110 = arith.constant 0 : i32
      %dma_start3A_111 = tpu.memref_slice %arg5[%add3A_101, %dma_start3A_110] : memref<20480x128xf32, #tpu.memory_space<hbm>> -> memref<128x128xf32, #tpu.memory_space<hbm>>
      tpu.enqueue_dma source(%arg8 : memref<128x128xf32, #tpu.memory_space<vmem>>) target(%dma_start3A_111 : memref<128x128xf32, #tpu.memory_space<hbm>>) target_semaphore(%run_scoped3A : memref<!tpu.dma_semaphore, #tpu.memory_space<semaphore_mem>>)
      %dma_wait3A = arith.constant 0 : i32
      %dma_wait3A_112 = tpu.memref_slice %arg5[%add3A_101, %dma_wait3A] : memref<20480x128xf32, #tpu.memory_space<hbm>> -> memref<128x128xf32, #tpu.memory_space<hbm>>
      %dma_wait3A_113 = arith.constant 0 : i32
      %dma_wait3A_114 = tpu.memref_slice %arg5[%add3A_101, %dma_wait3A_113] : memref<20480x128xf32, #tpu.memory_space<hbm>> -> memref<128x128xf32, #tpu.memory_space<hbm>>
      tpu.wait_dma2 semaphore(%run_scoped3A : memref<!tpu.dma_semaphore, #tpu.memory_space<semaphore_mem>>) src(%arg8 : memref<128x128xf32, #tpu.memory_space<vmem>>) dst(%dma_wait3A_114 : memref<128x128xf32, #tpu.memory_space<hbm>>)
      tpu.yield
    }) : () -> ()
    %mul3A_102 = arith.constant 640 : i32
    %mul3A_103 = arith.muli %arg1, %mul3A_102 : i32
    %add3A_104 = arith.constant 512 : i32
    %add3A_105 = arith.addi %mul3A_103, %add3A_104 : i32
    "tpu.region"() ({
      %run_scoped3A = tpu.sem_alloc : memref<!tpu.dma_semaphore, #tpu.memory_space<semaphore_mem>>
      %dma_start3A = arith.constant 0 : i32
      %dma_start3A_109 = tpu.memref_slice %arg12[%add3A_105, %dma_start3A] : memref<10240x128xf32, #tpu.memory_space<vmem_shared>> -> memref<128x128xf32, #tpu.memory_space<vmem_shared>>
      %dma_start3A_110 = arith.constant 0 : i32
      %dma_start3A_111 = tpu.memref_slice %arg12[%add3A_105, %dma_start3A_110] : memref<10240x128xf32, #tpu.memory_space<vmem_shared>> -> memref<128x128xf32, #tpu.memory_space<vmem_shared>>
      tpu.enqueue_dma source(%dma_start3A_111 : memref<128x128xf32, #tpu.memory_space<vmem_shared>>) target(%arg8 : memref<128x128xf32, #tpu.memory_space<vmem>>) target_semaphore(%run_scoped3A : memref<!tpu.dma_semaphore, #tpu.memory_space<semaphore_mem>>)
      %dma_wait3A = arith.constant 0 : i32
      %dma_wait3A_112 = tpu.memref_slice %arg12[%add3A_105, %dma_wait3A] : memref<10240x128xf32, #tpu.memory_space<vmem_shared>> -> memref<128x128xf32, #tpu.memory_space<vmem_shared>>
      %dma_wait3A_113 = arith.constant 0 : i32
      %dma_wait3A_114 = tpu.memref_slice %arg12[%add3A_105, %dma_wait3A_113] : memref<10240x128xf32, #tpu.memory_space<vmem_shared>> -> memref<128x128xf32, #tpu.memory_space<vmem_shared>>
      tpu.wait_dma2 semaphore(%run_scoped3A : memref<!tpu.dma_semaphore, #tpu.memory_space<semaphore_mem>>) src(%dma_wait3A_114 : memref<128x128xf32, #tpu.memory_space<vmem_shared>>) dst(%arg8 : memref<128x128xf32, #tpu.memory_space<vmem>>)
      tpu.yield
    }) : () -> ()
    %mul3A_106 = arith.constant 10240 : i32
    %mul3A_107 = arith.muli %arg0, %mul3A_106 : i32
    %add3A_108 = arith.addi %mul3A_107, %add3A_105 : i32
    "tpu.region"() ({
      %run_scoped3A = tpu.sem_alloc : memref<!tpu.dma_semaphore, #tpu.memory_space<semaphore_mem>>
      %dma_start3A = arith.constant 0 : i32
      %dma_start3A_109 = tpu.memref_slice %arg5[%add3A_108, %dma_start3A] : memref<20480x128xf32, #tpu.memory_space<hbm>> -> memref<128x128xf32, #tpu.memory_space<hbm>>
      %dma_start3A_110 = arith.constant 0 : i32
      %dma_start3A_111 = tpu.memref_slice %arg5[%add3A_108, %dma_start3A_110] : memref<20480x128xf32, #tpu.memory_space<hbm>> -> memref<128x128xf32, #tpu.memory_space<hbm>>
      tpu.enqueue_dma source(%arg8 : memref<128x128xf32, #tpu.memory_space<vmem>>) target(%dma_start3A_111 : memref<128x128xf32, #tpu.memory_space<hbm>>) target_semaphore(%run_scoped3A : memref<!tpu.dma_semaphore, #tpu.memory_space<semaphore_mem>>)
      %dma_wait3A = arith.constant 0 : i32
      %dma_wait3A_112 = tpu.memref_slice %arg5[%add3A_108, %dma_wait3A] : memref<20480x128xf32, #tpu.memory_space<hbm>> -> memref<128x128xf32, #tpu.memory_space<hbm>>
      %dma_wait3A_113 = arith.constant 0 : i32
      %dma_wait3A_114 = tpu.memref_slice %arg5[%add3A_108, %dma_wait3A_113] : memref<20480x128xf32, #tpu.memory_space<hbm>> -> memref<128x128xf32, #tpu.memory_space<hbm>>
      tpu.wait_dma2 semaphore(%run_scoped3A : memref<!tpu.dma_semaphore, #tpu.memory_space<semaphore_mem>>) src(%arg8 : memref<128x128xf32, #tpu.memory_space<vmem>>) dst(%dma_wait3A_114 : memref<128x128xf32, #tpu.memory_space<hbm>>)
      tpu.yield
    }) : () -> ()
    return
  }
}

module attributes {stable_mosaic.version = 14 : i64} {
  func.func @_mm1_body(%arg0: i32, %arg1: memref<1024x128xf32, #tpu.memory_space<vmem>>, %arg2: memref<128x128xf32, #tpu.memory_space<vmem>>, %arg3: memref<2x10240xf32, #tpu.memory_space<vmem>>, %arg4: memref<1024x128xf32, #tpu.memory_space<vmem>>, %arg5: memref<1x1024xf32, #tpu.memory_space<vmem>>) attributes {dimension_semantics = [#tpu.dimension_semantics<arbitrary>], iteration_bounds = array<i64: 10>, scalar_prefetch = 0 : i64, scratch_operands = 0 : i64, tpu.core_type = #tpu.core_type<tc>, window_params = [{transform_indices = @transform_0, window_bounds = array<i64: 1024, 128>}, {pipeline_mode = #tpu.pipeline_mode<synchronous>, transform_indices = @transform_1, window_bounds = array<i64: 128, 128>}, {pipeline_mode = #tpu.pipeline_mode<synchronous>, transform_indices = @transform_2, window_bounds = array<i64: 2, 10240>}, {transform_indices = @transform_3, window_bounds = array<i64: 1024, 128>}, {transform_indices = @transform_4, window_bounds = array<i64: 1, 1024>}]} {
    %mul3A = arith.constant 1024 : i32
    %mul3A_0 = arith.muli %arg0, %mul3A : i32
    %get3A = arith.constant 0 : index
    %get3A_1 = arith.index_cast %mul3A_0 : i32 to index
    %get3A_2 = vector.load %arg3[%get3A, %get3A_1] : memref<2x10240xf32, #tpu.memory_space<vmem>>, vector<1x1024xf32>
    %get3A_3 = vector.shape_cast %get3A_2 : vector<1x1024xf32> to vector<1024xf32>
    %mul3A_4 = arith.constant 1024 : i32
    %mul3A_5 = arith.muli %arg0, %mul3A_4 : i32
    %get3A_6 = arith.constant 1 : index
    %get3A_7 = arith.index_cast %mul3A_5 : i32 to index
    %get3A_8 = vector.load %arg3[%get3A_6, %get3A_7] : memref<2x10240xf32, #tpu.memory_space<vmem>>, vector<1x1024xf32>
    %get3A_9 = vector.shape_cast %get3A_8 : vector<1x1024xf32> to vector<1024xf32>
    %add3A = arith.addf %get3A_3, %get3A_9 : vector<1024xf32>
    %add3A_10 = arith.constant 1.000000e+00 : f32
    %add3A_11 = vector.broadcast %add3A_10 : f32 to vector<1024xf32>
    %add3A_12 = arith.addf %add3A, %add3A_11 : vector<1024xf32>
    %max3A = arith.constant 1.000000e+00 : f32
    %max3A_13 = vector.broadcast %max3A : f32 to vector<1024xf32>
    %max3A_14 = arith.maximumf %add3A_12, %max3A_13 : vector<1024xf32>
    %rsqrt3A = math.rsqrt %max3A_14 : vector<1024xf32>
    %get3A_15 = arith.constant 0 : index
    %get3A_16 = arith.constant 0 : index
    %get3A_17 = vector.load %arg1[%get3A_15, %get3A_16] : memref<1024x128xf32, #tpu.memory_space<vmem>>, vector<1024x128xf32>
    %get3A_18 = arith.constant 0 : index
    %get3A_19 = arith.constant 0 : index
    %get3A_20 = vector.load %arg2[%get3A_18, %get3A_19] : memref<128x128xf32, #tpu.memory_space<vmem>>, vector<128x128xf32>
    %dot_general3A = arith.constant dense<0.000000e+00> : vector<1024x128xf32>
    %dot_general3A_21 = tpu.matmul %get3A_17, %get3A_20, %dot_general3A {dimension_numbers = #tpu.dot_dimension_numbers<[1], [0], [0], [1], [0, 0, 1, 1], [], []>, transpose_lhs_hint = false} : vector<1024x128xf32>, vector<128x128xf32>, vector<1024x128xf32> -> vector<1024x128xf32>
    %broadcast_in_dim3A = vector.shape_cast %rsqrt3A : vector<1024xf32> to vector<1024x1xf32>
    %mul3A_22 = vector.broadcast %broadcast_in_dim3A : vector<1024x1xf32> to vector<1024x128xf32>
    %mul3A_23 = arith.mulf %dot_general3A_21, %mul3A_22 : vector<1024x128xf32>
    %swap3A = arith.constant 0 : index
    %swap3A_24 = arith.constant 0 : index
    %swap3A_25 = vector.load %arg4[%swap3A, %swap3A_24] : memref<1024x128xf32, #tpu.memory_space<vmem>>, vector<1024x128xf32>
    tpu.vector_store %arg4[%swap3A, %swap3A_24], %mul3A_23 {strides = array<i32>} : memref<1024x128xf32, #tpu.memory_space<vmem>>, vector<1024x128xf32>,
    %broadcast_in_dim3A_26 = vector.shape_cast %rsqrt3A : vector<1024xf32> to vector<1x1024xf32>
    %swap3A_27 = arith.constant 0 : index
    %swap3A_28 = arith.constant 0 : index
    %swap3A_29 = vector.load %arg5[%swap3A_27, %swap3A_28] : memref<1x1024xf32, #tpu.memory_space<vmem>>, vector<1x1024xf32>
    tpu.vector_store %arg5[%swap3A_27, %swap3A_28], %broadcast_in_dim3A_26 {strides = array<i32>} : memref<1x1024xf32, #tpu.memory_space<vmem>>, vector<1x1024xf32>,
    return
  }
  func.func @transform_0(%arg0: i32) -> (i32, i32) {
    %c0_i32 = arith.constant 0 : i32
    %c0_i32_0 = arith.constant 0 : i32
    return %arg0, %c0_i32 : i32, i32
  }
  func.func @transform_1(%arg0: i32) -> (i32, i32) {
    %c0_i32 = arith.constant 0 : i32
    %c0_i32_0 = arith.constant 0 : i32
    %c0_i32_1 = arith.constant 0 : i32
    return %c0_i32, %c0_i32_0 : i32, i32
  }
  func.func @transform_2(%arg0: i32) -> (i32, i32) {
    %c0_i32 = arith.constant 0 : i32
    %c0_i32_0 = arith.constant 0 : i32
    %c0_i32_1 = arith.constant 0 : i32
    return %c0_i32, %c0_i32_0 : i32, i32
  }
  func.func @transform_3(%arg0: i32) -> (i32, i32) {
    %c0_i32 = arith.constant 0 : i32
    %c0_i32_0 = arith.constant 0 : i32
    return %arg0, %c0_i32 : i32, i32
  }
  func.func @transform_4(%arg0: i32) -> (i32, i32) {
    %c0_i32 = arith.constant 0 : i32
    %c0_i32_0 = arith.constant 0 : i32
    return %c0_i32, %arg0 : i32, i32
  }
}

module attributes {stable_mosaic.version = 14 : i64} {
  func.func @_comb_body(%arg0: i32, %arg1: memref<1024x128xf32, #tpu.memory_space<vmem>>, %arg2: memref<1024x128xf32, #tpu.memory_space<vmem>>, %arg3: memref<1024x128xf32, #tpu.memory_space<vmem>>, %arg4: memref<1x128xf32, #tpu.memory_space<vmem>>, %arg5: memref<1x10240xf32, #tpu.memory_space<vmem>>, %arg6: memref<1024x128xf32, #tpu.memory_space<vmem>>, %arg7: memref<1x128xf32, #tpu.memory_space<vmem>>, %arg8: memref<1x128xf32, #tpu.memory_space<vmem>>) attributes {dimension_semantics = [#tpu.dimension_semantics<arbitrary>], iteration_bounds = array<i64: 10>, scalar_prefetch = 0 : i64, scratch_operands = 0 : i64, tpu.core_type = #tpu.core_type<tc>, window_params = [{transform_indices = @transform_0, window_bounds = array<i64: 1024, 128>}, {transform_indices = @transform_1, window_bounds = array<i64: 1024, 128>}, {transform_indices = @transform_2, window_bounds = array<i64: 1024, 128>}, {pipeline_mode = #tpu.pipeline_mode<synchronous>, transform_indices = @transform_3, window_bounds = array<i64: 1, 128>}, {pipeline_mode = #tpu.pipeline_mode<synchronous>, transform_indices = @transform_4, window_bounds = array<i64: 1, 10240>}, {transform_indices = @transform_5, window_bounds = array<i64: 1024, 128>}, {pipeline_mode = #tpu.pipeline_mode<synchronous>, transform_indices = @transform_6, window_bounds = array<i64: 1, 128>}, {pipeline_mode = #tpu.pipeline_mode<synchronous>, transform_indices = @transform_7, window_bounds = array<i64: 1, 128>}]} {
    %mul3A = arith.constant 1024 : i32
    %mul3A_0 = arith.muli %arg0, %mul3A : i32
    %get3A = arith.constant 0 : index
    %get3A_1 = arith.index_cast %mul3A_0 : i32 to index
    %get3A_2 = vector.load %arg5[%get3A, %get3A_1] : memref<1x10240xf32, #tpu.memory_space<vmem>>, vector<1x1024xf32>
    %get3A_3 = vector.shape_cast %get3A_2 : vector<1x1024xf32> to vector<1024xf32>
    %broadcast_in_dim3A = vector.shape_cast %get3A_3 : vector<1024xf32> to vector<1024x1xf32>
    %get3A_4 = arith.constant 0 : index
    %get3A_5 = arith.constant 0 : index
    %get3A_6 = vector.load %arg1[%get3A_4, %get3A_5] : memref<1024x128xf32, #tpu.memory_space<vmem>>, vector<1024x128xf32>
    %get3A_7 = arith.constant 0 : index
    %get3A_8 = arith.constant 0 : index
    %get3A_9 = vector.load %arg2[%get3A_7, %get3A_8] : memref<1024x128xf32, #tpu.memory_space<vmem>>, vector<1024x128xf32>
    %add3A = arith.addf %get3A_6, %get3A_9 : vector<1024x128xf32>
    %get3A_10 = arith.constant 0 : index
    %get3A_11 = arith.constant 0 : index
    %get3A_12 = vector.load %arg3[%get3A_10, %get3A_11] : memref<1024x128xf32, #tpu.memory_space<vmem>>, vector<1024x128xf32>
    %add3A_13 = arith.addf %add3A, %get3A_12 : vector<1024x128xf32>
    %mul3A_14 = vector.broadcast %broadcast_in_dim3A : vector<1024x1xf32> to vector<1024x128xf32>
    %mul3A_15 = arith.mulf %mul3A_14, %add3A_13 : vector<1024x128xf32>
    %get3A_16 = arith.constant 0 : index
    %get3A_17 = arith.constant 0 : index
    %get3A_18 = vector.load %arg4[%get3A_16, %get3A_17] : memref<1x128xf32, #tpu.memory_space<vmem>>, vector<1x128xf32>
    %add3A_19 = vector.broadcast %get3A_18 : vector<1x128xf32> to vector<1024x128xf32>
    %add3A_20 = arith.addf %mul3A_15, %add3A_19 : vector<1024x128xf32>
    %swap3A = arith.constant 0 : index
    %swap3A_21 = arith.constant 0 : index
    %swap3A_22 = vector.load %arg6[%swap3A, %swap3A_21] : memref<1024x128xf32, #tpu.memory_space<vmem>>, vector<1024x128xf32>
    tpu.vector_store %arg6[%swap3A, %swap3A_21], %add3A_20 {strides = array<i32>} : memref<1024x128xf32, #tpu.memory_space<vmem>>, vector<1024x128xf32>,
    %mul3A_23 = arith.constant 1024 : i32
    %mul3A_24 = arith.muli %arg0, %mul3A_23 : i32
    %iota3A = tpu.iota {dimensions = array<i32: 0>} : vector<1024x1xi32>
    %add3A_25 = vector.broadcast %mul3A_24 : i32 to vector<1024x1xi32>
    %add3A_26 = arith.addi %add3A_25, %iota3A : vector<1024x1xi32>
    %lt3A = arith.constant 10000 : i32
    %lt3A_27 = vector.broadcast %lt3A : i32 to vector<1024x1xi32>
    %lt3A_28 = arith.cmpi slt, %add3A_26, %lt3A_27 : vector<1024x1xi32>
    %jit3A = arith.constant 0.000000e+00 : f32
    %broadcast_in_dim3A_29 = vector.shape_cast %lt3A_28 : vector<1024x1xi1> to vector<1024x1xi1>
    %broadcast_in_dim3A_30 = vector.broadcast %broadcast_in_dim3A_29 : vector<1024x1xi1> to vector<1024x128xi1>
    %broadcast_in_dim3A_31 = vector.broadcast %jit3A : f32 to vector<1024x128xf32>
    %select_n3A = arith.select %broadcast_in_dim3A_30, %add3A_20, %broadcast_in_dim3A_31 : vector<1024x128xi1>, vector<1024x128xf32>
    %eq3A = arith.constant 0 : i32
    %eq3A_32 = arith.cmpi eq, %arg0, %eq3A : i32
    %convert_element_type3A = arith.extui %eq3A_32 : i1 to i32
    %cond3A = arith.constant 0 : i32
    %cond3A_33 = arith.cmpi ne, %convert_element_type3A, %cond3A : i32
    scf.if %cond3A_33 {
      %broadcast_in_dim3A_54 = arith.constant 0.000000e+00 : f32
      %broadcast_in_dim3A_55 = vector.broadcast %broadcast_in_dim3A_54 : f32 to vector<1x128xf32>
      %swap3A_56 = arith.constant 0 : index
      %swap3A_57 = arith.constant 0 : index
      %swap3A_58 = vector.load %arg7[%swap3A_56, %swap3A_57] : memref<1x128xf32, #tpu.memory_space<vmem>>, vector<1x128xf32>
      tpu.vector_store %arg7[%swap3A_56, %swap3A_57], %broadcast_in_dim3A_55 {strides = array<i32>} : memref<1x128xf32, #tpu.memory_space<vmem>>, vector<1x128xf32>,
      %broadcast_in_dim3A_59 = arith.constant 0.000000e+00 : f32
      %broadcast_in_dim3A_60 = vector.broadcast %broadcast_in_dim3A_59 : f32 to vector<1x128xf32>
      %swap3A_61 = arith.constant 0 : index
      %swap3A_62 = arith.constant 0 : index
      %swap3A_63 = vector.load %arg8[%swap3A_61, %swap3A_62] : memref<1x128xf32, #tpu.memory_space<vmem>>, vector<1x128xf32>
      tpu.vector_store %arg8[%swap3A_61, %swap3A_62], %broadcast_in_dim3A_60 {strides = array<i32>} : memref<1x128xf32, #tpu.memory_space<vmem>>, vector<1x128xf32>,
    } else {
    }
    %get3A_34 = arith.constant 0 : index
    %get3A_35 = arith.constant 0 : index
    %get3A_36 = vector.load %arg7[%get3A_34, %get3A_35] : memref<1x128xf32, #tpu.memory_space<vmem>>, vector<1x128xf32>
    %reduce_sum3A = arith.constant dense<0.000000e+00> : vector<128xf32>
    %reduce_sum3A_37 = vector.multi_reduction <add>, %select_n3A, %reduce_sum3A [0] : vector<1024x128xf32> to vector<128xf32>
    %broadcast_in_dim3A_38 = vector.shape_cast %reduce_sum3A_37 : vector<128xf32> to vector<1x128xf32>
    %add3A_39 = arith.addf %get3A_36, %broadcast_in_dim3A_38 : vector<1x128xf32>
    %swap3A_40 = arith.constant 0 : index
    %swap3A_41 = arith.constant 0 : index
    %swap3A_42 = vector.load %arg7[%swap3A_40, %swap3A_41] : memref<1x128xf32, #tpu.memory_space<vmem>>, vector<1x128xf32>
    tpu.vector_store %arg7[%swap3A_40, %swap3A_41], %add3A_39 {strides = array<i32>} : memref<1x128xf32, #tpu.memory_space<vmem>>, vector<1x128xf32>,
    %get3A_43 = arith.constant 0 : index
    %get3A_44 = arith.constant 0 : index
    %get3A_45 = vector.load %arg8[%get3A_43, %get3A_44] : memref<1x128xf32, #tpu.memory_space<vmem>>, vector<1x128xf32>
    %mul3A_46 = arith.mulf %select_n3A, %select_n3A : vector<1024x128xf32>
    %reduce_sum3A_47 = arith.constant dense<0.000000e+00> : vector<128xf32>
    %reduce_sum3A_48 = vector.multi_reduction <add>, %mul3A_46, %reduce_sum3A_47 [0] : vector<1024x128xf32> to vector<128xf32>
    %broadcast_in_dim3A_49 = vector.shape_cast %reduce_sum3A_48 : vector<128xf32> to vector<1x128xf32>
    %add3A_50 = arith.addf %get3A_45, %broadcast_in_dim3A_49 : vector<1x128xf32>
    %swap3A_51 = arith.constant 0 : index
    %swap3A_52 = arith.constant 0 : index
    %swap3A_53 = vector.load %arg8[%swap3A_51, %swap3A_52] : memref<1x128xf32, #tpu.memory_space<vmem>>, vector<1x128xf32>
    tpu.vector_store %arg8[%swap3A_51, %swap3A_52], %add3A_50 {strides = array<i32>} : memref<1x128xf32, #tpu.memory_space<vmem>>, vector<1x128xf32>,
    return
  }
  func.func @transform_0(%arg0: i32) -> (i32, i32) {
    %c0_i32 = arith.constant 0 : i32
    %c0_i32_0 = arith.constant 0 : i32
    return %arg0, %c0_i32 : i32, i32
  }
  func.func @transform_1(%arg0: i32) -> (i32, i32) {
    %add3A = arith.constant 10 : i32
    %add3A_0 = arith.addi %arg0, %add3A : i32
    %c0_i32 = arith.constant 0 : i32
    %c0_i32_1 = arith.constant 0 : i32
    return %add3A_0, %c0_i32 : i32, i32
  }
  func.func @transform_2(%arg0: i32) -> (i32, i32) {
    %c0_i32 = arith.constant 0 : i32
    %c0_i32_0 = arith.constant 0 : i32
    return %arg0, %c0_i32 : i32, i32
  }
  func.func @transform_3(%arg0: i32) -> (i32, i32) {
    %c0_i32 = arith.constant 0 : i32
    %c0_i32_0 = arith.constant 0 : i32
    %c0_i32_1 = arith.constant 0 : i32
    return %c0_i32, %c0_i32_0 : i32, i32
  }
  func.func @transform_4(%arg0: i32) -> (i32, i32) {
    %c0_i32 = arith.constant 0 : i32
    %c0_i32_0 = arith.constant 0 : i32
    %c0_i32_1 = arith.constant 0 : i32
    return %c0_i32, %c0_i32_0 : i32, i32
  }
  func.func @transform_5(%arg0: i32) -> (i32, i32) {
    %c0_i32 = arith.constant 0 : i32
    %c0_i32_0 = arith.constant 0 : i32
    return %arg0, %c0_i32 : i32, i32
  }
  func.func @transform_6(%arg0: i32) -> (i32, i32) {
    %c0_i32 = arith.constant 0 : i32
    %c0_i32_0 = arith.constant 0 : i32
    %c0_i32_1 = arith.constant 0 : i32
    return %c0_i32, %c0_i32_0 : i32, i32
  }
  func.func @transform_7(%arg0: i32) -> (i32, i32) {
    %c0_i32 = arith.constant 0 : i32
    %c0_i32_0 = arith.constant 0 : i32
    %c0_i32_1 = arith.constant 0 : i32
    return %c0_i32, %c0_i32_0 : i32, i32
  }
}

module attributes {stable_mosaic.version = 14 : i64} {
  func.func @_bn_mm_body(%arg0: i32, %arg1: memref<1024x128xf32, #tpu.memory_space<vmem>>, %arg2: memref<1x128xf32, #tpu.memory_space<vmem>>, %arg3: memref<1x128xf32, #tpu.memory_space<vmem>>, %arg4: memref<1x128xf32, #tpu.memory_space<vmem>>, %arg5: memref<1x128xf32, #tpu.memory_space<vmem>>, %arg6: memref<128x128xf32, #tpu.memory_space<vmem>>, %arg7: memref<1x10240xf32, #tpu.memory_space<vmem>>, %arg8: memref<1024x128xf32, #tpu.memory_space<vmem>>) attributes {dimension_semantics = [#tpu.dimension_semantics<arbitrary>], iteration_bounds = array<i64: 10>, scalar_prefetch = 0 : i64, scratch_operands = 0 : i64, tpu.core_type = #tpu.core_type<tc>, window_params = [{transform_indices = @transform_0, window_bounds = array<i64: 1024, 128>}, {pipeline_mode = #tpu.pipeline_mode<synchronous>, transform_indices = @transform_1, window_bounds = array<i64: 1, 128>}, {pipeline_mode = #tpu.pipeline_mode<synchronous>, transform_indices = @transform_2, window_bounds = array<i64: 1, 128>}, {pipeline_mode = #tpu.pipeline_mode<synchronous>, transform_indices = @transform_3, window_bounds = array<i64: 1, 128>}, {pipeline_mode = #tpu.pipeline_mode<synchronous>, transform_indices = @transform_4, window_bounds = array<i64: 1, 128>}, {pipeline_mode = #tpu.pipeline_mode<synchronous>, transform_indices = @transform_5, window_bounds = array<i64: 128, 128>}, {pipeline_mode = #tpu.pipeline_mode<synchronous>, transform_indices = @transform_6, window_bounds = array<i64: 1, 10240>}, {transform_indices = @transform_7, window_bounds = array<i64: 1024, 128>}]} {
    %get3A = arith.constant 0 : index
    %get3A_0 = arith.constant 0 : index
    %get3A_1 = vector.load %arg2[%get3A, %get3A_0] : memref<1x128xf32, #tpu.memory_space<vmem>>, vector<1x128xf32>
    %div3A = arith.constant 1.000000e+04 : f32
    %div3A_2 = vector.broadcast %div3A : f32 to vector<1x128xf32>
    %div3A_3 = arith.divf %get3A_1, %div3A_2 : vector<1x128xf32>
    %get3A_4 = arith.constant 0 : index
    %get3A_5 = arith.constant 0 : index
    %get3A_6 = vector.load %arg3[%get3A_4, %get3A_5] : memref<1x128xf32, #tpu.memory_space<vmem>>, vector<1x128xf32>
    %div3A_7 = arith.constant 1.000000e+04 : f32
    %div3A_8 = vector.broadcast %div3A_7 : f32 to vector<1x128xf32>
    %div3A_9 = arith.divf %get3A_6, %div3A_8 : vector<1x128xf32>
    %mul3A = arith.mulf %div3A_3, %div3A_3 : vector<1x128xf32>
    %sub3A = arith.subf %div3A_9, %mul3A : vector<1x128xf32>
    %add3A = arith.constant 9.99999974E-6 : f32
    %add3A_10 = vector.broadcast %add3A : f32 to vector<1x128xf32>
    %add3A_11 = arith.addf %sub3A, %add3A_10 : vector<1x128xf32>
    %rsqrt3A = math.rsqrt %add3A_11 : vector<1x128xf32>
    %get3A_12 = arith.constant 0 : index
    %get3A_13 = arith.constant 0 : index
    %get3A_14 = vector.load %arg1[%get3A_12, %get3A_13] : memref<1024x128xf32, #tpu.memory_space<vmem>>, vector<1024x128xf32>
    %sub3A_15 = vector.broadcast %div3A_3 : vector<1x128xf32> to vector<1024x128xf32>
    %sub3A_16 = arith.subf %get3A_14, %sub3A_15 : vector<1024x128xf32>
    %mul3A_17 = vector.broadcast %rsqrt3A : vector<1x128xf32> to vector<1024x128xf32>
    %mul3A_18 = arith.mulf %sub3A_16, %mul3A_17 : vector<1024x128xf32>
    %get3A_19 = arith.constant 0 : index
    %get3A_20 = arith.constant 0 : index
    %get3A_21 = vector.load %arg4[%get3A_19, %get3A_20] : memref<1x128xf32, #tpu.memory_space<vmem>>, vector<1x128xf32>
    %mul3A_22 = vector.broadcast %get3A_21 : vector<1x128xf32> to vector<1024x128xf32>
    %mul3A_23 = arith.mulf %mul3A_18, %mul3A_22 : vector<1024x128xf32>
    %get3A_24 = arith.constant 0 : index
    %get3A_25 = arith.constant 0 : index
    %get3A_26 = vector.load %arg5[%get3A_24, %get3A_25] : memref<1x128xf32, #tpu.memory_space<vmem>>, vector<1x128xf32>
    %add3A_27 = vector.broadcast %get3A_26 : vector<1x128xf32> to vector<1024x128xf32>
    %add3A_28 = arith.addf %mul3A_23, %add3A_27 : vector<1024x128xf32>
    %ge3A = arith.constant 0.000000e+00 : f32
    %ge3A_29 = vector.broadcast %ge3A : f32 to vector<1024x128xf32>
    %ge3A_30 = arith.cmpf oge, %add3A_28, %ge3A_29 : vector<1024x128xf32>
    %mul3A_31 = arith.constant 0.00999999977 : f32
    %mul3A_32 = vector.broadcast %mul3A_31 : f32 to vector<1024x128xf32>
    %mul3A_33 = arith.mulf %mul3A_32, %add3A_28 : vector<1024x128xf32>
    %select_n3A = arith.select %ge3A_30, %add3A_28, %mul3A_33 : vector<1024x128xi1>, vector<1024x128xf32>
    %get3A_34 = arith.constant 0 : index
    %get3A_35 = arith.constant 0 : index
    %get3A_36 = vector.load %arg6[%get3A_34, %get3A_35] : memref<128x128xf32, #tpu.memory_space<vmem>>, vector<128x128xf32>
    %dot_general3A = arith.constant dense<0.000000e+00> : vector<1024x128xf32>
    %dot_general3A_37 = tpu.matmul %select_n3A, %get3A_36, %dot_general3A {dimension_numbers = #tpu.dot_dimension_numbers<[1], [0], [0], [1], [0, 0, 1, 1], [], []>, transpose_lhs_hint = false} : vector<1024x128xf32>, vector<128x128xf32>, vector<1024x128xf32> -> vector<1024x128xf32>
    %mul3A_38 = arith.constant 1024 : i32
    %mul3A_39 = arith.muli %arg0, %mul3A_38 : i32
    %get3A_40 = arith.constant 0 : index
    %get3A_41 = arith.index_cast %mul3A_39 : i32 to index
    %get3A_42 = vector.load %arg7[%get3A_40, %get3A_41] : memref<1x10240xf32, #tpu.memory_space<vmem>>, vector<1x1024xf32>
    %get3A_43 = vector.shape_cast %get3A_42 : vector<1x1024xf32> to vector<1024xf32>
    %broadcast_in_dim3A = vector.shape_cast %get3A_43 : vector<1024xf32> to vector<1024x1xf32>
    %mul3A_44 = vector.broadcast %broadcast_in_dim3A : vector<1024x1xf32> to vector<1024x128xf32>
    %mul3A_45 = arith.mulf %dot_general3A_37, %mul3A_44 : vector<1024x128xf32>
    %swap3A = arith.constant 0 : index
    %swap3A_46 = arith.constant 0 : index
    %swap3A_47 = vector.load %arg8[%swap3A, %swap3A_46] : memref<1024x128xf32, #tpu.memory_space<vmem>>, vector<1024x128xf32>
    tpu.vector_store %arg8[%swap3A, %swap3A_46], %mul3A_45 {strides = array<i32>} : memref<1024x128xf32, #tpu.memory_space<vmem>>, vector<1024x128xf32>,
    return
  }
  func.func @transform_0(%arg0: i32) -> (i32, i32) {
    %c0_i32 = arith.constant 0 : i32
    %c0_i32_0 = arith.constant 0 : i32
    return %arg0, %c0_i32 : i32, i32
  }
  func.func @transform_1(%arg0: i32) -> (i32, i32) {
    %c0_i32 = arith.constant 0 : i32
    %c0_i32_0 = arith.constant 0 : i32
    %c0_i32_1 = arith.constant 0 : i32
    return %c0_i32, %c0_i32_0 : i32, i32
  }
  func.func @transform_2(%arg0: i32) -> (i32, i32) {
    %c0_i32 = arith.constant 0 : i32
    %c0_i32_0 = arith.constant 0 : i32
    %c0_i32_1 = arith.constant 0 : i32
    return %c0_i32, %c0_i32_0 : i32, i32
  }
  func.func @transform_3(%arg0: i32) -> (i32, i32) {
    %c0_i32 = arith.constant 0 : i32
    %c0_i32_0 = arith.constant 0 : i32
    %c0_i32_1 = arith.constant 0 : i32
    return %c0_i32, %c0_i32_0 : i32, i32
  }
  func.func @transform_4(%arg0: i32) -> (i32, i32) {
    %c0_i32 = arith.constant 0 : i32
    %c0_i32_0 = arith.constant 0 : i32
    %c0_i32_1 = arith.constant 0 : i32
    return %c0_i32, %c0_i32_0 : i32, i32
  }
  func.func @transform_5(%arg0: i32) -> (i32, i32) {
    %c0_i32 = arith.constant 0 : i32
    %c0_i32_0 = arith.constant 0 : i32
    %c0_i32_1 = arith.constant 0 : i32
    return %c0_i32, %c0_i32_0 : i32, i32
  }
  func.func @transform_6(%arg0: i32) -> (i32, i32) {
    %c0_i32 = arith.constant 0 : i32
    %c0_i32_0 = arith.constant 0 : i32
    %c0_i32_1 = arith.constant 0 : i32
    return %c0_i32, %c0_i32_0 : i32, i32
  }
  func.func @transform_7(%arg0: i32) -> (i32, i32) {
    %c0_i32 = arith.constant 0 : i32
    %c0_i32_0 = arith.constant 0 : i32
    return %arg0, %c0_i32 : i32, i32
  }
}

module attributes {stable_mosaic.version = 14 : i64} {
  func.func @_pool_body(%arg0: i32, %arg1: memref<1024x128xf32, #tpu.memory_space<vmem>>, %arg2: memref<1x128xf32, #tpu.memory_space<vmem>>, %arg3: memref<1x128xf32, #tpu.memory_space<vmem>>, %arg4: memref<1x128xf32, #tpu.memory_space<vmem>>, %arg5: memref<1x128xf32, #tpu.memory_space<vmem>>, %arg6: memref<1x10240xi32, #tpu.memory_space<vmem>>, %arg7: memref<128x1xf32, #tpu.memory_space<vmem>>, %arg8: memref<1x1xf32, #tpu.memory_space<vmem>>, %arg9: memref<16x128xf32, #tpu.memory_space<vmem>>, %arg10: memref<16x128xf32, #tpu.memory_space<vmem>>, %arg11: memref<16x128xf32, #tpu.memory_space<vmem>>) attributes {dimension_semantics = [#tpu.dimension_semantics<arbitrary>], iteration_bounds = array<i64: 10>, scalar_prefetch = 0 : i64, scratch_operands = 0 : i64, tpu.core_type = #tpu.core_type<tc>, window_params = [{transform_indices = @transform_0, window_bounds = array<i64: 1024, 128>}, {pipeline_mode = #tpu.pipeline_mode<synchronous>, transform_indices = @transform_1, window_bounds = array<i64: 1, 128>}, {pipeline_mode = #tpu.pipeline_mode<synchronous>, transform_indices = @transform_2, window_bounds = array<i64: 1, 128>}, {pipeline_mode = #tpu.pipeline_mode<synchronous>, transform_indices = @transform_3, window_bounds = array<i64: 1, 128>}, {pipeline_mode = #tpu.pipeline_mode<synchronous>, transform_indices = @transform_4, window_bounds = array<i64: 1, 128>}, {pipeline_mode = #tpu.pipeline_mode<synchronous>, transform_indices = @transform_5, window_bounds = array<i64: 1, 10240>}, {pipeline_mode = #tpu.pipeline_mode<synchronous>, transform_indices = @transform_6, window_bounds = array<i64: 128, 1>}, {pipeline_mode = #tpu.pipeline_mode<synchronous>, transform_indices = @transform_7, window_bounds = array<i64: 1, 1>}, {pipeline_mode = #tpu.pipeline_mode<synchronous>, transform_indices = @transform_8, window_bounds = array<i64: 16, 128>}, {pipeline_mode = #tpu.pipeline_mode<synchronous>, transform_indices = @transform_9, window_bounds = array<i64: 16, 128>}, {pipeline_mode = #tpu.pipeline_mode<synchronous>, transform_indices = @transform_10, window_bounds = array<i64: 16, 128>}]} {
    %get3A = arith.constant 0 : index
    %get3A_0 = arith.constant 0 : index
    %get3A_1 = vector.load %arg2[%get3A, %get3A_0] : memref<1x128xf32, #tpu.memory_space<vmem>>, vector<1x128xf32>
    %div3A = arith.constant 1.000000e+04 : f32
    %div3A_2 = vector.broadcast %div3A : f32 to vector<1x128xf32>
    %div3A_3 = arith.divf %get3A_1, %div3A_2 : vector<1x128xf32>
    %get3A_4 = arith.constant 0 : index
    %get3A_5 = arith.constant 0 : index
    %get3A_6 = vector.load %arg3[%get3A_4, %get3A_5] : memref<1x128xf32, #tpu.memory_space<vmem>>, vector<1x128xf32>
    %div3A_7 = arith.constant 1.000000e+04 : f32
    %div3A_8 = vector.broadcast %div3A_7 : f32 to vector<1x128xf32>
    %div3A_9 = arith.divf %get3A_6, %div3A_8 : vector<1x128xf32>
    %mul3A = arith.mulf %div3A_3, %div3A_3 : vector<1x128xf32>
    %sub3A = arith.subf %div3A_9, %mul3A : vector<1x128xf32>
    %add3A = arith.constant 9.99999974E-6 : f32
    %add3A_10 = vector.broadcast %add3A : f32 to vector<1x128xf32>
    %add3A_11 = arith.addf %sub3A, %add3A_10 : vector<1x128xf32>
    %rsqrt3A = math.rsqrt %add3A_11 : vector<1x128xf32>
    %get3A_12 = arith.constant 0 : index
    %get3A_13 = arith.constant 0 : index
    %get3A_14 = vector.load %arg1[%get3A_12, %get3A_13] : memref<1024x128xf32, #tpu.memory_space<vmem>>, vector<1024x128xf32>
    %sub3A_15 = vector.broadcast %div3A_3 : vector<1x128xf32> to vector<1024x128xf32>
    %sub3A_16 = arith.subf %get3A_14, %sub3A_15 : vector<1024x128xf32>
    %mul3A_17 = vector.broadcast %rsqrt3A : vector<1x128xf32> to vector<1024x128xf32>
    %mul3A_18 = arith.mulf %sub3A_16, %mul3A_17 : vector<1024x128xf32>
    %get3A_19 = arith.constant 0 : index
    %get3A_20 = arith.constant 0 : index
    %get3A_21 = vector.load %arg4[%get3A_19, %get3A_20] : memref<1x128xf32, #tpu.memory_space<vmem>>, vector<1x128xf32>
    %mul3A_22 = vector.broadcast %get3A_21 : vector<1x128xf32> to vector<1024x128xf32>
    %mul3A_23 = arith.mulf %mul3A_18, %mul3A_22 : vector<1024x128xf32>
    %get3A_24 = arith.constant 0 : index
    %get3A_25 = arith.constant 0 : index
    %get3A_26 = vector.load %arg5[%get3A_24, %get3A_25] : memref<1x128xf32, #tpu.memory_space<vmem>>, vector<1x128xf32>
    %add3A_27 = vector.broadcast %get3A_26 : vector<1x128xf32> to vector<1024x128xf32>
    %add3A_28 = arith.addf %mul3A_23, %add3A_27 : vector<1024x128xf32>
    %ge3A = arith.constant 0.000000e+00 : f32
    %ge3A_29 = vector.broadcast %ge3A : f32 to vector<1024x128xf32>
    %ge3A_30 = arith.cmpf oge, %add3A_28, %ge3A_29 : vector<1024x128xf32>
    %mul3A_31 = arith.constant 0.00999999977 : f32
    %mul3A_32 = vector.broadcast %mul3A_31 : f32 to vector<1024x128xf32>
    %mul3A_33 = arith.mulf %mul3A_32, %add3A_28 : vector<1024x128xf32>
    %select_n3A = arith.select %ge3A_30, %add3A_28, %mul3A_33 : vector<1024x128xi1>, vector<1024x128xf32>
    %mul3A_34 = arith.constant 1024 : i32
    %mul3A_35 = arith.muli %arg0, %mul3A_34 : i32
    %get3A_36 = arith.constant 0 : index
    %get3A_37 = arith.index_cast %mul3A_35 : i32 to index
    %get3A_38 = vector.load %arg6[%get3A_36, %get3A_37] : memref<1x10240xi32, #tpu.memory_space<vmem>>, vector<1x1024xi32>
    %get3A_39 = vector.shape_cast %get3A_38 : vector<1x1024xi32> to vector<1024xi32>
    %mul3A_40 = arith.constant 1024 : i32
    %mul3A_41 = arith.muli %arg0, %mul3A_40 : i32
    %iota3A = tpu.iota {dimensions = array<i32: 1>} : vector<1x1024xi32>
    %iota3A_42 = vector.shape_cast %iota3A : vector<1x1024xi32> to vector<1024xi32>
    %add3A_43 = vector.broadcast %mul3A_41 : i32 to vector<1024xi32>
    %add3A_44 = arith.addi %add3A_43, %iota3A_42 : vector<1024xi32>
    %iota3A_45 = tpu.iota {dimensions = array<i32: 0>} : vector<16x1024xi32>
    %broadcast_in_dim3A = vector.shape_cast %get3A_39 : vector<1024xi32> to vector<1x1024xi32>
    %eq3A = vector.broadcast %broadcast_in_dim3A : vector<1x1024xi32> to vector<16x1024xi32>
    %eq3A_46 = arith.cmpi eq, %eq3A, %iota3A_45 : vector<16x1024xi32>
    %broadcast_in_dim3A_47 = vector.shape_cast %add3A_44 : vector<1024xi32> to vector<1x1024xi32>
    %lt3A = arith.constant 10000 : i32
    %lt3A_48 = vector.broadcast %lt3A : i32 to vector<1x1024xi32>
    %lt3A_49 = arith.cmpi slt, %broadcast_in_dim3A_47, %lt3A_48 : vector<1x1024xi32>
    %and3A = vector.broadcast %lt3A_49 : vector<1x1024xi1> to vector<16x1024xi1>
    %and3A_50 = arith.andi %eq3A_46, %and3A : vector<16x1024xi1>
    %jit3A = arith.constant 1.000000e+00 : f32
    %jit3A_51 = arith.constant 0.000000e+00 : f32
    %broadcast_in_dim3A_52 = vector.broadcast %jit3A : f32 to vector<16x1024xf32>
    %broadcast_in_dim3A_53 = vector.broadcast %jit3A_51 : f32 to vector<16x1024xf32>
    %select_n3A_54 = arith.select %and3A_50, %broadcast_in_dim3A_52, %broadcast_in_dim3A_53 : vector<16x1024xi1>, vector<16x1024xf32>
    %eq3A_55 = arith.constant 0 : i32
    %eq3A_56 = arith.cmpi eq, %arg0, %eq3A_55 : i32
    %convert_element_type3A = arith.extui %eq3A_56 : i1 to i32
    %cond3A = arith.constant 0 : i32
    %cond3A_57 = arith.cmpi ne, %convert_element_type3A, %cond3A : i32
    scf.if %cond3A_57 {
      %broadcast_in_dim3A_80 = arith.constant 0.000000e+00 : f32
      %broadcast_in_dim3A_81 = vector.broadcast %broadcast_in_dim3A_80 : f32 to vector<16x128xf32>
      %swap3A_82 = arith.constant 0 : index
      %swap3A_83 = arith.constant 0 : index
      %swap3A_84 = vector.load %arg9[%swap3A_82, %swap3A_83] : memref<16x128xf32, #tpu.memory_space<vmem>>, vector<16x128xf32>
      tpu.vector_store %arg9[%swap3A_82, %swap3A_83], %broadcast_in_dim3A_81 {strides = array<i32>} : memref<16x128xf32, #tpu.memory_space<vmem>>, vector<16x128xf32>,
      %broadcast_in_dim3A_85 = arith.constant 0.000000e+00 : f32
      %broadcast_in_dim3A_86 = vector.broadcast %broadcast_in_dim3A_85 : f32 to vector<16x128xf32>
      %swap3A_87 = arith.constant 0 : index
      %swap3A_88 = arith.constant 0 : index
      %swap3A_89 = vector.load %arg10[%swap3A_87, %swap3A_88] : memref<16x128xf32, #tpu.memory_space<vmem>>, vector<16x128xf32>
      tpu.vector_store %arg10[%swap3A_87, %swap3A_88], %broadcast_in_dim3A_86 {strides = array<i32>} : memref<16x128xf32, #tpu.memory_space<vmem>>, vector<16x128xf32>,
    } else {
    }
    %get3A_58 = arith.constant 0 : index
    %get3A_59 = arith.constant 0 : index
    %get3A_60 = vector.load %arg9[%get3A_58, %get3A_59] : memref<16x128xf32, #tpu.memory_space<vmem>>, vector<16x128xf32>
    %dot_general3A = arith.constant dense<0.000000e+00> : vector<16x128xf32>
    %dot_general3A_61 = tpu.matmul %select_n3A_54, %select_n3A, %dot_general3A {dimension_numbers = #tpu.dot_dimension_numbers<[1], [0], [0], [1], [0, 0, 1, 1], [], []>, transpose_lhs_hint = false} : vector<16x1024xf32>, vector<1024x128xf32>, vector<16x128xf32> -> vector<16x128xf32>
    %add3A_62 = arith.addf %get3A_60, %dot_general3A_61 : vector<16x128xf32>
    %swap3A = arith.constant 0 : index
    %swap3A_63 = arith.constant 0 : index
    %swap3A_64 = vector.load %arg9[%swap3A, %swap3A_63] : memref<16x128xf32, #tpu.memory_space<vmem>>, vector<16x128xf32>
    tpu.vector_store %arg9[%swap3A, %swap3A_63], %add3A_62 {strides = array<i32>} : memref<16x128xf32, #tpu.memory_space<vmem>>, vector<16x128xf32>,
    %get3A_65 = arith.constant 0 : index
    %get3A_66 = arith.constant 0 : index
    %get3A_67 = vector.load %arg10[%get3A_65, %get3A_66] : memref<16x128xf32, #tpu.memory_space<vmem>>, vector<16x128xf32>
    %reduce_sum3A = arith.constant dense<0.000000e+00> : vector<16xf32>
    %reduce_sum3A_68 = vector.multi_reduction <add>, %select_n3A_54, %reduce_sum3A [1] : vector<16x1024xf32> to vector<16xf32>
    %broadcast_in_dim3A_69 = vector.shape_cast %reduce_sum3A_68 : vector<16xf32> to vector<16x1xf32>
    %add3A_70 = vector.broadcast %broadcast_in_dim3A_69 : vector<16x1xf32> to vector<16x128xf32>
    %add3A_71 = arith.addf %get3A_67, %add3A_70 : vector<16x128xf32>
    %swap3A_72 = arith.constant 0 : index
    %swap3A_73 = arith.constant 0 : index
    %swap3A_74 = vector.load %arg10[%swap3A_72, %swap3A_73] : memref<16x128xf32, #tpu.memory_space<vmem>>, vector<16x128xf32>
    tpu.vector_store %arg10[%swap3A_72, %swap3A_73], %add3A_71 {strides = array<i32>} : memref<16x128xf32, #tpu.memory_space<vmem>>, vector<16x128xf32>,
    %eq3A_75 = arith.constant 9 : i32
    %eq3A_76 = arith.cmpi eq, %arg0, %eq3A_75 : i32
    %convert_element_type3A_77 = arith.extui %eq3A_76 : i1 to i32
    %cond3A_78 = arith.constant 0 : i32
    %cond3A_79 = arith.cmpi ne, %convert_element_type3A_77, %cond3A_78 : i32
    scf.if %cond3A_79 {
      %get3A_80 = arith.constant 0 : index
      %get3A_81 = arith.constant 0 : index
      %get3A_82 = vector.load %arg9[%get3A_80, %get3A_81] : memref<16x128xf32, #tpu.memory_space<vmem>>, vector<16x128xf32>
      %get3A_83 = arith.constant 0 : index
      %get3A_84 = arith.constant 0 : index
      %get3A_85 = vector.load %arg10[%get3A_83, %get3A_84] : memref<16x128xf32, #tpu.memory_space<vmem>>, vector<16x128xf32>
      %max3A = arith.constant 1.000000e+00 : f32
      %max3A_86 = vector.broadcast %max3A : f32 to vector<16x128xf32>
      %max3A_87 = arith.maximumf %get3A_85, %max3A_86 : vector<16x128xf32>
      %div3A_88 = arith.divf %get3A_82, %max3A_87 : vector<16x128xf32>
      %get3A_89 = arith.constant 0 : index
      %get3A_90 = arith.constant 0 : index
      %get3A_91 = vector.load %arg7[%get3A_89, %get3A_90] : memref<128x1xf32, #tpu.memory_space<vmem>>, vector<128x1xf32>
      %dot_general3A_92 = arith.constant dense<0.000000e+00> : vector<16x1xf32>
      %dot_general3A_93 = tpu.matmul %div3A_88, %get3A_91, %dot_general3A_92 {dimension_numbers = #tpu.dot_dimension_numbers<[1], [0], [0], [1], [0, 0, 1, 1], [], []>, transpose_lhs_hint = false} : vector<16x128xf32>, vector<128x1xf32>, vector<16x1xf32> -> vector<16x1xf32>
      %get3A_94 = arith.constant 0 : index
      %get3A_95 = arith.constant 0 : index
      %get3A_96 = vector.load %arg8[%get3A_94, %get3A_95] : memref<1x1xf32, #tpu.memory_space<vmem>>, vector<1x1xf32>
      %add3A_97 = vector.broadcast %get3A_96 : vector<1x1xf32> to vector<16x1xf32>
      %add3A_98 = arith.addf %dot_general3A_93, %add3A_97 : vector<16x1xf32>
      %broadcast_in_dim3A_99 = vector.shape_cast %add3A_98 : vector<16x1xf32> to vector<16x1xf32>
      %broadcast_in_dim3A_100 = vector.broadcast %broadcast_in_dim3A_99 : vector<16x1xf32> to vector<16x128xf32>
      %swap3A_101 = arith.constant 0 : index
      %swap3A_102 = arith.constant 0 : index
      %swap3A_103 = vector.load %arg11[%swap3A_101, %swap3A_102] : memref<16x128xf32, #tpu.memory_space<vmem>>, vector<16x128xf32>
      tpu.vector_store %arg11[%swap3A_101, %swap3A_102], %broadcast_in_dim3A_100 {strides = array<i32>} : memref<16x128xf32, #tpu.memory_space<vmem>>, vector<16x128xf32>,
    } else {
    }
    return
  }
  func.func @transform_0(%arg0: i32) -> (i32, i32) {
    %c0_i32 = arith.constant 0 : i32
    %c0_i32_0 = arith.constant 0 : i32
    return %arg0, %c0_i32 : i32, i32
  }
  func.func @transform_1(%arg0: i32) -> (i32, i32) {
    %c0_i32 = arith.constant 0 : i32
    %c0_i32_0 = arith.constant 0 : i32
    %c0_i32_1 = arith.constant 0 : i32
    return %c0_i32, %c0_i32_0 : i32, i32
  }
  func.func @transform_2(%arg0: i32) -> (i32, i32) {
    %c0_i32 = arith.constant 0 : i32
    %c0_i32_0 = arith.constant 0 : i32
    %c0_i32_1 = arith.constant 0 : i32
    return %c0_i32, %c0_i32_0 : i32, i32
  }
  func.func @transform_3(%arg0: i32) -> (i32, i32) {
    %c0_i32 = arith.constant 0 : i32
    %c0_i32_0 = arith.constant 0 : i32
    %c0_i32_1 = arith.constant 0 : i32
    return %c0_i32, %c0_i32_0 : i32, i32
  }
  func.func @transform_4(%arg0: i32) -> (i32, i32) {
    %c0_i32 = arith.constant 0 : i32
    %c0_i32_0 = arith.constant 0 : i32
    %c0_i32_1 = arith.constant 0 : i32
    return %c0_i32, %c0_i32_0 : i32, i32
  }
  func.func @transform_5(%arg0: i32) -> (i32, i32) {
    %c0_i32 = arith.constant 0 : i32
    %c0_i32_0 = arith.constant 0 : i32
    %c0_i32_1 = arith.constant 0 : i32
    return %c0_i32, %c0_i32_0 : i32, i32
  }
  func.func @transform_6(%arg0: i32) -> (i32, i32) {
    %c0_i32 = arith.constant 0 : i32
    %c0_i32_0 = arith.constant 0 : i32
    %c0_i32_1 = arith.constant 0 : i32
    return %c0_i32, %c0_i32_0 : i32, i32
  }
  func.func @transform_7(%arg0: i32) -> (i32, i32) {
    %c0_i32 = arith.constant 0 : i32
    %c0_i32_0 = arith.constant 0 : i32
    %c0_i32_1 = arith.constant 0 : i32
    return %c0_i32, %c0_i32_0 : i32, i32
  }
  func.func @transform_8(%arg0: i32) -> (i32, i32) {
    %c0_i32 = arith.constant 0 : i32
    %c0_i32_0 = arith.constant 0 : i32
    %c0_i32_1 = arith.constant 0 : i32
    return %c0_i32, %c0_i32_0 : i32, i32
  }
  func.func @transform_9(%arg0: i32) -> (i32, i32) {
    %c0_i32 = arith.constant 0 : i32
    %c0_i32_0 = arith.constant 0 : i32
    %c0_i32_1 = arith.constant 0 : i32
    return %c0_i32, %c0_i32_0 : i32, i32
  }
  func.func @transform_10(%arg0: i32) -> (i32, i32) {
    %c0_i32 = arith.constant 0 : i32
    %c0_i32_0 = arith.constant 0 : i32
    %c0_i32_1 = arith.constant 0 : i32
    return %c0_i32, %c0_i32_0 : i32, i32
  }
}

</mosaic_0001>

<sc_bundles>
// kernel: kernel.13.cloned.1.call-start
scs
__scs_entry_jumppad:
0x0: {  	(pc) =	sbr.rel $0x88, $3  }
0x1: {  	(tag) =	ssettag $0x0;
	lr =	simm.s32 $0x1  }
0x2: {  	[smem:$0x3F90] =	sst lr;
	_ =	strace $0xD0000000  }
0x3: {  	_ = 	snop  }
0x4: {  	_ = 	snop  }
0x5: {  	_ = 	snop  }
0x6: {  	_ = 	snop  }
0x7: {  	_ = 	snop  }
__scs_overlays_trampoline_lowered:
0x8: {  	[smem:$0x3F9F] =	sst s0  }
0x9: {  	[smem:$0x3FA0] =	sst s1  }
0xa: {  	[smem:$0x3FA1] =	sst s2  }
0xb: {  	[smem:$0x3FA2] =	sst s3  }
0xc: {  	[smem:$0x3FA3] =	sst s4  }
0xd: {  	[smem:$0x3FA4] =	sst s5  }
0xe: {  	[smem:$0x3FA5] =	sst s6  }
0xf: {  	[smem:$0x3FA6] =	sst s7  }
0x10: {  	[smem:$0x3FA7] =	sst s8  }
0x11: {  	[smem:$0x3FA8] =	sst s9;
	s0 =	simm.s32 @!p0 $0x0  }
0x12: {  	s1 =	sld [smem:$0x3F8E];
	s0 =	simm.s32 @p0 $0x1  }
0x13: {  	[smem:$0x3FA9] =	sst s0;
	s0 =	simm.s32 @!p1 $0x0  }
0x14: {  	s2 =	sld [smem:$0x3F8D];
	s0 =	simm.s32 @p1 $0x1  }
0x15: {  	[smem:$0x3FAA] =	sst s0;
	s0 =	simm.s32 @!p2 $0x0  }
0x16: {  	s3 =	sld [smem:$0x3FDB];
	s0 =	simm.s32 @p2 $0x1  }
0x17: {  	s4 =	simm.s32 $0x1BF5;
	[smem:$0x3FAC] =	sst s0  }
0x18: {  	s0 =	sld [smem:$0x3F8F];
	_ =	swait.ge [sflag:s4], $0x0  }
0x19: {  	s7 =	sld [smem:$0x3F90]  }
0x1a: {  	s8 =	sadd.s32 $0xFFFFE003, lr  }
0x1b: {  	s9 =	sadd.s32 $0xFFFFFEF7, lr;
	s5 =	simm.s32 $0xFFFFFFFF;
	p2 =	slt.u32 s8, $0xFFFFF086  }
0x1c: {  	p1 =	slt.u32 s9, $0xF7A;
	s5 =	simm.s32 @!p2 $0x0  }
0x1d: {  	s5 =	simm.s32 @p1 $0x1;
	p0 =	seq.s32 s7, s2  }
0x1e: {  	s7 =	smul.u32 @!p0 $0xF7A, s2;
	p2 =	seq.s32 @!p0 s5, $0x0  }
0x1f: {  	s9 =	smul.u32 $0xF7A, s1;
	s8 =	simm.s32 @!p0 $0x1BF5;
	p2 =	por !p2, p0  }
0x20: {  	[sflag:s8] =	ssyncset.s32 @!p0 $0xFFFFF086;
	s6 =	sadd.s32 @!p0 s3, s7;
	s7 =	simm.s32 @!p0 $0x108  }
0x21: {  	s3 =	sadd.s32 s3, s9;
	s6 =	sadd.s32 @!p0 $0x88, s6;
	s7 =	simm.s32 @p2 $0x1082  }
0x22: {  	[simem:s7], [sflag:s8] =	dma.local @!p0 [hbm:s6], $0xF7A  }
0x23: {  	s9 =	sor.u32 $0xD0000000, s2;
	s6 =	simm.s32 $0x108;
	_ =	swait.ge @!p0 [sflag:s8], $0x0  }
0x24: {  	s3 =	sadd.s32 $0x88, s3;
	s6 =	simm.s32 @!p1 $0x1082;
	[sflag:s4] =	ssyncset.s32 $0xFFFFF086  }
0x25: {  	[simem:s6], [sflag:s4] =	dma.local [hbm:s3], $0xF7A  }
0x26: {  	[smem:$0x3F90] =	sst s1;
	(tag) =	ssettag s2;
	_ =	strace s9  }
0x27: {  	s1 =	sld [smem:$0x3FA0]  }
0x28: {  	s2 =	sld [smem:$0x3FA1]  }
0x29: {  	s4 =	sld [smem:$0x3FA3]  }
0x2a: {  	p0 =	seq.s32 s5, $0x0;
	s5 =	sld [smem:$0x3FA4]  }
0x2b: {  	s6 =	sld [smem:$0x3FA5]  }
0x2c: {  	s7 =	sld [smem:$0x3FA6]  }
0x2d: {  	s3 =	simm.s32 $0x108;
	s8 =	sld [smem:$0x3FA7]  }
0x2e: {  	s3 =	simm.s32 @!p0 $0x1082;
	s9 =	sld [smem:$0x3FA8]  }
0x2f: {  	lr =	sadd.s32 s0, s3;
	s0 =	sld [smem:$0x3F9F]  }
0x30: {  	s3 =	sld [smem:$0x3FA2]  }
0x31: {  	[smem:$0x3FAB] =	sst s10  }
0x32: {  	s10 =	sld [smem:$0x3FA9];
	_ =	sdelay $0x3  }
0x33: {  	p0 =	seq.s32 s10, $0x1;
	s10 =	sld [smem:$0x3FAB];
	_ =	sdelay $0x3  }
0x34: {  	[smem:$0x3FAB] =	sst s10  }
0x35: {  	s10 =	sld [smem:$0x3FAA];
	_ =	sdelay $0x3  }
0x36: {  	p1 =	seq.s32 s10, $0x1;
	s10 =	sld [smem:$0x3FAB];
	_ =	sdelay $0x3  }
0x37: {  	[smem:$0x3FAB] =	sst s10  }
0x38: {  	s10 =	sld [smem:$0x3FAC]  }
0x39: {  	_ = 	snop;
	(pc) =	sbr.ind lr, $3  }
0x3a: {  	_ = 	snop  }
0x3b: {  	_ = 	snop  }
0x3c: {  	p2 =	seq.s32 s10, $0x1;
	s10 =	sld [smem:$0x3FAB]  }
0x3d: {  	_ =	shalt  }
0x3e: {  	_ =	shalt  }
0x3f: {  	_ =	shalt  }
0x40: {  	_ =	shalt  }
0x41: {  	_ =	shalt  }
0x42: {  	_ =	shalt  }
0x43: {  	_ =	shalt  }
0x44: {  	_ =	shalt  }
0x45: {  	_ =	shalt  }
0x46: {  	_ =	shalt  }
0x47: {  	_ =	shalt  }
0x48: {  	_ =	shalt  }
0x49: {  	_ =	shalt  }
0x4a: {  	_ =	shalt  }
0x4b: {  	_ =	shalt  }
0x4c: {  	_ =	shalt  }
0x4d: {  	_ =	shalt  }
0x4e: {  	_ =	shalt  }
0x4f: {  	_ =	shalt  }
0x50: {  	_ =	shalt  }
0x51: {  	_ =	shalt  }
0x52: {  	_ =	shalt  }
0x53: {  	_ =	shalt  }
0x54: {  	_ =	shalt  }
0x55: {  	_ =	shalt  }
0x56: {  	_ =	shalt  }
0x57: {  	_ =	shalt  }
0x58: {  	_ =	shalt  }
0x59: {  	_ =	shalt  }
0x5a: {  	_ =	shalt  }
0x5b: {  	_ =	shalt  }
0x5c: {  	_ =	shalt  }
0x5d: {  	_ =	shalt  }
0x5e: {  	_ =	shalt  }
0x5f: {  	_ =	shalt  }
0x60: {  	_ =	shalt  }
0x61: {  	_ =	shalt  }
0x62: {  	_ =	shalt  }
0x63: {  	_ =	shalt  }
0x64: {  	_ =	shalt  }
0x65: {  	_ =	shalt  }
0x66: {  	_ =	shalt  }
0x67: {  	_ =	shalt  }
0x68: {  	_ =	shalt  }
0x69: {  	_ =	shalt  }
0x6a: {  	_ =	shalt  }
0x6b: {  	_ =	shalt  }
0x6c: {  	_ =	shalt  }
0x6d: {  	_ =	shalt  }
0x6e: {  	_ =	shalt  }
0x6f: {  	_ =	shalt  }
0x70: {  	_ =	shalt  }
0x71: {  	_ =	shalt  }
0x72: {  	_ =	shalt  }
0x73: {  	_ =	shalt  }
0x74: {  	_ =	shalt  }
0x75: {  	_ =	shalt  }
0x76: {  	_ =	shalt  }
0x77: {  	_ =	shalt  }
0x78: {  	_ =	shalt  }
0x79: {  	_ =	shalt  }
0x7a: {  	_ =	shalt  }
0x7b: {  	_ =	shalt  }
0x7c: {  	_ =	shalt  }
0x7d: {  	_ =	shalt  }
0x7e: {  	_ =	shalt  }
0x7f: {  	_ =	shalt  }
0x80: {  	_ =	shalt  }
0x81: {  	_ =	shalt  }
0x82: {  	_ =	shalt  }
0x83: {  	_ =	shalt  }
0x84: {  	_ =	shalt  }
0x85: {  	_ =	shalt  }
0x86: {  	_ =	shalt  }
0x87: {  	_ =	shalt  }
.Lfunc_end0:
.L_simem_size_0:
called_computation_lowered:
.L_overlay_start_0:
0x88: {  	s2 =	sld [smem:$0x3FD9]  }
0x89: {  	s3 =	sld [smem:$0x3FFE];
	_ =	sdelay $0x1  }
0x8a: {  	s1 =	srdreg.scid  }
0x8b: {  	s0 =	sand.u32 $0x1, s1  }
0x8c: {  	s16 =	sshll.u32 s0, $0xA;
	s2 =	sadd.s32 s3, s2  }
0x8d: {  	s2 =	sadd.s32 s2, s16  }
0x8e: {  	[smem:$0x3FB7] =	sst s2  }
0x8f: {  	_ = 	snop  }
0x90: {  	(tm) =	ssettm $0x1  }
0x91: {  	s17 =	sld [smem:$0x3FFB];
	_ =	sdelay $0x3  }
0x92: {  	_ =	strace s17  }
0x93: {  	s2 =	sld [smem:$0x3FFC];
	_ =	sdelay $0x3  }
0x94: {  	_ =	strace s2  }
0x95: {  	s2 =	sld [smem:$0x3FFD];
	_ =	sdelay $0x3  }
0x96: {  	_ =	strace s2  }
0x97: {  	_ =	strace $0x8FFFFFFF  }
0x98: {  	s18 =	sld [smem:$0x3FDB];
	_ =	sdelay $0x1  }
0x99: {  	s19 =	simm.s32 $_scs_section_size  }
0x9a: {  	s4 =	simm.s32 $_size__tile_overlayer_lowered;
	s5 =	simm.s32 $_tile_overlayer_lowered  }
0x9b: {  	s22 =	simm.s32 $0x1BFF;
	s21 =	sshll.u32 s5, $0x1;
	s2 =	sadd.s32 s19, s18  }
0x9c: {  	s6 =	simm.s32 $0x0;
	s20 =	sshll.u32 s4, $0x1;
	s4 =	sadd.s32 s21, s2  }
0x9d: {  	[timem:s6], [sflag:s22] =	dma.local [hbm:s4], s20  }
0x9e: {  	_ =	swait.ge [sflag:s22], s20  }
0x9f: {  	s3 =	ssub.s32 $0x0, s20;
	[sflag:s22] =	ssyncset.done $0x0  }
0xa0: {  	[sflag:s22] =	ssyncadd.s32 s3;
	_ =	sdelay $0x1  }
0xa1: {  	s23 =	simm.s32 $0x1B8B  }
0xa2: {  	_ =	swait.ge [sflag:s23], $0x1  }
0xa3: {  	[sflag:s23] =	ssyncset.done $0x0  }
0xa4: {  	s25 =	simm.s32 $0x1B8E;
	s24 =	sld [smem:$0x3FFE];
	[sflag:s23] =	ssyncadd.s32 $0xFFFFFFFF  }
0xa5: {  	s26 =	simm.s32 $execute0_lowered;
	[smem:$0x3FD2] =	sst s25  }
0xa6: {  	s4 =	sshll.u32 s26, $0x1;
	_ =	strace $0x80000046;
	[dreg:$0x1] =	wrdreg $0xFFFFFFFF  }
0xa7: {  	s28 =	simm.s32 $_size_execute0_lowered;
	s2 =	sadd.s32 s2, s4;
	[dreg:$0x0] =	wrdreg $0x0  }
0xa8: {  	s4 =	sshll.u32 s28, $0x1;
	[dreg:$0x2] =	wrdreg s2  }
0xa9: {  	[dreg:$0x3] =	wrdreg s4  }
0xaa: {  	[dreg:$0x4] =	wrdreg $0xC0  }
0xab: {  	_ =	task [dreg:s6], $0x5FFFF  }
0xac: {  	[dreg:$0x1] =	wrdreg $0xFFFFFFFF  }
0xad: {  	[dreg:$0x0] =	wrdreg $0x60  }
0xae: {  	[dreg:$0x2] =	wrdreg s24  }
0xaf: {  	[dreg:$0x3] =	wrdreg $0x3800  }
0xb0: {  	[dreg:$0x4] =	wrdreg $0x9  }
0xb1: {  	_ =	task.clear_ibuf [dreg:s6], $0x5FFFF;
	_ =	strace $0x90000046  }
0xb2: {  	s29 =	simm.s32 $0x9;
	_ =	strace $0x80000048  }
0xb3: {  	_ =	swait.ge [sflag:s29], $0x1  }
0xb4: {  	[sflag:s29] =	ssyncadd.s32 $0xFFFFFFFF  }
0xb5: {  	_ =	strace $0x90000048  }
0xb6: {  	_ =	sfence  }
0xb7: {  	s30 =	sld [smem:$0x0];
	_ =	sdelay $0x2  }
0xb8: {  	s31 =	sshll.u32 s1, $0xD;
	s1 =	sshrl.u32 s1, $0x2  }
0xb9: {  	s3 =	sand.u32 $0x4000, s31;
	s1 =	sadd.s32 s1, s30  }
0xba: {  	s0 =	sor.u32 s3, s0;
	s1 =	sshll.u32 s1, $0x11  }
0xbb: {  	s0 =	sor.u32 s1, s0  }
0xbc: {  	s0 =	sadd.s32 $0x8F2B, s0  }
0xbd: {  	[sflag:s0] =	ssyncadd.remote.s32 $0x1  }
0xbe: {  	_ =	sfence.sel $0xFFFF  }
0xbf: {  	[dreg:$0x0] =	wrdreg $0xFFFFFFFF;
	(pc) =	sbr.abs _section_cstart, $3  }
0xc0: {  	[dreg:$0x1] =	wrdreg $0xFFFFFFFF  }
0xc1: {  	_ =	task.clear_ibuf [dreg:s6], $0x2FFFF;
	_ =	strace $0x9FFFFFFF  }
0xc2: {  	(tm) =	ssettm $0x7FFFFFFF  }
0xc3: {  	_ =	shalt  }
tec
execute0_lowered:
.L_overlay_start_1:
0x0: {  	(tag) =	ssettag $0x1  }
0x1: {  	s1 =	srdreg.scid;
	s4 =	rddreg [dreg:$0x0]  }
0x2: {  	s0 =	stileid.u32;
	s2 =	rddreg [dreg:$0x1]  }
0x3: {  	s3 =	simm.s32 $0x0;
	s11 =	simm.s32 $0x80;
	s12 =	simm.s32 $0x0  }
0x4: {  	s5 =	sand.u32 $0x1, s1;
	s6 =	smul.u32 $0x9C, s0;
	s1 =	rddreg [dreg:$0x2]  }
0x5: {  	s8 =	sshll.u32 s0, $0x1;
	s9 =	smul.u32 $0x280, s0;
	[smem:$0x7FF] =	sst s3  }
0x6: {  	p0 =	slt.u32 s0, $0x2;
	s7 =	smul.u32 $0x4E, s5;
	s8 =	sor.u32 s5, s8  }
0x7: {  	s10 =	smul.u32 $0x2800, s5;
	_ =	strace $0x80000047;
	s5 =	ssub.s32 $0x2, s5  }
0x8: {  	s25 =	smin.u32 s8, $0x4;
	s30 =	sshrl.u32 s5, $0x1;
	s6 =	sadd.s32 s7, s6  }
0x9: {  	s26 =	sadd.s32 s9, s10;
	s31 =	ssub.s32 s5, s30;
	s5 =	sadd.s32 s9, s2  }
0xa: {  	s9 =	simm.s32 $0x100;
	s6 =	sadd.s32 s25, s6;
	s7 =	sshrl.u32 s26, $0x3  }
0xb: {  	s10 =	simm.s32 $0x1;
	s6 =	sshll.u32 s6, $0x4;
	s29 =	sadd.s32 s7, s4  }
0xc: {  	s7 =	smax.u32 s31, $0x1;
	s28 =	sadd.s32 s6, s4;
	s4 =	simm.s32 $0x4F  }
0xd: {  	v0 =	vimm.f32 $1.000000000e+00;
	v1 =	vimm.f32 $0.0e+00;
	s6 =	sadd.s32 $0x18400, s29;
	s4 =	simm.s32 @!p0 $0x4E;
	s8 =	sadd.s32 $0x4800, s28  }
.LBB2_1:
0xe: {  	[tilespmem:$0x80] =	vst v0  }
0xf: {  	[tilespmem:$0x90] =	vst v0  }
0x10: {  	[tilespmem:$0xA0] =	vst v0  }
0x11: {  	[tilespmem:$0xB0] =	vst v0  }
0x12: {  	[tilespmem:$0xC0] =	vst v0  }
0x13: {  	[tilespmem:$0xD0] =	vst v0  }
0x14: {  	[tilespmem:$0xE0] =	vst v0  }
0x15: {  	[tilespmem:$0xF0] =	vst v0  }
0x16: {  	[tilespmem:$0x100] =	vst v1  }
0x17: {  	[tilespmem:$0x110] =	vst v1  }
0x18: {  	[tilespmem:$0x120] =	vst v1  }
0x19: {  	[tilespmem:$0x130] =	vst v1  }
0x1a: {  	[tilespmem:$0x140] =	vst v1  }
0x1b: {  	[tilespmem:$0x150] =	vst v1  }
0x1c: {  	[tilespmem:$0x160] =	vst v1  }
0x1d: {  	[tilespmem:$0x170] =	vst v1  }
0x1e: {  	[tilespmem:$0x180] =	vst v1  }
0x1f: {  	[tilespmem:$0x190] =	vst v1  }
0x20: {  	[tilespmem:$0x1A0] =	vst v1  }
0x21: {  	[tilespmem:$0x1B0] =	vst v1  }
0x22: {  	[tilespmem:$0x1C0] =	vst v1  }
0x23: {  	[tilespmem:$0x1D0] =	vst v1  }
0x24: {  	[tilespmem:$0x1E0] =	vst v1  }
0x25: {  	[tilespmem:$0x1F0] =	vst v1  }
0x26: {  	[tilespmem:$0x200] =	vst v1  }
0x27: {  	[tilespmem:$0x210] =	vst v1  }
0x28: {  	[tilespmem:$0x220] =	vst v1  }
0x29: {  	[tilespmem:$0x230] =	vst v1  }
0x2a: {  	[tilespmem:$0x240] =	vst v1  }
0x2b: {  	[tilespmem:$0x250] =	vst v1  }
0x2c: {  	[tilespmem:$0x260] =	vst v1  }
0x2d: {  	[tilespmem:$0x270] =	vst v1  }
0x2e: {  	[tilespmem:$0x280] =	vst v1  }
0x2f: {  	[tilespmem:$0x290] =	vst v1  }
0x30: {  	[tilespmem:$0x2A0] =	vst v1  }
0x31: {  	[tilespmem:$0x2B0] =	vst v1  }
0x32: {  	[tilespmem:$0x2C0] =	vst v1  }
0x33: {  	[tilespmem:$0x2D0] =	vst v1  }
0x34: {  	[tilespmem:$0x2E0] =	vst v1  }
0x35: {  	[tilespmem:$0x2F0] =	vst v1  }
0x36: {  	[tilespmem:$0x300] =	vst v1  }
0x37: {  	[tilespmem:$0x310] =	vst v1  }
0x38: {  	[tilespmem:$0x320] =	vst v1  }
0x39: {  	[tilespmem:$0x330] =	vst v1  }
0x3a: {  	[tilespmem:$0x340] =	vst v1  }
0x3b: {  	[tilespmem:$0x350] =	vst v1  }
0x3c: {  	[tilespmem:$0x360] =	vst v1  }
0x3d: {  	[tilespmem:$0x370] =	vst v1  }
0x3e: {  	[spmem:s5] =	stream.linear.scatter [tilespmem:s9], [sflag:$0x1], $0x280, $0x38;
	[tilespmem:$0x600] =	vst v63  }
0x3f: {  	_ =	swait.ge [sflag:s10], $0x280  }
0x40: {  	[sflag:s10] =	ssyncset.done $0x0  }
0x41: {  	[sflag:s10] =	ssyncadd.s32 $0xFFFFFD80  }
0x42: {  	[bflag:$0x0] =	sbarrier.arrive $0xFFFF  }
0x43: {  	[tilespmem:s3], [sflag:$0x1] =	stream.linear.gather [hbm4b:s8+s3], $0x80, $0x38;
	[tilespmem:$0x600] =	vst v63  }
0x44: {  	p0 =	sne.s32 s4, $0x1;
	_ =	swait.ge [sflag:s10], $0x80  }
.Ltmp0:
0x45: {  	[sflag:s10] =	ssyncset.done $0x0;
	(pc) =	sbr.rel @!p0 .LBB2_3-.Ltmp0, $4  }
0x46: {  	[sflag:s10] =	ssyncadd.s32 $0xFFFFFF80  }
0x47: {  	[spmem:s2] =	stream.indirect.scatter.add.f32 [tilespmem:s11], [sflag:$0x1], $0x1, s3, s11, $0xb8;
	[tilespmem:$0x600] =	vst v63  }
0x48: {  	_ =	swait.ge [sflag:s10], $0x80  }
0x49: {  	s13 =	sadd.s32 $0xFFFFFFFF, s4;
	s14 =	smov.u32 s8;
	[sflag:s10] =	ssyncset.done $0x0  }
.LBB2_2:
0x4a: {  	p0 =	sne.s32 s13, $0x1;
	[sflag:s10] =	ssyncadd.s32 $0xFFFFFF80;
	s14 =	sadd.s32 $0x10, s14  }
0x4b: {  	[tilespmem:s3], [sflag:$0x1] =	stream.linear.gather [hbm4b:s14+s3], $0x80, $0x38;
	[tilespmem:$0x600] =	vst v63  }
0x4c: {  	s13 =	sadd.s32 $0xFFFFFFFF, s13;
	_ =	swait.ge [sflag:s10], $0x80  }
.Ltmp1:
0x4d: {  	[sflag:s10] =	ssyncset.done $0x0;
	(pc) =	sbr.rel @p0 .LBB2_2-.Ltmp1, $4  }
0x4e: {  	[sflag:s10] =	ssyncadd.s32 $0xFFFFFF80  }
0x4f: {  	[spmem:s2] =	stream.indirect.scatter.add.f32 [tilespmem:s11], [sflag:$0x1], $0x1, s3, s11, $0xb8;
	[tilespmem:$0x600] =	vst v63  }
0x50: {  	_ =	swait.ge [sflag:s10], $0x80  }
0x51: {  	[sflag:s10] =	ssyncset.done $0x0  }
.LBB2_3:
0x52: {  	[sflag:s10] =	ssyncadd.s32 $0xFFFFFF80  }
0x53: {  	[bflag:$0x0] =	sbarrier.arrive $0xFFFF  }
0x54: {  	[tilespmem:s9], [sflag:$0x1] =	stream.linear.gather [spmem:s5], $0x280, $0x38;
	[tilespmem:$0x600] =	vst v63  }
0x55: {  	s12 =	sadd.s32 $0x1, s12;
	_ =	swait.ge [sflag:s10], $0x280  }
0x56: {  	p0 =	sne.s32 s12, s7;
	[sflag:s10] =	ssyncset.done $0x0  }
.Ltmp2:
0x57: {  	[sflag:s10] =	ssyncadd.s32 $0xFFFFFD80;
	(pc) =	sbr.rel @p0 .LBB2_1-.Ltmp2, $4  }
0x58: {  	[hbm4b:s6+s3] =	stream.linear.scatter [tilespmem:s9], [sflag:$0x1], $0x280, $0x38;
	[tilespmem:$0x600] =	vst v63  }
0x59: {  	_ =	swait.ge [sflag:s10], $0x280  }
0x5a: {  	[sflag:s10] =	ssyncset.done $0x0  }
0x5b: {  	[sflag:s10] =	ssyncadd.s32 $0xFFFFFD80  }
0x5c: {  	_ =	sfence.sel $0x180000  }
0x5d: {  	[bflag:$0x0] =	sbarrier.arrive $0xFFFF  }
0x5e: {  	p0 =	sne.s32 s0, $0x0;
	_ =	strace $0x90000047  }
0x5f: {  	s0 =	sadd.s32 @!p0 $0x100000, s1;
	[bflag:$0x2] =	sbarrier.arrive $0xFFFF  }
0x60: {  	[sflag:s0] =	ssyncadd.tile.s32 @!p0 $0x1;
	_ =	shalt  }
.Lfunc_end2:
_tile_overlayer_lowered:
.L_overlay_start_2:
0x61: {  	(tag) =	ssettag $0x2  }
0x62: {  	s0 =	rddreg [dreg:$0x0];
	s2 =	stileid.u32  }
0x63: {  	s1 =	rddreg [dreg:$0x1];
	p0 =	sne.s32 s2, $0x0  }
0x64: {  	s3 =	rddreg [dreg:$0x2];
	[bflag:$0x3] =	sbarrier.arrive $0xFFFF;
	s2 =	simm.s32 @!p0 $0x1C01  }
0x65: {  	[timem:s3], [sflag:s2] =	dma.local @!p0 [hbm:s0], s1  }
0x66: {  	s0 =	simm.s32 @!p0 $0x1  }
0x67: {  	_ =	swait.ge @!p0 [sflag:s0], s1  }
0x68: {  	s1 =	ssub.s32 @!p0 $0x0, s1;
	[sflag:s0] =	ssyncset.done @!p0 $0x0  }
0x69: {  	[sflag:s0] =	ssyncadd.s32 @!p0 s1  }
0x6a: {  	[bflag:$0x3] =	sbarrier.arrive $0xFFFF  }
0x6b: {  	_ =	shalt  }

// kernel: kernel.16.cloned.1.call-start
scs
__scs_entry_jumppad:
0x0: {  	(pc) =	sbr.rel $0x88, $3  }
0x1: {  	(tag) =	ssettag $0x0;
	lr =	simm.s32 $0x1  }
0x2: {  	[smem:$0x3F90] =	sst lr;
	_ =	strace $0xD0000000  }
0x3: {  	_ = 	snop  }
0x4: {  	_ = 	snop  }
0x5: {  	_ = 	snop  }
0x6: {  	_ = 	snop  }
0x7: {  	_ = 	snop  }
__scs_overlays_trampoline_lowered:
0x8: {  	[smem:$0x3F9F] =	sst s0  }
0x9: {  	[smem:$0x3FA0] =	sst s1  }
0xa: {  	[smem:$0x3FA1] =	sst s2  }
0xb: {  	[smem:$0x3FA2] =	sst s3  }
0xc: {  	[smem:$0x3FA3] =	sst s4  }
0xd: {  	[smem:$0x3FA4] =	sst s5  }
0xe: {  	[smem:$0x3FA5] =	sst s6  }
0xf: {  	[smem:$0x3FA6] =	sst s7  }
0x10: {  	[smem:$0x3FA7] =	sst s8  }
0x11: {  	[smem:$0x3FA8] =	sst s9;
	s0 =	simm.s32 @!p0 $0x0  }
0x12: {  	s1 =	sld [smem:$0x3F8E];
	s0 =	simm.s32 @p0 $0x1  }
0x13: {  	[smem:$0x3FA9] =	sst s0;
	s0 =	simm.s32 @!p1 $0x0  }
0x14: {  	s2 =	sld [smem:$0x3F8D];
	s0 =	simm.s32 @p1 $0x1  }
0x15: {  	[smem:$0x3FAA] =	sst s0;
	s0 =	simm.s32 @!p2 $0x0  }
0x16: {  	s3 =	sld [smem:$0x3FDB];
	s0 =	simm.s32 @p2 $0x1  }
0x17: {  	s4 =	simm.s32 $0x1BF5;
	[smem:$0x3FAC] =	sst s0  }
0x18: {  	s0 =	sld [smem:$0x3F8F];
	_ =	swait.ge [sflag:s4], $0x0  }
0x19: {  	s7 =	sld [smem:$0x3F90]  }
0x1a: {  	s8 =	sadd.s32 $0xFFFFE003, lr  }
0x1b: {  	s9 =	sadd.s32 $0xFFFFFEF7, lr;
	s5 =	simm.s32 $0xFFFFFFFF;
	p2 =	slt.u32 s8, $0xFFFFF086  }
0x1c: {  	p1 =	slt.u32 s9, $0xF7A;
	s5 =	simm.s32 @!p2 $0x0  }
0x1d: {  	s5 =	simm.s32 @p1 $0x1;
	p0 =	seq.s32 s7, s2  }
0x1e: {  	s7 =	smul.u32 @!p0 $0xF7A, s2;
	p2 =	seq.s32 @!p0 s5, $0x0  }
0x1f: {  	s9 =	smul.u32 $0xF7A, s1;
	s8 =	simm.s32 @!p0 $0x1BF5;
	p2 =	por !p2, p0  }
0x20: {  	[sflag:s8] =	ssyncset.s32 @!p0 $0xFFFFF086;
	s6 =	sadd.s32 @!p0 s3, s7;
	s7 =	simm.s32 @!p0 $0x108  }
0x21: {  	s3 =	sadd.s32 s3, s9;
	s6 =	sadd.s32 @!p0 $0x88, s6;
	s7 =	simm.s32 @p2 $0x1082  }
0x22: {  	[simem:s7], [sflag:s8] =	dma.local @!p0 [hbm:s6], $0xF7A  }
0x23: {  	s9 =	sor.u32 $0xD0000000, s2;
	s6 =	simm.s32 $0x108;
	_ =	swait.ge @!p0 [sflag:s8], $0x0  }
0x24: {  	s3 =	sadd.s32 $0x88, s3;
	s6 =	simm.s32 @!p1 $0x1082;
	[sflag:s4] =	ssyncset.s32 $0xFFFFF086  }
0x25: {  	[simem:s6], [sflag:s4] =	dma.local [hbm:s3], $0xF7A  }
0x26: {  	[smem:$0x3F90] =	sst s1;
	(tag) =	ssettag s2;
	_ =	strace s9  }
0x27: {  	s1 =	sld [smem:$0x3FA0]  }
0x28: {  	s2 =	sld [smem:$0x3FA1]  }
0x29: {  	s4 =	sld [smem:$0x3FA3]  }
0x2a: {  	p0 =	seq.s32 s5, $0x0;
	s5 =	sld [smem:$0x3FA4]  }
0x2b: {  	s6 =	sld [smem:$0x3FA5]  }
0x2c: {  	s7 =	sld [smem:$0x3FA6]  }
0x2d: {  	s3 =	simm.s32 $0x108;
	s8 =	sld [smem:$0x3FA7]  }
0x2e: {  	s3 =	simm.s32 @!p0 $0x1082;
	s9 =	sld [smem:$0x3FA8]  }
0x2f: {  	lr =	sadd.s32 s0, s3;
	s0 =	sld [smem:$0x3F9F]  }
0x30: {  	s3 =	sld [smem:$0x3FA2]  }
0x31: {  	[smem:$0x3FAB] =	sst s10  }
0x32: {  	s10 =	sld [smem:$0x3FA9];
	_ =	sdelay $0x3  }
0x33: {  	p0 =	seq.s32 s10, $0x1;
	s10 =	sld [smem:$0x3FAB];
	_ =	sdelay $0x3  }
0x34: {  	[smem:$0x3FAB] =	sst s10  }
0x35: {  	s10 =	sld [smem:$0x3FAA];
	_ =	sdelay $0x3  }
0x36: {  	p1 =	seq.s32 s10, $0x1;
	s10 =	sld [smem:$0x3FAB];
	_ =	sdelay $0x3  }
0x37: {  	[smem:$0x3FAB] =	sst s10  }
0x38: {  	s10 =	sld [smem:$0x3FAC]  }
0x39: {  	_ = 	snop;
	(pc) =	sbr.ind lr, $3  }
0x3a: {  	_ = 	snop  }
0x3b: {  	_ = 	snop  }
0x3c: {  	p2 =	seq.s32 s10, $0x1;
	s10 =	sld [smem:$0x3FAB]  }
0x3d: {  	_ =	shalt  }
0x3e: {  	_ =	shalt  }
0x3f: {  	_ =	shalt  }
0x40: {  	_ =	shalt  }
0x41: {  	_ =	shalt  }
0x42: {  	_ =	shalt  }
0x43: {  	_ =	shalt  }
0x44: {  	_ =	shalt  }
0x45: {  	_ =	shalt  }
0x46: {  	_ =	shalt  }
0x47: {  	_ =	shalt  }
0x48: {  	_ =	shalt  }
0x49: {  	_ =	shalt  }
0x4a: {  	_ =	shalt  }
0x4b: {  	_ =	shalt  }
0x4c: {  	_ =	shalt  }
0x4d: {  	_ =	shalt  }
0x4e: {  	_ =	shalt  }
0x4f: {  	_ =	shalt  }
0x50: {  	_ =	shalt  }
0x51: {  	_ =	shalt  }
0x52: {  	_ =	shalt  }
0x53: {  	_ =	shalt  }
0x54: {  	_ =	shalt  }
0x55: {  	_ =	shalt  }
0x56: {  	_ =	shalt  }
0x57: {  	_ =	shalt  }
0x58: {  	_ =	shalt  }
0x59: {  	_ =	shalt  }
0x5a: {  	_ =	shalt  }
0x5b: {  	_ =	shalt  }
0x5c: {  	_ =	shalt  }
0x5d: {  	_ =	shalt  }
0x5e: {  	_ =	shalt  }
0x5f: {  	_ =	shalt  }
0x60: {  	_ =	shalt  }
0x61: {  	_ =	shalt  }
0x62: {  	_ =	shalt  }
0x63: {  	_ =	shalt  }
0x64: {  	_ =	shalt  }
0x65: {  	_ =	shalt  }
0x66: {  	_ =	shalt  }
0x67: {  	_ =	shalt  }
0x68: {  	_ =	shalt  }
0x69: {  	_ =	shalt  }
0x6a: {  	_ =	shalt  }
0x6b: {  	_ =	shalt  }
0x6c: {  	_ =	shalt  }
0x6d: {  	_ =	shalt  }
0x6e: {  	_ =	shalt  }
0x6f: {  	_ =	shalt  }
0x70: {  	_ =	shalt  }
0x71: {  	_ =	shalt  }
0x72: {  	_ =	shalt  }
0x73: {  	_ =	shalt  }
0x74: {  	_ =	shalt  }
0x75: {  	_ =	shalt  }
0x76: {  	_ =	shalt  }
0x77: {  	_ =	shalt  }
0x78: {  	_ =	shalt  }
0x79: {  	_ =	shalt  }
0x7a: {  	_ =	shalt  }
0x7b: {  	_ =	shalt  }
0x7c: {  	_ =	shalt  }
0x7d: {  	_ =	shalt  }
0x7e: {  	_ =	shalt  }
0x7f: {  	_ =	shalt  }
0x80: {  	_ =	shalt  }
0x81: {  	_ =	shalt  }
0x82: {  	_ =	shalt  }
0x83: {  	_ =	shalt  }
0x84: {  	_ =	shalt  }
0x85: {  	_ =	shalt  }
0x86: {  	_ =	shalt  }
0x87: {  	_ =	shalt  }
.Lfunc_end0:
.L_simem_size_0:
called_computation.1_lowered:
.L_overlay_start_0:
0x88: {  	s2 =	sld [smem:$0x3FD9]  }
0x89: {  	s3 =	sld [smem:$0x3FFE];
	_ =	sdelay $0x1  }
0x8a: {  	s1 =	srdreg.scid  }
0x8b: {  	s0 =	sand.u32 $0x1, s1  }
0x8c: {  	s16 =	sshll.u32 s0, $0xA;
	s2 =	sadd.s32 s3, s2  }
0x8d: {  	s2 =	sadd.s32 s2, s16  }
0x8e: {  	[smem:$0x3FB7] =	sst s2  }
0x8f: {  	_ = 	snop  }
0x90: {  	(tm) =	ssettm $0x1  }
0x91: {  	s17 =	sld [smem:$0x3FFB];
	_ =	sdelay $0x3  }
0x92: {  	_ =	strace s17  }
0x93: {  	s2 =	sld [smem:$0x3FFC];
	_ =	sdelay $0x3  }
0x94: {  	_ =	strace s2  }
0x95: {  	s2 =	sld [smem:$0x3FFD];
	_ =	sdelay $0x3  }
0x96: {  	_ =	strace s2  }
0x97: {  	_ =	strace $0x8FFFFFFF  }
0x98: {  	s18 =	sld [smem:$0x3FDB];
	_ =	sdelay $0x1  }
0x99: {  	s19 =	simm.s32 $_scs_section_size  }
0x9a: {  	s4 =	simm.s32 $_size__tile_overlayer_lowered;
	s5 =	simm.s32 $_tile_overlayer_lowered  }
0x9b: {  	s22 =	simm.s32 $0x1BFF;
	s21 =	sshll.u32 s5, $0x1;
	s2 =	sadd.s32 s19, s18  }
0x9c: {  	s6 =	simm.s32 $0x0;
	s20 =	sshll.u32 s4, $0x1;
	s4 =	sadd.s32 s21, s2  }
0x9d: {  	[timem:s6], [sflag:s22] =	dma.local [hbm:s4], s20  }
0x9e: {  	_ =	swait.ge [sflag:s22], s20  }
0x9f: {  	s3 =	ssub.s32 $0x0, s20;
	[sflag:s22] =	ssyncset.done $0x0  }
0xa0: {  	[sflag:s22] =	ssyncadd.s32 s3;
	_ =	sdelay $0x1  }
0xa1: {  	s23 =	simm.s32 $0x1B8B  }
0xa2: {  	_ =	swait.ge [sflag:s23], $0x1  }
0xa3: {  	[sflag:s23] =	ssyncset.done $0x0  }
0xa4: {  	s25 =	simm.s32 $0x1B8E;
	s24 =	sld [smem:$0x3FFE];
	[sflag:s23] =	ssyncadd.s32 $0xFFFFFFFF  }
0xa5: {  	s26 =	simm.s32 $execute0_lowered;
	[smem:$0x3FD2] =	sst s25  }
0xa6: {  	s4 =	sshll.u32 s26, $0x1;
	_ =	strace $0x80000049;
	[dreg:$0x1] =	wrdreg $0xFFFFFFFF  }
0xa7: {  	s28 =	simm.s32 $_size_execute0_lowered;
	s2 =	sadd.s32 s2, s4;
	[dreg:$0x0] =	wrdreg $0x0  }
0xa8: {  	s4 =	sshll.u32 s28, $0x1;
	[dreg:$0x2] =	wrdreg s2  }
0xa9: {  	[dreg:$0x3] =	wrdreg s4  }
0xaa: {  	[dreg:$0x4] =	wrdreg $0xC0  }
0xab: {  	_ =	task [dreg:s6], $0x5FFFF  }
0xac: {  	[dreg:$0x1] =	wrdreg $0xFFFFFFFF  }
0xad: {  	[dreg:$0x0] =	wrdreg $0x60  }
0xae: {  	[dreg:$0x2] =	wrdreg s24  }
0xaf: {  	[dreg:$0x3] =	wrdreg $0x82000  }
0xb0: {  	[dreg:$0x4] =	wrdreg $0x9  }
0xb1: {  	_ =	task.clear_ibuf [dreg:s6], $0x5FFFF;
	_ =	strace $0x90000049  }
0xb2: {  	s29 =	simm.s32 $0x9;
	_ =	strace $0x8000004B  }
0xb3: {  	_ =	swait.ge [sflag:s29], $0x1  }
0xb4: {  	[sflag:s29] =	ssyncadd.s32 $0xFFFFFFFF  }
0xb5: {  	_ =	strace $0x9000004B  }
0xb6: {  	_ =	sfence  }
0xb7: {  	s30 =	sld [smem:$0x0];
	_ =	sdelay $0x2  }
0xb8: {  	s31 =	sshll.u32 s1, $0xD;
	s1 =	sshrl.u32 s1, $0x2  }
0xb9: {  	s3 =	sand.u32 $0x4000, s31;
	s1 =	sadd.s32 s1, s30  }
0xba: {  	s0 =	sor.u32 s3, s0;
	s1 =	sshll.u32 s1, $0x11  }
0xbb: {  	s0 =	sor.u32 s1, s0  }
0xbc: {  	s0 =	sadd.s32 $0x8F2B, s0  }
0xbd: {  	[sflag:s0] =	ssyncadd.remote.s32 $0x1  }
0xbe: {  	_ =	sfence.sel $0xFFFF  }
0xbf: {  	[dreg:$0x0] =	wrdreg $0xFFFFFFFF;
	(pc) =	sbr.abs _section_cstart, $3  }
0xc0: {  	[dreg:$0x1] =	wrdreg $0xFFFFFFFF  }
0xc1: {  	_ =	task.clear_ibuf [dreg:s6], $0x2FFFF;
	_ =	strace $0x9FFFFFFF  }
0xc2: {  	(tm) =	ssettm $0x7FFFFFFF  }
0xc3: {  	_ =	shalt  }
tec
execute0_lowered:
.L_overlay_start_1:
0x0: {  	(tag) =	ssettag $0x1  }
0x1: {  	s5 =	rddreg [dreg:$0x0]  }
0x2: {  	s1 =	rddreg [dreg:$0x1]  }
0x3: {  	s2 =	simm.s32 $0x0;
	s6 =	srdreg.scid;
	s23 =	stileid.u32  }
0x4: {  	s28 =	simm.s32 $0x4100;
	s31 =	simm.s32 $0x3;
	[smem:$0x7FF] =	sst s2  }
0x5: {  	s0 =	sadd.s32 $0xE600, s5;
	s3 =	sadd.s32 $0x4800, s5;
	s4 =	sadd.s32 $0x18400, s5  }
0x6: {  	s11 =	sand.u32 $0x1, s6;
	s12 =	sadd.s32 $0x40400, s5;
	s19 =	smul.u32 $0x50000, s23  }
0x7: {  	s8 =	sshll.u32 s23, $0x1;
	s13 =	smul.u32 $0x280, s23;
	p0 =	slt.u32 s23, $0x2  }
0x8: {  	_ =	strace $0x8000004A;
	s18 =	ssub.s32 $0x2, s11;
	s9 =	sor.u32 s11, s8  }
0x9: {  	s7 =	sshrl.u32 s18, $0x1;
	s20 =	sshrl.u32 s19, $0x2;
	s15 =	sadd.s32 $0x80, s13  }
0xa: {  	s16 =	sadd.s32 $0x100, s13;
	s19 =	sadd.s32 $0x200, s13;
	s10 =	smul.u32 $0x4E, s9  }
0xb: {  	s14 =	ssub.s32 s18, s7;
	s5 =	sadd.s32 s20, s1;
	s21 =	sshll.u32 s15, $0x7  }
0xc: {  	s22 =	sshll.u32 s16, $0x7;
	s18 =	sadd.s32 $0x180, s13;
	s17 =	sshll.u32 s19, $0x7  }
0xd: {  	s20 =	smin.u32 s9, $0x4;
	s6 =	sadd.s32 s21, s1;
	s7 =	sadd.s32 s22, s1  }
0xe: {  	s24 =	sshll.u32 s18, $0x7;
	s21 =	smul.u32 $0x9C, s23;
	s9 =	sadd.s32 s17, s1  }
0xf: {  	s25 =	sadd.s32 s20, s10;
	s22 =	smul.u32 $0x4E, s11;
	s10 =	simm.s32 $0x4F  }
0x10: {  	s11 =	smul.u32 $0x2800, s11;
	s8 =	sadd.s32 s24, s1;
	s17 =	sshll.u32 s25, $0x4  }
0x11: {  	s10 =	simm.s32 @!p0 $0x4E;
	s26 =	sadd.s32 s0, s17;
	s21 =	sadd.s32 s22, s21  }
0x12: {  	s29 =	sadd.s32 s3, s17;
	s17 =	sadd.s32 $0x10, s17;
	s13 =	sadd.s32 s13, s11  }
0x13: {  	s15 =	sadd.s32 s11, s15;
	s16 =	sadd.s32 s11, s16;
	[dreg:$0x5] =	wrdreg s26  }
0x14: {  	s25 =	sadd.s32 s11, s18;
	s11 =	sadd.s32 s11, s19;
	[dreg:$0x6] =	wrdreg s29  }
0x15: {  	s20 =	sadd.s32 s20, s21;
	s30 =	sadd.s32 s0, s17;
	s17 =	sadd.s32 s3, s17  }
0x16: {  	s13 =	sshll.u32 s13, $0x4;
	s22 =	sshll.u32 s15, $0x4;
	[dreg:$0x7] =	wrdreg s30  }
0x17: {  	s23 =	sshll.u32 s16, $0x4;
	s11 =	sshll.u32 s11, $0x4;
	[dreg:$0x8] =	wrdreg s17  }
0x18: {  	s13 =	sadd.s32 s12, s13;
	s24 =	sadd.s32 s12, s23;
	s26 =	sshll.u32 s20, $0x4  }
0x19: {  	s19 =	sadd.s32 s12, s11;
	s23 =	sadd.s32 $0xFFFFFFFF, s10;
	[dreg:$0x9] =	wrdreg s13  }
0x1a: {  	s13 =	sadd.s32 s12, s22;
	[dreg:$0xb] =	wrdreg s24;
	s29 =	sadd.s32 $0x30, s26  }
0x1b: {  	s22 =	simm.s32 $0x500;
	s24 =	smax.u32 s14, $0x1;
	[dreg:$0xa] =	wrdreg s13  }
0x1c: {  	s13 =	sshll.u32 s25, $0x4;
	s20 =	sadd.s32 s29, s0;
	s21 =	sadd.s32 s29, s3  }
0x1d: {  	s0 =	sadd.s32 s26, s0;
	s3 =	sadd.s32 s26, s3;
	s13 =	sadd.s32 s12, s13  }
0x1e: {  	s22 =	simm.s32 @!p0 $0x4E0;
	s0 =	sadd.s32 $0x20, s0;
	[dreg:$0xc] =	wrdreg s13  }
0x1f: {  	s25 =	simm.s32 $0x100;
	s30 =	sadd.s32 $0x20, s3;
	[dreg:$0x3] =	wrdreg s0  }
0x20: {  	v0 =	vimm.f32 $0.0e+00;
	s26 =	simm.s32 $0x80;
	[dreg:$0x4] =	wrdreg s30;
	s0 =	simm.s32 $0x0  }
.LBB2_1:
0x21: {  	s3 =	simm.s32 $0x0;
	s11 =	simm.s32 $0x200  }
.LBB2_2:
0x22: {  	p0 =	sne.s32 s11, $0xFE00;
	[tilespmem:s3+$0x170] =	vst v0  }
0x23: {  	[tilespmem:s3+$0x100] =	vst v0  }
0x24: {  	[tilespmem:s3+$0x110] =	vst v0  }
.Ltmp0:
0x25: {  	[tilespmem:s3+$0x120] =	vst v0;
	(pc) =	sbr.rel @p0 .LBB2_2-.Ltmp0, $4  }
0x26: {  	[tilespmem:s3+$0x130] =	vst v0  }
0x27: {  	[tilespmem:s3+$0x140] =	vst v0  }
0x28: {  	[tilespmem:s3+$0x150] =	vst v0  }
0x29: {  	[tilespmem:s3+$0x160] =	vst v0;
	s3 =	sshra.s32 s11, $0x2;
	s11 =	sadd.s32 $0x200, s11  }
0x2a: {  	[tilespmem:s3+$0x170] =	vst v0  }
0x2b: {  	[tilespmem:s3+$0x100] =	vst v0  }
0x2c: {  	[tilespmem:s3+$0x110] =	vst v0  }
0x2d: {  	[tilespmem:s3+$0x120] =	vst v0  }
0x2e: {  	[tilespmem:s3+$0x130] =	vst v0  }
0x2f: {  	[tilespmem:s3+$0x140] =	vst v0  }
0x30: {  	[tilespmem:s3+$0x150] =	vst v0  }
0x31: {  	[tilespmem:s3+$0x160] =	vst v0;
	s3 =	simm.s32 $0x3  }
0x32: {  	[spmem:s5] =	stream.linear.scatter [tilespmem:s25], [sflag:$0x3], $0x4000, $0x38;
	[tilespmem:$0x1C200] =	vst v63  }
0x33: {  	_ =	swait.ge [sflag:s3], $0x4000  }
0x34: {  	[sflag:s3] =	ssyncset.done $0x0  }
0x35: {  	[sflag:s3] =	ssyncadd.s32 $0xFFFFC000  }
0x36: {  	[spmem:s6] =	stream.linear.scatter [tilespmem:s25], [sflag:$0x3], $0x4000, $0x38;
	[tilespmem:$0x1C200] =	vst v63  }
0x37: {  	_ =	swait.ge [sflag:s3], $0x4000  }
0x38: {  	[sflag:s3] =	ssyncset.done $0x0  }
0x39: {  	[sflag:s3] =	ssyncadd.s32 $0xFFFFC000  }
0x3a: {  	[spmem:s7] =	stream.linear.scatter [tilespmem:s25], [sflag:$0x3], $0x4000, $0x38;
	[tilespmem:$0x1C200] =	vst v63  }
0x3b: {  	_ =	swait.ge [sflag:s3], $0x4000  }
0x3c: {  	[sflag:s3] =	ssyncset.done $0x0  }
0x3d: {  	[sflag:s3] =	ssyncadd.s32 $0xFFFFC000  }
0x3e: {  	[spmem:s8] =	stream.linear.scatter [tilespmem:s25], [sflag:$0x3], $0x4000, $0x38;
	[tilespmem:$0x1C200] =	vst v63  }
0x3f: {  	_ =	swait.ge [sflag:s3], $0x4000  }
0x40: {  	[sflag:s3] =	ssyncset.done $0x0  }
0x41: {  	[sflag:s3] =	ssyncadd.s32 $0xFFFFC000  }
0x42: {  	[spmem:s9] =	stream.linear.scatter [tilespmem:s25], [sflag:$0x3], $0x4000, $0x38;
	[tilespmem:$0x1C200] =	vst v63  }
0x43: {  	_ =	swait.ge [sflag:s3], $0x4000  }
0x44: {  	[sflag:s3] =	ssyncset.done $0x0  }
0x45: {  	[sflag:s3] =	ssyncadd.s32 $0xFFFFC000  }
0x46: {  	[bflag:$0x0] =	sbarrier.arrive $0xFFFF  }
0x47: {  	s12 =	simm.s32 $0x0;
	s11 =	rddreg [dreg:$0x5]  }
0x48: {  	[tilespmem:s12], [sflag:$0x3] =	stream.linear.gather [hbm4b:s11+s12], $0x80, $0x38;
	[tilespmem:$0x1C200] =	vst v63  }
0x49: {  	_ =	swait.ge [sflag:s3], $0x80  }
0x4a: {  	[sflag:s3] =	ssyncset.done $0x0  }
0x4b: {  	s16 =	rddreg [dreg:$0x6];
	[sflag:s3] =	ssyncadd.s32 $0xFFFFFF80  }
0x4c: {  	[tilespmem:s26], [sflag:$0x3] =	stream.linear.gather [hbm4b:s16+s12], $0x80, $0x38;
	[tilespmem:$0x1C200] =	vst v63  }
0x4d: {  	_ =	swait.ge [sflag:s3], $0x80  }
0x4e: {  	[sflag:s3] =	ssyncset.done $0x0  }
0x4f: {  	[sflag:s3] =	ssyncadd.s32 $0xFFFFFF80  }
0x50: {  	[tilespmem:s25], [sflag:$0x1] =	stream.indirect.gather [hbm4b:s4+s26], $0x80, s12, s26, $0xb8;
	[tilespmem:$0x1C200] =	vst v63  }
0x51: {  	s17 =	rddreg [dreg:$0x7]  }
0x52: {  	[tilespmem:s28], [sflag:$0x3] =	stream.linear.gather [hbm4b:s17+s12], $0x80, $0x38;
	[tilespmem:$0x1C200] =	vst v63  }
0x53: {  	_ =	swait.ge [sflag:s3], $0x80  }
0x54: {  	s13 =	simm.s32 $0x4180;
	[sflag:s3] =	ssyncset.done $0x0  }
0x55: {  	p1 =	sne.s32 s22, $0x20;
	s18 =	rddreg [dreg:$0x8];
	[sflag:s3] =	ssyncadd.s32 $0xFFFFFF80  }
0x56: {  	[tilespmem:s13], [sflag:$0x3] =	stream.linear.gather [hbm4b:s18+s12], $0x80, $0x38;
	[tilespmem:$0x1C200] =	vst v63  }
.Ltmp1:
0x57: {  	_ = 	snop;
	(pc) =	sbr.rel @!p1 .LBB2_4-.Ltmp1, $4  }
0x58: {  	s30 =	simm.s32 $0x4200;
	_ =	swait.ge [sflag:s3], $0x80  }
0x59: {  	s29 =	simm.s32 $0x20;
	p2 =	sle.u32 s10, $0x0;
	[sflag:s3] =	ssyncset.done $0x0  }
0x5a: {  	p0 =	por $0x0, $0x0;
	s11 =	simm.s32 $0x0;
	[sflag:s3] =	ssyncadd.s32 $0xFFFFFF80  }
0x5b: {  	[tilespmem:s30], [sflag:$0x2] =	stream.indirect.gather [hbm4b:s4+s26], $0x80, s28, s26, $0xb8;
	[tilespmem:$0x1C200] =	vst v63  }
0x5c: {  	s3 =	simm.s32 @!p2 $0x1  }
0x5d: {  	_ =	swait.ge @!p2 [sflag:s3], $0x4000  }
0x5e: {  	s11 =	simm.s32 @!p2 $0x3;
	s12 =	simm.s32 @!p2 $0x80;
	[sflag:s3] =	ssyncset.done @!p2 $0x0  }
0x5f: {  	s13 =	simm.s32 @!p2 $0x100;
	p0 =	sle.u32 @!p2 s10, $0x2;
	[sflag:s3] =	ssyncadd.s32 @!p2 $0xFFFFC000  }
0x60: {  	[spmem:s1] =	stream.indirect.scatter.add.f32 @!p2 [tilespmem:s13], [sflag:$0x3], $0x80, s12, s12, $0xb8;
	[tilespmem:$0x1C200] =	vst v63  }
0x61: {  	p1 =	por p0, p2;
	_ =	swait.ge @!p2 [sflag:s11], $0x4000  }
0x62: {  	s12 =	simm.s32 @!p1 $0x3;
	s3 =	rddreg [dreg:$0x3];
	[sflag:s11] =	ssyncset.done @!p2 $0x0  }
0x63: {  	[sflag:s11] =	ssyncadd.s32 @!p2 $0xFFFFC000;
	s11 =	simm.s32 @!p1 $0x0;
	s3 =	sadd.s32 @!p1 $0x0, s3  }
0x64: {  	[tilespmem:s11], [sflag:$0x3] =	stream.linear.gather @!p1 [hbm4b:s3+s11], $0x80, $0x38;
	[tilespmem:$0x1C200] =	vst v63  }
0x65: {  	_ =	swait.ge @!p1 [sflag:s12], $0x80  }
0x66: {  	s3 =	rddreg [dreg:$0x4];
	[sflag:s12] =	ssyncset.done @!p1 $0x0  }
0x67: {  	s13 =	simm.s32 @!p1 $0x80;
	[sflag:s12] =	ssyncadd.s32 @!p1 $0xFFFFFF80;
	s3 =	sadd.s32 @!p1 $0x0, s3  }
0x68: {  	[tilespmem:s13], [sflag:$0x3] =	stream.linear.gather @!p1 [hbm4b:s3+s11], $0x80, $0x38;
	[tilespmem:$0x1C200] =	vst v63  }
0x69: {  	_ =	swait.ge @!p1 [sflag:s12], $0x80  }
0x6a: {  	s30 =	simm.s32 $0x40;
	p0 =	sle.u32 s23, $0x0;
	[sflag:s12] =	ssyncset.done @!p1 $0x0  }
0x6b: {  	s3 =	simm.s32 @!p1 $0x100;
	[sflag:s12] =	ssyncadd.s32 @!p1 $0xFFFFFF80;
	s12 =	simm.s32 @!p0 $0x2  }
0x6c: {  	[tilespmem:s3], [sflag:$0x1] =	stream.indirect.gather @!p1 [hbm4b:s4+s13], $0x80, s11, s13, $0xb8;
	[tilespmem:$0x1C200] =	vst v63  }
0x6d: {  	p2 =	sle.u32 s10, $0x2;
	p1 =	sle.u32 @!p0 s10, $0x3;
	_ =	swait.ge @!p0 [sflag:s12], $0x4000  }
0x6e: {  	s3 =	simm.s32 @!p0 $0x4200;
	s11 =	simm.s32 @!p0 $0x80;
	[sflag:s12] =	ssyncset.done @!p0 $0x0  }
0x6f: {  	s13 =	simm.s32 @!p0 $0x4180;
	[sflag:s12] =	ssyncadd.s32 @!p0 $0xFFFFC000;
	s12 =	simm.s32 @!p0 $0x3  }
0x70: {  	[spmem:s1] =	stream.indirect.scatter.add.f32 @!p0 [tilespmem:s3], [sflag:$0x3], $0x80, s13, s11, $0xb8;
	[tilespmem:$0x1C200] =	vst v63  }
0x71: {  	p3 =	por p1, p0;
	p1 =	sne.s32 s22, $0x40;
	_ =	swait.ge @!p0 [sflag:s12], $0x4000  }
0x72: {  	s14 =	simm.s32 @!p3 $0x3;
	s3 =	sadd.s32 @!p3 $0x0, s20;
	[sflag:s12] =	ssyncset.done @!p0 $0x0  }
0x73: {  	s13 =	simm.s32 @!p3 $0x4100;
	s11 =	simm.s32 @!p3 $0x0;
	[sflag:s12] =	ssyncadd.s32 @!p0 $0xFFFFC000  }
0x74: {  	[tilespmem:s13], [sflag:$0x3] =	stream.linear.gather @!p3 [hbm4b:s3+s11], $0x80, $0x38;
	[tilespmem:$0x1C200] =	vst v63  }
.Ltmp2:
0x75: {  	s15 =	simm.s32 @!p3 $0x4180;
	_ =	swait.ge @!p3 [sflag:s14], $0x80;
	(pc) =	sbr.rel @!p1 .LBB2_6-.Ltmp2, $4  }
0x76: {  	s16 =	simm.s32 @!p3 $0x4200;
	s12 =	sadd.s32 @!p3 $0x0, s21;
	[sflag:s14] =	ssyncset.done @!p3 $0x0  }
0x77: {  	p0 =	por $0x1, $0x1;
	s3 =	simm.s32 $0x5;
	[sflag:s14] =	ssyncadd.s32 @!p3 $0xFFFFFF80  }
0x78: {  	[tilespmem:s15], [sflag:$0x3] =	stream.linear.gather @!p3 [hbm4b:s12+s11], $0x80, $0x38;
	[tilespmem:$0x1C200] =	vst v63  }
0x79: {  	s15 =	simm.s32 @!p3 $0x80;
	s11 =	simm.s32 $0x2;
	_ =	swait.ge @!p3 [sflag:s14], $0x80  }
.LBB2_7:
0x7a: {  	[sflag:s14] =	ssyncset.done @!p3 $0x0  }
0x7b: {  	s17 =	simm.s32 @!p2 $0x1;
	[sflag:s14] =	ssyncadd.s32 @!p3 $0xFFFFFF80  }
0x7c: {  	[tilespmem:s16], [sflag:$0x2] =	stream.indirect.gather @!p3 [hbm4b:s4+s15], $0x80, s13, s15, $0xb8;
	[tilespmem:$0x1C200] =	vst v63  }
0x7d: {  	_ =	swait.ge @!p2 [sflag:s17], $0x4000  }
0x7e: {  	s14 =	simm.s32 @!p2 $0x80;
	[sflag:s17] =	ssyncset.done @!p2 $0x0  }
0x7f: {  	s13 =	simm.s32 @!p2 $0x3;
	s15 =	simm.s32 @!p2 $0x100;
	[sflag:s17] =	ssyncadd.s32 @!p2 $0xFFFFC000  }
0x80: {  	[spmem:s1] =	stream.indirect.scatter.add.f32 @!p2 [tilespmem:s15], [sflag:$0x3], $0x80, s14, s14, $0xb8;
	[tilespmem:$0x1C200] =	vst v63  }
0x81: {  	s14 =	sadd.s32 @!p2 $0xFFFFFFFF, s3;
	_ =	swait.ge @!p2 [sflag:s13], $0x4000  }
0x82: {  	p3 =	sge.u32 @!p2 s14, s10;
	[sflag:s13] =	ssyncset.done @!p2 $0x0  }
0x83: {  	s14 =	rddreg [dreg:$0x3];
	[sflag:s13] =	ssyncadd.s32 @!p2 $0xFFFFC000;
	p2 =	por p3, p2  }
0x84: {  	s13 =	simm.s32 @!p2 $0x0;
	s15 =	simm.s32 @!p2 $0x3;
	s14 =	sadd.s32 @!p2 s29, s14  }
0x85: {  	[tilespmem:s13], [sflag:$0x3] =	stream.linear.gather @!p2 [hbm4b:s14+s13], $0x80, $0x38;
	[tilespmem:$0x1C200] =	vst v63  }
0x86: {  	_ =	swait.ge @!p2 [sflag:s15], $0x80  }
0x87: {  	s14 =	rddreg [dreg:$0x4];
	[sflag:s15] =	ssyncset.done @!p2 $0x0  }
0x88: {  	s16 =	simm.s32 @!p2 $0x80;
	[sflag:s15] =	ssyncadd.s32 @!p2 $0xFFFFFF80;
	s14 =	sadd.s32 @!p2 s29, s14  }
0x89: {  	[tilespmem:s16], [sflag:$0x3] =	stream.linear.gather @!p2 [hbm4b:s14+s13], $0x80, $0x38;
	[tilespmem:$0x1C200] =	vst v63  }
0x8a: {  	s12 =	smov.u32 s30;
	_ =	swait.ge @!p2 [sflag:s15], $0x80  }
0x8b: {  	s30 =	sadd.s32 $0x20, s30;
	p4 =	sge.u32 s11, s23;
	[sflag:s15] =	ssyncset.done @!p2 $0x0  }
0x8c: {  	s11 =	simm.s32 @!p4 $0x2;
	s14 =	simm.s32 @!p2 $0x100;
	[sflag:s15] =	ssyncadd.s32 @!p2 $0xFFFFFF80  }
0x8d: {  	[tilespmem:s14], [sflag:$0x1] =	stream.indirect.gather @!p2 [hbm4b:s4+s16], $0x80, s13, s16, $0xb8;
	[tilespmem:$0x1C200] =	vst v63  }
0x8e: {  	p1 =	sne.s32 s22, s30;
	p3 =	sge.u32 @!p4 s3, s10;
	_ =	swait.ge @!p4 [sflag:s11], $0x4000  }
0x8f: {  	s15 =	simm.s32 @!p4 $0x4180;
	s13 =	simm.s32 @!p4 $0x4200;
	[sflag:s11] =	ssyncset.done @!p4 $0x0  }
0x90: {  	s14 =	simm.s32 @!p4 $0x80;
	[sflag:s11] =	ssyncadd.s32 @!p4 $0xFFFFC000;
	s11 =	simm.s32 @!p4 $0x3  }
0x91: {  	[spmem:s1] =	stream.indirect.scatter.add.f32 @!p4 [tilespmem:s13], [sflag:$0x3], $0x80, s15, s14, $0xb8;
	[tilespmem:$0x1C200] =	vst v63  }
0x92: {  	s3 =	sadd.s32 $0x2, s3;
	p3 =	por p3, p4;
	_ =	swait.ge @!p4 [sflag:s11], $0x4000  }
0x93: {  	s17 =	simm.s32 @!p3 $0x0;
	s15 =	sadd.s32 @!p3 s29, s20;
	[sflag:s11] =	ssyncset.done @!p4 $0x0  }
0x94: {  	s13 =	simm.s32 @!p3 $0x4100;
	s14 =	simm.s32 @!p3 $0x3;
	[sflag:s11] =	ssyncadd.s32 @!p4 $0xFFFFC000  }
0x95: {  	[tilespmem:s13], [sflag:$0x3] =	stream.linear.gather @!p3 [hbm4b:s15+s17], $0x80, $0x38;
	[tilespmem:$0x1C200] =	vst v63  }
.Ltmp3:
0x96: {  	s18 =	simm.s32 @!p3 $0x4180;
	_ =	swait.ge @!p3 [sflag:s14], $0x80;
	(pc) =	sbr.rel @p1 .LBB2_7-.Ltmp3, $4  }
0x97: {  	s16 =	simm.s32 @!p3 $0x4200;
	s29 =	sadd.s32 @!p3 s29, s21;
	[sflag:s14] =	ssyncset.done @!p3 $0x0  }
0x98: {  	s11 =	sadd.s32 $0xFFFFFFFD, s3;
	s15 =	simm.s32 @!p3 $0x80;
	[sflag:s14] =	ssyncadd.s32 @!p3 $0xFFFFFF80  }
0x99: {  	[tilespmem:s18], [sflag:$0x3] =	stream.linear.gather @!p3 [hbm4b:s29+s17], $0x80, $0x38;
	[tilespmem:$0x1C200] =	vst v63  }
0x9a: {  	p2 =	sge.u32 s11, s10;
	s29 =	smov.u32 s12;
	_ =	swait.ge @!p3 [sflag:s14], $0x80  }
0x9b: {  	s12 =	smov.u32 s29  }
.LBB2_9:
0x9c: {  	p0 =	por p3, !p0  }
0x9d: {  	[sflag:s14] =	ssyncset.done @!p0 $0x0  }
0x9e: {  	[sflag:s14] =	ssyncadd.s32 @!p0 $0xFFFFFF80;
	s14 =	simm.s32 @!p2 $0x1  }
0x9f: {  	[tilespmem:s16], [sflag:$0x2] =	stream.indirect.gather @!p0 [hbm4b:s4+s15], $0x80, s13, s15, $0xb8;
	[tilespmem:$0x1C200] =	vst v63  }
0xa0: {  	_ =	swait.ge @!p2 [sflag:s14], $0x4000  }
0xa1: {  	s15 =	simm.s32 @!p2 $0x80;
	[sflag:s14] =	ssyncset.done @!p2 $0x0  }
0xa2: {  	s16 =	simm.s32 @!p2 $0x100;
	[sflag:s14] =	ssyncadd.s32 @!p2 $0xFFFFC000;
	s14 =	sadd.s32 @!p2 $0xFFFFFFFF, s3  }
0xa3: {  	[spmem:s1] =	stream.indirect.scatter.add.f32 @!p2 [tilespmem:s16], [sflag:$0x3], $0x80, s15, s15, $0xb8;
	[tilespmem:$0x1C200] =	vst v63  }
0xa4: {  	s13 =	simm.s32 @!p2 $0x3;
	p0 =	sge.u32 @!p2 s14, s10  }
0xa5: {  	_ =	swait.ge @!p2 [sflag:s13], $0x4000;
	p1 =	por p0, p2  }
0xa6: {  	s15 =	rddreg [dreg:$0x3];
	[sflag:s13] =	ssyncset.done @!p2 $0x0;
	s14 =	simm.s32 @!p1 $0x3  }
0xa7: {  	[sflag:s13] =	ssyncadd.s32 @!p2 $0xFFFFC000;
	s13 =	simm.s32 @!p1 $0x0;
	s15 =	sadd.s32 @!p1 s12, s15  }
0xa8: {  	[tilespmem:s13], [sflag:$0x3] =	stream.linear.gather @!p1 [hbm4b:s15+s13], $0x80, $0x38;
	[tilespmem:$0x1C200] =	vst v63  }
0xa9: {  	_ =	swait.ge @!p1 [sflag:s14], $0x80  }
0xaa: {  	s15 =	rddreg [dreg:$0x4];
	[sflag:s14] =	ssyncset.done @!p1 $0x0  }
0xab: {  	s16 =	simm.s32 @!p1 $0x80;
	[sflag:s14] =	ssyncadd.s32 @!p1 $0xFFFFFF80;
	s15 =	sadd.s32 @!p1 s12, s15  }
0xac: {  	[tilespmem:s16], [sflag:$0x3] =	stream.linear.gather @!p1 [hbm4b:s15+s13], $0x80, $0x38;
	[tilespmem:$0x1C200] =	vst v63  }
0xad: {  	_ =	swait.ge @!p1 [sflag:s14], $0x80  }
0xae: {  	[sflag:s14] =	ssyncset.done @!p1 $0x0  }
0xaf: {  	p0 =	sge.u32 s11, s23;
	s11 =	simm.s32 @!p1 $0x100;
	[sflag:s14] =	ssyncadd.s32 @!p1 $0xFFFFFF80  }
0xb0: {  	[tilespmem:s11], [sflag:$0x1] =	stream.indirect.gather @!p1 [hbm4b:s4+s16], $0x80, s13, s16, $0xb8;
	[tilespmem:$0x1C200] =	vst v63  }
0xb1: {  	s11 =	simm.s32 @!p0 $0x2  }
0xb2: {  	s14 =	simm.s32 @!p0 $0x4180;
	_ =	swait.ge @!p0 [sflag:s11], $0x4000  }
0xb3: {  	p1 =	sge.u32 @!p0 s3, s10;
	s3 =	simm.s32 @!p0 $0x4200;
	[sflag:s11] =	ssyncset.done @!p0 $0x0  }
0xb4: {  	s13 =	simm.s32 @!p0 $0x80;
	[sflag:s11] =	ssyncadd.s32 @!p0 $0xFFFFC000;
	s11 =	simm.s32 @!p0 $0x3  }
0xb5: {  	[spmem:s1] =	stream.indirect.scatter.add.f32 @!p0 [tilespmem:s3], [sflag:$0x3], $0x80, s14, s13, $0xb8;
	[tilespmem:$0x1C200] =	vst v63  }
0xb6: {  	p1 =	por p1, p0;
	_ =	swait.ge @!p0 [sflag:s11], $0x4000  }
0xb7: {  	s3 =	sadd.s32 @!p1 s12, s20;
	s13 =	simm.s32 @!p1 $0x4100;
	[sflag:s11] =	ssyncset.done @!p0 $0x0  }
0xb8: {  	s14 =	simm.s32 @!p1 $0x3;
	[sflag:s11] =	ssyncadd.s32 @!p0 $0xFFFFC000;
	s11 =	simm.s32 @!p1 $0x0  }
0xb9: {  	[tilespmem:s13], [sflag:$0x3] =	stream.linear.gather @!p1 [hbm4b:s3+s11], $0x80, $0x38;
	[tilespmem:$0x1C200] =	vst v63  }
0xba: {  	_ =	swait.ge @!p1 [sflag:s14], $0x80  }
0xbb: {  	[sflag:s14] =	ssyncset.done @!p1 $0x0  }
0xbc: {  	s3 =	sadd.s32 @!p1 s12, s21;
	s12 =	simm.s32 @!p1 $0x4180;
	[sflag:s14] =	ssyncadd.s32 @!p1 $0xFFFFFF80  }
0xbd: {  	[tilespmem:s12], [sflag:$0x3] =	stream.linear.gather @!p1 [hbm4b:s3+s11], $0x80, $0x38;
	[tilespmem:$0x1C200] =	vst v63  }
0xbe: {  	_ =	swait.ge @!p1 [sflag:s14], $0x80  }
0xbf: {  	[sflag:s14] =	ssyncset.done @!p1 $0x0  }
0xc0: {  	s3 =	simm.s32 @!p1 $0x80;
	s11 =	simm.s32 @!p1 $0x4200;
	[sflag:s14] =	ssyncadd.s32 @!p1 $0xFFFFFF80  }
0xc1: {  	[tilespmem:s11], [sflag:$0x2] =	stream.indirect.gather @!p1 [hbm4b:s4+s3], $0x80, s13, s3, $0xb8;
	[tilespmem:$0x1C200] =	vst v63  }
0xc2: {  	[bflag:$0x0] =	sbarrier.arrive $0xFFFF  }
0xc3: {  	[tilespmem:s25], [sflag:$0x3] =	stream.linear.gather [spmem:s5], $0x4000, $0x38;
	[tilespmem:$0x1C200] =	vst v63  }
0xc4: {  	_ =	swait.ge [sflag:s31], $0x4000  }
0xc5: {  	[sflag:s31] =	ssyncset.done $0x0  }
0xc6: {  	s17 =	rddreg [dreg:$0x9];
	[sflag:s31] =	ssyncadd.s32 $0xFFFFC000  }
0xc7: {  	[hbm4b:s17+s2] =	stream.linear.scatter [tilespmem:s25], [sflag:$0x3], $0x4000, $0x38;
	[tilespmem:$0x1C200] =	vst v63  }
0xc8: {  	_ =	swait.ge [sflag:s31], $0x4000  }
0xc9: {  	[sflag:s31] =	ssyncset.done $0x0  }
0xca: {  	[sflag:s31] =	ssyncadd.s32 $0xFFFFC000  }
0xcb: {  	[tilespmem:s25], [sflag:$0x3] =	stream.linear.gather [spmem:s6], $0x4000, $0x38;
	[tilespmem:$0x1C200] =	vst v63  }
0xcc: {  	_ =	swait.ge [sflag:s31], $0x4000  }
0xcd: {  	[sflag:s31] =	ssyncset.done $0x0  }
0xce: {  	s18 =	rddreg [dreg:$0xa];
	[sflag:s31] =	ssyncadd.s32 $0xFFFFC000  }
0xcf: {  	[hbm4b:s18+s2] =	stream.linear.scatter [tilespmem:s25], [sflag:$0x3], $0x4000, $0x38;
	[tilespmem:$0x1C200] =	vst v63  }
0xd0: {  	_ =	swait.ge [sflag:s31], $0x4000  }
0xd1: {  	[sflag:s31] =	ssyncset.done $0x0  }
0xd2: {  	[sflag:s31] =	ssyncadd.s32 $0xFFFFC000  }
0xd3: {  	[tilespmem:s25], [sflag:$0x3] =	stream.linear.gather [spmem:s7], $0x4000, $0x38;
	[tilespmem:$0x1C200] =	vst v63  }
0xd4: {  	_ =	swait.ge [sflag:s31], $0x4000  }
0xd5: {  	[sflag:s31] =	ssyncset.done $0x0  }
0xd6: {  	s29 =	rddreg [dreg:$0xb];
	[sflag:s31] =	ssyncadd.s32 $0xFFFFC000  }
0xd7: {  	[hbm4b:s29+s2] =	stream.linear.scatter [tilespmem:s25], [sflag:$0x3], $0x4000, $0x38;
	[tilespmem:$0x1C200] =	vst v63  }
0xd8: {  	_ =	swait.ge [sflag:s31], $0x4000  }
0xd9: {  	[sflag:s31] =	ssyncset.done $0x0  }
0xda: {  	[sflag:s31] =	ssyncadd.s32 $0xFFFFC000  }
0xdb: {  	[tilespmem:s25], [sflag:$0x3] =	stream.linear.gather [spmem:s8], $0x4000, $0x38;
	[tilespmem:$0x1C200] =	vst v63  }
0xdc: {  	_ =	swait.ge [sflag:s31], $0x4000  }
0xdd: {  	[sflag:s31] =	ssyncset.done $0x0  }
0xde: {  	s30 =	rddreg [dreg:$0xc];
	[sflag:s31] =	ssyncadd.s32 $0xFFFFC000  }
0xdf: {  	[hbm4b:s30+s2] =	stream.linear.scatter [tilespmem:s25], [sflag:$0x3], $0x4000, $0x38;
	[tilespmem:$0x1C200] =	vst v63  }
0xe0: {  	_ =	swait.ge [sflag:s31], $0x4000  }
0xe1: {  	[sflag:s31] =	ssyncset.done $0x0  }
0xe2: {  	[sflag:s31] =	ssyncadd.s32 $0xFFFFC000  }
0xe3: {  	[tilespmem:s25], [sflag:$0x3] =	stream.linear.gather [spmem:s9], $0x4000, $0x38;
	[tilespmem:$0x1C200] =	vst v63  }
0xe4: {  	_ =	swait.ge [sflag:s31], $0x4000  }
0xe5: {  	s0 =	sadd.s32 $0x1, s0;
	[sflag:s31] =	ssyncset.done $0x0  }
0xe6: {  	p0 =	sne.s32 s0, s24;
	[sflag:s31] =	ssyncadd.s32 $0xFFFFC000  }
0xe7: {  	[hbm4b:s19+s2] =	stream.linear.scatter [tilespmem:s25], [sflag:$0x3], $0x4000, $0x38;
	[tilespmem:$0x1C200] =	vst v63  }
.Ltmp4:
0xe8: {  	_ = 	snop;
	(pc) =	sbr.rel @p0 .LBB2_1-.Ltmp4, $4  }
.Ltmp5:
0xe9: {  	_ = 	snop;
	(pc) =	sbr.rel @!p0 .LBB2_10-.Ltmp5, $4  }
0xea: {  	_ =	swait.ge [sflag:s31], $0x4000  }
0xeb: {  	[sflag:s31] =	ssyncset.done $0x0  }
0xec: {  	[sflag:s31] =	ssyncadd.s32 $0xFFFFC000  }
0xed: {  	_ = 	snop  }
.LBB2_4:
.Ltmp6:
0xee: {  	(pc) =	sbr.rel .LBB2_9-.Ltmp6, $2  }
0xef: {  	_ =	sdelay $0x2  }
0xf0: {  	_ = 	snop  }
.LBB2_6:
.Ltmp7:
0xf1: {  	(pc) =	sbr.rel .LBB2_9-.Ltmp7, $2  }
0xf2: {  	_ =	sdelay $0x2  }
0xf3: {  	s12 =	simm.s32 $0x20  }
.LBB2_10:
0xf4: {  	_ =	sfence.sel $0x180000  }
0xf5: {  	[bflag:$0x0] =	sbarrier.arrive $0xFFFF  }
0xf6: {  	_ =	strace $0x9000004A  }
0xf7: {  	s0 =	stileid.u32;
	[bflag:$0x2] =	sbarrier.arrive $0xFFFF  }
0xf8: {  	p0 =	sne.s32 s0, $0x0;
	s0 =	rddreg [dreg:$0x2]  }
0xf9: {  	s0 =	sadd.s32 @!p0 $0x100000, s0  }
0xfa: {  	[sflag:s0] =	ssyncadd.tile.s32 @!p0 $0x1;
	_ =	shalt  }
.Lfunc_end2:
_tile_overlayer_lowered:
.L_overlay_start_2:
0xfb: {  	(tag) =	ssettag $0x2  }
0xfc: {  	s0 =	rddreg [dreg:$0x0];
	s2 =	stileid.u32  }
0xfd: {  	s1 =	rddreg [dreg:$0x1];
	p0 =	sne.s32 s2, $0x0  }
0xfe: {  	s3 =	rddreg [dreg:$0x2];
	[bflag:$0x3] =	sbarrier.arrive $0xFFFF;
	s2 =	simm.s32 @!p0 $0x1C03  }
0xff: {  	[timem:s3], [sflag:s2] =	dma.local @!p0 [hbm:s0], s1  }
0x100: {  	s0 =	simm.s32 @!p0 $0x3  }
0x101: {  	_ =	swait.ge @!p0 [sflag:s0], s1  }
0x102: {  	s1 =	ssub.s32 @!p0 $0x0, s1;
	[sflag:s0] =	ssyncset.done @!p0 $0x0  }
0x103: {  	[sflag:s0] =	ssyncadd.s32 @!p0 s1  }
0x104: {  	[bflag:$0x3] =	sbarrier.arrive $0xFFFF  }
0x105: {  	_ =	shalt  }

// kernel: kernel.19.cloned.1.call-start
scs
__scs_entry_jumppad:
0x0: {  	(pc) =	sbr.rel $0x88, $3  }
0x1: {  	(tag) =	ssettag $0x0;
	lr =	simm.s32 $0x1  }
0x2: {  	[smem:$0x3F90] =	sst lr;
	_ =	strace $0xD0000000  }
0x3: {  	_ = 	snop  }
0x4: {  	_ = 	snop  }
0x5: {  	_ = 	snop  }
0x6: {  	_ = 	snop  }
0x7: {  	_ = 	snop  }
__scs_overlays_trampoline_lowered:
0x8: {  	[smem:$0x3F9F] =	sst s0  }
0x9: {  	[smem:$0x3FA0] =	sst s1  }
0xa: {  	[smem:$0x3FA1] =	sst s2  }
0xb: {  	[smem:$0x3FA2] =	sst s3  }
0xc: {  	[smem:$0x3FA3] =	sst s4  }
0xd: {  	[smem:$0x3FA4] =	sst s5  }
0xe: {  	[smem:$0x3FA5] =	sst s6  }
0xf: {  	[smem:$0x3FA6] =	sst s7  }
0x10: {  	[smem:$0x3FA7] =	sst s8  }
0x11: {  	[smem:$0x3FA8] =	sst s9;
	s0 =	simm.s32 @!p0 $0x0  }
0x12: {  	s1 =	sld [smem:$0x3F8E];
	s0 =	simm.s32 @p0 $0x1  }
0x13: {  	[smem:$0x3FA9] =	sst s0;
	s0 =	simm.s32 @!p1 $0x0  }
0x14: {  	s2 =	sld [smem:$0x3F8D];
	s0 =	simm.s32 @p1 $0x1  }
0x15: {  	[smem:$0x3FAA] =	sst s0;
	s0 =	simm.s32 @!p2 $0x0  }
0x16: {  	s3 =	sld [smem:$0x3FDB];
	s0 =	simm.s32 @p2 $0x1  }
0x17: {  	s4 =	simm.s32 $0x1BF5;
	[smem:$0x3FAC] =	sst s0  }
0x18: {  	s0 =	sld [smem:$0x3F8F];
	_ =	swait.ge [sflag:s4], $0x0  }
0x19: {  	s7 =	sld [smem:$0x3F90]  }
0x1a: {  	s8 =	sadd.s32 $0xFFFFE003, lr  }
0x1b: {  	s9 =	sadd.s32 $0xFFFFFEF7, lr;
	s5 =	simm.s32 $0xFFFFFFFF;
	p2 =	slt.u32 s8, $0xFFFFF086  }
0x1c: {  	p1 =	slt.u32 s9, $0xF7A;
	s5 =	simm.s32 @!p2 $0x0  }
0x1d: {  	s5 =	simm.s32 @p1 $0x1;
	p0 =	seq.s32 s7, s2  }
0x1e: {  	s7 =	smul.u32 @!p0 $0xF7A, s2;
	p2 =	seq.s32 @!p0 s5, $0x0  }
0x1f: {  	s9 =	smul.u32 $0xF7A, s1;
	s8 =	simm.s32 @!p0 $0x1BF5;
	p2 =	por !p2, p0  }
0x20: {  	[sflag:s8] =	ssyncset.s32 @!p0 $0xFFFFF086;
	s6 =	sadd.s32 @!p0 s3, s7;
	s7 =	simm.s32 @!p0 $0x108  }
0x21: {  	s3 =	sadd.s32 s3, s9;
	s6 =	sadd.s32 @!p0 $0x88, s6;
	s7 =	simm.s32 @p2 $0x1082  }
0x22: {  	[simem:s7], [sflag:s8] =	dma.local @!p0 [hbm:s6], $0xF7A  }
0x23: {  	s9 =	sor.u32 $0xD0000000, s2;
	s6 =	simm.s32 $0x108;
	_ =	swait.ge @!p0 [sflag:s8], $0x0  }
0x24: {  	s3 =	sadd.s32 $0x88, s3;
	s6 =	simm.s32 @!p1 $0x1082;
	[sflag:s4] =	ssyncset.s32 $0xFFFFF086  }
0x25: {  	[simem:s6], [sflag:s4] =	dma.local [hbm:s3], $0xF7A  }
0x26: {  	[smem:$0x3F90] =	sst s1;
	(tag) =	ssettag s2;
	_ =	strace s9  }
0x27: {  	s1 =	sld [smem:$0x3FA0]  }
0x28: {  	s2 =	sld [smem:$0x3FA1]  }
0x29: {  	s4 =	sld [smem:$0x3FA3]  }
0x2a: {  	p0 =	seq.s32 s5, $0x0;
	s5 =	sld [smem:$0x3FA4]  }
0x2b: {  	s6 =	sld [smem:$0x3FA5]  }
0x2c: {  	s7 =	sld [smem:$0x3FA6]  }
0x2d: {  	s3 =	simm.s32 $0x108;
	s8 =	sld [smem:$0x3FA7]  }
0x2e: {  	s3 =	simm.s32 @!p0 $0x1082;
	s9 =	sld [smem:$0x3FA8]  }
0x2f: {  	lr =	sadd.s32 s0, s3;
	s0 =	sld [smem:$0x3F9F]  }
0x30: {  	s3 =	sld [smem:$0x3FA2]  }
0x31: {  	[smem:$0x3FAB] =	sst s10  }
0x32: {  	s10 =	sld [smem:$0x3FA9];
	_ =	sdelay $0x3  }
0x33: {  	p0 =	seq.s32 s10, $0x1;
	s10 =	sld [smem:$0x3FAB];
	_ =	sdelay $0x3  }
0x34: {  	[smem:$0x3FAB] =	sst s10  }
0x35: {  	s10 =	sld [smem:$0x3FAA];
	_ =	sdelay $0x3  }
0x36: {  	p1 =	seq.s32 s10, $0x1;
	s10 =	sld [smem:$0x3FAB];
	_ =	sdelay $0x3  }
0x37: {  	[smem:$0x3FAB] =	sst s10  }
0x38: {  	s10 =	sld [smem:$0x3FAC]  }
0x39: {  	_ = 	snop;
	(pc) =	sbr.ind lr, $3  }
0x3a: {  	_ = 	snop  }
0x3b: {  	_ = 	snop  }
0x3c: {  	p2 =	seq.s32 s10, $0x1;
	s10 =	sld [smem:$0x3FAB]  }
0x3d: {  	_ =	shalt  }
0x3e: {  	_ =	shalt  }
0x3f: {  	_ =	shalt  }
0x40: {  	_ =	shalt  }
0x41: {  	_ =	shalt  }
0x42: {  	_ =	shalt  }
0x43: {  	_ =	shalt  }
0x44: {  	_ =	shalt  }
0x45: {  	_ =	shalt  }
0x46: {  	_ =	shalt  }
0x47: {  	_ =	shalt  }
0x48: {  	_ =	shalt  }
0x49: {  	_ =	shalt  }
0x4a: {  	_ =	shalt  }
0x4b: {  	_ =	shalt  }
0x4c: {  	_ =	shalt  }
0x4d: {  	_ =	shalt  }
0x4e: {  	_ =	shalt  }
0x4f: {  	_ =	shalt  }
0x50: {  	_ =	shalt  }
0x51: {  	_ =	shalt  }
0x52: {  	_ =	shalt  }
0x53: {  	_ =	shalt  }
0x54: {  	_ =	shalt  }
0x55: {  	_ =	shalt  }
0x56: {  	_ =	shalt  }
0x57: {  	_ =	shalt  }
0x58: {  	_ =	shalt  }
0x59: {  	_ =	shalt  }
0x5a: {  	_ =	shalt  }
0x5b: {  	_ =	shalt  }
0x5c: {  	_ =	shalt  }
0x5d: {  	_ =	shalt  }
0x5e: {  	_ =	shalt  }
0x5f: {  	_ =	shalt  }
0x60: {  	_ =	shalt  }
0x61: {  	_ =	shalt  }
0x62: {  	_ =	shalt  }
0x63: {  	_ =	shalt  }
0x64: {  	_ =	shalt  }
0x65: {  	_ =	shalt  }
0x66: {  	_ =	shalt  }
0x67: {  	_ =	shalt  }
0x68: {  	_ =	shalt  }
0x69: {  	_ =	shalt  }
0x6a: {  	_ =	shalt  }
0x6b: {  	_ =	shalt  }
0x6c: {  	_ =	shalt  }
0x6d: {  	_ =	shalt  }
0x6e: {  	_ =	shalt  }
0x6f: {  	_ =	shalt  }
0x70: {  	_ =	shalt  }
0x71: {  	_ =	shalt  }
0x72: {  	_ =	shalt  }
0x73: {  	_ =	shalt  }
0x74: {  	_ =	shalt  }
0x75: {  	_ =	shalt  }
0x76: {  	_ =	shalt  }
0x77: {  	_ =	shalt  }
0x78: {  	_ =	shalt  }
0x79: {  	_ =	shalt  }
0x7a: {  	_ =	shalt  }
0x7b: {  	_ =	shalt  }
0x7c: {  	_ =	shalt  }
0x7d: {  	_ =	shalt  }
0x7e: {  	_ =	shalt  }
0x7f: {  	_ =	shalt  }
0x80: {  	_ =	shalt  }
0x81: {  	_ =	shalt  }
0x82: {  	_ =	shalt  }
0x83: {  	_ =	shalt  }
0x84: {  	_ =	shalt  }
0x85: {  	_ =	shalt  }
0x86: {  	_ =	shalt  }
0x87: {  	_ =	shalt  }
.Lfunc_end0:
.L_simem_size_0:
called_computation.2_lowered:
.L_overlay_start_0:
0x88: {  	s2 =	sld [smem:$0x3FD9]  }
0x89: {  	s3 =	sld [smem:$0x3FFE];
	_ =	sdelay $0x1  }
0x8a: {  	s1 =	srdreg.scid  }
0x8b: {  	s0 =	sand.u32 $0x1, s1  }
0x8c: {  	s16 =	sshll.u32 s0, $0xA;
	s2 =	sadd.s32 s3, s2  }
0x8d: {  	s2 =	sadd.s32 s2, s16  }
0x8e: {  	[smem:$0x3FB7] =	sst s2  }
0x8f: {  	_ = 	snop  }
0x90: {  	(tm) =	ssettm $0x1  }
0x91: {  	s17 =	sld [smem:$0x3FFB];
	_ =	sdelay $0x3  }
0x92: {  	_ =	strace s17  }
0x93: {  	s2 =	sld [smem:$0x3FFC];
	_ =	sdelay $0x3  }
0x94: {  	_ =	strace s2  }
0x95: {  	s2 =	sld [smem:$0x3FFD];
	_ =	sdelay $0x3  }
0x96: {  	_ =	strace s2  }
0x97: {  	_ =	strace $0x8FFFFFFF  }
0x98: {  	s18 =	sld [smem:$0x3FDB];
	_ =	sdelay $0x1  }
0x99: {  	s19 =	simm.s32 $_scs_section_size  }
0x9a: {  	s4 =	simm.s32 $_size__tile_overlayer_lowered;
	s5 =	simm.s32 $_tile_overlayer_lowered  }
0x9b: {  	s22 =	simm.s32 $0x1BFF;
	s21 =	sshll.u32 s5, $0x1;
	s2 =	sadd.s32 s19, s18  }
0x9c: {  	s6 =	simm.s32 $0x0;
	s20 =	sshll.u32 s4, $0x1;
	s4 =	sadd.s32 s21, s2  }
0x9d: {  	[timem:s6], [sflag:s22] =	dma.local [hbm:s4], s20  }
0x9e: {  	_ =	swait.ge [sflag:s22], s20  }
0x9f: {  	s3 =	ssub.s32 $0x0, s20;
	[sflag:s22] =	ssyncset.done $0x0  }
0xa0: {  	[sflag:s22] =	ssyncadd.s32 s3;
	_ =	sdelay $0x1  }
0xa1: {  	s23 =	simm.s32 $0x1B8B  }
0xa2: {  	_ =	swait.ge [sflag:s23], $0x1  }
0xa3: {  	[sflag:s23] =	ssyncset.done $0x0  }
0xa4: {  	s25 =	simm.s32 $0x1B8E;
	s24 =	sld [smem:$0x3FFE];
	[sflag:s23] =	ssyncadd.s32 $0xFFFFFFFF  }
0xa5: {  	s26 =	simm.s32 $execute0_lowered;
	[smem:$0x3FD2] =	sst s25  }
0xa6: {  	s4 =	sshll.u32 s26, $0x1;
	_ =	strace $0x8000004C;
	[dreg:$0x1] =	wrdreg $0xFFFFFFFF  }
0xa7: {  	s28 =	simm.s32 $_size_execute0_lowered;
	s2 =	sadd.s32 s2, s4;
	[dreg:$0x0] =	wrdreg $0x0  }
0xa8: {  	s4 =	sshll.u32 s28, $0x1;
	[dreg:$0x2] =	wrdreg s2  }
0xa9: {  	[dreg:$0x3] =	wrdreg s4  }
0xaa: {  	[dreg:$0x4] =	wrdreg $0xC0  }
0xab: {  	_ =	task [dreg:s6], $0x5FFFF  }
0xac: {  	[dreg:$0x1] =	wrdreg $0xFFFFFFFF  }
0xad: {  	[dreg:$0x0] =	wrdreg $0x60  }
0xae: {  	[dreg:$0x2] =	wrdreg s24  }
0xaf: {  	[dreg:$0x3] =	wrdreg $0x82000  }
0xb0: {  	[dreg:$0x4] =	wrdreg $0x9  }
0xb1: {  	_ =	task.clear_ibuf [dreg:s6], $0x5FFFF;
	_ =	strace $0x9000004C  }
0xb2: {  	s29 =	simm.s32 $0x9;
	_ =	strace $0x8000004E  }
0xb3: {  	_ =	swait.ge [sflag:s29], $0x1  }
0xb4: {  	[sflag:s29] =	ssyncadd.s32 $0xFFFFFFFF  }
0xb5: {  	_ =	strace $0x9000004E  }
0xb6: {  	_ =	sfence  }
0xb7: {  	s30 =	sld [smem:$0x0];
	_ =	sdelay $0x2  }
0xb8: {  	s31 =	sshll.u32 s1, $0xD;
	s1 =	sshrl.u32 s1, $0x2  }
0xb9: {  	s3 =	sand.u32 $0x4000, s31;
	s1 =	sadd.s32 s1, s30  }
0xba: {  	s0 =	sor.u32 s3, s0;
	s1 =	sshll.u32 s1, $0x11  }
0xbb: {  	s0 =	sor.u32 s1, s0  }
0xbc: {  	s0 =	sadd.s32 $0x8F2B, s0  }
0xbd: {  	[sflag:s0] =	ssyncadd.remote.s32 $0x1  }
0xbe: {  	_ =	sfence.sel $0xFFFF  }
0xbf: {  	[dreg:$0x0] =	wrdreg $0xFFFFFFFF;
	(pc) =	sbr.abs _section_cstart, $3  }
0xc0: {  	[dreg:$0x1] =	wrdreg $0xFFFFFFFF  }
0xc1: {  	_ =	task.clear_ibuf [dreg:s6], $0x2FFFF;
	_ =	strace $0x9FFFFFFF  }
0xc2: {  	(tm) =	ssettm $0x7FFFFFFF  }
0xc3: {  	_ =	shalt  }
tec
execute0_lowered:
.L_overlay_start_1:
0x0: {  	(tag) =	ssettag $0x1  }
0x1: {  	s5 =	rddreg [dreg:$0x0]  }
0x2: {  	s1 =	rddreg [dreg:$0x1]  }
0x3: {  	s2 =	simm.s32 $0x0;
	s6 =	srdreg.scid;
	s23 =	stileid.u32  }
0x4: {  	s28 =	simm.s32 $0x4100;
	s31 =	simm.s32 $0x3;
	[smem:$0x7FF] =	sst s2  }
0x5: {  	s0 =	sadd.s32 $0xE600, s5;
	s3 =	sadd.s32 $0x4800, s5;
	s4 =	sadd.s32 $0x18400, s5  }
0x6: {  	s11 =	sand.u32 $0x1, s6;
	s12 =	sadd.s32 $0x40400, s5;
	s19 =	smul.u32 $0x50000, s23  }
0x7: {  	s8 =	sshll.u32 s23, $0x1;
	s13 =	smul.u32 $0x280, s23;
	p0 =	slt.u32 s23, $0x2  }
0x8: {  	_ =	strace $0x8000004D;
	s18 =	ssub.s32 $0x2, s11;
	s9 =	sor.u32 s11, s8  }
0x9: {  	s7 =	sshrl.u32 s18, $0x1;
	s20 =	sshrl.u32 s19, $0x2;
	s15 =	sadd.s32 $0x80, s13  }
0xa: {  	s16 =	sadd.s32 $0x100, s13;
	s19 =	sadd.s32 $0x200, s13;
	s10 =	smul.u32 $0x4E, s9  }
0xb: {  	s14 =	ssub.s32 s18, s7;
	s5 =	sadd.s32 s20, s1;
	s21 =	sshll.u32 s15, $0x7  }
0xc: {  	s22 =	sshll.u32 s16, $0x7;
	s18 =	sadd.s32 $0x180, s13;
	s17 =	sshll.u32 s19, $0x7  }
0xd: {  	s20 =	smin.u32 s9, $0x4;
	s6 =	sadd.s32 s21, s1;
	s7 =	sadd.s32 s22, s1  }
0xe: {  	s24 =	sshll.u32 s18, $0x7;
	s21 =	smul.u32 $0x9C, s23;
	s9 =	sadd.s32 s17, s1  }
0xf: {  	s25 =	sadd.s32 s20, s10;
	s22 =	smul.u32 $0x4E, s11;
	s10 =	simm.s32 $0x4F  }
0x10: {  	s11 =	smul.u32 $0x2800, s11;
	s8 =	sadd.s32 s24, s1;
	s17 =	sshll.u32 s25, $0x4  }
0x11: {  	s10 =	simm.s32 @!p0 $0x4E;
	s26 =	sadd.s32 s0, s17;
	s21 =	sadd.s32 s22, s21  }
0x12: {  	s29 =	sadd.s32 s3, s17;
	s17 =	sadd.s32 $0x10, s17;
	s13 =	sadd.s32 s13, s11  }
0x13: {  	s15 =	sadd.s32 s11, s15;
	s16 =	sadd.s32 s11, s16;
	[dreg:$0x5] =	wrdreg s26  }
0x14: {  	s25 =	sadd.s32 s11, s18;
	s11 =	sadd.s32 s11, s19;
	[dreg:$0x6] =	wrdreg s29  }
0x15: {  	s20 =	sadd.s32 s20, s21;
	s30 =	sadd.s32 s0, s17;
	s17 =	sadd.s32 s3, s17  }
0x16: {  	s13 =	sshll.u32 s13, $0x4;
	s22 =	sshll.u32 s15, $0x4;
	[dreg:$0x7] =	wrdreg s30  }
0x17: {  	s23 =	sshll.u32 s16, $0x4;
	s11 =	sshll.u32 s11, $0x4;
	[dreg:$0x8] =	wrdreg s17  }
0x18: {  	s13 =	sadd.s32 s12, s13;
	s24 =	sadd.s32 s12, s23;
	s26 =	sshll.u32 s20, $0x4  }
0x19: {  	s19 =	sadd.s32 s12, s11;
	s23 =	sadd.s32 $0xFFFFFFFF, s10;
	[dreg:$0x9] =	wrdreg s13  }
0x1a: {  	s13 =	sadd.s32 s12, s22;
	[dreg:$0xb] =	wrdreg s24;
	s29 =	sadd.s32 $0x30, s26  }
0x1b: {  	s22 =	simm.s32 $0x500;
	s24 =	smax.u32 s14, $0x1;
	[dreg:$0xa] =	wrdreg s13  }
0x1c: {  	s13 =	sshll.u32 s25, $0x4;
	s20 =	sadd.s32 s29, s0;
	s21 =	sadd.s32 s29, s3  }
0x1d: {  	s0 =	sadd.s32 s26, s0;
	s3 =	sadd.s32 s26, s3;
	s13 =	sadd.s32 s12, s13  }
0x1e: {  	s22 =	simm.s32 @!p0 $0x4E0;
	s0 =	sadd.s32 $0x20, s0;
	[dreg:$0xc] =	wrdreg s13  }
0x1f: {  	s25 =	simm.s32 $0x100;
	s30 =	sadd.s32 $0x20, s3;
	[dreg:$0x3] =	wrdreg s0  }
0x20: {  	v0 =	vimm.f32 $0.0e+00;
	s26 =	simm.s32 $0x80;
	[dreg:$0x4] =	wrdreg s30;
	s0 =	simm.s32 $0x0  }
.LBB2_1:
0x21: {  	s3 =	simm.s32 $0x0;
	s11 =	simm.s32 $0x200  }
.LBB2_2:
0x22: {  	p0 =	sne.s32 s11, $0xFE00;
	[tilespmem:s3+$0x170] =	vst v0  }
0x23: {  	[tilespmem:s3+$0x100] =	vst v0  }
0x24: {  	[tilespmem:s3+$0x110] =	vst v0  }
.Ltmp0:
0x25: {  	[tilespmem:s3+$0x120] =	vst v0;
	(pc) =	sbr.rel @p0 .LBB2_2-.Ltmp0, $4  }
0x26: {  	[tilespmem:s3+$0x130] =	vst v0  }
0x27: {  	[tilespmem:s3+$0x140] =	vst v0  }
0x28: {  	[tilespmem:s3+$0x150] =	vst v0  }
0x29: {  	[tilespmem:s3+$0x160] =	vst v0;
	s3 =	sshra.s32 s11, $0x2;
	s11 =	sadd.s32 $0x200, s11  }
0x2a: {  	[tilespmem:s3+$0x170] =	vst v0  }
0x2b: {  	[tilespmem:s3+$0x100] =	vst v0  }
0x2c: {  	[tilespmem:s3+$0x110] =	vst v0  }
0x2d: {  	[tilespmem:s3+$0x120] =	vst v0  }
0x2e: {  	[tilespmem:s3+$0x130] =	vst v0  }
0x2f: {  	[tilespmem:s3+$0x140] =	vst v0  }
0x30: {  	[tilespmem:s3+$0x150] =	vst v0  }
0x31: {  	[tilespmem:s3+$0x160] =	vst v0;
	s3 =	simm.s32 $0x3  }
0x32: {  	[spmem:s5] =	stream.linear.scatter [tilespmem:s25], [sflag:$0x3], $0x4000, $0x38;
	[tilespmem:$0x1C200] =	vst v63  }
0x33: {  	_ =	swait.ge [sflag:s3], $0x4000  }
0x34: {  	[sflag:s3] =	ssyncset.done $0x0  }
0x35: {  	[sflag:s3] =	ssyncadd.s32 $0xFFFFC000  }
0x36: {  	[spmem:s6] =	stream.linear.scatter [tilespmem:s25], [sflag:$0x3], $0x4000, $0x38;
	[tilespmem:$0x1C200] =	vst v63  }
0x37: {  	_ =	swait.ge [sflag:s3], $0x4000  }
0x38: {  	[sflag:s3] =	ssyncset.done $0x0  }
0x39: {  	[sflag:s3] =	ssyncadd.s32 $0xFFFFC000  }
0x3a: {  	[spmem:s7] =	stream.linear.scatter [tilespmem:s25], [sflag:$0x3], $0x4000, $0x38;
	[tilespmem:$0x1C200] =	vst v63  }
0x3b: {  	_ =	swait.ge [sflag:s3], $0x4000  }
0x3c: {  	[sflag:s3] =	ssyncset.done $0x0  }
0x3d: {  	[sflag:s3] =	ssyncadd.s32 $0xFFFFC000  }
0x3e: {  	[spmem:s8] =	stream.linear.scatter [tilespmem:s25], [sflag:$0x3], $0x4000, $0x38;
	[tilespmem:$0x1C200] =	vst v63  }
0x3f: {  	_ =	swait.ge [sflag:s3], $0x4000  }
0x40: {  	[sflag:s3] =	ssyncset.done $0x0  }
0x41: {  	[sflag:s3] =	ssyncadd.s32 $0xFFFFC000  }
0x42: {  	[spmem:s9] =	stream.linear.scatter [tilespmem:s25], [sflag:$0x3], $0x4000, $0x38;
	[tilespmem:$0x1C200] =	vst v63  }
0x43: {  	_ =	swait.ge [sflag:s3], $0x4000  }
0x44: {  	[sflag:s3] =	ssyncset.done $0x0  }
0x45: {  	[sflag:s3] =	ssyncadd.s32 $0xFFFFC000  }
0x46: {  	[bflag:$0x0] =	sbarrier.arrive $0xFFFF  }
0x47: {  	s12 =	simm.s32 $0x0;
	s11 =	rddreg [dreg:$0x5]  }
0x48: {  	[tilespmem:s12], [sflag:$0x3] =	stream.linear.gather [hbm4b:s11+s12], $0x80, $0x38;
	[tilespmem:$0x1C200] =	vst v63  }
0x49: {  	_ =	swait.ge [sflag:s3], $0x80  }
0x4a: {  	[sflag:s3] =	ssyncset.done $0x0  }
0x4b: {  	s16 =	rddreg [dreg:$0x6];
	[sflag:s3] =	ssyncadd.s32 $0xFFFFFF80  }
0x4c: {  	[tilespmem:s26], [sflag:$0x3] =	stream.linear.gather [hbm4b:s16+s12], $0x80, $0x38;
	[tilespmem:$0x1C200] =	vst v63  }
0x4d: {  	_ =	swait.ge [sflag:s3], $0x80  }
0x4e: {  	[sflag:s3] =	ssyncset.done $0x0  }
0x4f: {  	[sflag:s3] =	ssyncadd.s32 $0xFFFFFF80  }
0x50: {  	[tilespmem:s25], [sflag:$0x1] =	stream.indirect.gather [hbm4b:s4+s26], $0x80, s12, s26, $0xb8;
	[tilespmem:$0x1C200] =	vst v63  }
0x51: {  	s17 =	rddreg [dreg:$0x7]  }
0x52: {  	[tilespmem:s28], [sflag:$0x3] =	stream.linear.gather [hbm4b:s17+s12], $0x80, $0x38;
	[tilespmem:$0x1C200] =	vst v63  }
0x53: {  	_ =	swait.ge [sflag:s3], $0x80  }
0x54: {  	s13 =	simm.s32 $0x4180;
	[sflag:s3] =	ssyncset.done $0x0  }
0x55: {  	p1 =	sne.s32 s22, $0x20;
	s18 =	rddreg [dreg:$0x8];
	[sflag:s3] =	ssyncadd.s32 $0xFFFFFF80  }
0x56: {  	[tilespmem:s13], [sflag:$0x3] =	stream.linear.gather [hbm4b:s18+s12], $0x80, $0x38;
	[tilespmem:$0x1C200] =	vst v63  }
.Ltmp1:
0x57: {  	_ = 	snop;
	(pc) =	sbr.rel @!p1 .LBB2_4-.Ltmp1, $4  }
0x58: {  	s30 =	simm.s32 $0x4200;
	_ =	swait.ge [sflag:s3], $0x80  }
0x59: {  	s29 =	simm.s32 $0x20;
	p2 =	sle.u32 s10, $0x0;
	[sflag:s3] =	ssyncset.done $0x0  }
0x5a: {  	p0 =	por $0x0, $0x0;
	s11 =	simm.s32 $0x0;
	[sflag:s3] =	ssyncadd.s32 $0xFFFFFF80  }
0x5b: {  	[tilespmem:s30], [sflag:$0x2] =	stream.indirect.gather [hbm4b:s4+s26], $0x80, s28, s26, $0xb8;
	[tilespmem:$0x1C200] =	vst v63  }
0x5c: {  	s3 =	simm.s32 @!p2 $0x1  }
0x5d: {  	_ =	swait.ge @!p2 [sflag:s3], $0x4000  }
0x5e: {  	s11 =	simm.s32 @!p2 $0x3;
	s12 =	simm.s32 @!p2 $0x80;
	[sflag:s3] =	ssyncset.done @!p2 $0x0  }
0x5f: {  	s13 =	simm.s32 @!p2 $0x100;
	p0 =	sle.u32 @!p2 s10, $0x2;
	[sflag:s3] =	ssyncadd.s32 @!p2 $0xFFFFC000  }
0x60: {  	[spmem:s1] =	stream.indirect.scatter.add.f32 @!p2 [tilespmem:s13], [sflag:$0x3], $0x80, s12, s12, $0xb8;
	[tilespmem:$0x1C200] =	vst v63  }
0x61: {  	p1 =	por p0, p2;
	_ =	swait.ge @!p2 [sflag:s11], $0x4000  }
0x62: {  	s12 =	simm.s32 @!p1 $0x3;
	s3 =	rddreg [dreg:$0x3];
	[sflag:s11] =	ssyncset.done @!p2 $0x0  }
0x63: {  	[sflag:s11] =	ssyncadd.s32 @!p2 $0xFFFFC000;
	s11 =	simm.s32 @!p1 $0x0;
	s3 =	sadd.s32 @!p1 $0x0, s3  }
0x64: {  	[tilespmem:s11], [sflag:$0x3] =	stream.linear.gather @!p1 [hbm4b:s3+s11], $0x80, $0x38;
	[tilespmem:$0x1C200] =	vst v63  }
0x65: {  	_ =	swait.ge @!p1 [sflag:s12], $0x80  }
0x66: {  	s3 =	rddreg [dreg:$0x4];
	[sflag:s12] =	ssyncset.done @!p1 $0x0  }
0x67: {  	s13 =	simm.s32 @!p1 $0x80;
	[sflag:s12] =	ssyncadd.s32 @!p1 $0xFFFFFF80;
	s3 =	sadd.s32 @!p1 $0x0, s3  }
0x68: {  	[tilespmem:s13], [sflag:$0x3] =	stream.linear.gather @!p1 [hbm4b:s3+s11], $0x80, $0x38;
	[tilespmem:$0x1C200] =	vst v63  }
0x69: {  	_ =	swait.ge @!p1 [sflag:s12], $0x80  }
0x6a: {  	s30 =	simm.s32 $0x40;
	p0 =	sle.u32 s23, $0x0;
	[sflag:s12] =	ssyncset.done @!p1 $0x0  }
0x6b: {  	s3 =	simm.s32 @!p1 $0x100;
	[sflag:s12] =	ssyncadd.s32 @!p1 $0xFFFFFF80;
	s12 =	simm.s32 @!p0 $0x2  }
0x6c: {  	[tilespmem:s3], [sflag:$0x1] =	stream.indirect.gather @!p1 [hbm4b:s4+s13], $0x80, s11, s13, $0xb8;
	[tilespmem:$0x1C200] =	vst v63  }
0x6d: {  	p2 =	sle.u32 s10, $0x2;
	p1 =	sle.u32 @!p0 s10, $0x3;
	_ =	swait.ge @!p0 [sflag:s12], $0x4000  }
0x6e: {  	s3 =	simm.s32 @!p0 $0x4200;
	s11 =	simm.s32 @!p0 $0x80;
	[sflag:s12] =	ssyncset.done @!p0 $0x0  }
0x6f: {  	s13 =	simm.s32 @!p0 $0x4180;
	[sflag:s12] =	ssyncadd.s32 @!p0 $0xFFFFC000;
	s12 =	simm.s32 @!p0 $0x3  }
0x70: {  	[spmem:s1] =	stream.indirect.scatter.add.f32 @!p0 [tilespmem:s3], [sflag:$0x3], $0x80, s13, s11, $0xb8;
	[tilespmem:$0x1C200] =	vst v63  }
0x71: {  	p3 =	por p1, p0;
	p1 =	sne.s32 s22, $0x40;
	_ =	swait.ge @!p0 [sflag:s12], $0x4000  }
0x72: {  	s14 =	simm.s32 @!p3 $0x3;
	s3 =	sadd.s32 @!p3 $0x0, s20;
	[sflag:s12] =	ssyncset.done @!p0 $0x0  }
0x73: {  	s13 =	simm.s32 @!p3 $0x4100;
	s11 =	simm.s32 @!p3 $0x0;
	[sflag:s12] =	ssyncadd.s32 @!p0 $0xFFFFC000  }
0x74: {  	[tilespmem:s13], [sflag:$0x3] =	stream.linear.gather @!p3 [hbm4b:s3+s11], $0x80, $0x38;
	[tilespmem:$0x1C200] =	vst v63  }
.Ltmp2:
0x75: {  	s15 =	simm.s32 @!p3 $0x4180;
	_ =	swait.ge @!p3 [sflag:s14], $0x80;
	(pc) =	sbr.rel @!p1 .LBB2_6-.Ltmp2, $4  }
0x76: {  	s16 =	simm.s32 @!p3 $0x4200;
	s12 =	sadd.s32 @!p3 $0x0, s21;
	[sflag:s14] =	ssyncset.done @!p3 $0x0  }
0x77: {  	p0 =	por $0x1, $0x1;
	s3 =	simm.s32 $0x5;
	[sflag:s14] =	ssyncadd.s32 @!p3 $0xFFFFFF80  }
0x78: {  	[tilespmem:s15], [sflag:$0x3] =	stream.linear.gather @!p3 [hbm4b:s12+s11], $0x80, $0x38;
	[tilespmem:$0x1C200] =	vst v63  }
0x79: {  	s15 =	simm.s32 @!p3 $0x80;
	s11 =	simm.s32 $0x2;
	_ =	swait.ge @!p3 [sflag:s14], $0x80  }
.LBB2_7:
0x7a: {  	[sflag:s14] =	ssyncset.done @!p3 $0x0  }
0x7b: {  	s17 =	simm.s32 @!p2 $0x1;
	[sflag:s14] =	ssyncadd.s32 @!p3 $0xFFFFFF80  }
0x7c: {  	[tilespmem:s16], [sflag:$0x2] =	stream.indirect.gather @!p3 [hbm4b:s4+s15], $0x80, s13, s15, $0xb8;
	[tilespmem:$0x1C200] =	vst v63  }
0x7d: {  	_ =	swait.ge @!p2 [sflag:s17], $0x4000  }
0x7e: {  	s14 =	simm.s32 @!p2 $0x80;
	[sflag:s17] =	ssyncset.done @!p2 $0x0  }
0x7f: {  	s13 =	simm.s32 @!p2 $0x3;
	s15 =	simm.s32 @!p2 $0x100;
	[sflag:s17] =	ssyncadd.s32 @!p2 $0xFFFFC000  }
0x80: {  	[spmem:s1] =	stream.indirect.scatter.add.f32 @!p2 [tilespmem:s15], [sflag:$0x3], $0x80, s14, s14, $0xb8;
	[tilespmem:$0x1C200] =	vst v63  }
0x81: {  	s14 =	sadd.s32 @!p2 $0xFFFFFFFF, s3;
	_ =	swait.ge @!p2 [sflag:s13], $0x4000  }
0x82: {  	p3 =	sge.u32 @!p2 s14, s10;
	[sflag:s13] =	ssyncset.done @!p2 $0x0  }
0x83: {  	s14 =	rddreg [dreg:$0x3];
	[sflag:s13] =	ssyncadd.s32 @!p2 $0xFFFFC000;
	p2 =	por p3, p2  }
0x84: {  	s13 =	simm.s32 @!p2 $0x0;
	s15 =	simm.s32 @!p2 $0x3;
	s14 =	sadd.s32 @!p2 s29, s14  }
0x85: {  	[tilespmem:s13], [sflag:$0x3] =	stream.linear.gather @!p2 [hbm4b:s14+s13], $0x80, $0x38;
	[tilespmem:$0x1C200] =	vst v63  }
0x86: {  	_ =	swait.ge @!p2 [sflag:s15], $0x80  }
0x87: {  	s14 =	rddreg [dreg:$0x4];
	[sflag:s15] =	ssyncset.done @!p2 $0x0  }
0x88: {  	s16 =	simm.s32 @!p2 $0x80;
	[sflag:s15] =	ssyncadd.s32 @!p2 $0xFFFFFF80;
	s14 =	sadd.s32 @!p2 s29, s14  }
0x89: {  	[tilespmem:s16], [sflag:$0x3] =	stream.linear.gather @!p2 [hbm4b:s14+s13], $0x80, $0x38;
	[tilespmem:$0x1C200] =	vst v63  }
0x8a: {  	s12 =	smov.u32 s30;
	_ =	swait.ge @!p2 [sflag:s15], $0x80  }
0x8b: {  	s30 =	sadd.s32 $0x20, s30;
	p4 =	sge.u32 s11, s23;
	[sflag:s15] =	ssyncset.done @!p2 $0x0  }
0x8c: {  	s11 =	simm.s32 @!p4 $0x2;
	s14 =	simm.s32 @!p2 $0x100;
	[sflag:s15] =	ssyncadd.s32 @!p2 $0xFFFFFF80  }
0x8d: {  	[tilespmem:s14], [sflag:$0x1] =	stream.indirect.gather @!p2 [hbm4b:s4+s16], $0x80, s13, s16, $0xb8;
	[tilespmem:$0x1C200] =	vst v63  }
0x8e: {  	p1 =	sne.s32 s22, s30;
	p3 =	sge.u32 @!p4 s3, s10;
	_ =	swait.ge @!p4 [sflag:s11], $0x4000  }
0x8f: {  	s15 =	simm.s32 @!p4 $0x4180;
	s13 =	simm.s32 @!p4 $0x4200;
	[sflag:s11] =	ssyncset.done @!p4 $0x0  }
0x90: {  	s14 =	simm.s32 @!p4 $0x80;
	[sflag:s11] =	ssyncadd.s32 @!p4 $0xFFFFC000;
	s11 =	simm.s32 @!p4 $0x3  }
0x91: {  	[spmem:s1] =	stream.indirect.scatter.add.f32 @!p4 [tilespmem:s13], [sflag:$0x3], $0x80, s15, s14, $0xb8;
	[tilespmem:$0x1C200] =	vst v63  }
0x92: {  	s3 =	sadd.s32 $0x2, s3;
	p3 =	por p3, p4;
	_ =	swait.ge @!p4 [sflag:s11], $0x4000  }
0x93: {  	s17 =	simm.s32 @!p3 $0x0;
	s15 =	sadd.s32 @!p3 s29, s20;
	[sflag:s11] =	ssyncset.done @!p4 $0x0  }
0x94: {  	s13 =	simm.s32 @!p3 $0x4100;
	s14 =	simm.s32 @!p3 $0x3;
	[sflag:s11] =	ssyncadd.s32 @!p4 $0xFFFFC000  }
0x95: {  	[tilespmem:s13], [sflag:$0x3] =	stream.linear.gather @!p3 [hbm4b:s15+s17], $0x80, $0x38;
	[tilespmem:$0x1C200] =	vst v63  }
.Ltmp3:
0x96: {  	s18 =	simm.s32 @!p3 $0x4180;
	_ =	swait.ge @!p3 [sflag:s14], $0x80;
	(pc) =	sbr.rel @p1 .LBB2_7-.Ltmp3, $4  }
0x97: {  	s16 =	simm.s32 @!p3 $0x4200;
	s29 =	sadd.s32 @!p3 s29, s21;
	[sflag:s14] =	ssyncset.done @!p3 $0x0  }
0x98: {  	s11 =	sadd.s32 $0xFFFFFFFD, s3;
	s15 =	simm.s32 @!p3 $0x80;
	[sflag:s14] =	ssyncadd.s32 @!p3 $0xFFFFFF80  }
0x99: {  	[tilespmem:s18], [sflag:$0x3] =	stream.linear.gather @!p3 [hbm4b:s29+s17], $0x80, $0x38;
	[tilespmem:$0x1C200] =	vst v63  }
0x9a: {  	p2 =	sge.u32 s11, s10;
	s29 =	smov.u32 s12;
	_ =	swait.ge @!p3 [sflag:s14], $0x80  }
0x9b: {  	s12 =	smov.u32 s29  }
.LBB2_9:
0x9c: {  	p0 =	por p3, !p0  }
0x9d: {  	[sflag:s14] =	ssyncset.done @!p0 $0x0  }
0x9e: {  	[sflag:s14] =	ssyncadd.s32 @!p0 $0xFFFFFF80;
	s14 =	simm.s32 @!p2 $0x1  }
0x9f: {  	[tilespmem:s16], [sflag:$0x2] =	stream.indirect.gather @!p0 [hbm4b:s4+s15], $0x80, s13, s15, $0xb8;
	[tilespmem:$0x1C200] =	vst v63  }
0xa0: {  	_ =	swait.ge @!p2 [sflag:s14], $0x4000  }
0xa1: {  	s15 =	simm.s32 @!p2 $0x80;
	[sflag:s14] =	ssyncset.done @!p2 $0x0  }
0xa2: {  	s16 =	simm.s32 @!p2 $0x100;
	[sflag:s14] =	ssyncadd.s32 @!p2 $0xFFFFC000;
	s14 =	sadd.s32 @!p2 $0xFFFFFFFF, s3  }
0xa3: {  	[spmem:s1] =	stream.indirect.scatter.add.f32 @!p2 [tilespmem:s16], [sflag:$0x3], $0x80, s15, s15, $0xb8;
	[tilespmem:$0x1C200] =	vst v63  }
0xa4: {  	s13 =	simm.s32 @!p2 $0x3;
	p0 =	sge.u32 @!p2 s14, s10  }
0xa5: {  	_ =	swait.ge @!p2 [sflag:s13], $0x4000;
	p1 =	por p0, p2  }
0xa6: {  	s15 =	rddreg [dreg:$0x3];
	[sflag:s13] =	ssyncset.done @!p2 $0x0;
	s14 =	simm.s32 @!p1 $0x3  }
0xa7: {  	[sflag:s13] =	ssyncadd.s32 @!p2 $0xFFFFC000;
	s13 =	simm.s32 @!p1 $0x0;
	s15 =	sadd.s32 @!p1 s12, s15  }
0xa8: {  	[tilespmem:s13], [sflag:$0x3] =	stream.linear.gather @!p1 [hbm4b:s15+s13], $0x80, $0x38;
	[tilespmem:$0x1C200] =	vst v63  }
0xa9: {  	_ =	swait.ge @!p1 [sflag:s14], $0x80  }
0xaa: {  	s15 =	rddreg [dreg:$0x4];
	[sflag:s14] =	ssyncset.done @!p1 $0x0  }
0xab: {  	s16 =	simm.s32 @!p1 $0x80;
	[sflag:s14] =	ssyncadd.s32 @!p1 $0xFFFFFF80;
	s15 =	sadd.s32 @!p1 s12, s15  }
0xac: {  	[tilespmem:s16], [sflag:$0x3] =	stream.linear.gather @!p1 [hbm4b:s15+s13], $0x80, $0x38;
	[tilespmem:$0x1C200] =	vst v63  }
0xad: {  	_ =	swait.ge @!p1 [sflag:s14], $0x80  }
0xae: {  	[sflag:s14] =	ssyncset.done @!p1 $0x0  }
0xaf: {  	p0 =	sge.u32 s11, s23;
	s11 =	simm.s32 @!p1 $0x100;
	[sflag:s14] =	ssyncadd.s32 @!p1 $0xFFFFFF80  }
0xb0: {  	[tilespmem:s11], [sflag:$0x1] =	stream.indirect.gather @!p1 [hbm4b:s4+s16], $0x80, s13, s16, $0xb8;
	[tilespmem:$0x1C200] =	vst v63  }
0xb1: {  	s11 =	simm.s32 @!p0 $0x2  }
0xb2: {  	s14 =	simm.s32 @!p0 $0x4180;
	_ =	swait.ge @!p0 [sflag:s11], $0x4000  }
0xb3: {  	p1 =	sge.u32 @!p0 s3, s10;
	s3 =	simm.s32 @!p0 $0x4200;
	[sflag:s11] =	ssyncset.done @!p0 $0x0  }
0xb4: {  	s13 =	simm.s32 @!p0 $0x80;
	[sflag:s11] =	ssyncadd.s32 @!p0 $0xFFFFC000;
	s11 =	simm.s32 @!p0 $0x3  }
0xb5: {  	[spmem:s1] =	stream.indirect.scatter.add.f32 @!p0 [tilespmem:s3], [sflag:$0x3], $0x80, s14, s13, $0xb8;
	[tilespmem:$0x1C200] =	vst v63  }
0xb6: {  	p1 =	por p1, p0;
	_ =	swait.ge @!p0 [sflag:s11], $0x4000  }
0xb7: {  	s3 =	sadd.s32 @!p1 s12, s20;
	s13 =	simm.s32 @!p1 $0x4100;
	[sflag:s11] =	ssyncset.done @!p0 $0x0  }
0xb8: {  	s14 =	simm.s32 @!p1 $0x3;
	[sflag:s11] =	ssyncadd.s32 @!p0 $0xFFFFC000;
	s11 =	simm.s32 @!p1 $0x0  }
0xb9: {  	[tilespmem:s13], [sflag:$0x3] =	stream.linear.gather @!p1 [hbm4b:s3+s11], $0x80, $0x38;
	[tilespmem:$0x1C200] =	vst v63  }
0xba: {  	_ =	swait.ge @!p1 [sflag:s14], $0x80  }
0xbb: {  	[sflag:s14] =	ssyncset.done @!p1 $0x0  }
0xbc: {  	s3 =	sadd.s32 @!p1 s12, s21;
	s12 =	simm.s32 @!p1 $0x4180;
	[sflag:s14] =	ssyncadd.s32 @!p1 $0xFFFFFF80  }
0xbd: {  	[tilespmem:s12], [sflag:$0x3] =	stream.linear.gather @!p1 [hbm4b:s3+s11], $0x80, $0x38;
	[tilespmem:$0x1C200] =	vst v63  }
0xbe: {  	_ =	swait.ge @!p1 [sflag:s14], $0x80  }
0xbf: {  	[sflag:s14] =	ssyncset.done @!p1 $0x0  }
0xc0: {  	s3 =	simm.s32 @!p1 $0x80;
	s11 =	simm.s32 @!p1 $0x4200;
	[sflag:s14] =	ssyncadd.s32 @!p1 $0xFFFFFF80  }
0xc1: {  	[tilespmem:s11], [sflag:$0x2] =	stream.indirect.gather @!p1 [hbm4b:s4+s3], $0x80, s13, s3, $0xb8;
	[tilespmem:$0x1C200] =	vst v63  }
0xc2: {  	[bflag:$0x0] =	sbarrier.arrive $0xFFFF  }
0xc3: {  	[tilespmem:s25], [sflag:$0x3] =	stream.linear.gather [spmem:s5], $0x4000, $0x38;
	[tilespmem:$0x1C200] =	vst v63  }
0xc4: {  	_ =	swait.ge [sflag:s31], $0x4000  }
0xc5: {  	[sflag:s31] =	ssyncset.done $0x0  }
0xc6: {  	s17 =	rddreg [dreg:$0x9];
	[sflag:s31] =	ssyncadd.s32 $0xFFFFC000  }
0xc7: {  	[hbm4b:s17+s2] =	stream.linear.scatter [tilespmem:s25], [sflag:$0x3], $0x4000, $0x38;
	[tilespmem:$0x1C200] =	vst v63  }
0xc8: {  	_ =	swait.ge [sflag:s31], $0x4000  }
0xc9: {  	[sflag:s31] =	ssyncset.done $0x0  }
0xca: {  	[sflag:s31] =	ssyncadd.s32 $0xFFFFC000  }
0xcb: {  	[tilespmem:s25], [sflag:$0x3] =	stream.linear.gather [spmem:s6], $0x4000, $0x38;
	[tilespmem:$0x1C200] =	vst v63  }
0xcc: {  	_ =	swait.ge [sflag:s31], $0x4000  }
0xcd: {  	[sflag:s31] =	ssyncset.done $0x0  }
0xce: {  	s18 =	rddreg [dreg:$0xa];
	[sflag:s31] =	ssyncadd.s32 $0xFFFFC000  }
0xcf: {  	[hbm4b:s18+s2] =	stream.linear.scatter [tilespmem:s25], [sflag:$0x3], $0x4000, $0x38;
	[tilespmem:$0x1C200] =	vst v63  }
0xd0: {  	_ =	swait.ge [sflag:s31], $0x4000  }
0xd1: {  	[sflag:s31] =	ssyncset.done $0x0  }
0xd2: {  	[sflag:s31] =	ssyncadd.s32 $0xFFFFC000  }
0xd3: {  	[tilespmem:s25], [sflag:$0x3] =	stream.linear.gather [spmem:s7], $0x4000, $0x38;
	[tilespmem:$0x1C200] =	vst v63  }
0xd4: {  	_ =	swait.ge [sflag:s31], $0x4000  }
0xd5: {  	[sflag:s31] =	ssyncset.done $0x0  }
0xd6: {  	s29 =	rddreg [dreg:$0xb];
	[sflag:s31] =	ssyncadd.s32 $0xFFFFC000  }
0xd7: {  	[hbm4b:s29+s2] =	stream.linear.scatter [tilespmem:s25], [sflag:$0x3], $0x4000, $0x38;
	[tilespmem:$0x1C200] =	vst v63  }
0xd8: {  	_ =	swait.ge [sflag:s31], $0x4000  }
0xd9: {  	[sflag:s31] =	ssyncset.done $0x0  }
0xda: {  	[sflag:s31] =	ssyncadd.s32 $0xFFFFC000  }
0xdb: {  	[tilespmem:s25], [sflag:$0x3] =	stream.linear.gather [spmem:s8], $0x4000, $0x38;
	[tilespmem:$0x1C200] =	vst v63  }
0xdc: {  	_ =	swait.ge [sflag:s31], $0x4000  }
0xdd: {  	[sflag:s31] =	ssyncset.done $0x0  }
0xde: {  	s30 =	rddreg [dreg:$0xc];
	[sflag:s31] =	ssyncadd.s32 $0xFFFFC000  }
0xdf: {  	[hbm4b:s30+s2] =	stream.linear.scatter [tilespmem:s25], [sflag:$0x3], $0x4000, $0x38;
	[tilespmem:$0x1C200] =	vst v63  }
0xe0: {  	_ =	swait.ge [sflag:s31], $0x4000  }
0xe1: {  	[sflag:s31] =	ssyncset.done $0x0  }
0xe2: {  	[sflag:s31] =	ssyncadd.s32 $0xFFFFC000  }
0xe3: {  	[tilespmem:s25], [sflag:$0x3] =	stream.linear.gather [spmem:s9], $0x4000, $0x38;
	[tilespmem:$0x1C200] =	vst v63  }
0xe4: {  	_ =	swait.ge [sflag:s31], $0x4000  }
0xe5: {  	s0 =	sadd.s32 $0x1, s0;
	[sflag:s31] =	ssyncset.done $0x0  }
0xe6: {  	p0 =	sne.s32 s0, s24;
	[sflag:s31] =	ssyncadd.s32 $0xFFFFC000  }
0xe7: {  	[hbm4b:s19+s2] =	stream.linear.scatter [tilespmem:s25], [sflag:$0x3], $0x4000, $0x38;
	[tilespmem:$0x1C200] =	vst v63  }
.Ltmp4:
0xe8: {  	_ = 	snop;
	(pc) =	sbr.rel @p0 .LBB2_1-.Ltmp4, $4  }
.Ltmp5:
0xe9: {  	_ = 	snop;
	(pc) =	sbr.rel @!p0 .LBB2_10-.Ltmp5, $4  }
0xea: {  	_ =	swait.ge [sflag:s31], $0x4000  }
0xeb: {  	[sflag:s31] =	ssyncset.done $0x0  }
0xec: {  	[sflag:s31] =	ssyncadd.s32 $0xFFFFC000  }
0xed: {  	_ = 	snop  }
.LBB2_4:
.Ltmp6:
0xee: {  	(pc) =	sbr.rel .LBB2_9-.Ltmp6, $2  }
0xef: {  	_ =	sdelay $0x2  }
0xf0: {  	_ = 	snop  }
.LBB2_6:
.Ltmp7:
0xf1: {  	(pc) =	sbr.rel .LBB2_9-.Ltmp7, $2  }
0xf2: {  	_ =	sdelay $0x2  }
0xf3: {  	s12 =	simm.s32 $0x20  }
.LBB2_10:
0xf4: {  	_ =	sfence.sel $0x180000  }
0xf5: {  	[bflag:$0x0] =	sbarrier.arrive $0xFFFF  }
0xf6: {  	_ =	strace $0x9000004D  }
0xf7: {  	s0 =	stileid.u32;
	[bflag:$0x2] =	sbarrier.arrive $0xFFFF  }
0xf8: {  	p0 =	sne.s32 s0, $0x0;
	s0 =	rddreg [dreg:$0x2]  }
0xf9: {  	s0 =	sadd.s32 @!p0 $0x100000, s0  }
0xfa: {  	[sflag:s0] =	ssyncadd.tile.s32 @!p0 $0x1;
	_ =	shalt  }
.Lfunc_end2:
_tile_overlayer_lowered:
.L_overlay_start_2:
0xfb: {  	(tag) =	ssettag $0x2  }
0xfc: {  	s0 =	rddreg [dreg:$0x0];
	s2 =	stileid.u32  }
0xfd: {  	s1 =	rddreg [dreg:$0x1];
	p0 =	sne.s32 s2, $0x0  }
0xfe: {  	s3 =	rddreg [dreg:$0x2];
	[bflag:$0x3] =	sbarrier.arrive $0xFFFF;
	s2 =	simm.s32 @!p0 $0x1C03  }
0xff: {  	[timem:s3], [sflag:s2] =	dma.local @!p0 [hbm:s0], s1  }
0x100: {  	s0 =	simm.s32 @!p0 $0x3  }
0x101: {  	_ =	swait.ge @!p0 [sflag:s0], s1  }
0x102: {  	s1 =	ssub.s32 @!p0 $0x0, s1;
	[sflag:s0] =	ssyncset.done @!p0 $0x0  }
0x103: {  	[sflag:s0] =	ssyncadd.s32 @!p0 s1  }
0x104: {  	[bflag:$0x3] =	sbarrier.arrive $0xFFFF  }
0x105: {  	_ =	shalt  }

// kernel: kernel.22.cloned.1.call-start
scs
__scs_entry_jumppad:
0x0: {  	(pc) =	sbr.rel $0x88, $3  }
0x1: {  	(tag) =	ssettag $0x0;
	lr =	simm.s32 $0x1  }
0x2: {  	[smem:$0x3F90] =	sst lr;
	_ =	strace $0xD0000000  }
0x3: {  	_ = 	snop  }
0x4: {  	_ = 	snop  }
0x5: {  	_ = 	snop  }
0x6: {  	_ = 	snop  }
0x7: {  	_ = 	snop  }
__scs_overlays_trampoline_lowered:
0x8: {  	[smem:$0x3F9F] =	sst s0  }
0x9: {  	[smem:$0x3FA0] =	sst s1  }
0xa: {  	[smem:$0x3FA1] =	sst s2  }
0xb: {  	[smem:$0x3FA2] =	sst s3  }
0xc: {  	[smem:$0x3FA3] =	sst s4  }
0xd: {  	[smem:$0x3FA4] =	sst s5  }
0xe: {  	[smem:$0x3FA5] =	sst s6  }
0xf: {  	[smem:$0x3FA6] =	sst s7  }
0x10: {  	[smem:$0x3FA7] =	sst s8  }
0x11: {  	[smem:$0x3FA8] =	sst s9;
	s0 =	simm.s32 @!p0 $0x0  }
0x12: {  	s1 =	sld [smem:$0x3F8E];
	s0 =	simm.s32 @p0 $0x1  }
0x13: {  	[smem:$0x3FA9] =	sst s0;
	s0 =	simm.s32 @!p1 $0x0  }
0x14: {  	s2 =	sld [smem:$0x3F8D];
	s0 =	simm.s32 @p1 $0x1  }
0x15: {  	[smem:$0x3FAA] =	sst s0;
	s0 =	simm.s32 @!p2 $0x0  }
0x16: {  	s3 =	sld [smem:$0x3FDB];
	s0 =	simm.s32 @p2 $0x1  }
0x17: {  	s4 =	simm.s32 $0x1BF5;
	[smem:$0x3FAC] =	sst s0  }
0x18: {  	s0 =	sld [smem:$0x3F8F];
	_ =	swait.ge [sflag:s4], $0x0  }
0x19: {  	s7 =	sld [smem:$0x3F90]  }
0x1a: {  	s8 =	sadd.s32 $0xFFFFE003, lr  }
0x1b: {  	s9 =	sadd.s32 $0xFFFFFEF7, lr;
	s5 =	simm.s32 $0xFFFFFFFF;
	p2 =	slt.u32 s8, $0xFFFFF086  }
0x1c: {  	p1 =	slt.u32 s9, $0xF7A;
	s5 =	simm.s32 @!p2 $0x0  }
0x1d: {  	s5 =	simm.s32 @p1 $0x1;
	p0 =	seq.s32 s7, s2  }
0x1e: {  	s7 =	smul.u32 @!p0 $0xF7A, s2;
	p2 =	seq.s32 @!p0 s5, $0x0  }
0x1f: {  	s9 =	smul.u32 $0xF7A, s1;
	s8 =	simm.s32 @!p0 $0x1BF5;
	p2 =	por !p2, p0  }
0x20: {  	[sflag:s8] =	ssyncset.s32 @!p0 $0xFFFFF086;
	s6 =	sadd.s32 @!p0 s3, s7;
	s7 =	simm.s32 @!p0 $0x108  }
0x21: {  	s3 =	sadd.s32 s3, s9;
	s6 =	sadd.s32 @!p0 $0x88, s6;
	s7 =	simm.s32 @p2 $0x1082  }
0x22: {  	[simem:s7], [sflag:s8] =	dma.local @!p0 [hbm:s6], $0xF7A  }
0x23: {  	s9 =	sor.u32 $0xD0000000, s2;
	s6 =	simm.s32 $0x108;
	_ =	swait.ge @!p0 [sflag:s8], $0x0  }
0x24: {  	s3 =	sadd.s32 $0x88, s3;
	s6 =	simm.s32 @!p1 $0x1082;
	[sflag:s4] =	ssyncset.s32 $0xFFFFF086  }
0x25: {  	[simem:s6], [sflag:s4] =	dma.local [hbm:s3], $0xF7A  }
0x26: {  	[smem:$0x3F90] =	sst s1;
	(tag) =	ssettag s2;
	_ =	strace s9  }
0x27: {  	s1 =	sld [smem:$0x3FA0]  }
0x28: {  	s2 =	sld [smem:$0x3FA1]  }
0x29: {  	s4 =	sld [smem:$0x3FA3]  }
0x2a: {  	p0 =	seq.s32 s5, $0x0;
	s5 =	sld [smem:$0x3FA4]  }
0x2b: {  	s6 =	sld [smem:$0x3FA5]  }
0x2c: {  	s7 =	sld [smem:$0x3FA6]  }
0x2d: {  	s3 =	simm.s32 $0x108;
	s8 =	sld [smem:$0x3FA7]  }
0x2e: {  	s3 =	simm.s32 @!p0 $0x1082;
	s9 =	sld [smem:$0x3FA8]  }
0x2f: {  	lr =	sadd.s32 s0, s3;
	s0 =	sld [smem:$0x3F9F]  }
0x30: {  	s3 =	sld [smem:$0x3FA2]  }
0x31: {  	[smem:$0x3FAB] =	sst s10  }
0x32: {  	s10 =	sld [smem:$0x3FA9];
	_ =	sdelay $0x3  }
0x33: {  	p0 =	seq.s32 s10, $0x1;
	s10 =	sld [smem:$0x3FAB];
	_ =	sdelay $0x3  }
0x34: {  	[smem:$0x3FAB] =	sst s10  }
0x35: {  	s10 =	sld [smem:$0x3FAA];
	_ =	sdelay $0x3  }
0x36: {  	p1 =	seq.s32 s10, $0x1;
	s10 =	sld [smem:$0x3FAB];
	_ =	sdelay $0x3  }
0x37: {  	[smem:$0x3FAB] =	sst s10  }
0x38: {  	s10 =	sld [smem:$0x3FAC]  }
0x39: {  	_ = 	snop;
	(pc) =	sbr.ind lr, $3  }
0x3a: {  	_ = 	snop  }
0x3b: {  	_ = 	snop  }
0x3c: {  	p2 =	seq.s32 s10, $0x1;
	s10 =	sld [smem:$0x3FAB]  }
0x3d: {  	_ =	shalt  }
0x3e: {  	_ =	shalt  }
0x3f: {  	_ =	shalt  }
0x40: {  	_ =	shalt  }
0x41: {  	_ =	shalt  }
0x42: {  	_ =	shalt  }
0x43: {  	_ =	shalt  }
0x44: {  	_ =	shalt  }
0x45: {  	_ =	shalt  }
0x46: {  	_ =	shalt  }
0x47: {  	_ =	shalt  }
0x48: {  	_ =	shalt  }
0x49: {  	_ =	shalt  }
0x4a: {  	_ =	shalt  }
0x4b: {  	_ =	shalt  }
0x4c: {  	_ =	shalt  }
0x4d: {  	_ =	shalt  }
0x4e: {  	_ =	shalt  }
0x4f: {  	_ =	shalt  }
0x50: {  	_ =	shalt  }
0x51: {  	_ =	shalt  }
0x52: {  	_ =	shalt  }
0x53: {  	_ =	shalt  }
0x54: {  	_ =	shalt  }
0x55: {  	_ =	shalt  }
0x56: {  	_ =	shalt  }
0x57: {  	_ =	shalt  }
0x58: {  	_ =	shalt  }
0x59: {  	_ =	shalt  }
0x5a: {  	_ =	shalt  }
0x5b: {  	_ =	shalt  }
0x5c: {  	_ =	shalt  }
0x5d: {  	_ =	shalt  }
0x5e: {  	_ =	shalt  }
0x5f: {  	_ =	shalt  }
0x60: {  	_ =	shalt  }
0x61: {  	_ =	shalt  }
0x62: {  	_ =	shalt  }
0x63: {  	_ =	shalt  }
0x64: {  	_ =	shalt  }
0x65: {  	_ =	shalt  }
0x66: {  	_ =	shalt  }
0x67: {  	_ =	shalt  }
0x68: {  	_ =	shalt  }
0x69: {  	_ =	shalt  }
0x6a: {  	_ =	shalt  }
0x6b: {  	_ =	shalt  }
0x6c: {  	_ =	shalt  }
0x6d: {  	_ =	shalt  }
0x6e: {  	_ =	shalt  }
0x6f: {  	_ =	shalt  }
0x70: {  	_ =	shalt  }
0x71: {  	_ =	shalt  }
0x72: {  	_ =	shalt  }
0x73: {  	_ =	shalt  }
0x74: {  	_ =	shalt  }
0x75: {  	_ =	shalt  }
0x76: {  	_ =	shalt  }
0x77: {  	_ =	shalt  }
0x78: {  	_ =	shalt  }
0x79: {  	_ =	shalt  }
0x7a: {  	_ =	shalt  }
0x7b: {  	_ =	shalt  }
0x7c: {  	_ =	shalt  }
0x7d: {  	_ =	shalt  }
0x7e: {  	_ =	shalt  }
0x7f: {  	_ =	shalt  }
0x80: {  	_ =	shalt  }
0x81: {  	_ =	shalt  }
0x82: {  	_ =	shalt  }
0x83: {  	_ =	shalt  }
0x84: {  	_ =	shalt  }
0x85: {  	_ =	shalt  }
0x86: {  	_ =	shalt  }
0x87: {  	_ =	shalt  }
.Lfunc_end0:
.L_simem_size_0:
called_computation.3_lowered:
.L_overlay_start_0:
0x88: {  	s2 =	sld [smem:$0x3FD9]  }
0x89: {  	s3 =	sld [smem:$0x3FFE];
	_ =	sdelay $0x1  }
0x8a: {  	s1 =	srdreg.scid  }
0x8b: {  	s0 =	sand.u32 $0x1, s1  }
0x8c: {  	s16 =	sshll.u32 s0, $0xA;
	s2 =	sadd.s32 s3, s2  }
0x8d: {  	s2 =	sadd.s32 s2, s16  }
0x8e: {  	[smem:$0x3FB7] =	sst s2  }
0x8f: {  	_ = 	snop  }
0x90: {  	(tm) =	ssettm $0x1  }
0x91: {  	s17 =	sld [smem:$0x3FFB];
	_ =	sdelay $0x3  }
0x92: {  	_ =	strace s17  }
0x93: {  	s2 =	sld [smem:$0x3FFC];
	_ =	sdelay $0x3  }
0x94: {  	_ =	strace s2  }
0x95: {  	s2 =	sld [smem:$0x3FFD];
	_ =	sdelay $0x3  }
0x96: {  	_ =	strace s2  }
0x97: {  	_ =	strace $0x8FFFFFFF  }
0x98: {  	s18 =	sld [smem:$0x3FDB];
	_ =	sdelay $0x1  }
0x99: {  	s19 =	simm.s32 $_scs_section_size  }
0x9a: {  	s4 =	simm.s32 $_size__tile_overlayer_lowered;
	s5 =	simm.s32 $_tile_overlayer_lowered  }
0x9b: {  	s22 =	simm.s32 $0x1BFF;
	s21 =	sshll.u32 s5, $0x1;
	s2 =	sadd.s32 s19, s18  }
0x9c: {  	s6 =	simm.s32 $0x0;
	s20 =	sshll.u32 s4, $0x1;
	s4 =	sadd.s32 s21, s2  }
0x9d: {  	[timem:s6], [sflag:s22] =	dma.local [hbm:s4], s20  }
0x9e: {  	_ =	swait.ge [sflag:s22], s20  }
0x9f: {  	s3 =	ssub.s32 $0x0, s20;
	[sflag:s22] =	ssyncset.done $0x0  }
0xa0: {  	[sflag:s22] =	ssyncadd.s32 s3;
	_ =	sdelay $0x1  }
0xa1: {  	s23 =	simm.s32 $0x1B8B  }
0xa2: {  	_ =	swait.ge [sflag:s23], $0x1  }
0xa3: {  	[sflag:s23] =	ssyncset.done $0x0  }
0xa4: {  	s25 =	simm.s32 $0x1B8E;
	s24 =	sld [smem:$0x3FFE];
	[sflag:s23] =	ssyncadd.s32 $0xFFFFFFFF  }
0xa5: {  	s26 =	simm.s32 $execute0_lowered;
	[smem:$0x3FD2] =	sst s25  }
0xa6: {  	s4 =	sshll.u32 s26, $0x1;
	_ =	strace $0x8000004F;
	[dreg:$0x1] =	wrdreg $0xFFFFFFFF  }
0xa7: {  	s28 =	simm.s32 $_size_execute0_lowered;
	s2 =	sadd.s32 s2, s4;
	[dreg:$0x0] =	wrdreg $0x0  }
0xa8: {  	s4 =	sshll.u32 s28, $0x1;
	[dreg:$0x2] =	wrdreg s2  }
0xa9: {  	[dreg:$0x3] =	wrdreg s4  }
0xaa: {  	[dreg:$0x4] =	wrdreg $0xC0  }
0xab: {  	_ =	task [dreg:s6], $0x5FFFF  }
0xac: {  	[dreg:$0x1] =	wrdreg $0xFFFFFFFF  }
0xad: {  	[dreg:$0x0] =	wrdreg $0x60  }
0xae: {  	[dreg:$0x2] =	wrdreg s24  }
0xaf: {  	[dreg:$0x3] =	wrdreg $0x82000  }
0xb0: {  	[dreg:$0x4] =	wrdreg $0x9  }
0xb1: {  	_ =	task.clear_ibuf [dreg:s6], $0x5FFFF;
	_ =	strace $0x9000004F  }
0xb2: {  	s29 =	simm.s32 $0x9;
	_ =	strace $0x80000051  }
0xb3: {  	_ =	swait.ge [sflag:s29], $0x1  }
0xb4: {  	[sflag:s29] =	ssyncadd.s32 $0xFFFFFFFF  }
0xb5: {  	_ =	strace $0x90000051  }
0xb6: {  	_ =	sfence  }
0xb7: {  	s30 =	sld [smem:$0x0];
	_ =	sdelay $0x2  }
0xb8: {  	s31 =	sshll.u32 s1, $0xD;
	s1 =	sshrl.u32 s1, $0x2  }
0xb9: {  	s3 =	sand.u32 $0x4000, s31;
	s1 =	sadd.s32 s1, s30  }
0xba: {  	s0 =	sor.u32 s3, s0;
	s1 =	sshll.u32 s1, $0x11  }
0xbb: {  	s0 =	sor.u32 s1, s0  }
0xbc: {  	s0 =	sadd.s32 $0x8F2B, s0  }
0xbd: {  	[sflag:s0] =	ssyncadd.remote.s32 $0x1  }
0xbe: {  	_ =	sfence.sel $0xFFFF  }
0xbf: {  	[dreg:$0x0] =	wrdreg $0xFFFFFFFF;
	(pc) =	sbr.abs _section_cstart, $3  }
0xc0: {  	[dreg:$0x1] =	wrdreg $0xFFFFFFFF  }
0xc1: {  	_ =	task.clear_ibuf [dreg:s6], $0x2FFFF;
	_ =	strace $0x9FFFFFFF  }
0xc2: {  	(tm) =	ssettm $0x7FFFFFFF  }
0xc3: {  	_ =	shalt  }
tec
execute0_lowered:
.L_overlay_start_1:
0x0: {  	(tag) =	ssettag $0x1  }
0x1: {  	s5 =	rddreg [dreg:$0x0]  }
0x2: {  	s1 =	rddreg [dreg:$0x1]  }
0x3: {  	s2 =	simm.s32 $0x0;
	s6 =	srdreg.scid;
	s23 =	stileid.u32  }
0x4: {  	s28 =	simm.s32 $0x4100;
	s31 =	simm.s32 $0x3;
	[smem:$0x7FF] =	sst s2  }
0x5: {  	s0 =	sadd.s32 $0xE600, s5;
	s3 =	sadd.s32 $0x4800, s5;
	s4 =	sadd.s32 $0x18400, s5  }
0x6: {  	s11 =	sand.u32 $0x1, s6;
	s12 =	sadd.s32 $0x40400, s5;
	s19 =	smul.u32 $0x50000, s23  }
0x7: {  	s8 =	sshll.u32 s23, $0x1;
	s13 =	smul.u32 $0x280, s23;
	p0 =	slt.u32 s23, $0x2  }
0x8: {  	_ =	strace $0x80000050;
	s18 =	ssub.s32 $0x2, s11;
	s9 =	sor.u32 s11, s8  }
0x9: {  	s7 =	sshrl.u32 s18, $0x1;
	s20 =	sshrl.u32 s19, $0x2;
	s15 =	sadd.s32 $0x80, s13  }
0xa: {  	s16 =	sadd.s32 $0x100, s13;
	s19 =	sadd.s32 $0x200, s13;
	s10 =	smul.u32 $0x4E, s9  }
0xb: {  	s14 =	ssub.s32 s18, s7;
	s5 =	sadd.s32 s20, s1;
	s21 =	sshll.u32 s15, $0x7  }
0xc: {  	s22 =	sshll.u32 s16, $0x7;
	s18 =	sadd.s32 $0x180, s13;
	s17 =	sshll.u32 s19, $0x7  }
0xd: {  	s20 =	smin.u32 s9, $0x4;
	s6 =	sadd.s32 s21, s1;
	s7 =	sadd.s32 s22, s1  }
0xe: {  	s24 =	sshll.u32 s18, $0x7;
	s21 =	smul.u32 $0x9C, s23;
	s9 =	sadd.s32 s17, s1  }
0xf: {  	s25 =	sadd.s32 s20, s10;
	s22 =	smul.u32 $0x4E, s11;
	s10 =	simm.s32 $0x4F  }
0x10: {  	s11 =	smul.u32 $0x2800, s11;
	s8 =	sadd.s32 s24, s1;
	s17 =	sshll.u32 s25, $0x4  }
0x11: {  	s10 =	simm.s32 @!p0 $0x4E;
	s26 =	sadd.s32 s0, s17;
	s21 =	sadd.s32 s22, s21  }
0x12: {  	s29 =	sadd.s32 s3, s17;
	s17 =	sadd.s32 $0x10, s17;
	s13 =	sadd.s32 s13, s11  }
0x13: {  	s15 =	sadd.s32 s11, s15;
	s16 =	sadd.s32 s11, s16;
	[dreg:$0x5] =	wrdreg s26  }
0x14: {  	s25 =	sadd.s32 s11, s18;
	s11 =	sadd.s32 s11, s19;
	[dreg:$0x6] =	wrdreg s29  }
0x15: {  	s20 =	sadd.s32 s20, s21;
	s30 =	sadd.s32 s0, s17;
	s17 =	sadd.s32 s3, s17  }
0x16: {  	s13 =	sshll.u32 s13, $0x4;
	s22 =	sshll.u32 s15, $0x4;
	[dreg:$0x7] =	wrdreg s30  }
0x17: {  	s23 =	sshll.u32 s16, $0x4;
	s11 =	sshll.u32 s11, $0x4;
	[dreg:$0x8] =	wrdreg s17  }
0x18: {  	s13 =	sadd.s32 s12, s13;
	s24 =	sadd.s32 s12, s23;
	s26 =	sshll.u32 s20, $0x4  }
0x19: {  	s19 =	sadd.s32 s12, s11;
	s23 =	sadd.s32 $0xFFFFFFFF, s10;
	[dreg:$0x9] =	wrdreg s13  }
0x1a: {  	s13 =	sadd.s32 s12, s22;
	[dreg:$0xb] =	wrdreg s24;
	s29 =	sadd.s32 $0x30, s26  }
0x1b: {  	s22 =	simm.s32 $0x500;
	s24 =	smax.u32 s14, $0x1;
	[dreg:$0xa] =	wrdreg s13  }
0x1c: {  	s13 =	sshll.u32 s25, $0x4;
	s20 =	sadd.s32 s29, s0;
	s21 =	sadd.s32 s29, s3  }
0x1d: {  	s0 =	sadd.s32 s26, s0;
	s3 =	sadd.s32 s26, s3;
	s13 =	sadd.s32 s12, s13  }
0x1e: {  	s22 =	simm.s32 @!p0 $0x4E0;
	s0 =	sadd.s32 $0x20, s0;
	[dreg:$0xc] =	wrdreg s13  }
0x1f: {  	s25 =	simm.s32 $0x100;
	s30 =	sadd.s32 $0x20, s3;
	[dreg:$0x3] =	wrdreg s0  }
0x20: {  	v0 =	vimm.f32 $0.0e+00;
	s26 =	simm.s32 $0x80;
	[dreg:$0x4] =	wrdreg s30;
	s0 =	simm.s32 $0x0  }
.LBB2_1:
0x21: {  	s3 =	simm.s32 $0x0;
	s11 =	simm.s32 $0x200  }
.LBB2_2:
0x22: {  	p0 =	sne.s32 s11, $0xFE00;
	[tilespmem:s3+$0x170] =	vst v0  }
0x23: {  	[tilespmem:s3+$0x100] =	vst v0  }
0x24: {  	[tilespmem:s3+$0x110] =	vst v0  }
.Ltmp0:
0x25: {  	[tilespmem:s3+$0x120] =	vst v0;
	(pc) =	sbr.rel @p0 .LBB2_2-.Ltmp0, $4  }
0x26: {  	[tilespmem:s3+$0x130] =	vst v0  }
0x27: {  	[tilespmem:s3+$0x140] =	vst v0  }
0x28: {  	[tilespmem:s3+$0x150] =	vst v0  }
0x29: {  	[tilespmem:s3+$0x160] =	vst v0;
	s3 =	sshra.s32 s11, $0x2;
	s11 =	sadd.s32 $0x200, s11  }
0x2a: {  	[tilespmem:s3+$0x170] =	vst v0  }
0x2b: {  	[tilespmem:s3+$0x100] =	vst v0  }
0x2c: {  	[tilespmem:s3+$0x110] =	vst v0  }
0x2d: {  	[tilespmem:s3+$0x120] =	vst v0  }
0x2e: {  	[tilespmem:s3+$0x130] =	vst v0  }
0x2f: {  	[tilespmem:s3+$0x140] =	vst v0  }
0x30: {  	[tilespmem:s3+$0x150] =	vst v0  }
0x31: {  	[tilespmem:s3+$0x160] =	vst v0;
	s3 =	simm.s32 $0x3  }
0x32: {  	[spmem:s5] =	stream.linear.scatter [tilespmem:s25], [sflag:$0x3], $0x4000, $0x38;
	[tilespmem:$0x1C200] =	vst v63  }
0x33: {  	_ =	swait.ge [sflag:s3], $0x4000  }
0x34: {  	[sflag:s3] =	ssyncset.done $0x0  }
0x35: {  	[sflag:s3] =	ssyncadd.s32 $0xFFFFC000  }
0x36: {  	[spmem:s6] =	stream.linear.scatter [tilespmem:s25], [sflag:$0x3], $0x4000, $0x38;
	[tilespmem:$0x1C200] =	vst v63  }
0x37: {  	_ =	swait.ge [sflag:s3], $0x4000  }
0x38: {  	[sflag:s3] =	ssyncset.done $0x0  }
0x39: {  	[sflag:s3] =	ssyncadd.s32 $0xFFFFC000  }
0x3a: {  	[spmem:s7] =	stream.linear.scatter [tilespmem:s25], [sflag:$0x3], $0x4000, $0x38;
	[tilespmem:$0x1C200] =	vst v63  }
0x3b: {  	_ =	swait.ge [sflag:s3], $0x4000  }
0x3c: {  	[sflag:s3] =	ssyncset.done $0x0  }
0x3d: {  	[sflag:s3] =	ssyncadd.s32 $0xFFFFC000  }
0x3e: {  	[spmem:s8] =	stream.linear.scatter [tilespmem:s25], [sflag:$0x3], $0x4000, $0x38;
	[tilespmem:$0x1C200] =	vst v63  }
0x3f: {  	_ =	swait.ge [sflag:s3], $0x4000  }
0x40: {  	[sflag:s3] =	ssyncset.done $0x0  }
0x41: {  	[sflag:s3] =	ssyncadd.s32 $0xFFFFC000  }
0x42: {  	[spmem:s9] =	stream.linear.scatter [tilespmem:s25], [sflag:$0x3], $0x4000, $0x38;
	[tilespmem:$0x1C200] =	vst v63  }
0x43: {  	_ =	swait.ge [sflag:s3], $0x4000  }
0x44: {  	[sflag:s3] =	ssyncset.done $0x0  }
0x45: {  	[sflag:s3] =	ssyncadd.s32 $0xFFFFC000  }
0x46: {  	[bflag:$0x0] =	sbarrier.arrive $0xFFFF  }
0x47: {  	s12 =	simm.s32 $0x0;
	s11 =	rddreg [dreg:$0x5]  }
0x48: {  	[tilespmem:s12], [sflag:$0x3] =	stream.linear.gather [hbm4b:s11+s12], $0x80, $0x38;
	[tilespmem:$0x1C200] =	vst v63  }
0x49: {  	_ =	swait.ge [sflag:s3], $0x80  }
0x4a: {  	[sflag:s3] =	ssyncset.done $0x0  }
0x4b: {  	s16 =	rddreg [dreg:$0x6];
	[sflag:s3] =	ssyncadd.s32 $0xFFFFFF80  }
0x4c: {  	[tilespmem:s26], [sflag:$0x3] =	stream.linear.gather [hbm4b:s16+s12], $0x80, $0x38;
	[tilespmem:$0x1C200] =	vst v63  }
0x4d: {  	_ =	swait.ge [sflag:s3], $0x80  }
0x4e: {  	[sflag:s3] =	ssyncset.done $0x0  }
0x4f: {  	[sflag:s3] =	ssyncadd.s32 $0xFFFFFF80  }
0x50: {  	[tilespmem:s25], [sflag:$0x1] =	stream.indirect.gather [hbm4b:s4+s26], $0x80, s12, s26, $0xb8;
	[tilespmem:$0x1C200] =	vst v63  }
0x51: {  	s17 =	rddreg [dreg:$0x7]  }
0x52: {  	[tilespmem:s28], [sflag:$0x3] =	stream.linear.gather [hbm4b:s17+s12], $0x80, $0x38;
	[tilespmem:$0x1C200] =	vst v63  }
0x53: {  	_ =	swait.ge [sflag:s3], $0x80  }
0x54: {  	s13 =	simm.s32 $0x4180;
	[sflag:s3] =	ssyncset.done $0x0  }
0x55: {  	p1 =	sne.s32 s22, $0x20;
	s18 =	rddreg [dreg:$0x8];
	[sflag:s3] =	ssyncadd.s32 $0xFFFFFF80  }
0x56: {  	[tilespmem:s13], [sflag:$0x3] =	stream.linear.gather [hbm4b:s18+s12], $0x80, $0x38;
	[tilespmem:$0x1C200] =	vst v63  }
.Ltmp1:
0x57: {  	_ = 	snop;
	(pc) =	sbr.rel @!p1 .LBB2_4-.Ltmp1, $4  }
0x58: {  	s30 =	simm.s32 $0x4200;
	_ =	swait.ge [sflag:s3], $0x80  }
0x59: {  	s29 =	simm.s32 $0x20;
	p2 =	sle.u32 s10, $0x0;
	[sflag:s3] =	ssyncset.done $0x0  }
0x5a: {  	p0 =	por $0x0, $0x0;
	s11 =	simm.s32 $0x0;
	[sflag:s3] =	ssyncadd.s32 $0xFFFFFF80  }
0x5b: {  	[tilespmem:s30], [sflag:$0x2] =	stream.indirect.gather [hbm4b:s4+s26], $0x80, s28, s26, $0xb8;
	[tilespmem:$0x1C200] =	vst v63  }
0x5c: {  	s3 =	simm.s32 @!p2 $0x1  }
0x5d: {  	_ =	swait.ge @!p2 [sflag:s3], $0x4000  }
0x5e: {  	s11 =	simm.s32 @!p2 $0x3;
	s12 =	simm.s32 @!p2 $0x80;
	[sflag:s3] =	ssyncset.done @!p2 $0x0  }
0x5f: {  	s13 =	simm.s32 @!p2 $0x100;
	p0 =	sle.u32 @!p2 s10, $0x2;
	[sflag:s3] =	ssyncadd.s32 @!p2 $0xFFFFC000  }
0x60: {  	[spmem:s1] =	stream.indirect.scatter.add.f32 @!p2 [tilespmem:s13], [sflag:$0x3], $0x80, s12, s12, $0xb8;
	[tilespmem:$0x1C200] =	vst v63  }
0x61: {  	p1 =	por p0, p2;
	_ =	swait.ge @!p2 [sflag:s11], $0x4000  }
0x62: {  	s12 =	simm.s32 @!p1 $0x3;
	s3 =	rddreg [dreg:$0x3];
	[sflag:s11] =	ssyncset.done @!p2 $0x0  }
0x63: {  	[sflag:s11] =	ssyncadd.s32 @!p2 $0xFFFFC000;
	s11 =	simm.s32 @!p1 $0x0;
	s3 =	sadd.s32 @!p1 $0x0, s3  }
0x64: {  	[tilespmem:s11], [sflag:$0x3] =	stream.linear.gather @!p1 [hbm4b:s3+s11], $0x80, $0x38;
	[tilespmem:$0x1C200] =	vst v63  }
0x65: {  	_ =	swait.ge @!p1 [sflag:s12], $0x80  }
0x66: {  	s3 =	rddreg [dreg:$0x4];
	[sflag:s12] =	ssyncset.done @!p1 $0x0  }
0x67: {  	s13 =	simm.s32 @!p1 $0x80;
	[sflag:s12] =	ssyncadd.s32 @!p1 $0xFFFFFF80;
	s3 =	sadd.s32 @!p1 $0x0, s3  }
0x68: {  	[tilespmem:s13], [sflag:$0x3] =	stream.linear.gather @!p1 [hbm4b:s3+s11], $0x80, $0x38;
	[tilespmem:$0x1C200] =	vst v63  }
0x69: {  	_ =	swait.ge @!p1 [sflag:s12], $0x80  }
0x6a: {  	s30 =	simm.s32 $0x40;
	p0 =	sle.u32 s23, $0x0;
	[sflag:s12] =	ssyncset.done @!p1 $0x0  }
0x6b: {  	s3 =	simm.s32 @!p1 $0x100;
	[sflag:s12] =	ssyncadd.s32 @!p1 $0xFFFFFF80;
	s12 =	simm.s32 @!p0 $0x2  }
0x6c: {  	[tilespmem:s3], [sflag:$0x1] =	stream.indirect.gather @!p1 [hbm4b:s4+s13], $0x80, s11, s13, $0xb8;
	[tilespmem:$0x1C200] =	vst v63  }
0x6d: {  	p2 =	sle.u32 s10, $0x2;
	p1 =	sle.u32 @!p0 s10, $0x3;
	_ =	swait.ge @!p0 [sflag:s12], $0x4000  }
0x6e: {  	s3 =	simm.s32 @!p0 $0x4200;
	s11 =	simm.s32 @!p0 $0x80;
	[sflag:s12] =	ssyncset.done @!p0 $0x0  }
0x6f: {  	s13 =	simm.s32 @!p0 $0x4180;
	[sflag:s12] =	ssyncadd.s32 @!p0 $0xFFFFC000;
	s12 =	simm.s32 @!p0 $0x3  }
0x70: {  	[spmem:s1] =	stream.indirect.scatter.add.f32 @!p0 [tilespmem:s3], [sflag:$0x3], $0x80, s13, s11, $0xb8;
	[tilespmem:$0x1C200] =	vst v63  }
0x71: {  	p3 =	por p1, p0;
	p1 =	sne.s32 s22, $0x40;
	_ =	swait.ge @!p0 [sflag:s12], $0x4000  }
0x72: {  	s14 =	simm.s32 @!p3 $0x3;
	s3 =	sadd.s32 @!p3 $0x0, s20;
	[sflag:s12] =	ssyncset.done @!p0 $0x0  }
0x73: {  	s13 =	simm.s32 @!p3 $0x4100;
	s11 =	simm.s32 @!p3 $0x0;
	[sflag:s12] =	ssyncadd.s32 @!p0 $0xFFFFC000  }
0x74: {  	[tilespmem:s13], [sflag:$0x3] =	stream.linear.gather @!p3 [hbm4b:s3+s11], $0x80, $0x38;
	[tilespmem:$0x1C200] =	vst v63  }
.Ltmp2:
0x75: {  	s15 =	simm.s32 @!p3 $0x4180;
	_ =	swait.ge @!p3 [sflag:s14], $0x80;
	(pc) =	sbr.rel @!p1 .LBB2_6-.Ltmp2, $4  }
0x76: {  	s16 =	simm.s32 @!p3 $0x4200;
	s12 =	sadd.s32 @!p3 $0x0, s21;
	[sflag:s14] =	ssyncset.done @!p3 $0x0  }
0x77: {  	p0 =	por $0x1, $0x1;
	s3 =	simm.s32 $0x5;
	[sflag:s14] =	ssyncadd.s32 @!p3 $0xFFFFFF80  }
0x78: {  	[tilespmem:s15], [sflag:$0x3] =	stream.linear.gather @!p3 [hbm4b:s12+s11], $0x80, $0x38;
	[tilespmem:$0x1C200] =	vst v63  }
0x79: {  	s15 =	simm.s32 @!p3 $0x80;
	s11 =	simm.s32 $0x2;
	_ =	swait.ge @!p3 [sflag:s14], $0x80  }
.LBB2_7:
0x7a: {  	[sflag:s14] =	ssyncset.done @!p3 $0x0  }
0x7b: {  	s17 =	simm.s32 @!p2 $0x1;
	[sflag:s14] =	ssyncadd.s32 @!p3 $0xFFFFFF80  }
0x7c: {  	[tilespmem:s16], [sflag:$0x2] =	stream.indirect.gather @!p3 [hbm4b:s4+s15], $0x80, s13, s15, $0xb8;
	[tilespmem:$0x1C200] =	vst v63  }
0x7d: {  	_ =	swait.ge @!p2 [sflag:s17], $0x4000  }
0x7e: {  	s14 =	simm.s32 @!p2 $0x80;
	[sflag:s17] =	ssyncset.done @!p2 $0x0  }
0x7f: {  	s13 =	simm.s32 @!p2 $0x3;
	s15 =	simm.s32 @!p2 $0x100;
	[sflag:s17] =	ssyncadd.s32 @!p2 $0xFFFFC000  }
0x80: {  	[spmem:s1] =	stream.indirect.scatter.add.f32 @!p2 [tilespmem:s15], [sflag:$0x3], $0x80, s14, s14, $0xb8;
	[tilespmem:$0x1C200] =	vst v63  }
0x81: {  	s14 =	sadd.s32 @!p2 $0xFFFFFFFF, s3;
	_ =	swait.ge @!p2 [sflag:s13], $0x4000  }
0x82: {  	p3 =	sge.u32 @!p2 s14, s10;
	[sflag:s13] =	ssyncset.done @!p2 $0x0  }
0x83: {  	s14 =	rddreg [dreg:$0x3];
	[sflag:s13] =	ssyncadd.s32 @!p2 $0xFFFFC000;
	p2 =	por p3, p2  }
0x84: {  	s13 =	simm.s32 @!p2 $0x0;
	s15 =	simm.s32 @!p2 $0x3;
	s14 =	sadd.s32 @!p2 s29, s14  }
0x85: {  	[tilespmem:s13], [sflag:$0x3] =	stream.linear.gather @!p2 [hbm4b:s14+s13], $0x80, $0x38;
	[tilespmem:$0x1C200] =	vst v63  }
0x86: {  	_ =	swait.ge @!p2 [sflag:s15], $0x80  }
0x87: {  	s14 =	rddreg [dreg:$0x4];
	[sflag:s15] =	ssyncset.done @!p2 $0x0  }
0x88: {  	s16 =	simm.s32 @!p2 $0x80;
	[sflag:s15] =	ssyncadd.s32 @!p2 $0xFFFFFF80;
	s14 =	sadd.s32 @!p2 s29, s14  }
0x89: {  	[tilespmem:s16], [sflag:$0x3] =	stream.linear.gather @!p2 [hbm4b:s14+s13], $0x80, $0x38;
	[tilespmem:$0x1C200] =	vst v63  }
0x8a: {  	s12 =	smov.u32 s30;
	_ =	swait.ge @!p2 [sflag:s15], $0x80  }
0x8b: {  	s30 =	sadd.s32 $0x20, s30;
	p4 =	sge.u32 s11, s23;
	[sflag:s15] =	ssyncset.done @!p2 $0x0  }
0x8c: {  	s11 =	simm.s32 @!p4 $0x2;
	s14 =	simm.s32 @!p2 $0x100;
	[sflag:s15] =	ssyncadd.s32 @!p2 $0xFFFFFF80  }
0x8d: {  	[tilespmem:s14], [sflag:$0x1] =	stream.indirect.gather @!p2 [hbm4b:s4+s16], $0x80, s13, s16, $0xb8;
	[tilespmem:$0x1C200] =	vst v63  }
0x8e: {  	p1 =	sne.s32 s22, s30;
	p3 =	sge.u32 @!p4 s3, s10;
	_ =	swait.ge @!p4 [sflag:s11], $0x4000  }
0x8f: {  	s15 =	simm.s32 @!p4 $0x4180;
	s13 =	simm.s32 @!p4 $0x4200;
	[sflag:s11] =	ssyncset.done @!p4 $0x0  }
0x90: {  	s14 =	simm.s32 @!p4 $0x80;
	[sflag:s11] =	ssyncadd.s32 @!p4 $0xFFFFC000;
	s11 =	simm.s32 @!p4 $0x3  }
0x91: {  	[spmem:s1] =	stream.indirect.scatter.add.f32 @!p4 [tilespmem:s13], [sflag:$0x3], $0x80, s15, s14, $0xb8;
	[tilespmem:$0x1C200] =	vst v63  }
0x92: {  	s3 =	sadd.s32 $0x2, s3;
	p3 =	por p3, p4;
	_ =	swait.ge @!p4 [sflag:s11], $0x4000  }
0x93: {  	s17 =	simm.s32 @!p3 $0x0;
	s15 =	sadd.s32 @!p3 s29, s20;
	[sflag:s11] =	ssyncset.done @!p4 $0x0  }
0x94: {  	s13 =	simm.s32 @!p3 $0x4100;
	s14 =	simm.s32 @!p3 $0x3;
	[sflag:s11] =	ssyncadd.s32 @!p4 $0xFFFFC000  }
0x95: {  	[tilespmem:s13], [sflag:$0x3] =	stream.linear.gather @!p3 [hbm4b:s15+s17], $0x80, $0x38;
	[tilespmem:$0x1C200] =	vst v63  }
.Ltmp3:
0x96: {  	s18 =	simm.s32 @!p3 $0x4180;
	_ =	swait.ge @!p3 [sflag:s14], $0x80;
	(pc) =	sbr.rel @p1 .LBB2_7-.Ltmp3, $4  }
0x97: {  	s16 =	simm.s32 @!p3 $0x4200;
	s29 =	sadd.s32 @!p3 s29, s21;
	[sflag:s14] =	ssyncset.done @!p3 $0x0  }
0x98: {  	s11 =	sadd.s32 $0xFFFFFFFD, s3;
	s15 =	simm.s32 @!p3 $0x80;
	[sflag:s14] =	ssyncadd.s32 @!p3 $0xFFFFFF80  }
0x99: {  	[tilespmem:s18], [sflag:$0x3] =	stream.linear.gather @!p3 [hbm4b:s29+s17], $0x80, $0x38;
	[tilespmem:$0x1C200] =	vst v63  }
0x9a: {  	p2 =	sge.u32 s11, s10;
	s29 =	smov.u32 s12;
	_ =	swait.ge @!p3 [sflag:s14], $0x80  }
0x9b: {  	s12 =	smov.u32 s29  }
.LBB2_9:
0x9c: {  	p0 =	por p3, !p0  }
0x9d: {  	[sflag:s14] =	ssyncset.done @!p0 $0x0  }
0x9e: {  	[sflag:s14] =	ssyncadd.s32 @!p0 $0xFFFFFF80;
	s14 =	simm.s32 @!p2 $0x1  }
0x9f: {  	[tilespmem:s16], [sflag:$0x2] =	stream.indirect.gather @!p0 [hbm4b:s4+s15], $0x80, s13, s15, $0xb8;
	[tilespmem:$0x1C200] =	vst v63  }
0xa0: {  	_ =	swait.ge @!p2 [sflag:s14], $0x4000  }
0xa1: {  	s15 =	simm.s32 @!p2 $0x80;
	[sflag:s14] =	ssyncset.done @!p2 $0x0  }
0xa2: {  	s16 =	simm.s32 @!p2 $0x100;
	[sflag:s14] =	ssyncadd.s32 @!p2 $0xFFFFC000;
	s14 =	sadd.s32 @!p2 $0xFFFFFFFF, s3  }
0xa3: {  	[spmem:s1] =	stream.indirect.scatter.add.f32 @!p2 [tilespmem:s16], [sflag:$0x3], $0x80, s15, s15, $0xb8;
	[tilespmem:$0x1C200] =	vst v63  }
0xa4: {  	s13 =	simm.s32 @!p2 $0x3;
	p0 =	sge.u32 @!p2 s14, s10  }
0xa5: {  	_ =	swait.ge @!p2 [sflag:s13], $0x4000;
	p1 =	por p0, p2  }
0xa6: {  	s15 =	rddreg [dreg:$0x3];
	[sflag:s13] =	ssyncset.done @!p2 $0x0;
	s14 =	simm.s32 @!p1 $0x3  }
0xa7: {  	[sflag:s13] =	ssyncadd.s32 @!p2 $0xFFFFC000;
	s13 =	simm.s32 @!p1 $0x0;
	s15 =	sadd.s32 @!p1 s12, s15  }
0xa8: {  	[tilespmem:s13], [sflag:$0x3] =	stream.linear.gather @!p1 [hbm4b:s15+s13], $0x80, $0x38;
	[tilespmem:$0x1C200] =	vst v63  }
0xa9: {  	_ =	swait.ge @!p1 [sflag:s14], $0x80  }
0xaa: {  	s15 =	rddreg [dreg:$0x4];
	[sflag:s14] =	ssyncset.done @!p1 $0x0  }
0xab: {  	s16 =	simm.s32 @!p1 $0x80;
	[sflag:s14] =	ssyncadd.s32 @!p1 $0xFFFFFF80;
	s15 =	sadd.s32 @!p1 s12, s15  }
0xac: {  	[tilespmem:s16], [sflag:$0x3] =	stream.linear.gather @!p1 [hbm4b:s15+s13], $0x80, $0x38;
	[tilespmem:$0x1C200] =	vst v63  }
0xad: {  	_ =	swait.ge @!p1 [sflag:s14], $0x80  }
0xae: {  	[sflag:s14] =	ssyncset.done @!p1 $0x0  }
0xaf: {  	p0 =	sge.u32 s11, s23;
	s11 =	simm.s32 @!p1 $0x100;
	[sflag:s14] =	ssyncadd.s32 @!p1 $0xFFFFFF80  }
0xb0: {  	[tilespmem:s11], [sflag:$0x1] =	stream.indirect.gather @!p1 [hbm4b:s4+s16], $0x80, s13, s16, $0xb8;
	[tilespmem:$0x1C200] =	vst v63  }
0xb1: {  	s11 =	simm.s32 @!p0 $0x2  }
0xb2: {  	s14 =	simm.s32 @!p0 $0x4180;
	_ =	swait.ge @!p0 [sflag:s11], $0x4000  }
0xb3: {  	p1 =	sge.u32 @!p0 s3, s10;
	s3 =	simm.s32 @!p0 $0x4200;
	[sflag:s11] =	ssyncset.done @!p0 $0x0  }
0xb4: {  	s13 =	simm.s32 @!p0 $0x80;
	[sflag:s11] =	ssyncadd.s32 @!p0 $0xFFFFC000;
	s11 =	simm.s32 @!p0 $0x3  }
0xb5: {  	[spmem:s1] =	stream.indirect.scatter.add.f32 @!p0 [tilespmem:s3], [sflag:$0x3], $0x80, s14, s13, $0xb8;
	[tilespmem:$0x1C200] =	vst v63  }
0xb6: {  	p1 =	por p1, p0;
	_ =	swait.ge @!p0 [sflag:s11], $0x4000  }
0xb7: {  	s3 =	sadd.s32 @!p1 s12, s20;
	s13 =	simm.s32 @!p1 $0x4100;
	[sflag:s11] =	ssyncset.done @!p0 $0x0  }
0xb8: {  	s14 =	simm.s32 @!p1 $0x3;
	[sflag:s11] =	ssyncadd.s32 @!p0 $0xFFFFC000;
	s11 =	simm.s32 @!p1 $0x0  }
0xb9: {  	[tilespmem:s13], [sflag:$0x3] =	stream.linear.gather @!p1 [hbm4b:s3+s11], $0x80, $0x38;
	[tilespmem:$0x1C200] =	vst v63  }
0xba: {  	_ =	swait.ge @!p1 [sflag:s14], $0x80  }
0xbb: {  	[sflag:s14] =	ssyncset.done @!p1 $0x0  }
0xbc: {  	s3 =	sadd.s32 @!p1 s12, s21;
	s12 =	simm.s32 @!p1 $0x4180;
	[sflag:s14] =	ssyncadd.s32 @!p1 $0xFFFFFF80  }
0xbd: {  	[tilespmem:s12], [sflag:$0x3] =	stream.linear.gather @!p1 [hbm4b:s3+s11], $0x80, $0x38;
	[tilespmem:$0x1C200] =	vst v63  }
0xbe: {  	_ =	swait.ge @!p1 [sflag:s14], $0x80  }
0xbf: {  	[sflag:s14] =	ssyncset.done @!p1 $0x0  }
0xc0: {  	s3 =	simm.s32 @!p1 $0x80;
	s11 =	simm.s32 @!p1 $0x4200;
	[sflag:s14] =	ssyncadd.s32 @!p1 $0xFFFFFF80  }
0xc1: {  	[tilespmem:s11], [sflag:$0x2] =	stream.indirect.gather @!p1 [hbm4b:s4+s3], $0x80, s13, s3, $0xb8;
	[tilespmem:$0x1C200] =	vst v63  }
0xc2: {  	[bflag:$0x0] =	sbarrier.arrive $0xFFFF  }
0xc3: {  	[tilespmem:s25], [sflag:$0x3] =	stream.linear.gather [spmem:s5], $0x4000, $0x38;
	[tilespmem:$0x1C200] =	vst v63  }
0xc4: {  	_ =	swait.ge [sflag:s31], $0x4000  }
0xc5: {  	[sflag:s31] =	ssyncset.done $0x0  }
0xc6: {  	s17 =	rddreg [dreg:$0x9];
	[sflag:s31] =	ssyncadd.s32 $0xFFFFC000  }
0xc7: {  	[hbm4b:s17+s2] =	stream.linear.scatter [tilespmem:s25], [sflag:$0x3], $0x4000, $0x38;
	[tilespmem:$0x1C200] =	vst v63  }
0xc8: {  	_ =	swait.ge [sflag:s31], $0x4000  }
0xc9: {  	[sflag:s31] =	ssyncset.done $0x0  }
0xca: {  	[sflag:s31] =	ssyncadd.s32 $0xFFFFC000  }
0xcb: {  	[tilespmem:s25], [sflag:$0x3] =	stream.linear.gather [spmem:s6], $0x4000, $0x38;
	[tilespmem:$0x1C200] =	vst v63  }
0xcc: {  	_ =	swait.ge [sflag:s31], $0x4000  }
0xcd: {  	[sflag:s31] =	ssyncset.done $0x0  }
0xce: {  	s18 =	rddreg [dreg:$0xa];
	[sflag:s31] =	ssyncadd.s32 $0xFFFFC000  }
0xcf: {  	[hbm4b:s18+s2] =	stream.linear.scatter [tilespmem:s25], [sflag:$0x3], $0x4000, $0x38;
	[tilespmem:$0x1C200] =	vst v63  }
0xd0: {  	_ =	swait.ge [sflag:s31], $0x4000  }
0xd1: {  	[sflag:s31] =	ssyncset.done $0x0  }
0xd2: {  	[sflag:s31] =	ssyncadd.s32 $0xFFFFC000  }
0xd3: {  	[tilespmem:s25], [sflag:$0x3] =	stream.linear.gather [spmem:s7], $0x4000, $0x38;
	[tilespmem:$0x1C200] =	vst v63  }
0xd4: {  	_ =	swait.ge [sflag:s31], $0x4000  }
0xd5: {  	[sflag:s31] =	ssyncset.done $0x0  }
0xd6: {  	s29 =	rddreg [dreg:$0xb];
	[sflag:s31] =	ssyncadd.s32 $0xFFFFC000  }
0xd7: {  	[hbm4b:s29+s2] =	stream.linear.scatter [tilespmem:s25], [sflag:$0x3], $0x4000, $0x38;
	[tilespmem:$0x1C200] =	vst v63  }
0xd8: {  	_ =	swait.ge [sflag:s31], $0x4000  }
0xd9: {  	[sflag:s31] =	ssyncset.done $0x0  }
0xda: {  	[sflag:s31] =	ssyncadd.s32 $0xFFFFC000  }
0xdb: {  	[tilespmem:s25], [sflag:$0x3] =	stream.linear.gather [spmem:s8], $0x4000, $0x38;
	[tilespmem:$0x1C200] =	vst v63  }
0xdc: {  	_ =	swait.ge [sflag:s31], $0x4000  }
0xdd: {  	[sflag:s31] =	ssyncset.done $0x0  }
0xde: {  	s30 =	rddreg [dreg:$0xc];
	[sflag:s31] =	ssyncadd.s32 $0xFFFFC000  }
0xdf: {  	[hbm4b:s30+s2] =	stream.linear.scatter [tilespmem:s25], [sflag:$0x3], $0x4000, $0x38;
	[tilespmem:$0x1C200] =	vst v63  }
0xe0: {  	_ =	swait.ge [sflag:s31], $0x4000  }
0xe1: {  	[sflag:s31] =	ssyncset.done $0x0  }
0xe2: {  	[sflag:s31] =	ssyncadd.s32 $0xFFFFC000  }
0xe3: {  	[tilespmem:s25], [sflag:$0x3] =	stream.linear.gather [spmem:s9], $0x4000, $0x38;
	[tilespmem:$0x1C200] =	vst v63  }
0xe4: {  	_ =	swait.ge [sflag:s31], $0x4000  }
0xe5: {  	s0 =	sadd.s32 $0x1, s0;
	[sflag:s31] =	ssyncset.done $0x0  }
0xe6: {  	p0 =	sne.s32 s0, s24;
	[sflag:s31] =	ssyncadd.s32 $0xFFFFC000  }
0xe7: {  	[hbm4b:s19+s2] =	stream.linear.scatter [tilespmem:s25], [sflag:$0x3], $0x4000, $0x38;
	[tilespmem:$0x1C200] =	vst v63  }
.Ltmp4:
0xe8: {  	_ = 	snop;
	(pc) =	sbr.rel @p0 .LBB2_1-.Ltmp4, $4  }
.Ltmp5:
0xe9: {  	_ = 	snop;
	(pc) =	sbr.rel @!p0 .LBB2_10-.Ltmp5, $4  }
0xea: {  	_ =	swait.ge [sflag:s31], $0x4000  }
0xeb: {  	[sflag:s31] =	ssyncset.done $0x0  }
0xec: {  	[sflag:s31] =	ssyncadd.s32 $0xFFFFC000  }
0xed: {  	_ = 	snop  }
.LBB2_4:
.Ltmp6:
0xee: {  	(pc) =	sbr.rel .LBB2_9-.Ltmp6, $2  }
0xef: {  	_ =	sdelay $0x2  }
0xf0: {  	_ = 	snop  }
.LBB2_6:
.Ltmp7:
0xf1: {  	(pc) =	sbr.rel .LBB2_9-.Ltmp7, $2  }
0xf2: {  	_ =	sdelay $0x2  }
0xf3: {  	s12 =	simm.s32 $0x20  }
.LBB2_10:
0xf4: {  	_ =	sfence.sel $0x180000  }
0xf5: {  	[bflag:$0x0] =	sbarrier.arrive $0xFFFF  }
0xf6: {  	_ =	strace $0x90000050  }
0xf7: {  	s0 =	stileid.u32;
	[bflag:$0x2] =	sbarrier.arrive $0xFFFF  }
0xf8: {  	p0 =	sne.s32 s0, $0x0;
	s0 =	rddreg [dreg:$0x2]  }
0xf9: {  	s0 =	sadd.s32 @!p0 $0x100000, s0  }
0xfa: {  	[sflag:s0] =	ssyncadd.tile.s32 @!p0 $0x1;
	_ =	shalt  }
.Lfunc_end2:
_tile_overlayer_lowered:
.L_overlay_start_2:
0xfb: {  	(tag) =	ssettag $0x2  }
0xfc: {  	s0 =	rddreg [dreg:$0x0];
	s2 =	stileid.u32  }
0xfd: {  	s1 =	rddreg [dreg:$0x1];
	p0 =	sne.s32 s2, $0x0  }
0xfe: {  	s3 =	rddreg [dreg:$0x2];
	[bflag:$0x3] =	sbarrier.arrive $0xFFFF;
	s2 =	simm.s32 @!p0 $0x1C03  }
0xff: {  	[timem:s3], [sflag:s2] =	dma.local @!p0 [hbm:s0], s1  }
0x100: {  	s0 =	simm.s32 @!p0 $0x3  }
0x101: {  	_ =	swait.ge @!p0 [sflag:s0], s1  }
0x102: {  	s1 =	ssub.s32 @!p0 $0x0, s1;
	[sflag:s0] =	ssyncset.done @!p0 $0x0  }
0x103: {  	[sflag:s0] =	ssyncadd.s32 @!p0 s1  }
0x104: {  	[bflag:$0x3] =	sbarrier.arrive $0xFFFF  }
0x105: {  	_ =	shalt  }

</sc_bundles>
